<compile_context>
chip_gen: v7x
topology: tpu7x:2x2x1
jax: 0.10.2.dev20260603
libtpu: 0.0.44.dev20260713+nightly
codegen_flags: <defaults>
</compile_context>

<pallas_src>
import functools

import jax
import jax.numpy as jnp
from jax import lax
from jax.experimental import pallas as pl
from jax.experimental.pallas import tpu as pltpu
from jax.experimental.pallas import tpu_sc as plsc

_B = 16384
_F = 26
_V = 1000
_D = 16
_CONT = 13
_NW = 32
_CHUNK = 128
_FIRE = 13
_GROUP = _FIRE * _CHUNK

_HID1 = 858
_HID2 = 429
_EMBW = _F * _D

_NSLAB = 1
_SLAB = _B // _NSLAB


def _make_sc_gather(lookups):
    per_w = lookups // _NW
    n_ch = per_w // _CHUNK
    n_group = per_w // _GROUP
    rows = lookups // _F
    assert n_group * _GROUP == per_w

    def body(tab_hbm, idx_hbm, out_hbm, idx_v, buf_v, gsem, ssem):
        wid = lax.axis_index("s") * 2 + lax.axis_index("c")
        base = wid * per_w
        pltpu.sync_copy(idx_hbm.at[pl.ds(wid * n_ch, n_ch)], idx_v)

        def fire(g):
            descs = []
            for j in range(_FIRE):
                descs.append(pltpu.make_async_copy(
                    tab_hbm.at[idx_v.at[g * _FIRE + j]],
                    buf_v.at[g % 2, pl.ds(j * _CHUNK, _CHUNK)],
                    gsem))
            for dsc in descs:
                dsc.start()
            return descs

        def store(g):
            dsc = pltpu.make_async_copy(
                buf_v.at[g % 2], out_hbm.at[pl.ds(base + g * _GROUP, _GROUP)],
                ssem)
            dsc.start()
            return dsc

        stores = {}
        gathers = {0: fire(0)}
        for g in range(n_group):
            if g + 1 < n_group:
                if g - 1 >= 0:
                    stores[g - 1].wait()
                gathers[g + 1] = fire(g + 1)
            for dsc in gathers[g]:
                dsc.wait()
            stores[g] = store(g)
        if n_group >= 2:
            stores[n_group - 2].wait()
        stores[n_group - 1].wait()

    return pl.kernel(
        body,
        out_type=jax.ShapeDtypeStruct((lookups, _D), jnp.float32),
        mesh=plsc.VectorSubcoreMesh(core_axis_name="c", subcore_axis_name="s",
                                    num_cores=2, num_subcores=16),
        compiler_params=pltpu.CompilerParams(
            use_tc_tiling_on_sc=False,
            disable_bounds_checks=True,
            disable_semaphore_checks=True,
        ),
        scratch_types=[
            pltpu.VMEM((n_ch, _CHUNK), jnp.int32),
            pltpu.VMEM((2, _GROUP, _D), jnp.float32),
            pltpu.SemaphoreType.DMA,
            pltpu.SemaphoreType.DMA,
        ],
    )


def _mlp_body(emb_ref, xc_ref, w1a_ref, w1b_ref, b1_ref, w2_ref, b2_ref,
              w3_ref, b3_ref, o_ref):
    bf = jnp.bfloat16
    x1 = jnp.dot(emb_ref[...].astype(bf), w1a_ref[...],
                 preferred_element_type=jnp.float32)
    x1 = x1 + jnp.dot(xc_ref[...].astype(bf), w1b_ref[...],
                      preferred_element_type=jnp.float32)
    h1 = jnp.maximum(x1 + b1_ref[...], 0.0).astype(bf)
    h2 = jnp.maximum(
        jnp.dot(h1, w2_ref[...], preferred_element_type=jnp.float32)
        + b2_ref[...], 0.0).astype(bf)
    o_ref[...] = (jnp.dot(h2, w3_ref[...], preferred_element_type=jnp.float32)
                  + b3_ref[...])


def _mlp(emb, xc_p, w1a, w1b, b1r, w2, b2r, w3, b3r, bm=2048):
    rows = emb.shape[0]
    grid = (rows // bm,)
    full = lambda shape: pl.BlockSpec(shape, lambda i: (0, 0))
    return pl.pallas_call(
        _mlp_body,
        grid=grid,
        in_specs=[
            pl.BlockSpec((bm, _EMBW), lambda i: (i, 0)),
            pl.BlockSpec((bm, _CONT), lambda i: (i, 0)),
            full((_EMBW, _HID1)),
            full((_CONT, _HID1)),
            full((1, _HID1)),
            full((_HID1, _HID2)),
            full((1, _HID2)),
            full((_HID2, 1)),
            full((1, 1)),
        ],
        out_specs=pl.BlockSpec((bm, 1), lambda i: (i, 0)),
        out_shape=jax.ShapeDtypeStruct((rows, 1), jnp.float32),
        compiler_params=pltpu.CompilerParams(
            dimension_semantics=("arbitrary",)),
    )(emb, xc_p, w1a, w1b, b1r, w2, b2r, w3, b3r)


def kernel(x_cat, x_cont, tables, W1, b1, W2, b2, W3, b3):
    tab_flat = tables.reshape(_F * _V, _D)
    flat_idx = (x_cat.astype(jnp.int32)
                + (jnp.arange(_F, dtype=jnp.int32) * _V)[None, :])
    idx2d = flat_idx.reshape((_B * _F) // _CHUNK, _CHUNK)

    bf = jnp.bfloat16
    w1a = W1[:_EMBW].astype(bf)
    w1b = W1[_EMBW:].astype(bf)
    w2 = W2.astype(bf)
    w3 = W3.astype(bf)
    b1r = b1.reshape(1, _HID1)
    b2r = b2.reshape(1, _HID2)
    b3r = b3.reshape(1, 1)

    gather = _make_sc_gather(_SLAB * _F)
    outs = []
    for s in range(_NSLAB):
        nch = (_SLAB * _F) // _CHUNK
        emb = gather(tab_flat, idx2d[s * nch:(s + 1) * nch]).reshape(
            _SLAB, _EMBW)
        outs.append(_mlp(emb, x_cont[s * _SLAB:(s + 1) * _SLAB],
                         w1a, w1b, b1r, w2, b2r, w3, b3r))
    return outs[0] if _NSLAB == 1 else jnp.concatenate(outs, axis=0)

# --- scband reference (transcript-rebuilt; emitter-appended) ---
"""Pipeline reference for scband-embedding-mlp-75591424409938 (READ-ONLY COPY).

The authoritative reference and input builder live on the scoring server;
editing this copy changes nothing except your own understanding.
"""

import jax, jax.numpy as jnp
import numpy as np

B = 16384
N_FIELDS = 26
VOCAB = 1000
EMB_DIM = 16  # min(16, max(4, 1000 // 2))
CONT_DIM = 13
INPUT_DIM = N_FIELDS * EMB_DIM + CONT_DIM  # 429
HIDDEN = max(64, INPUT_DIM * 2)  # 858


def setup_inputs(seed: int = 0) -> dict:
    key = jax.random.key(seed)
    ks = jax.random.split(key, 10)
    x_cat = jax.random.randint(ks[0], (B, N_FIELDS), 0, VOCAB, dtype=jnp.int64)
    x_cont = jax.random.normal(ks[1], (B, CONT_DIM), dtype=jnp.float32)
    # Learned parameters (all 26 embedding tables share shape -> stack)
    tables = jax.random.normal(ks[2], (N_FIELDS, VOCAB, EMB_DIM), dtype=jnp.float32) * 0.05
    W1 = jax.random.normal(ks[3], (INPUT_DIM, HIDDEN), dtype=jnp.float32) * (1.0 / np.sqrt(INPUT_DIM))
    b1 = jnp.zeros((HIDDEN,), dtype=jnp.float32)
    W2 = jax.random.normal(ks[4], (HIDDEN, HIDDEN // 2), dtype=jnp.float32) * (1.0 / np.sqrt(HIDDEN))
    b2 = jnp.zeros((HIDDEN // 2,), dtype=jnp.float32)
    W3 = jax.random.normal(ks[5], (HIDDEN // 2, 1), dtype=jnp.float32) * (1.0 / np.sqrt(HIDDEN // 2))
    b3 = jnp.zeros((1,), dtype=jnp.float32)
    return {"x_cat": x_cat, "x_cont": x_cont, "tables": tables,
            "W1": W1, "b1": b1, "W2": W2, "b2": b2, "W3": W3, "b3": b3}


def reference(x_cat, x_cont, tables, W1, b1, W2, b2, W3, b3):
    # per-field embedding lookup: emb[i] = tables[i][x_cat[:, i]]
    field_ids = jnp.arange(N_FIELDS)[None, :]  # [1, 26]
    emb = tables[field_ids, x_cat]             # [B, 26, EMB_DIM] gather
    x = jnp.concatenate([emb.reshape(x_cat.shape[0], -1), x_cont], axis=1)
    # MLP (dropout is identity in eval mode)
    h = jax.nn.relu(x @ W1 + b1)
    h = jax.nn.relu(h @ W2 + b2)
    out = h @ W3 + b3
    return out

if __name__ == "__main__":
    import jax
    _d = setup_inputs()
    print(jax.jit(kernel)(*tuple(_d.values())))

</pallas_src>

<mosaic_0001>
#map = affine_map<(d0, d1) -> (0, 0)>
module attributes {stable_mosaic.version = 14 : i64} {
  func.func @body(%arg0: i32, %arg1: i32, %arg2: memref<26000x16xf32, #tpu.memory_space<hbm>>, %arg3: memref<3328x128xi32, #tpu.memory_space<hbm>>, %arg4: memref<425984x16xf32, #tpu.memory_space<hbm>>, %arg5: memref<104x128xi32, #tpu.memory_space<vmem>>, %arg6: memref<2x1664x16xf32, #tpu.memory_space<vmem>>, %arg7: memref<!tpu.dma_semaphore, #tpu.memory_space<semaphore_mem>>, %arg8: memref<!tpu.dma_semaphore, #tpu.memory_space<semaphore_mem>>) attributes {dimension_semantics = [#tpu.dimension_semantics<core_parallel>, #tpu.dimension_semantics<subcore_parallel>], iteration_bounds = array<i64: 2, 16>, scalar_prefetch = 0 : i64, scratch_operands = 4 : i64, tpu.core_type = #tpu.core_type<sc_vector_subcore>, window_params = [{transform_indices = #map}, {transform_indices = #map}, {transform_indices = #map}]} {
    %mul3A = arith.constant 2 : i32
    %mul3A_0 = arith.muli %arg1, %mul3A : i32
    %add3A = arith.addi %mul3A_0, %arg0 : i32
    %mul3A_1 = arith.constant 13312 : i32
    %mul3A_2 = arith.muli %add3A, %mul3A_1 : i32
    %mul3A_3 = arith.constant 104 : i32
    %mul3A_4 = arith.muli %add3A, %mul3A_3 : i32
    "tpu.region"() ({
      %run_scoped3A = tpu.sem_alloc : memref<!tpu.dma_semaphore, #tpu.memory_space<semaphore_mem>>
      %dma_start3A_2723 = arith.constant 0 : i32
      %dma_start3A_2724 = tpu.memref_slice %arg3[%mul3A_4, %dma_start3A_2723] : memref<3328x128xi32, #tpu.memory_space<hbm>> -> memref<104x128xi32, #tpu.memory_space<hbm>>
      %dma_start3A_2725 = arith.constant 0 : i32
      %dma_start3A_2726 = tpu.memref_slice %arg3[%mul3A_4, %dma_start3A_2725] : memref<3328x128xi32, #tpu.memory_space<hbm>> -> memref<104x128xi32, #tpu.memory_space<hbm>>
      tpu.enqueue_dma source(%dma_start3A_2726 : memref<104x128xi32, #tpu.memory_space<hbm>>) target(%arg5 : memref<104x128xi32, #tpu.memory_space<vmem>>) target_semaphore(%run_scoped3A : memref<!tpu.dma_semaphore, #tpu.memory_space<semaphore_mem>>)
      %dma_wait3A_2727 = arith.constant 0 : i32
      %dma_wait3A_2728 = tpu.memref_slice %arg3[%mul3A_4, %dma_wait3A_2727] : memref<3328x128xi32, #tpu.memory_space<hbm>> -> memref<104x128xi32, #tpu.memory_space<hbm>>
      %dma_wait3A_2729 = arith.constant 0 : i32
      %dma_wait3A_2730 = tpu.memref_slice %arg3[%mul3A_4, %dma_wait3A_2729] : memref<3328x128xi32, #tpu.memory_space<hbm>> -> memref<104x128xi32, #tpu.memory_space<hbm>>
      tpu.wait_dma2 semaphore(%run_scoped3A : memref<!tpu.dma_semaphore, #tpu.memory_space<semaphore_mem>>) src(%dma_wait3A_2730 : memref<104x128xi32, #tpu.memory_space<hbm>>) dst(%arg5 : memref<104x128xi32, #tpu.memory_space<vmem>>)
      tpu.yield
    }) : () -> ()
    %dma_start3A = arith.constant 0 : i32
    %dma_start3A_5 = arith.constant 0 : i32
    %dma_start3A_6 = arith.constant 0 : i32
    %dma_start3A_7 = arith.constant 0 : i32
    %dma_start3A_8 = tpu.memref_slice %arg6[%dma_start3A_5, %dma_start3A_6, %dma_start3A_7] : memref<2x1664x16xf32, #tpu.memory_space<vmem>> -> memref<1x128x16xf32, #tpu.memory_space<vmem>>
    %dma_start3A_9 = tpu.memref_squeeze %dma_start3A_8 : memref<1x128x16xf32, #tpu.memory_space<vmem>> -> memref<128x16xf32, #tpu.memory_space<vmem>>
    %dma_start3A_10 = arith.constant 0 : i32
    %dma_start3A_11 = tpu.memref_slice %arg5[%dma_start3A, %dma_start3A_10] : memref<104x128xi32, #tpu.memory_space<vmem>> -> memref<1x128xi32, #tpu.memory_space<vmem>>
    %dma_start3A_12 = tpu.memref_squeeze %dma_start3A_11 : memref<1x128xi32, #tpu.memory_space<vmem>> -> memref<128xi32, #tpu.memory_space<vmem>>
    %dma_start3A_13 = arith.constant 0 : i32
    %dma_start3A_14 = arith.constant 0 : i32
    %dma_start3A_15 = tpu.memref_slice %arg2[%dma_start3A_13, %dma_start3A_14] : memref<26000x16xf32, #tpu.memory_space<hbm>> -> memref<26000x16xf32, #tpu.memory_space<hbm>>
    tpu.enqueue_indirect_dma source(%dma_start3A_15 : memref<26000x16xf32, #tpu.memory_space<hbm>>) target(%dma_start3A_9 : memref<128x16xf32, #tpu.memory_space<vmem>>) offsets(%dma_start3A_12 : memref<128xi32, #tpu.memory_space<vmem>>) semaphore(%arg7 : memref<!tpu.dma_semaphore, #tpu.memory_space<semaphore_mem>>)
    %dma_start3A_16 = arith.constant 1 : i32
    %dma_start3A_17 = arith.constant 0 : i32
    %dma_start3A_18 = arith.constant 128 : i32
    %dma_start3A_19 = arith.constant 0 : i32
    %dma_start3A_20 = tpu.memref_slice %arg6[%dma_start3A_17, %dma_start3A_18, %dma_start3A_19] : memref<2x1664x16xf32, #tpu.memory_space<vmem>> -> memref<1x128x16xf32, #tpu.memory_space<vmem>>
    %dma_start3A_21 = tpu.memref_squeeze %dma_start3A_20 : memref<1x128x16xf32, #tpu.memory_space<vmem>> -> memref<128x16xf32, #tpu.memory_space<vmem>>
    %dma_start3A_22 = arith.constant 0 : i32
    %dma_start3A_23 = tpu.memref_slice %arg5[%dma_start3A_16, %dma_start3A_22] : memref<104x128xi32, #tpu.memory_space<vmem>> -> memref<1x128xi32, #tpu.memory_space<vmem>>
    %dma_start3A_24 = tpu.memref_squeeze %dma_start3A_23 : memref<1x128xi32, #tpu.memory_space<vmem>> -> memref<128xi32, #tpu.memory_space<vmem>>
    %dma_start3A_25 = arith.constant 0 : i32
    %dma_start3A_26 = arith.constant 0 : i32
    %dma_start3A_27 = tpu.memref_slice %arg2[%dma_start3A_25, %dma_start3A_26] : memref<26000x16xf32, #tpu.memory_space<hbm>> -> memref<26000x16xf32, #tpu.memory_space<hbm>>
    tpu.enqueue_indirect_dma source(%dma_start3A_27 : memref<26000x16xf32, #tpu.memory_space<hbm>>) target(%dma_start3A_21 : memref<128x16xf32, #tpu.memory_space<vmem>>) offsets(%dma_start3A_24 : memref<128xi32, #tpu.memory_space<vmem>>) semaphore(%arg7 : memref<!tpu.dma_semaphore, #tpu.memory_space<semaphore_mem>>)
    %dma_start3A_28 = arith.constant 2 : i32
    %dma_start3A_29 = arith.constant 0 : i32
    %dma_start3A_30 = arith.constant 256 : i32
    %dma_start3A_31 = arith.constant 0 : i32
    %dma_start3A_32 = tpu.memref_slice %arg6[%dma_start3A_29, %dma_start3A_30, %dma_start3A_31] : memref<2x1664x16xf32, #tpu.memory_space<vmem>> -> memref<1x128x16xf32, #tpu.memory_space<vmem>>
    %dma_start3A_33 = tpu.memref_squeeze %dma_start3A_32 : memref<1x128x16xf32, #tpu.memory_space<vmem>> -> memref<128x16xf32, #tpu.memory_space<vmem>>
    %dma_start3A_34 = arith.constant 0 : i32
    %dma_start3A_35 = tpu.memref_slice %arg5[%dma_start3A_28, %dma_start3A_34] : memref<104x128xi32, #tpu.memory_space<vmem>> -> memref<1x128xi32, #tpu.memory_space<vmem>>
    %dma_start3A_36 = tpu.memref_squeeze %dma_start3A_35 : memref<1x128xi32, #tpu.memory_space<vmem>> -> memref<128xi32, #tpu.memory_space<vmem>>
    %dma_start3A_37 = arith.constant 0 : i32
    %dma_start3A_38 = arith.constant 0 : i32
    %dma_start3A_39 = tpu.memref_slice %arg2[%dma_start3A_37, %dma_start3A_38] : memref<26000x16xf32, #tpu.memory_space<hbm>> -> memref<26000x16xf32, #tpu.memory_space<hbm>>
    tpu.enqueue_indirect_dma source(%dma_start3A_39 : memref<26000x16xf32, #tpu.memory_space<hbm>>) target(%dma_start3A_33 : memref<128x16xf32, #tpu.memory_space<vmem>>) offsets(%dma_start3A_36 : memref<128xi32, #tpu.memory_space<vmem>>) semaphore(%arg7 : memref<!tpu.dma_semaphore, #tpu.memory_space<semaphore_mem>>)
    %dma_start3A_40 = arith.constant 3 : i32
    %dma_start3A_41 = arith.constant 0 : i32
    %dma_start3A_42 = arith.constant 384 : i32
    %dma_start3A_43 = arith.constant 0 : i32
    %dma_start3A_44 = tpu.memref_slice %arg6[%dma_start3A_41, %dma_start3A_42, %dma_start3A_43] : memref<2x1664x16xf32, #tpu.memory_space<vmem>> -> memref<1x128x16xf32, #tpu.memory_space<vmem>>
    %dma_start3A_45 = tpu.memref_squeeze %dma_start3A_44 : memref<1x128x16xf32, #tpu.memory_space<vmem>> -> memref<128x16xf32, #tpu.memory_space<vmem>>
    %dma_start3A_46 = arith.constant 0 : i32
    %dma_start3A_47 = tpu.memref_slice %arg5[%dma_start3A_40, %dma_start3A_46] : memref<104x128xi32, #tpu.memory_space<vmem>> -> memref<1x128xi32, #tpu.memory_space<vmem>>
    %dma_start3A_48 = tpu.memref_squeeze %dma_start3A_47 : memref<1x128xi32, #tpu.memory_space<vmem>> -> memref<128xi32, #tpu.memory_space<vmem>>
    %dma_start3A_49 = arith.constant 0 : i32
    %dma_start3A_50 = arith.constant 0 : i32
    %dma_start3A_51 = tpu.memref_slice %arg2[%dma_start3A_49, %dma_start3A_50] : memref<26000x16xf32, #tpu.memory_space<hbm>> -> memref<26000x16xf32, #tpu.memory_space<hbm>>
    tpu.enqueue_indirect_dma source(%dma_start3A_51 : memref<26000x16xf32, #tpu.memory_space<hbm>>) target(%dma_start3A_45 : memref<128x16xf32, #tpu.memory_space<vmem>>) offsets(%dma_start3A_48 : memref<128xi32, #tpu.memory_space<vmem>>) semaphore(%arg7 : memref<!tpu.dma_semaphore, #tpu.memory_space<semaphore_mem>>)
    %dma_start3A_52 = arith.constant 4 : i32
    %dma_start3A_53 = arith.constant 0 : i32
    %dma_start3A_54 = arith.constant 512 : i32
    %dma_start3A_55 = arith.constant 0 : i32
    %dma_start3A_56 = tpu.memref_slice %arg6[%dma_start3A_53, %dma_start3A_54, %dma_start3A_55] : memref<2x1664x16xf32, #tpu.memory_space<vmem>> -> memref<1x128x16xf32, #tpu.memory_space<vmem>>
    %dma_start3A_57 = tpu.memref_squeeze %dma_start3A_56 : memref<1x128x16xf32, #tpu.memory_space<vmem>> -> memref<128x16xf32, #tpu.memory_space<vmem>>
    %dma_start3A_58 = arith.constant 0 : i32
    %dma_start3A_59 = tpu.memref_slice %arg5[%dma_start3A_52, %dma_start3A_58] : memref<104x128xi32, #tpu.memory_space<vmem>> -> memref<1x128xi32, #tpu.memory_space<vmem>>
    %dma_start3A_60 = tpu.memref_squeeze %dma_start3A_59 : memref<1x128xi32, #tpu.memory_space<vmem>> -> memref<128xi32, #tpu.memory_space<vmem>>
    %dma_start3A_61 = arith.constant 0 : i32
    %dma_start3A_62 = arith.constant 0 : i32
    %dma_start3A_63 = tpu.memref_slice %arg2[%dma_start3A_61, %dma_start3A_62] : memref<26000x16xf32, #tpu.memory_space<hbm>> -> memref<26000x16xf32, #tpu.memory_space<hbm>>
    tpu.enqueue_indirect_dma source(%dma_start3A_63 : memref<26000x16xf32, #tpu.memory_space<hbm>>) target(%dma_start3A_57 : memref<128x16xf32, #tpu.memory_space<vmem>>) offsets(%dma_start3A_60 : memref<128xi32, #tpu.memory_space<vmem>>) semaphore(%arg7 : memref<!tpu.dma_semaphore, #tpu.memory_space<semaphore_mem>>)
    %dma_start3A_64 = arith.constant 5 : i32
    %dma_start3A_65 = arith.constant 0 : i32
    %dma_start3A_66 = arith.constant 640 : i32
    %dma_start3A_67 = arith.constant 0 : i32
    %dma_start3A_68 = tpu.memref_slice %arg6[%dma_start3A_65, %dma_start3A_66, %dma_start3A_67] : memref<2x1664x16xf32, #tpu.memory_space<vmem>> -> memref<1x128x16xf32, #tpu.memory_space<vmem>>
    %dma_start3A_69 = tpu.memref_squeeze %dma_start3A_68 : memref<1x128x16xf32, #tpu.memory_space<vmem>> -> memref<128x16xf32, #tpu.memory_space<vmem>>
    %dma_start3A_70 = arith.constant 0 : i32
    %dma_start3A_71 = tpu.memref_slice %arg5[%dma_start3A_64, %dma_start3A_70] : memref<104x128xi32, #tpu.memory_space<vmem>> -> memref<1x128xi32, #tpu.memory_space<vmem>>
    %dma_start3A_72 = tpu.memref_squeeze %dma_start3A_71 : memref<1x128xi32, #tpu.memory_space<vmem>> -> memref<128xi32, #tpu.memory_space<vmem>>
    %dma_start3A_73 = arith.constant 0 : i32
    %dma_start3A_74 = arith.constant 0 : i32
    %dma_start3A_75 = tpu.memref_slice %arg2[%dma_start3A_73, %dma_start3A_74] : memref<26000x16xf32, #tpu.memory_space<hbm>> -> memref<26000x16xf32, #tpu.memory_space<hbm>>
    tpu.enqueue_indirect_dma source(%dma_start3A_75 : memref<26000x16xf32, #tpu.memory_space<hbm>>) target(%dma_start3A_69 : memref<128x16xf32, #tpu.memory_space<vmem>>) offsets(%dma_start3A_72 : memref<128xi32, #tpu.memory_space<vmem>>) semaphore(%arg7 : memref<!tpu.dma_semaphore, #tpu.memory_space<semaphore_mem>>)
    %dma_start3A_76 = arith.constant 6 : i32
    %dma_start3A_77 = arith.constant 0 : i32
    %dma_start3A_78 = arith.constant 768 : i32
    %dma_start3A_79 = arith.constant 0 : i32
    %dma_start3A_80 = tpu.memref_slice %arg6[%dma_start3A_77, %dma_start3A_78, %dma_start3A_79] : memref<2x1664x16xf32, #tpu.memory_space<vmem>> -> memref<1x128x16xf32, #tpu.memory_space<vmem>>
    %dma_start3A_81 = tpu.memref_squeeze %dma_start3A_80 : memref<1x128x16xf32, #tpu.memory_space<vmem>> -> memref<128x16xf32, #tpu.memory_space<vmem>>
    %dma_start3A_82 = arith.constant 0 : i32
    %dma_start3A_83 = tpu.memref_slice %arg5[%dma_start3A_76, %dma_start3A_82] : memref<104x128xi32, #tpu.memory_space<vmem>> -> memref<1x128xi32, #tpu.memory_space<vmem>>
    %dma_start3A_84 = tpu.memref_squeeze %dma_start3A_83 : memref<1x128xi32, #tpu.memory_space<vmem>> -> memref<128xi32, #tpu.memory_space<vmem>>
    %dma_start3A_85 = arith.constant 0 : i32
    %dma_start3A_86 = arith.constant 0 : i32
    %dma_start3A_87 = tpu.memref_slice %arg2[%dma_start3A_85, %dma_start3A_86] : memref<26000x16xf32, #tpu.memory_space<hbm>> -> memref<26000x16xf32, #tpu.memory_space<hbm>>
    tpu.enqueue_indirect_dma source(%dma_start3A_87 : memref<26000x16xf32, #tpu.memory_space<hbm>>) target(%dma_start3A_81 : memref<128x16xf32, #tpu.memory_space<vmem>>) offsets(%dma_start3A_84 : memref<128xi32, #tpu.memory_space<vmem>>) semaphore(%arg7 : memref<!tpu.dma_semaphore, #tpu.memory_space<semaphore_mem>>)
    %dma_start3A_88 = arith.constant 7 : i32
    %dma_start3A_89 = arith.constant 0 : i32
    %dma_start3A_90 = arith.constant 896 : i32
    %dma_start3A_91 = arith.constant 0 : i32
    %dma_start3A_92 = tpu.memref_slice %arg6[%dma_start3A_89, %dma_start3A_90, %dma_start3A_91] : memref<2x1664x16xf32, #tpu.memory_space<vmem>> -> memref<1x128x16xf32, #tpu.memory_space<vmem>>
    %dma_start3A_93 = tpu.memref_squeeze %dma_start3A_92 : memref<1x128x16xf32, #tpu.memory_space<vmem>> -> memref<128x16xf32, #tpu.memory_space<vmem>>
    %dma_start3A_94 = arith.constant 0 : i32
    %dma_start3A_95 = tpu.memref_slice %arg5[%dma_start3A_88, %dma_start3A_94] : memref<104x128xi32, #tpu.memory_space<vmem>> -> memref<1x128xi32, #tpu.memory_space<vmem>>
    %dma_start3A_96 = tpu.memref_squeeze %dma_start3A_95 : memref<1x128xi32, #tpu.memory_space<vmem>> -> memref<128xi32, #tpu.memory_space<vmem>>
    %dma_start3A_97 = arith.constant 0 : i32
    %dma_start3A_98 = arith.constant 0 : i32
    %dma_start3A_99 = tpu.memref_slice %arg2[%dma_start3A_97, %dma_start3A_98] : memref<26000x16xf32, #tpu.memory_space<hbm>> -> memref<26000x16xf32, #tpu.memory_space<hbm>>
    tpu.enqueue_indirect_dma source(%dma_start3A_99 : memref<26000x16xf32, #tpu.memory_space<hbm>>) target(%dma_start3A_93 : memref<128x16xf32, #tpu.memory_space<vmem>>) offsets(%dma_start3A_96 : memref<128xi32, #tpu.memory_space<vmem>>) semaphore(%arg7 : memref<!tpu.dma_semaphore, #tpu.memory_space<semaphore_mem>>)
    %dma_start3A_100 = arith.constant 8 : i32
    %dma_start3A_101 = arith.constant 0 : i32
    %dma_start3A_102 = arith.constant 1024 : i32
    %dma_start3A_103 = arith.constant 0 : i32
    %dma_start3A_104 = tpu.memref_slice %arg6[%dma_start3A_101, %dma_start3A_102, %dma_start3A_103] : memref<2x1664x16xf32, #tpu.memory_space<vmem>> -> memref<1x128x16xf32, #tpu.memory_space<vmem>>
    %dma_start3A_105 = tpu.memref_squeeze %dma_start3A_104 : memref<1x128x16xf32, #tpu.memory_space<vmem>> -> memref<128x16xf32, #tpu.memory_space<vmem>>
    %dma_start3A_106 = arith.constant 0 : i32
    %dma_start3A_107 = tpu.memref_slice %arg5[%dma_start3A_100, %dma_start3A_106] : memref<104x128xi32, #tpu.memory_space<vmem>> -> memref<1x128xi32, #tpu.memory_space<vmem>>
    %dma_start3A_108 = tpu.memref_squeeze %dma_start3A_107 : memref<1x128xi32, #tpu.memory_space<vmem>> -> memref<128xi32, #tpu.memory_space<vmem>>
    %dma_start3A_109 = arith.constant 0 : i32
    %dma_start3A_110 = arith.constant 0 : i32
    %dma_start3A_111 = tpu.memref_slice %arg2[%dma_start3A_109, %dma_start3A_110] : memref<26000x16xf32, #tpu.memory_space<hbm>> -> memref<26000x16xf32, #tpu.memory_space<hbm>>
    tpu.enqueue_indirect_dma source(%dma_start3A_111 : memref<26000x16xf32, #tpu.memory_space<hbm>>) target(%dma_start3A_105 : memref<128x16xf32, #tpu.memory_space<vmem>>) offsets(%dma_start3A_108 : memref<128xi32, #tpu.memory_space<vmem>>) semaphore(%arg7 : memref<!tpu.dma_semaphore, #tpu.memory_space<semaphore_mem>>)
    %dma_start3A_112 = arith.constant 9 : i32
    %dma_start3A_113 = arith.constant 0 : i32
    %dma_start3A_114 = arith.constant 1152 : i32
    %dma_start3A_115 = arith.constant 0 : i32
    %dma_start3A_116 = tpu.memref_slice %arg6[%dma_start3A_113, %dma_start3A_114, %dma_start3A_115] : memref<2x1664x16xf32, #tpu.memory_space<vmem>> -> memref<1x128x16xf32, #tpu.memory_space<vmem>>
    %dma_start3A_117 = tpu.memref_squeeze %dma_start3A_116 : memref<1x128x16xf32, #tpu.memory_space<vmem>> -> memref<128x16xf32, #tpu.memory_space<vmem>>
    %dma_start3A_118 = arith.constant 0 : i32
    %dma_start3A_119 = tpu.memref_slice %arg5[%dma_start3A_112, %dma_start3A_118] : memref<104x128xi32, #tpu.memory_space<vmem>> -> memref<1x128xi32, #tpu.memory_space<vmem>>
    %dma_start3A_120 = tpu.memref_squeeze %dma_start3A_119 : memref<1x128xi32, #tpu.memory_space<vmem>> -> memref<128xi32, #tpu.memory_space<vmem>>
    %dma_start3A_121 = arith.constant 0 : i32
    %dma_start3A_122 = arith.constant 0 : i32
    %dma_start3A_123 = tpu.memref_slice %arg2[%dma_start3A_121, %dma_start3A_122] : memref<26000x16xf32, #tpu.memory_space<hbm>> -> memref<26000x16xf32, #tpu.memory_space<hbm>>
    tpu.enqueue_indirect_dma source(%dma_start3A_123 : memref<26000x16xf32, #tpu.memory_space<hbm>>) target(%dma_start3A_117 : memref<128x16xf32, #tpu.memory_space<vmem>>) offsets(%dma_start3A_120 : memref<128xi32, #tpu.memory_space<vmem>>) semaphore(%arg7 : memref<!tpu.dma_semaphore, #tpu.memory_space<semaphore_mem>>)
    %dma_start3A_124 = arith.constant 10 : i32
    %dma_start3A_125 = arith.constant 0 : i32
    %dma_start3A_126 = arith.constant 1280 : i32
    %dma_start3A_127 = arith.constant 0 : i32
    %dma_start3A_128 = tpu.memref_slice %arg6[%dma_start3A_125, %dma_start3A_126, %dma_start3A_127] : memref<2x1664x16xf32, #tpu.memory_space<vmem>> -> memref<1x128x16xf32, #tpu.memory_space<vmem>>
    %dma_start3A_129 = tpu.memref_squeeze %dma_start3A_128 : memref<1x128x16xf32, #tpu.memory_space<vmem>> -> memref<128x16xf32, #tpu.memory_space<vmem>>
    %dma_start3A_130 = arith.constant 0 : i32
    %dma_start3A_131 = tpu.memref_slice %arg5[%dma_start3A_124, %dma_start3A_130] : memref<104x128xi32, #tpu.memory_space<vmem>> -> memref<1x128xi32, #tpu.memory_space<vmem>>
    %dma_start3A_132 = tpu.memref_squeeze %dma_start3A_131 : memref<1x128xi32, #tpu.memory_space<vmem>> -> memref<128xi32, #tpu.memory_space<vmem>>
    %dma_start3A_133 = arith.constant 0 : i32
    %dma_start3A_134 = arith.constant 0 : i32
    %dma_start3A_135 = tpu.memref_slice %arg2[%dma_start3A_133, %dma_start3A_134] : memref<26000x16xf32, #tpu.memory_space<hbm>> -> memref<26000x16xf32, #tpu.memory_space<hbm>>
    tpu.enqueue_indirect_dma source(%dma_start3A_135 : memref<26000x16xf32, #tpu.memory_space<hbm>>) target(%dma_start3A_129 : memref<128x16xf32, #tpu.memory_space<vmem>>) offsets(%dma_start3A_132 : memref<128xi32, #tpu.memory_space<vmem>>) semaphore(%arg7 : memref<!tpu.dma_semaphore, #tpu.memory_space<semaphore_mem>>)
    %dma_start3A_136 = arith.constant 11 : i32
    %dma_start3A_137 = arith.constant 0 : i32
    %dma_start3A_138 = arith.constant 1408 : i32
    %dma_start3A_139 = arith.constant 0 : i32
    %dma_start3A_140 = tpu.memref_slice %arg6[%dma_start3A_137, %dma_start3A_138, %dma_start3A_139] : memref<2x1664x16xf32, #tpu.memory_space<vmem>> -> memref<1x128x16xf32, #tpu.memory_space<vmem>>
    %dma_start3A_141 = tpu.memref_squeeze %dma_start3A_140 : memref<1x128x16xf32, #tpu.memory_space<vmem>> -> memref<128x16xf32, #tpu.memory_space<vmem>>
    %dma_start3A_142 = arith.constant 0 : i32
    %dma_start3A_143 = tpu.memref_slice %arg5[%dma_start3A_136, %dma_start3A_142] : memref<104x128xi32, #tpu.memory_space<vmem>> -> memref<1x128xi32, #tpu.memory_space<vmem>>
    %dma_start3A_144 = tpu.memref_squeeze %dma_start3A_143 : memref<1x128xi32, #tpu.memory_space<vmem>> -> memref<128xi32, #tpu.memory_space<vmem>>
    %dma_start3A_145 = arith.constant 0 : i32
    %dma_start3A_146 = arith.constant 0 : i32
    %dma_start3A_147 = tpu.memref_slice %arg2[%dma_start3A_145, %dma_start3A_146] : memref<26000x16xf32, #tpu.memory_space<hbm>> -> memref<26000x16xf32, #tpu.memory_space<hbm>>
    tpu.enqueue_indirect_dma source(%dma_start3A_147 : memref<26000x16xf32, #tpu.memory_space<hbm>>) target(%dma_start3A_141 : memref<128x16xf32, #tpu.memory_space<vmem>>) offsets(%dma_start3A_144 : memref<128xi32, #tpu.memory_space<vmem>>) semaphore(%arg7 : memref<!tpu.dma_semaphore, #tpu.memory_space<semaphore_mem>>)
    %dma_start3A_148 = arith.constant 12 : i32
    %dma_start3A_149 = arith.constant 0 : i32
    %dma_start3A_150 = arith.constant 1536 : i32
    %dma_start3A_151 = arith.constant 0 : i32
    %dma_start3A_152 = tpu.memref_slice %arg6[%dma_start3A_149, %dma_start3A_150, %dma_start3A_151] : memref<2x1664x16xf32, #tpu.memory_space<vmem>> -> memref<1x128x16xf32, #tpu.memory_space<vmem>>
    %dma_start3A_153 = tpu.memref_squeeze %dma_start3A_152 : memref<1x128x16xf32, #tpu.memory_space<vmem>> -> memref<128x16xf32, #tpu.memory_space<vmem>>
    %dma_start3A_154 = arith.constant 0 : i32
    %dma_start3A_155 = tpu.memref_slice %arg5[%dma_start3A_148, %dma_start3A_154] : memref<104x128xi32, #tpu.memory_space<vmem>> -> memref<1x128xi32, #tpu.memory_space<vmem>>
    %dma_start3A_156 = tpu.memref_squeeze %dma_start3A_155 : memref<1x128xi32, #tpu.memory_space<vmem>> -> memref<128xi32, #tpu.memory_space<vmem>>
    %dma_start3A_157 = arith.constant 0 : i32
    %dma_start3A_158 = arith.constant 0 : i32
    %dma_start3A_159 = tpu.memref_slice %arg2[%dma_start3A_157, %dma_start3A_158] : memref<26000x16xf32, #tpu.memory_space<hbm>> -> memref<26000x16xf32, #tpu.memory_space<hbm>>
    tpu.enqueue_indirect_dma source(%dma_start3A_159 : memref<26000x16xf32, #tpu.memory_space<hbm>>) target(%dma_start3A_153 : memref<128x16xf32, #tpu.memory_space<vmem>>) offsets(%dma_start3A_156 : memref<128xi32, #tpu.memory_space<vmem>>) semaphore(%arg7 : memref<!tpu.dma_semaphore, #tpu.memory_space<semaphore_mem>>)
    %dma_start3A_160 = arith.constant 13 : i32
    %dma_start3A_161 = arith.constant 1 : i32
    %dma_start3A_162 = arith.constant 0 : i32
    %dma_start3A_163 = arith.constant 0 : i32
    %dma_start3A_164 = tpu.memref_slice %arg6[%dma_start3A_161, %dma_start3A_162, %dma_start3A_163] : memref<2x1664x16xf32, #tpu.memory_space<vmem>> -> memref<1x128x16xf32, #tpu.memory_space<vmem>>
    %dma_start3A_165 = tpu.memref_squeeze %dma_start3A_164 : memref<1x128x16xf32, #tpu.memory_space<vmem>> -> memref<128x16xf32, #tpu.memory_space<vmem>>
    %dma_start3A_166 = arith.constant 0 : i32
    %dma_start3A_167 = tpu.memref_slice %arg5[%dma_start3A_160, %dma_start3A_166] : memref<104x128xi32, #tpu.memory_space<vmem>> -> memref<1x128xi32, #tpu.memory_space<vmem>>
    %dma_start3A_168 = tpu.memref_squeeze %dma_start3A_167 : memref<1x128xi32, #tpu.memory_space<vmem>> -> memref<128xi32, #tpu.memory_space<vmem>>
    %dma_start3A_169 = arith.constant 0 : i32
    %dma_start3A_170 = arith.constant 0 : i32
    %dma_start3A_171 = tpu.memref_slice %arg2[%dma_start3A_169, %dma_start3A_170] : memref<26000x16xf32, #tpu.memory_space<hbm>> -> memref<26000x16xf32, #tpu.memory_space<hbm>>
    tpu.enqueue_indirect_dma source(%dma_start3A_171 : memref<26000x16xf32, #tpu.memory_space<hbm>>) target(%dma_start3A_165 : memref<128x16xf32, #tpu.memory_space<vmem>>) offsets(%dma_start3A_168 : memref<128xi32, #tpu.memory_space<vmem>>) semaphore(%arg7 : memref<!tpu.dma_semaphore, #tpu.memory_space<semaphore_mem>>)
    %dma_start3A_172 = arith.constant 14 : i32
    %dma_start3A_173 = arith.constant 1 : i32
    %dma_start3A_174 = arith.constant 128 : i32
    %dma_start3A_175 = arith.constant 0 : i32
    %dma_start3A_176 = tpu.memref_slice %arg6[%dma_start3A_173, %dma_start3A_174, %dma_start3A_175] : memref<2x1664x16xf32, #tpu.memory_space<vmem>> -> memref<1x128x16xf32, #tpu.memory_space<vmem>>
    %dma_start3A_177 = tpu.memref_squeeze %dma_start3A_176 : memref<1x128x16xf32, #tpu.memory_space<vmem>> -> memref<128x16xf32, #tpu.memory_space<vmem>>
    %dma_start3A_178 = arith.constant 0 : i32
    %dma_start3A_179 = tpu.memref_slice %arg5[%dma_start3A_172, %dma_start3A_178] : memref<104x128xi32, #tpu.memory_space<vmem>> -> memref<1x128xi32, #tpu.memory_space<vmem>>
    %dma_start3A_180 = tpu.memref_squeeze %dma_start3A_179 : memref<1x128xi32, #tpu.memory_space<vmem>> -> memref<128xi32, #tpu.memory_space<vmem>>
    %dma_start3A_181 = arith.constant 0 : i32
    %dma_start3A_182 = arith.constant 0 : i32
    %dma_start3A_183 = tpu.memref_slice %arg2[%dma_start3A_181, %dma_start3A_182] : memref<26000x16xf32, #tpu.memory_space<hbm>> -> memref<26000x16xf32, #tpu.memory_space<hbm>>
    tpu.enqueue_indirect_dma source(%dma_start3A_183 : memref<26000x16xf32, #tpu.memory_space<hbm>>) target(%dma_start3A_177 : memref<128x16xf32, #tpu.memory_space<vmem>>) offsets(%dma_start3A_180 : memref<128xi32, #tpu.memory_space<vmem>>) semaphore(%arg7 : memref<!tpu.dma_semaphore, #tpu.memory_space<semaphore_mem>>)
    %dma_start3A_184 = arith.constant 15 : i32
    %dma_start3A_185 = arith.constant 1 : i32
    %dma_start3A_186 = arith.constant 256 : i32
    %dma_start3A_187 = arith.constant 0 : i32
    %dma_start3A_188 = tpu.memref_slice %arg6[%dma_start3A_185, %dma_start3A_186, %dma_start3A_187] : memref<2x1664x16xf32, #tpu.memory_space<vmem>> -> memref<1x128x16xf32, #tpu.memory_space<vmem>>
    %dma_start3A_189 = tpu.memref_squeeze %dma_start3A_188 : memref<1x128x16xf32, #tpu.memory_space<vmem>> -> memref<128x16xf32, #tpu.memory_space<vmem>>
    %dma_start3A_190 = arith.constant 0 : i32
    %dma_start3A_191 = tpu.memref_slice %arg5[%dma_start3A_184, %dma_start3A_190] : memref<104x128xi32, #tpu.memory_space<vmem>> -> memref<1x128xi32, #tpu.memory_space<vmem>>
    %dma_start3A_192 = tpu.memref_squeeze %dma_start3A_191 : memref<1x128xi32, #tpu.memory_space<vmem>> -> memref<128xi32, #tpu.memory_space<vmem>>
    %dma_start3A_193 = arith.constant 0 : i32
    %dma_start3A_194 = arith.constant 0 : i32
    %dma_start3A_195 = tpu.memref_slice %arg2[%dma_start3A_193, %dma_start3A_194] : memref<26000x16xf32, #tpu.memory_space<hbm>> -> memref<26000x16xf32, #tpu.memory_space<hbm>>
    tpu.enqueue_indirect_dma source(%dma_start3A_195 : memref<26000x16xf32, #tpu.memory_space<hbm>>) target(%dma_start3A_189 : memref<128x16xf32, #tpu.memory_space<vmem>>) offsets(%dma_start3A_192 : memref<128xi32, #tpu.memory_space<vmem>>) semaphore(%arg7 : memref<!tpu.dma_semaphore, #tpu.memory_space<semaphore_mem>>)
    %dma_start3A_196 = arith.constant 16 : i32
    %dma_start3A_197 = arith.constant 1 : i32
    %dma_start3A_198 = arith.constant 384 : i32
    %dma_start3A_199 = arith.constant 0 : i32
    %dma_start3A_200 = tpu.memref_slice %arg6[%dma_start3A_197, %dma_start3A_198, %dma_start3A_199] : memref<2x1664x16xf32, #tpu.memory_space<vmem>> -> memref<1x128x16xf32, #tpu.memory_space<vmem>>
    %dma_start3A_201 = tpu.memref_squeeze %dma_start3A_200 : memref<1x128x16xf32, #tpu.memory_space<vmem>> -> memref<128x16xf32, #tpu.memory_space<vmem>>
    %dma_start3A_202 = arith.constant 0 : i32
    %dma_start3A_203 = tpu.memref_slice %arg5[%dma_start3A_196, %dma_start3A_202] : memref<104x128xi32, #tpu.memory_space<vmem>> -> memref<1x128xi32, #tpu.memory_space<vmem>>
    %dma_start3A_204 = tpu.memref_squeeze %dma_start3A_203 : memref<1x128xi32, #tpu.memory_space<vmem>> -> memref<128xi32, #tpu.memory_space<vmem>>
    %dma_start3A_205 = arith.constant 0 : i32
    %dma_start3A_206 = arith.constant 0 : i32
    %dma_start3A_207 = tpu.memref_slice %arg2[%dma_start3A_205, %dma_start3A_206] : memref<26000x16xf32, #tpu.memory_space<hbm>> -> memref<26000x16xf32, #tpu.memory_space<hbm>>
    tpu.enqueue_indirect_dma source(%dma_start3A_207 : memref<26000x16xf32, #tpu.memory_space<hbm>>) target(%dma_start3A_201 : memref<128x16xf32, #tpu.memory_space<vmem>>) offsets(%dma_start3A_204 : memref<128xi32, #tpu.memory_space<vmem>>) semaphore(%arg7 : memref<!tpu.dma_semaphore, #tpu.memory_space<semaphore_mem>>)
    %dma_start3A_208 = arith.constant 17 : i32
    %dma_start3A_209 = arith.constant 1 : i32
    %dma_start3A_210 = arith.constant 512 : i32
    %dma_start3A_211 = arith.constant 0 : i32
    %dma_start3A_212 = tpu.memref_slice %arg6[%dma_start3A_209, %dma_start3A_210, %dma_start3A_211] : memref<2x1664x16xf32, #tpu.memory_space<vmem>> -> memref<1x128x16xf32, #tpu.memory_space<vmem>>
    %dma_start3A_213 = tpu.memref_squeeze %dma_start3A_212 : memref<1x128x16xf32, #tpu.memory_space<vmem>> -> memref<128x16xf32, #tpu.memory_space<vmem>>
    %dma_start3A_214 = arith.constant 0 : i32
    %dma_start3A_215 = tpu.memref_slice %arg5[%dma_start3A_208, %dma_start3A_214] : memref<104x128xi32, #tpu.memory_space<vmem>> -> memref<1x128xi32, #tpu.memory_space<vmem>>
    %dma_start3A_216 = tpu.memref_squeeze %dma_start3A_215 : memref<1x128xi32, #tpu.memory_space<vmem>> -> memref<128xi32, #tpu.memory_space<vmem>>
    %dma_start3A_217 = arith.constant 0 : i32
    %dma_start3A_218 = arith.constant 0 : i32
    %dma_start3A_219 = tpu.memref_slice %arg2[%dma_start3A_217, %dma_start3A_218] : memref<26000x16xf32, #tpu.memory_space<hbm>> -> memref<26000x16xf32, #tpu.memory_space<hbm>>
    tpu.enqueue_indirect_dma source(%dma_start3A_219 : memref<26000x16xf32, #tpu.memory_space<hbm>>) target(%dma_start3A_213 : memref<128x16xf32, #tpu.memory_space<vmem>>) offsets(%dma_start3A_216 : memref<128xi32, #tpu.memory_space<vmem>>) semaphore(%arg7 : memref<!tpu.dma_semaphore, #tpu.memory_space<semaphore_mem>>)
    %dma_start3A_220 = arith.constant 18 : i32
    %dma_start3A_221 = arith.constant 1 : i32
    %dma_start3A_222 = arith.constant 640 : i32
    %dma_start3A_223 = arith.constant 0 : i32
    %dma_start3A_224 = tpu.memref_slice %arg6[%dma_start3A_221, %dma_start3A_222, %dma_start3A_223] : memref<2x1664x16xf32, #tpu.memory_space<vmem>> -> memref<1x128x16xf32, #tpu.memory_space<vmem>>
    %dma_start3A_225 = tpu.memref_squeeze %dma_start3A_224 : memref<1x128x16xf32, #tpu.memory_space<vmem>> -> memref<128x16xf32, #tpu.memory_space<vmem>>
    %dma_start3A_226 = arith.constant 0 : i32
    %dma_start3A_227 = tpu.memref_slice %arg5[%dma_start3A_220, %dma_start3A_226] : memref<104x128xi32, #tpu.memory_space<vmem>> -> memref<1x128xi32, #tpu.memory_space<vmem>>
    %dma_start3A_228 = tpu.memref_squeeze %dma_start3A_227 : memref<1x128xi32, #tpu.memory_space<vmem>> -> memref<128xi32, #tpu.memory_space<vmem>>
    %dma_start3A_229 = arith.constant 0 : i32
    %dma_start3A_230 = arith.constant 0 : i32
    %dma_start3A_231 = tpu.memref_slice %arg2[%dma_start3A_229, %dma_start3A_230] : memref<26000x16xf32, #tpu.memory_space<hbm>> -> memref<26000x16xf32, #tpu.memory_space<hbm>>
    tpu.enqueue_indirect_dma source(%dma_start3A_231 : memref<26000x16xf32, #tpu.memory_space<hbm>>) target(%dma_start3A_225 : memref<128x16xf32, #tpu.memory_space<vmem>>) offsets(%dma_start3A_228 : memref<128xi32, #tpu.memory_space<vmem>>) semaphore(%arg7 : memref<!tpu.dma_semaphore, #tpu.memory_space<semaphore_mem>>)
    %dma_start3A_232 = arith.constant 19 : i32
    %dma_start3A_233 = arith.constant 1 : i32
    %dma_start3A_234 = arith.constant 768 : i32
    %dma_start3A_235 = arith.constant 0 : i32
    %dma_start3A_236 = tpu.memref_slice %arg6[%dma_start3A_233, %dma_start3A_234, %dma_start3A_235] : memref<2x1664x16xf32, #tpu.memory_space<vmem>> -> memref<1x128x16xf32, #tpu.memory_space<vmem>>
    %dma_start3A_237 = tpu.memref_squeeze %dma_start3A_236 : memref<1x128x16xf32, #tpu.memory_space<vmem>> -> memref<128x16xf32, #tpu.memory_space<vmem>>
    %dma_start3A_238 = arith.constant 0 : i32
    %dma_start3A_239 = tpu.memref_slice %arg5[%dma_start3A_232, %dma_start3A_238] : memref<104x128xi32, #tpu.memory_space<vmem>> -> memref<1x128xi32, #tpu.memory_space<vmem>>
    %dma_start3A_240 = tpu.memref_squeeze %dma_start3A_239 : memref<1x128xi32, #tpu.memory_space<vmem>> -> memref<128xi32, #tpu.memory_space<vmem>>
    %dma_start3A_241 = arith.constant 0 : i32
    %dma_start3A_242 = arith.constant 0 : i32
    %dma_start3A_243 = tpu.memref_slice %arg2[%dma_start3A_241, %dma_start3A_242] : memref<26000x16xf32, #tpu.memory_space<hbm>> -> memref<26000x16xf32, #tpu.memory_space<hbm>>
    tpu.enqueue_indirect_dma source(%dma_start3A_243 : memref<26000x16xf32, #tpu.memory_space<hbm>>) target(%dma_start3A_237 : memref<128x16xf32, #tpu.memory_space<vmem>>) offsets(%dma_start3A_240 : memref<128xi32, #tpu.memory_space<vmem>>) semaphore(%arg7 : memref<!tpu.dma_semaphore, #tpu.memory_space<semaphore_mem>>)
    %dma_start3A_244 = arith.constant 20 : i32
    %dma_start3A_245 = arith.constant 1 : i32
    %dma_start3A_246 = arith.constant 896 : i32
    %dma_start3A_247 = arith.constant 0 : i32
    %dma_start3A_248 = tpu.memref_slice %arg6[%dma_start3A_245, %dma_start3A_246, %dma_start3A_247] : memref<2x1664x16xf32, #tpu.memory_space<vmem>> -> memref<1x128x16xf32, #tpu.memory_space<vmem>>
    %dma_start3A_249 = tpu.memref_squeeze %dma_start3A_248 : memref<1x128x16xf32, #tpu.memory_space<vmem>> -> memref<128x16xf32, #tpu.memory_space<vmem>>
    %dma_start3A_250 = arith.constant 0 : i32
    %dma_start3A_251 = tpu.memref_slice %arg5[%dma_start3A_244, %dma_start3A_250] : memref<104x128xi32, #tpu.memory_space<vmem>> -> memref<1x128xi32, #tpu.memory_space<vmem>>
    %dma_start3A_252 = tpu.memref_squeeze %dma_start3A_251 : memref<1x128xi32, #tpu.memory_space<vmem>> -> memref<128xi32, #tpu.memory_space<vmem>>
    %dma_start3A_253 = arith.constant 0 : i32
    %dma_start3A_254 = arith.constant 0 : i32
    %dma_start3A_255 = tpu.memref_slice %arg2[%dma_start3A_253, %dma_start3A_254] : memref<26000x16xf32, #tpu.memory_space<hbm>> -> memref<26000x16xf32, #tpu.memory_space<hbm>>
    tpu.enqueue_indirect_dma source(%dma_start3A_255 : memref<26000x16xf32, #tpu.memory_space<hbm>>) target(%dma_start3A_249 : memref<128x16xf32, #tpu.memory_space<vmem>>) offsets(%dma_start3A_252 : memref<128xi32, #tpu.memory_space<vmem>>) semaphore(%arg7 : memref<!tpu.dma_semaphore, #tpu.memory_space<semaphore_mem>>)
    %dma_start3A_256 = arith.constant 21 : i32
    %dma_start3A_257 = arith.constant 1 : i32
    %dma_start3A_258 = arith.constant 1024 : i32
    %dma_start3A_259 = arith.constant 0 : i32
    %dma_start3A_260 = tpu.memref_slice %arg6[%dma_start3A_257, %dma_start3A_258, %dma_start3A_259] : memref<2x1664x16xf32, #tpu.memory_space<vmem>> -> memref<1x128x16xf32, #tpu.memory_space<vmem>>
    %dma_start3A_261 = tpu.memref_squeeze %dma_start3A_260 : memref<1x128x16xf32, #tpu.memory_space<vmem>> -> memref<128x16xf32, #tpu.memory_space<vmem>>
    %dma_start3A_262 = arith.constant 0 : i32
    %dma_start3A_263 = tpu.memref_slice %arg5[%dma_start3A_256, %dma_start3A_262] : memref<104x128xi32, #tpu.memory_space<vmem>> -> memref<1x128xi32, #tpu.memory_space<vmem>>
    %dma_start3A_264 = tpu.memref_squeeze %dma_start3A_263 : memref<1x128xi32, #tpu.memory_space<vmem>> -> memref<128xi32, #tpu.memory_space<vmem>>
    %dma_start3A_265 = arith.constant 0 : i32
    %dma_start3A_266 = arith.constant 0 : i32
    %dma_start3A_267 = tpu.memref_slice %arg2[%dma_start3A_265, %dma_start3A_266] : memref<26000x16xf32, #tpu.memory_space<hbm>> -> memref<26000x16xf32, #tpu.memory_space<hbm>>
    tpu.enqueue_indirect_dma source(%dma_start3A_267 : memref<26000x16xf32, #tpu.memory_space<hbm>>) target(%dma_start3A_261 : memref<128x16xf32, #tpu.memory_space<vmem>>) offsets(%dma_start3A_264 : memref<128xi32, #tpu.memory_space<vmem>>) semaphore(%arg7 : memref<!tpu.dma_semaphore, #tpu.memory_space<semaphore_mem>>)
    %dma_start3A_268 = arith.constant 22 : i32
    %dma_start3A_269 = arith.constant 1 : i32
    %dma_start3A_270 = arith.constant 1152 : i32
    %dma_start3A_271 = arith.constant 0 : i32
    %dma_start3A_272 = tpu.memref_slice %arg6[%dma_start3A_269, %dma_start3A_270, %dma_start3A_271] : memref<2x1664x16xf32, #tpu.memory_space<vmem>> -> memref<1x128x16xf32, #tpu.memory_space<vmem>>
    %dma_start3A_273 = tpu.memref_squeeze %dma_start3A_272 : memref<1x128x16xf32, #tpu.memory_space<vmem>> -> memref<128x16xf32, #tpu.memory_space<vmem>>
    %dma_start3A_274 = arith.constant 0 : i32
    %dma_start3A_275 = tpu.memref_slice %arg5[%dma_start3A_268, %dma_start3A_274] : memref<104x128xi32, #tpu.memory_space<vmem>> -> memref<1x128xi32, #tpu.memory_space<vmem>>
    %dma_start3A_276 = tpu.memref_squeeze %dma_start3A_275 : memref<1x128xi32, #tpu.memory_space<vmem>> -> memref<128xi32, #tpu.memory_space<vmem>>
    %dma_start3A_277 = arith.constant 0 : i32
    %dma_start3A_278 = arith.constant 0 : i32
    %dma_start3A_279 = tpu.memref_slice %arg2[%dma_start3A_277, %dma_start3A_278] : memref<26000x16xf32, #tpu.memory_space<hbm>> -> memref<26000x16xf32, #tpu.memory_space<hbm>>
    tpu.enqueue_indirect_dma source(%dma_start3A_279 : memref<26000x16xf32, #tpu.memory_space<hbm>>) target(%dma_start3A_273 : memref<128x16xf32, #tpu.memory_space<vmem>>) offsets(%dma_start3A_276 : memref<128xi32, #tpu.memory_space<vmem>>) semaphore(%arg7 : memref<!tpu.dma_semaphore, #tpu.memory_space<semaphore_mem>>)
    %dma_start3A_280 = arith.constant 23 : i32
    %dma_start3A_281 = arith.constant 1 : i32
    %dma_start3A_282 = arith.constant 1280 : i32
    %dma_start3A_283 = arith.constant 0 : i32
    %dma_start3A_284 = tpu.memref_slice %arg6[%dma_start3A_281, %dma_start3A_282, %dma_start3A_283] : memref<2x1664x16xf32, #tpu.memory_space<vmem>> -> memref<1x128x16xf32, #tpu.memory_space<vmem>>
    %dma_start3A_285 = tpu.memref_squeeze %dma_start3A_284 : memref<1x128x16xf32, #tpu.memory_space<vmem>> -> memref<128x16xf32, #tpu.memory_space<vmem>>
    %dma_start3A_286 = arith.constant 0 : i32
    %dma_start3A_287 = tpu.memref_slice %arg5[%dma_start3A_280, %dma_start3A_286] : memref<104x128xi32, #tpu.memory_space<vmem>> -> memref<1x128xi32, #tpu.memory_space<vmem>>
    %dma_start3A_288 = tpu.memref_squeeze %dma_start3A_287 : memref<1x128xi32, #tpu.memory_space<vmem>> -> memref<128xi32, #tpu.memory_space<vmem>>
    %dma_start3A_289 = arith.constant 0 : i32
    %dma_start3A_290 = arith.constant 0 : i32
    %dma_start3A_291 = tpu.memref_slice %arg2[%dma_start3A_289, %dma_start3A_290] : memref<26000x16xf32, #tpu.memory_space<hbm>> -> memref<26000x16xf32, #tpu.memory_space<hbm>>
    tpu.enqueue_indirect_dma source(%dma_start3A_291 : memref<26000x16xf32, #tpu.memory_space<hbm>>) target(%dma_start3A_285 : memref<128x16xf32, #tpu.memory_space<vmem>>) offsets(%dma_start3A_288 : memref<128xi32, #tpu.memory_space<vmem>>) semaphore(%arg7 : memref<!tpu.dma_semaphore, #tpu.memory_space<semaphore_mem>>)
    %dma_start3A_292 = arith.constant 24 : i32
    %dma_start3A_293 = arith.constant 1 : i32
    %dma_start3A_294 = arith.constant 1408 : i32
    %dma_start3A_295 = arith.constant 0 : i32
    %dma_start3A_296 = tpu.memref_slice %arg6[%dma_start3A_293, %dma_start3A_294, %dma_start3A_295] : memref<2x1664x16xf32, #tpu.memory_space<vmem>> -> memref<1x128x16xf32, #tpu.memory_space<vmem>>
    %dma_start3A_297 = tpu.memref_squeeze %dma_start3A_296 : memref<1x128x16xf32, #tpu.memory_space<vmem>> -> memref<128x16xf32, #tpu.memory_space<vmem>>
    %dma_start3A_298 = arith.constant 0 : i32
    %dma_start3A_299 = tpu.memref_slice %arg5[%dma_start3A_292, %dma_start3A_298] : memref<104x128xi32, #tpu.memory_space<vmem>> -> memref<1x128xi32, #tpu.memory_space<vmem>>
    %dma_start3A_300 = tpu.memref_squeeze %dma_start3A_299 : memref<1x128xi32, #tpu.memory_space<vmem>> -> memref<128xi32, #tpu.memory_space<vmem>>
    %dma_start3A_301 = arith.constant 0 : i32
    %dma_start3A_302 = arith.constant 0 : i32
    %dma_start3A_303 = tpu.memref_slice %arg2[%dma_start3A_301, %dma_start3A_302] : memref<26000x16xf32, #tpu.memory_space<hbm>> -> memref<26000x16xf32, #tpu.memory_space<hbm>>
    tpu.enqueue_indirect_dma source(%dma_start3A_303 : memref<26000x16xf32, #tpu.memory_space<hbm>>) target(%dma_start3A_297 : memref<128x16xf32, #tpu.memory_space<vmem>>) offsets(%dma_start3A_300 : memref<128xi32, #tpu.memory_space<vmem>>) semaphore(%arg7 : memref<!tpu.dma_semaphore, #tpu.memory_space<semaphore_mem>>)
    %dma_start3A_304 = arith.constant 25 : i32
    %dma_start3A_305 = arith.constant 1 : i32
    %dma_start3A_306 = arith.constant 1536 : i32
    %dma_start3A_307 = arith.constant 0 : i32
    %dma_start3A_308 = tpu.memref_slice %arg6[%dma_start3A_305, %dma_start3A_306, %dma_start3A_307] : memref<2x1664x16xf32, #tpu.memory_space<vmem>> -> memref<1x128x16xf32, #tpu.memory_space<vmem>>
    %dma_start3A_309 = tpu.memref_squeeze %dma_start3A_308 : memref<1x128x16xf32, #tpu.memory_space<vmem>> -> memref<128x16xf32, #tpu.memory_space<vmem>>
    %dma_start3A_310 = arith.constant 0 : i32
    %dma_start3A_311 = tpu.memref_slice %arg5[%dma_start3A_304, %dma_start3A_310] : memref<104x128xi32, #tpu.memory_space<vmem>> -> memref<1x128xi32, #tpu.memory_space<vmem>>
    %dma_start3A_312 = tpu.memref_squeeze %dma_start3A_311 : memref<1x128xi32, #tpu.memory_space<vmem>> -> memref<128xi32, #tpu.memory_space<vmem>>
    %dma_start3A_313 = arith.constant 0 : i32
    %dma_start3A_314 = arith.constant 0 : i32
    %dma_start3A_315 = tpu.memref_slice %arg2[%dma_start3A_313, %dma_start3A_314] : memref<26000x16xf32, #tpu.memory_space<hbm>> -> memref<26000x16xf32, #tpu.memory_space<hbm>>
    tpu.enqueue_indirect_dma source(%dma_start3A_315 : memref<26000x16xf32, #tpu.memory_space<hbm>>) target(%dma_start3A_309 : memref<128x16xf32, #tpu.memory_space<vmem>>) offsets(%dma_start3A_312 : memref<128xi32, #tpu.memory_space<vmem>>) semaphore(%arg7 : memref<!tpu.dma_semaphore, #tpu.memory_space<semaphore_mem>>)
    %dma_wait3A = arith.constant 0 : i32
    %dma_wait3A_316 = arith.constant 0 : i32
    %dma_wait3A_317 = arith.constant 0 : i32
    %dma_wait3A_318 = arith.constant 0 : i32
    %dma_wait3A_319 = tpu.memref_slice %arg6[%dma_wait3A_316, %dma_wait3A_317, %dma_wait3A_318] : memref<2x1664x16xf32, #tpu.memory_space<vmem>> -> memref<1x128x16xf32, #tpu.memory_space<vmem>>
    %dma_wait3A_320 = tpu.memref_squeeze %dma_wait3A_319 : memref<1x128x16xf32, #tpu.memory_space<vmem>> -> memref<128x16xf32, #tpu.memory_space<vmem>>
    %dma_wait3A_321 = arith.constant 0 : i32
    %dma_wait3A_322 = tpu.memref_slice %arg5[%dma_wait3A, %dma_wait3A_321] : memref<104x128xi32, #tpu.memory_space<vmem>> -> memref<1x128xi32, #tpu.memory_space<vmem>>
    %dma_wait3A_323 = tpu.memref_squeeze %dma_wait3A_322 : memref<1x128xi32, #tpu.memory_space<vmem>> -> memref<128xi32, #tpu.memory_space<vmem>>
    %dma_wait3A_324 = arith.constant 0 : i32
    %dma_wait3A_325 = arith.constant 0 : i32
    %dma_wait3A_326 = tpu.memref_slice %arg2[%dma_wait3A_324, %dma_wait3A_325] : memref<26000x16xf32, #tpu.memory_space<hbm>> -> memref<26000x16xf32, #tpu.memory_space<hbm>>
    tpu.wait_indirect_dma semaphore(%arg7 : memref<!tpu.dma_semaphore, #tpu.memory_space<semaphore_mem>>) src(%dma_wait3A_326 : memref<26000x16xf32, #tpu.memory_space<hbm>>) dst(%dma_wait3A_320 : memref<128x16xf32, #tpu.memory_space<vmem>>)
    %dma_wait3A_327 = arith.constant 1 : i32
    %dma_wait3A_328 = arith.constant 0 : i32
    %dma_wait3A_329 = arith.constant 128 : i32
    %dma_wait3A_330 = arith.constant 0 : i32
    %dma_wait3A_331 = tpu.memref_slice %arg6[%dma_wait3A_328, %dma_wait3A_329, %dma_wait3A_330] : memref<2x1664x16xf32, #tpu.memory_space<vmem>> -> memref<1x128x16xf32, #tpu.memory_space<vmem>>
    %dma_wait3A_332 = tpu.memref_squeeze %dma_wait3A_331 : memref<1x128x16xf32, #tpu.memory_space<vmem>> -> memref<128x16xf32, #tpu.memory_space<vmem>>
    %dma_wait3A_333 = arith.constant 0 : i32
    %dma_wait3A_334 = tpu.memref_slice %arg5[%dma_wait3A_327, %dma_wait3A_333] : memref<104x128xi32, #tpu.memory_space<vmem>> -> memref<1x128xi32, #tpu.memory_space<vmem>>
    %dma_wait3A_335 = tpu.memref_squeeze %dma_wait3A_334 : memref<1x128xi32, #tpu.memory_space<vmem>> -> memref<128xi32, #tpu.memory_space<vmem>>
    %dma_wait3A_336 = arith.constant 0 : i32
    %dma_wait3A_337 = arith.constant 0 : i32
    %dma_wait3A_338 = tpu.memref_slice %arg2[%dma_wait3A_336, %dma_wait3A_337] : memref<26000x16xf32, #tpu.memory_space<hbm>> -> memref<26000x16xf32, #tpu.memory_space<hbm>>
    tpu.wait_indirect_dma semaphore(%arg7 : memref<!tpu.dma_semaphore, #tpu.memory_space<semaphore_mem>>) src(%dma_wait3A_338 : memref<26000x16xf32, #tpu.memory_space<hbm>>) dst(%dma_wait3A_332 : memref<128x16xf32, #tpu.memory_space<vmem>>)
    %dma_wait3A_339 = arith.constant 2 : i32
    %dma_wait3A_340 = arith.constant 0 : i32
    %dma_wait3A_341 = arith.constant 256 : i32
    %dma_wait3A_342 = arith.constant 0 : i32
    %dma_wait3A_343 = tpu.memref_slice %arg6[%dma_wait3A_340, %dma_wait3A_341, %dma_wait3A_342] : memref<2x1664x16xf32, #tpu.memory_space<vmem>> -> memref<1x128x16xf32, #tpu.memory_space<vmem>>
    %dma_wait3A_344 = tpu.memref_squeeze %dma_wait3A_343 : memref<1x128x16xf32, #tpu.memory_space<vmem>> -> memref<128x16xf32, #tpu.memory_space<vmem>>
    %dma_wait3A_345 = arith.constant 0 : i32
    %dma_wait3A_346 = tpu.memref_slice %arg5[%dma_wait3A_339, %dma_wait3A_345] : memref<104x128xi32, #tpu.memory_space<vmem>> -> memref<1x128xi32, #tpu.memory_space<vmem>>
    %dma_wait3A_347 = tpu.memref_squeeze %dma_wait3A_346 : memref<1x128xi32, #tpu.memory_space<vmem>> -> memref<128xi32, #tpu.memory_space<vmem>>
    %dma_wait3A_348 = arith.constant 0 : i32
    %dma_wait3A_349 = arith.constant 0 : i32
    %dma_wait3A_350 = tpu.memref_slice %arg2[%dma_wait3A_348, %dma_wait3A_349] : memref<26000x16xf32, #tpu.memory_space<hbm>> -> memref<26000x16xf32, #tpu.memory_space<hbm>>
    tpu.wait_indirect_dma semaphore(%arg7 : memref<!tpu.dma_semaphore, #tpu.memory_space<semaphore_mem>>) src(%dma_wait3A_350 : memref<26000x16xf32, #tpu.memory_space<hbm>>) dst(%dma_wait3A_344 : memref<128x16xf32, #tpu.memory_space<vmem>>)
    %dma_wait3A_351 = arith.constant 3 : i32
    %dma_wait3A_352 = arith.constant 0 : i32
    %dma_wait3A_353 = arith.constant 384 : i32
    %dma_wait3A_354 = arith.constant 0 : i32
    %dma_wait3A_355 = tpu.memref_slice %arg6[%dma_wait3A_352, %dma_wait3A_353, %dma_wait3A_354] : memref<2x1664x16xf32, #tpu.memory_space<vmem>> -> memref<1x128x16xf32, #tpu.memory_space<vmem>>
    %dma_wait3A_356 = tpu.memref_squeeze %dma_wait3A_355 : memref<1x128x16xf32, #tpu.memory_space<vmem>> -> memref<128x16xf32, #tpu.memory_space<vmem>>
    %dma_wait3A_357 = arith.constant 0 : i32
    %dma_wait3A_358 = tpu.memref_slice %arg5[%dma_wait3A_351, %dma_wait3A_357] : memref<104x128xi32, #tpu.memory_space<vmem>> -> memref<1x128xi32, #tpu.memory_space<vmem>>
    %dma_wait3A_359 = tpu.memref_squeeze %dma_wait3A_358 : memref<1x128xi32, #tpu.memory_space<vmem>> -> memref<128xi32, #tpu.memory_space<vmem>>
    %dma_wait3A_360 = arith.constant 0 : i32
    %dma_wait3A_361 = arith.constant 0 : i32
    %dma_wait3A_362 = tpu.memref_slice %arg2[%dma_wait3A_360, %dma_wait3A_361] : memref<26000x16xf32, #tpu.memory_space<hbm>> -> memref<26000x16xf32, #tpu.memory_space<hbm>>
    tpu.wait_indirect_dma semaphore(%arg7 : memref<!tpu.dma_semaphore, #tpu.memory_space<semaphore_mem>>) src(%dma_wait3A_362 : memref<26000x16xf32, #tpu.memory_space<hbm>>) dst(%dma_wait3A_356 : memref<128x16xf32, #tpu.memory_space<vmem>>)
    %dma_wait3A_363 = arith.constant 4 : i32
    %dma_wait3A_364 = arith.constant 0 : i32
    %dma_wait3A_365 = arith.constant 512 : i32
    %dma_wait3A_366 = arith.constant 0 : i32
    %dma_wait3A_367 = tpu.memref_slice %arg6[%dma_wait3A_364, %dma_wait3A_365, %dma_wait3A_366] : memref<2x1664x16xf32, #tpu.memory_space<vmem>> -> memref<1x128x16xf32, #tpu.memory_space<vmem>>
    %dma_wait3A_368 = tpu.memref_squeeze %dma_wait3A_367 : memref<1x128x16xf32, #tpu.memory_space<vmem>> -> memref<128x16xf32, #tpu.memory_space<vmem>>
    %dma_wait3A_369 = arith.constant 0 : i32
    %dma_wait3A_370 = tpu.memref_slice %arg5[%dma_wait3A_363, %dma_wait3A_369] : memref<104x128xi32, #tpu.memory_space<vmem>> -> memref<1x128xi32, #tpu.memory_space<vmem>>
    %dma_wait3A_371 = tpu.memref_squeeze %dma_wait3A_370 : memref<1x128xi32, #tpu.memory_space<vmem>> -> memref<128xi32, #tpu.memory_space<vmem>>
    %dma_wait3A_372 = arith.constant 0 : i32
    %dma_wait3A_373 = arith.constant 0 : i32
    %dma_wait3A_374 = tpu.memref_slice %arg2[%dma_wait3A_372, %dma_wait3A_373] : memref<26000x16xf32, #tpu.memory_space<hbm>> -> memref<26000x16xf32, #tpu.memory_space<hbm>>
    tpu.wait_indirect_dma semaphore(%arg7 : memref<!tpu.dma_semaphore, #tpu.memory_space<semaphore_mem>>) src(%dma_wait3A_374 : memref<26000x16xf32, #tpu.memory_space<hbm>>) dst(%dma_wait3A_368 : memref<128x16xf32, #tpu.memory_space<vmem>>)
    %dma_wait3A_375 = arith.constant 5 : i32
    %dma_wait3A_376 = arith.constant 0 : i32
    %dma_wait3A_377 = arith.constant 640 : i32
    %dma_wait3A_378 = arith.constant 0 : i32
    %dma_wait3A_379 = tpu.memref_slice %arg6[%dma_wait3A_376, %dma_wait3A_377, %dma_wait3A_378] : memref<2x1664x16xf32, #tpu.memory_space<vmem>> -> memref<1x128x16xf32, #tpu.memory_space<vmem>>
    %dma_wait3A_380 = tpu.memref_squeeze %dma_wait3A_379 : memref<1x128x16xf32, #tpu.memory_space<vmem>> -> memref<128x16xf32, #tpu.memory_space<vmem>>
    %dma_wait3A_381 = arith.constant 0 : i32
    %dma_wait3A_382 = tpu.memref_slice %arg5[%dma_wait3A_375, %dma_wait3A_381] : memref<104x128xi32, #tpu.memory_space<vmem>> -> memref<1x128xi32, #tpu.memory_space<vmem>>
    %dma_wait3A_383 = tpu.memref_squeeze %dma_wait3A_382 : memref<1x128xi32, #tpu.memory_space<vmem>> -> memref<128xi32, #tpu.memory_space<vmem>>
    %dma_wait3A_384 = arith.constant 0 : i32
    %dma_wait3A_385 = arith.constant 0 : i32
    %dma_wait3A_386 = tpu.memref_slice %arg2[%dma_wait3A_384, %dma_wait3A_385] : memref<26000x16xf32, #tpu.memory_space<hbm>> -> memref<26000x16xf32, #tpu.memory_space<hbm>>
    tpu.wait_indirect_dma semaphore(%arg7 : memref<!tpu.dma_semaphore, #tpu.memory_space<semaphore_mem>>) src(%dma_wait3A_386 : memref<26000x16xf32, #tpu.memory_space<hbm>>) dst(%dma_wait3A_380 : memref<128x16xf32, #tpu.memory_space<vmem>>)
    %dma_wait3A_387 = arith.constant 6 : i32
    %dma_wait3A_388 = arith.constant 0 : i32
    %dma_wait3A_389 = arith.constant 768 : i32
    %dma_wait3A_390 = arith.constant 0 : i32
    %dma_wait3A_391 = tpu.memref_slice %arg6[%dma_wait3A_388, %dma_wait3A_389, %dma_wait3A_390] : memref<2x1664x16xf32, #tpu.memory_space<vmem>> -> memref<1x128x16xf32, #tpu.memory_space<vmem>>
    %dma_wait3A_392 = tpu.memref_squeeze %dma_wait3A_391 : memref<1x128x16xf32, #tpu.memory_space<vmem>> -> memref<128x16xf32, #tpu.memory_space<vmem>>
    %dma_wait3A_393 = arith.constant 0 : i32
    %dma_wait3A_394 = tpu.memref_slice %arg5[%dma_wait3A_387, %dma_wait3A_393] : memref<104x128xi32, #tpu.memory_space<vmem>> -> memref<1x128xi32, #tpu.memory_space<vmem>>
    %dma_wait3A_395 = tpu.memref_squeeze %dma_wait3A_394 : memref<1x128xi32, #tpu.memory_space<vmem>> -> memref<128xi32, #tpu.memory_space<vmem>>
    %dma_wait3A_396 = arith.constant 0 : i32
    %dma_wait3A_397 = arith.constant 0 : i32
    %dma_wait3A_398 = tpu.memref_slice %arg2[%dma_wait3A_396, %dma_wait3A_397] : memref<26000x16xf32, #tpu.memory_space<hbm>> -> memref<26000x16xf32, #tpu.memory_space<hbm>>
    tpu.wait_indirect_dma semaphore(%arg7 : memref<!tpu.dma_semaphore, #tpu.memory_space<semaphore_mem>>) src(%dma_wait3A_398 : memref<26000x16xf32, #tpu.memory_space<hbm>>) dst(%dma_wait3A_392 : memref<128x16xf32, #tpu.memory_space<vmem>>)
    %dma_wait3A_399 = arith.constant 7 : i32
    %dma_wait3A_400 = arith.constant 0 : i32
    %dma_wait3A_401 = arith.constant 896 : i32
    %dma_wait3A_402 = arith.constant 0 : i32
    %dma_wait3A_403 = tpu.memref_slice %arg6[%dma_wait3A_400, %dma_wait3A_401, %dma_wait3A_402] : memref<2x1664x16xf32, #tpu.memory_space<vmem>> -> memref<1x128x16xf32, #tpu.memory_space<vmem>>
    %dma_wait3A_404 = tpu.memref_squeeze %dma_wait3A_403 : memref<1x128x16xf32, #tpu.memory_space<vmem>> -> memref<128x16xf32, #tpu.memory_space<vmem>>
    %dma_wait3A_405 = arith.constant 0 : i32
    %dma_wait3A_406 = tpu.memref_slice %arg5[%dma_wait3A_399, %dma_wait3A_405] : memref<104x128xi32, #tpu.memory_space<vmem>> -> memref<1x128xi32, #tpu.memory_space<vmem>>
    %dma_wait3A_407 = tpu.memref_squeeze %dma_wait3A_406 : memref<1x128xi32, #tpu.memory_space<vmem>> -> memref<128xi32, #tpu.memory_space<vmem>>
    %dma_wait3A_408 = arith.constant 0 : i32
    %dma_wait3A_409 = arith.constant 0 : i32
    %dma_wait3A_410 = tpu.memref_slice %arg2[%dma_wait3A_408, %dma_wait3A_409] : memref<26000x16xf32, #tpu.memory_space<hbm>> -> memref<26000x16xf32, #tpu.memory_space<hbm>>
    tpu.wait_indirect_dma semaphore(%arg7 : memref<!tpu.dma_semaphore, #tpu.memory_space<semaphore_mem>>) src(%dma_wait3A_410 : memref<26000x16xf32, #tpu.memory_space<hbm>>) dst(%dma_wait3A_404 : memref<128x16xf32, #tpu.memory_space<vmem>>)
    %dma_wait3A_411 = arith.constant 8 : i32
    %dma_wait3A_412 = arith.constant 0 : i32
    %dma_wait3A_413 = arith.constant 1024 : i32
    %dma_wait3A_414 = arith.constant 0 : i32
    %dma_wait3A_415 = tpu.memref_slice %arg6[%dma_wait3A_412, %dma_wait3A_413, %dma_wait3A_414] : memref<2x1664x16xf32, #tpu.memory_space<vmem>> -> memref<1x128x16xf32, #tpu.memory_space<vmem>>
    %dma_wait3A_416 = tpu.memref_squeeze %dma_wait3A_415 : memref<1x128x16xf32, #tpu.memory_space<vmem>> -> memref<128x16xf32, #tpu.memory_space<vmem>>
    %dma_wait3A_417 = arith.constant 0 : i32
    %dma_wait3A_418 = tpu.memref_slice %arg5[%dma_wait3A_411, %dma_wait3A_417] : memref<104x128xi32, #tpu.memory_space<vmem>> -> memref<1x128xi32, #tpu.memory_space<vmem>>
    %dma_wait3A_419 = tpu.memref_squeeze %dma_wait3A_418 : memref<1x128xi32, #tpu.memory_space<vmem>> -> memref<128xi32, #tpu.memory_space<vmem>>
    %dma_wait3A_420 = arith.constant 0 : i32
    %dma_wait3A_421 = arith.constant 0 : i32
    %dma_wait3A_422 = tpu.memref_slice %arg2[%dma_wait3A_420, %dma_wait3A_421] : memref<26000x16xf32, #tpu.memory_space<hbm>> -> memref<26000x16xf32, #tpu.memory_space<hbm>>
    tpu.wait_indirect_dma semaphore(%arg7 : memref<!tpu.dma_semaphore, #tpu.memory_space<semaphore_mem>>) src(%dma_wait3A_422 : memref<26000x16xf32, #tpu.memory_space<hbm>>) dst(%dma_wait3A_416 : memref<128x16xf32, #tpu.memory_space<vmem>>)
    %dma_wait3A_423 = arith.constant 9 : i32
    %dma_wait3A_424 = arith.constant 0 : i32
    %dma_wait3A_425 = arith.constant 1152 : i32
    %dma_wait3A_426 = arith.constant 0 : i32
    %dma_wait3A_427 = tpu.memref_slice %arg6[%dma_wait3A_424, %dma_wait3A_425, %dma_wait3A_426] : memref<2x1664x16xf32, #tpu.memory_space<vmem>> -> memref<1x128x16xf32, #tpu.memory_space<vmem>>
    %dma_wait3A_428 = tpu.memref_squeeze %dma_wait3A_427 : memref<1x128x16xf32, #tpu.memory_space<vmem>> -> memref<128x16xf32, #tpu.memory_space<vmem>>
    %dma_wait3A_429 = arith.constant 0 : i32
    %dma_wait3A_430 = tpu.memref_slice %arg5[%dma_wait3A_423, %dma_wait3A_429] : memref<104x128xi32, #tpu.memory_space<vmem>> -> memref<1x128xi32, #tpu.memory_space<vmem>>
    %dma_wait3A_431 = tpu.memref_squeeze %dma_wait3A_430 : memref<1x128xi32, #tpu.memory_space<vmem>> -> memref<128xi32, #tpu.memory_space<vmem>>
    %dma_wait3A_432 = arith.constant 0 : i32
    %dma_wait3A_433 = arith.constant 0 : i32
    %dma_wait3A_434 = tpu.memref_slice %arg2[%dma_wait3A_432, %dma_wait3A_433] : memref<26000x16xf32, #tpu.memory_space<hbm>> -> memref<26000x16xf32, #tpu.memory_space<hbm>>
    tpu.wait_indirect_dma semaphore(%arg7 : memref<!tpu.dma_semaphore, #tpu.memory_space<semaphore_mem>>) src(%dma_wait3A_434 : memref<26000x16xf32, #tpu.memory_space<hbm>>) dst(%dma_wait3A_428 : memref<128x16xf32, #tpu.memory_space<vmem>>)
    %dma_wait3A_435 = arith.constant 10 : i32
    %dma_wait3A_436 = arith.constant 0 : i32
    %dma_wait3A_437 = arith.constant 1280 : i32
    %dma_wait3A_438 = arith.constant 0 : i32
    %dma_wait3A_439 = tpu.memref_slice %arg6[%dma_wait3A_436, %dma_wait3A_437, %dma_wait3A_438] : memref<2x1664x16xf32, #tpu.memory_space<vmem>> -> memref<1x128x16xf32, #tpu.memory_space<vmem>>
    %dma_wait3A_440 = tpu.memref_squeeze %dma_wait3A_439 : memref<1x128x16xf32, #tpu.memory_space<vmem>> -> memref<128x16xf32, #tpu.memory_space<vmem>>
    %dma_wait3A_441 = arith.constant 0 : i32
    %dma_wait3A_442 = tpu.memref_slice %arg5[%dma_wait3A_435, %dma_wait3A_441] : memref<104x128xi32, #tpu.memory_space<vmem>> -> memref<1x128xi32, #tpu.memory_space<vmem>>
    %dma_wait3A_443 = tpu.memref_squeeze %dma_wait3A_442 : memref<1x128xi32, #tpu.memory_space<vmem>> -> memref<128xi32, #tpu.memory_space<vmem>>
    %dma_wait3A_444 = arith.constant 0 : i32
    %dma_wait3A_445 = arith.constant 0 : i32
    %dma_wait3A_446 = tpu.memref_slice %arg2[%dma_wait3A_444, %dma_wait3A_445] : memref<26000x16xf32, #tpu.memory_space<hbm>> -> memref<26000x16xf32, #tpu.memory_space<hbm>>
    tpu.wait_indirect_dma semaphore(%arg7 : memref<!tpu.dma_semaphore, #tpu.memory_space<semaphore_mem>>) src(%dma_wait3A_446 : memref<26000x16xf32, #tpu.memory_space<hbm>>) dst(%dma_wait3A_440 : memref<128x16xf32, #tpu.memory_space<vmem>>)
    %dma_wait3A_447 = arith.constant 11 : i32
    %dma_wait3A_448 = arith.constant 0 : i32
    %dma_wait3A_449 = arith.constant 1408 : i32
    %dma_wait3A_450 = arith.constant 0 : i32
    %dma_wait3A_451 = tpu.memref_slice %arg6[%dma_wait3A_448, %dma_wait3A_449, %dma_wait3A_450] : memref<2x1664x16xf32, #tpu.memory_space<vmem>> -> memref<1x128x16xf32, #tpu.memory_space<vmem>>
    %dma_wait3A_452 = tpu.memref_squeeze %dma_wait3A_451 : memref<1x128x16xf32, #tpu.memory_space<vmem>> -> memref<128x16xf32, #tpu.memory_space<vmem>>
    %dma_wait3A_453 = arith.constant 0 : i32
    %dma_wait3A_454 = tpu.memref_slice %arg5[%dma_wait3A_447, %dma_wait3A_453] : memref<104x128xi32, #tpu.memory_space<vmem>> -> memref<1x128xi32, #tpu.memory_space<vmem>>
    %dma_wait3A_455 = tpu.memref_squeeze %dma_wait3A_454 : memref<1x128xi32, #tpu.memory_space<vmem>> -> memref<128xi32, #tpu.memory_space<vmem>>
    %dma_wait3A_456 = arith.constant 0 : i32
    %dma_wait3A_457 = arith.constant 0 : i32
    %dma_wait3A_458 = tpu.memref_slice %arg2[%dma_wait3A_456, %dma_wait3A_457] : memref<26000x16xf32, #tpu.memory_space<hbm>> -> memref<26000x16xf32, #tpu.memory_space<hbm>>
    tpu.wait_indirect_dma semaphore(%arg7 : memref<!tpu.dma_semaphore, #tpu.memory_space<semaphore_mem>>) src(%dma_wait3A_458 : memref<26000x16xf32, #tpu.memory_space<hbm>>) dst(%dma_wait3A_452 : memref<128x16xf32, #tpu.memory_space<vmem>>)
    %dma_wait3A_459 = arith.constant 12 : i32
    %dma_wait3A_460 = arith.constant 0 : i32
    %dma_wait3A_461 = arith.constant 1536 : i32
    %dma_wait3A_462 = arith.constant 0 : i32
    %dma_wait3A_463 = tpu.memref_slice %arg6[%dma_wait3A_460, %dma_wait3A_461, %dma_wait3A_462] : memref<2x1664x16xf32, #tpu.memory_space<vmem>> -> memref<1x128x16xf32, #tpu.memory_space<vmem>>
    %dma_wait3A_464 = tpu.memref_squeeze %dma_wait3A_463 : memref<1x128x16xf32, #tpu.memory_space<vmem>> -> memref<128x16xf32, #tpu.memory_space<vmem>>
    %dma_wait3A_465 = arith.constant 0 : i32
    %dma_wait3A_466 = tpu.memref_slice %arg5[%dma_wait3A_459, %dma_wait3A_465] : memref<104x128xi32, #tpu.memory_space<vmem>> -> memref<1x128xi32, #tpu.memory_space<vmem>>
    %dma_wait3A_467 = tpu.memref_squeeze %dma_wait3A_466 : memref<1x128xi32, #tpu.memory_space<vmem>> -> memref<128xi32, #tpu.memory_space<vmem>>
    %dma_wait3A_468 = arith.constant 0 : i32
    %dma_wait3A_469 = arith.constant 0 : i32
    %dma_wait3A_470 = tpu.memref_slice %arg2[%dma_wait3A_468, %dma_wait3A_469] : memref<26000x16xf32, #tpu.memory_space<hbm>> -> memref<26000x16xf32, #tpu.memory_space<hbm>>
    tpu.wait_indirect_dma semaphore(%arg7 : memref<!tpu.dma_semaphore, #tpu.memory_space<semaphore_mem>>) src(%dma_wait3A_470 : memref<26000x16xf32, #tpu.memory_space<hbm>>) dst(%dma_wait3A_464 : memref<128x16xf32, #tpu.memory_space<vmem>>)
    %add3A_471 = arith.constant 0 : i32
    %add3A_472 = arith.addi %mul3A_2, %add3A_471 : i32
    %dma_start3A_473 = arith.constant 0 : i32
    %dma_start3A_474 = arith.constant 0 : i32
    %dma_start3A_475 = arith.constant 0 : i32
    %dma_start3A_476 = tpu.memref_slice %arg6[%dma_start3A_473, %dma_start3A_474, %dma_start3A_475] : memref<2x1664x16xf32, #tpu.memory_space<vmem>> -> memref<1x1664x16xf32, #tpu.memory_space<vmem>>
    %dma_start3A_477 = tpu.memref_squeeze %dma_start3A_476 : memref<1x1664x16xf32, #tpu.memory_space<vmem>> -> memref<1664x16xf32, #tpu.memory_space<vmem>>
    %dma_start3A_478 = arith.constant 0 : i32
    %dma_start3A_479 = tpu.memref_slice %arg4[%add3A_472, %dma_start3A_478] : memref<425984x16xf32, #tpu.memory_space<hbm>> -> memref<1664x16xf32, #tpu.memory_space<hbm>>
    %dma_start3A_480 = arith.constant 0 : i32
    %dma_start3A_481 = tpu.memref_slice %arg4[%add3A_472, %dma_start3A_480] : memref<425984x16xf32, #tpu.memory_space<hbm>> -> memref<1664x16xf32, #tpu.memory_space<hbm>>
    %dma_start3A_482 = arith.constant 0 : i32
    %dma_start3A_483 = arith.constant 0 : i32
    %dma_start3A_484 = tpu.memref_slice %arg6[%dma_start3A_473, %dma_start3A_482, %dma_start3A_483] : memref<2x1664x16xf32, #tpu.memory_space<vmem>> -> memref<1x1664x16xf32, #tpu.memory_space<vmem>>
    %dma_start3A_485 = tpu.memref_squeeze %dma_start3A_484 : memref<1x1664x16xf32, #tpu.memory_space<vmem>> -> memref<1664x16xf32, #tpu.memory_space<vmem>>
    tpu.enqueue_dma source(%dma_start3A_485 : memref<1664x16xf32, #tpu.memory_space<vmem>>) target(%dma_start3A_481 : memref<1664x16xf32, #tpu.memory_space<hbm>>) target_semaphore(%arg8 : memref<!tpu.dma_semaphore, #tpu.memory_space<semaphore_mem>>)
    %dma_wait3A_486 = arith.constant 0 : i32
    %dma_wait3A_487 = arith.constant 0 : i32
    %dma_wait3A_488 = arith.constant 0 : i32
    %dma_wait3A_489 = tpu.memref_slice %arg6[%dma_wait3A_486, %dma_wait3A_487, %dma_wait3A_488] : memref<2x1664x16xf32, #tpu.memory_space<vmem>> -> memref<1x1664x16xf32, #tpu.memory_space<vmem>>
    %dma_wait3A_490 = tpu.memref_squeeze %dma_wait3A_489 : memref<1x1664x16xf32, #tpu.memory_space<vmem>> -> memref<1664x16xf32, #tpu.memory_space<vmem>>
    %dma_wait3A_491 = arith.constant 0 : i32
    %dma_wait3A_492 = tpu.memref_slice %arg4[%add3A_472, %dma_wait3A_491] : memref<425984x16xf32, #tpu.memory_space<hbm>> -> memref<1664x16xf32, #tpu.memory_space<hbm>>
    %dma_wait3A_493 = arith.constant 0 : i32
    %dma_wait3A_494 = tpu.memref_slice %arg4[%add3A_472, %dma_wait3A_493] : memref<425984x16xf32, #tpu.memory_space<hbm>> -> memref<1664x16xf32, #tpu.memory_space<hbm>>
    %dma_wait3A_495 = arith.constant 0 : i32
    %dma_wait3A_496 = arith.constant 0 : i32
    %dma_wait3A_497 = tpu.memref_slice %arg6[%dma_wait3A_486, %dma_wait3A_495, %dma_wait3A_496] : memref<2x1664x16xf32, #tpu.memory_space<vmem>> -> memref<1x1664x16xf32, #tpu.memory_space<vmem>>
    %dma_wait3A_498 = tpu.memref_squeeze %dma_wait3A_497 : memref<1x1664x16xf32, #tpu.memory_space<vmem>> -> memref<1664x16xf32, #tpu.memory_space<vmem>>
    tpu.wait_dma2 semaphore(%arg8 : memref<!tpu.dma_semaphore, #tpu.memory_space<semaphore_mem>>) src(%dma_wait3A_498 : memref<1664x16xf32, #tpu.memory_space<vmem>>) dst(%dma_wait3A_494 : memref<1664x16xf32, #tpu.memory_space<hbm>>)
    %dma_start3A_499 = arith.constant 26 : i32
    %dma_start3A_500 = arith.constant 0 : i32
    %dma_start3A_501 = arith.constant 0 : i32
    %dma_start3A_502 = arith.constant 0 : i32
    %dma_start3A_503 = tpu.memref_slice %arg6[%dma_start3A_500, %dma_start3A_501, %dma_start3A_502] : memref<2x1664x16xf32, #tpu.memory_space<vmem>> -> memref<1x128x16xf32, #tpu.memory_space<vmem>>
    %dma_start3A_504 = tpu.memref_squeeze %dma_start3A_503 : memref<1x128x16xf32, #tpu.memory_space<vmem>> -> memref<128x16xf32, #tpu.memory_space<vmem>>
    %dma_start3A_505 = arith.constant 0 : i32
    %dma_start3A_506 = tpu.memref_slice %arg5[%dma_start3A_499, %dma_start3A_505] : memref<104x128xi32, #tpu.memory_space<vmem>> -> memref<1x128xi32, #tpu.memory_space<vmem>>
    %dma_start3A_507 = tpu.memref_squeeze %dma_start3A_506 : memref<1x128xi32, #tpu.memory_space<vmem>> -> memref<128xi32, #tpu.memory_space<vmem>>
    %dma_start3A_508 = arith.constant 0 : i32
    %dma_start3A_509 = arith.constant 0 : i32
    %dma_start3A_510 = tpu.memref_slice %arg2[%dma_start3A_508, %dma_start3A_509] : memref<26000x16xf32, #tpu.memory_space<hbm>> -> memref<26000x16xf32, #tpu.memory_space<hbm>>
    tpu.enqueue_indirect_dma source(%dma_start3A_510 : memref<26000x16xf32, #tpu.memory_space<hbm>>) target(%dma_start3A_504 : memref<128x16xf32, #tpu.memory_space<vmem>>) offsets(%dma_start3A_507 : memref<128xi32, #tpu.memory_space<vmem>>) semaphore(%arg7 : memref<!tpu.dma_semaphore, #tpu.memory_space<semaphore_mem>>)
    %dma_start3A_511 = arith.constant 27 : i32
    %dma_start3A_512 = arith.constant 0 : i32
    %dma_start3A_513 = arith.constant 128 : i32
    %dma_start3A_514 = arith.constant 0 : i32
    %dma_start3A_515 = tpu.memref_slice %arg6[%dma_start3A_512, %dma_start3A_513, %dma_start3A_514] : memref<2x1664x16xf32, #tpu.memory_space<vmem>> -> memref<1x128x16xf32, #tpu.memory_space<vmem>>
    %dma_start3A_516 = tpu.memref_squeeze %dma_start3A_515 : memref<1x128x16xf32, #tpu.memory_space<vmem>> -> memref<128x16xf32, #tpu.memory_space<vmem>>
    %dma_start3A_517 = arith.constant 0 : i32
    %dma_start3A_518 = tpu.memref_slice %arg5[%dma_start3A_511, %dma_start3A_517] : memref<104x128xi32, #tpu.memory_space<vmem>> -> memref<1x128xi32, #tpu.memory_space<vmem>>
    %dma_start3A_519 = tpu.memref_squeeze %dma_start3A_518 : memref<1x128xi32, #tpu.memory_space<vmem>> -> memref<128xi32, #tpu.memory_space<vmem>>
    %dma_start3A_520 = arith.constant 0 : i32
    %dma_start3A_521 = arith.constant 0 : i32
    %dma_start3A_522 = tpu.memref_slice %arg2[%dma_start3A_520, %dma_start3A_521] : memref<26000x16xf32, #tpu.memory_space<hbm>> -> memref<26000x16xf32, #tpu.memory_space<hbm>>
    tpu.enqueue_indirect_dma source(%dma_start3A_522 : memref<26000x16xf32, #tpu.memory_space<hbm>>) target(%dma_start3A_516 : memref<128x16xf32, #tpu.memory_space<vmem>>) offsets(%dma_start3A_519 : memref<128xi32, #tpu.memory_space<vmem>>) semaphore(%arg7 : memref<!tpu.dma_semaphore, #tpu.memory_space<semaphore_mem>>)
    %dma_start3A_523 = arith.constant 28 : i32
    %dma_start3A_524 = arith.constant 0 : i32
    %dma_start3A_525 = arith.constant 256 : i32
    %dma_start3A_526 = arith.constant 0 : i32
    %dma_start3A_527 = tpu.memref_slice %arg6[%dma_start3A_524, %dma_start3A_525, %dma_start3A_526] : memref<2x1664x16xf32, #tpu.memory_space<vmem>> -> memref<1x128x16xf32, #tpu.memory_space<vmem>>
    %dma_start3A_528 = tpu.memref_squeeze %dma_start3A_527 : memref<1x128x16xf32, #tpu.memory_space<vmem>> -> memref<128x16xf32, #tpu.memory_space<vmem>>
    %dma_start3A_529 = arith.constant 0 : i32
    %dma_start3A_530 = tpu.memref_slice %arg5[%dma_start3A_523, %dma_start3A_529] : memref<104x128xi32, #tpu.memory_space<vmem>> -> memref<1x128xi32, #tpu.memory_space<vmem>>
    %dma_start3A_531 = tpu.memref_squeeze %dma_start3A_530 : memref<1x128xi32, #tpu.memory_space<vmem>> -> memref<128xi32, #tpu.memory_space<vmem>>
    %dma_start3A_532 = arith.constant 0 : i32
    %dma_start3A_533 = arith.constant 0 : i32
    %dma_start3A_534 = tpu.memref_slice %arg2[%dma_start3A_532, %dma_start3A_533] : memref<26000x16xf32, #tpu.memory_space<hbm>> -> memref<26000x16xf32, #tpu.memory_space<hbm>>
    tpu.enqueue_indirect_dma source(%dma_start3A_534 : memref<26000x16xf32, #tpu.memory_space<hbm>>) target(%dma_start3A_528 : memref<128x16xf32, #tpu.memory_space<vmem>>) offsets(%dma_start3A_531 : memref<128xi32, #tpu.memory_space<vmem>>) semaphore(%arg7 : memref<!tpu.dma_semaphore, #tpu.memory_space<semaphore_mem>>)
    %dma_start3A_535 = arith.constant 29 : i32
    %dma_start3A_536 = arith.constant 0 : i32
    %dma_start3A_537 = arith.constant 384 : i32
    %dma_start3A_538 = arith.constant 0 : i32
    %dma_start3A_539 = tpu.memref_slice %arg6[%dma_start3A_536, %dma_start3A_537, %dma_start3A_538] : memref<2x1664x16xf32, #tpu.memory_space<vmem>> -> memref<1x128x16xf32, #tpu.memory_space<vmem>>
    %dma_start3A_540 = tpu.memref_squeeze %dma_start3A_539 : memref<1x128x16xf32, #tpu.memory_space<vmem>> -> memref<128x16xf32, #tpu.memory_space<vmem>>
    %dma_start3A_541 = arith.constant 0 : i32
    %dma_start3A_542 = tpu.memref_slice %arg5[%dma_start3A_535, %dma_start3A_541] : memref<104x128xi32, #tpu.memory_space<vmem>> -> memref<1x128xi32, #tpu.memory_space<vmem>>
    %dma_start3A_543 = tpu.memref_squeeze %dma_start3A_542 : memref<1x128xi32, #tpu.memory_space<vmem>> -> memref<128xi32, #tpu.memory_space<vmem>>
    %dma_start3A_544 = arith.constant 0 : i32
    %dma_start3A_545 = arith.constant 0 : i32
    %dma_start3A_546 = tpu.memref_slice %arg2[%dma_start3A_544, %dma_start3A_545] : memref<26000x16xf32, #tpu.memory_space<hbm>> -> memref<26000x16xf32, #tpu.memory_space<hbm>>
    tpu.enqueue_indirect_dma source(%dma_start3A_546 : memref<26000x16xf32, #tpu.memory_space<hbm>>) target(%dma_start3A_540 : memref<128x16xf32, #tpu.memory_space<vmem>>) offsets(%dma_start3A_543 : memref<128xi32, #tpu.memory_space<vmem>>) semaphore(%arg7 : memref<!tpu.dma_semaphore, #tpu.memory_space<semaphore_mem>>)
    %dma_start3A_547 = arith.constant 30 : i32
    %dma_start3A_548 = arith.constant 0 : i32
    %dma_start3A_549 = arith.constant 512 : i32
    %dma_start3A_550 = arith.constant 0 : i32
    %dma_start3A_551 = tpu.memref_slice %arg6[%dma_start3A_548, %dma_start3A_549, %dma_start3A_550] : memref<2x1664x16xf32, #tpu.memory_space<vmem>> -> memref<1x128x16xf32, #tpu.memory_space<vmem>>
    %dma_start3A_552 = tpu.memref_squeeze %dma_start3A_551 : memref<1x128x16xf32, #tpu.memory_space<vmem>> -> memref<128x16xf32, #tpu.memory_space<vmem>>
    %dma_start3A_553 = arith.constant 0 : i32
    %dma_start3A_554 = tpu.memref_slice %arg5[%dma_start3A_547, %dma_start3A_553] : memref<104x128xi32, #tpu.memory_space<vmem>> -> memref<1x128xi32, #tpu.memory_space<vmem>>
    %dma_start3A_555 = tpu.memref_squeeze %dma_start3A_554 : memref<1x128xi32, #tpu.memory_space<vmem>> -> memref<128xi32, #tpu.memory_space<vmem>>
    %dma_start3A_556 = arith.constant 0 : i32
    %dma_start3A_557 = arith.constant 0 : i32
    %dma_start3A_558 = tpu.memref_slice %arg2[%dma_start3A_556, %dma_start3A_557] : memref<26000x16xf32, #tpu.memory_space<hbm>> -> memref<26000x16xf32, #tpu.memory_space<hbm>>
    tpu.enqueue_indirect_dma source(%dma_start3A_558 : memref<26000x16xf32, #tpu.memory_space<hbm>>) target(%dma_start3A_552 : memref<128x16xf32, #tpu.memory_space<vmem>>) offsets(%dma_start3A_555 : memref<128xi32, #tpu.memory_space<vmem>>) semaphore(%arg7 : memref<!tpu.dma_semaphore, #tpu.memory_space<semaphore_mem>>)
    %dma_start3A_559 = arith.constant 31 : i32
    %dma_start3A_560 = arith.constant 0 : i32
    %dma_start3A_561 = arith.constant 640 : i32
    %dma_start3A_562 = arith.constant 0 : i32
    %dma_start3A_563 = tpu.memref_slice %arg6[%dma_start3A_560, %dma_start3A_561, %dma_start3A_562] : memref<2x1664x16xf32, #tpu.memory_space<vmem>> -> memref<1x128x16xf32, #tpu.memory_space<vmem>>
    %dma_start3A_564 = tpu.memref_squeeze %dma_start3A_563 : memref<1x128x16xf32, #tpu.memory_space<vmem>> -> memref<128x16xf32, #tpu.memory_space<vmem>>
    %dma_start3A_565 = arith.constant 0 : i32
    %dma_start3A_566 = tpu.memref_slice %arg5[%dma_start3A_559, %dma_start3A_565] : memref<104x128xi32, #tpu.memory_space<vmem>> -> memref<1x128xi32, #tpu.memory_space<vmem>>
    %dma_start3A_567 = tpu.memref_squeeze %dma_start3A_566 : memref<1x128xi32, #tpu.memory_space<vmem>> -> memref<128xi32, #tpu.memory_space<vmem>>
    %dma_start3A_568 = arith.constant 0 : i32
    %dma_start3A_569 = arith.constant 0 : i32
    %dma_start3A_570 = tpu.memref_slice %arg2[%dma_start3A_568, %dma_start3A_569] : memref<26000x16xf32, #tpu.memory_space<hbm>> -> memref<26000x16xf32, #tpu.memory_space<hbm>>
    tpu.enqueue_indirect_dma source(%dma_start3A_570 : memref<26000x16xf32, #tpu.memory_space<hbm>>) target(%dma_start3A_564 : memref<128x16xf32, #tpu.memory_space<vmem>>) offsets(%dma_start3A_567 : memref<128xi32, #tpu.memory_space<vmem>>) semaphore(%arg7 : memref<!tpu.dma_semaphore, #tpu.memory_space<semaphore_mem>>)
    %dma_start3A_571 = arith.constant 32 : i32
    %dma_start3A_572 = arith.constant 0 : i32
    %dma_start3A_573 = arith.constant 768 : i32
    %dma_start3A_574 = arith.constant 0 : i32
    %dma_start3A_575 = tpu.memref_slice %arg6[%dma_start3A_572, %dma_start3A_573, %dma_start3A_574] : memref<2x1664x16xf32, #tpu.memory_space<vmem>> -> memref<1x128x16xf32, #tpu.memory_space<vmem>>
    %dma_start3A_576 = tpu.memref_squeeze %dma_start3A_575 : memref<1x128x16xf32, #tpu.memory_space<vmem>> -> memref<128x16xf32, #tpu.memory_space<vmem>>
    %dma_start3A_577 = arith.constant 0 : i32
    %dma_start3A_578 = tpu.memref_slice %arg5[%dma_start3A_571, %dma_start3A_577] : memref<104x128xi32, #tpu.memory_space<vmem>> -> memref<1x128xi32, #tpu.memory_space<vmem>>
    %dma_start3A_579 = tpu.memref_squeeze %dma_start3A_578 : memref<1x128xi32, #tpu.memory_space<vmem>> -> memref<128xi32, #tpu.memory_space<vmem>>
    %dma_start3A_580 = arith.constant 0 : i32
    %dma_start3A_581 = arith.constant 0 : i32
    %dma_start3A_582 = tpu.memref_slice %arg2[%dma_start3A_580, %dma_start3A_581] : memref<26000x16xf32, #tpu.memory_space<hbm>> -> memref<26000x16xf32, #tpu.memory_space<hbm>>
    tpu.enqueue_indirect_dma source(%dma_start3A_582 : memref<26000x16xf32, #tpu.memory_space<hbm>>) target(%dma_start3A_576 : memref<128x16xf32, #tpu.memory_space<vmem>>) offsets(%dma_start3A_579 : memref<128xi32, #tpu.memory_space<vmem>>) semaphore(%arg7 : memref<!tpu.dma_semaphore, #tpu.memory_space<semaphore_mem>>)
    %dma_start3A_583 = arith.constant 33 : i32
    %dma_start3A_584 = arith.constant 0 : i32
    %dma_start3A_585 = arith.constant 896 : i32
    %dma_start3A_586 = arith.constant 0 : i32
    %dma_start3A_587 = tpu.memref_slice %arg6[%dma_start3A_584, %dma_start3A_585, %dma_start3A_586] : memref<2x1664x16xf32, #tpu.memory_space<vmem>> -> memref<1x128x16xf32, #tpu.memory_space<vmem>>
    %dma_start3A_588 = tpu.memref_squeeze %dma_start3A_587 : memref<1x128x16xf32, #tpu.memory_space<vmem>> -> memref<128x16xf32, #tpu.memory_space<vmem>>
    %dma_start3A_589 = arith.constant 0 : i32
    %dma_start3A_590 = tpu.memref_slice %arg5[%dma_start3A_583, %dma_start3A_589] : memref<104x128xi32, #tpu.memory_space<vmem>> -> memref<1x128xi32, #tpu.memory_space<vmem>>
    %dma_start3A_591 = tpu.memref_squeeze %dma_start3A_590 : memref<1x128xi32, #tpu.memory_space<vmem>> -> memref<128xi32, #tpu.memory_space<vmem>>
    %dma_start3A_592 = arith.constant 0 : i32
    %dma_start3A_593 = arith.constant 0 : i32
    %dma_start3A_594 = tpu.memref_slice %arg2[%dma_start3A_592, %dma_start3A_593] : memref<26000x16xf32, #tpu.memory_space<hbm>> -> memref<26000x16xf32, #tpu.memory_space<hbm>>
    tpu.enqueue_indirect_dma source(%dma_start3A_594 : memref<26000x16xf32, #tpu.memory_space<hbm>>) target(%dma_start3A_588 : memref<128x16xf32, #tpu.memory_space<vmem>>) offsets(%dma_start3A_591 : memref<128xi32, #tpu.memory_space<vmem>>) semaphore(%arg7 : memref<!tpu.dma_semaphore, #tpu.memory_space<semaphore_mem>>)
    %dma_start3A_595 = arith.constant 34 : i32
    %dma_start3A_596 = arith.constant 0 : i32
    %dma_start3A_597 = arith.constant 1024 : i32
    %dma_start3A_598 = arith.constant 0 : i32
    %dma_start3A_599 = tpu.memref_slice %arg6[%dma_start3A_596, %dma_start3A_597, %dma_start3A_598] : memref<2x1664x16xf32, #tpu.memory_space<vmem>> -> memref<1x128x16xf32, #tpu.memory_space<vmem>>
    %dma_start3A_600 = tpu.memref_squeeze %dma_start3A_599 : memref<1x128x16xf32, #tpu.memory_space<vmem>> -> memref<128x16xf32, #tpu.memory_space<vmem>>
    %dma_start3A_601 = arith.constant 0 : i32
    %dma_start3A_602 = tpu.memref_slice %arg5[%dma_start3A_595, %dma_start3A_601] : memref<104x128xi32, #tpu.memory_space<vmem>> -> memref<1x128xi32, #tpu.memory_space<vmem>>
    %dma_start3A_603 = tpu.memref_squeeze %dma_start3A_602 : memref<1x128xi32, #tpu.memory_space<vmem>> -> memref<128xi32, #tpu.memory_space<vmem>>
    %dma_start3A_604 = arith.constant 0 : i32
    %dma_start3A_605 = arith.constant 0 : i32
    %dma_start3A_606 = tpu.memref_slice %arg2[%dma_start3A_604, %dma_start3A_605] : memref<26000x16xf32, #tpu.memory_space<hbm>> -> memref<26000x16xf32, #tpu.memory_space<hbm>>
    tpu.enqueue_indirect_dma source(%dma_start3A_606 : memref<26000x16xf32, #tpu.memory_space<hbm>>) target(%dma_start3A_600 : memref<128x16xf32, #tpu.memory_space<vmem>>) offsets(%dma_start3A_603 : memref<128xi32, #tpu.memory_space<vmem>>) semaphore(%arg7 : memref<!tpu.dma_semaphore, #tpu.memory_space<semaphore_mem>>)
    %dma_start3A_607 = arith.constant 35 : i32
    %dma_start3A_608 = arith.constant 0 : i32
    %dma_start3A_609 = arith.constant 1152 : i32
    %dma_start3A_610 = arith.constant 0 : i32
    %dma_start3A_611 = tpu.memref_slice %arg6[%dma_start3A_608, %dma_start3A_609, %dma_start3A_610] : memref<2x1664x16xf32, #tpu.memory_space<vmem>> -> memref<1x128x16xf32, #tpu.memory_space<vmem>>
    %dma_start3A_612 = tpu.memref_squeeze %dma_start3A_611 : memref<1x128x16xf32, #tpu.memory_space<vmem>> -> memref<128x16xf32, #tpu.memory_space<vmem>>
    %dma_start3A_613 = arith.constant 0 : i32
    %dma_start3A_614 = tpu.memref_slice %arg5[%dma_start3A_607, %dma_start3A_613] : memref<104x128xi32, #tpu.memory_space<vmem>> -> memref<1x128xi32, #tpu.memory_space<vmem>>
    %dma_start3A_615 = tpu.memref_squeeze %dma_start3A_614 : memref<1x128xi32, #tpu.memory_space<vmem>> -> memref<128xi32, #tpu.memory_space<vmem>>
    %dma_start3A_616 = arith.constant 0 : i32
    %dma_start3A_617 = arith.constant 0 : i32
    %dma_start3A_618 = tpu.memref_slice %arg2[%dma_start3A_616, %dma_start3A_617] : memref<26000x16xf32, #tpu.memory_space<hbm>> -> memref<26000x16xf32, #tpu.memory_space<hbm>>
    tpu.enqueue_indirect_dma source(%dma_start3A_618 : memref<26000x16xf32, #tpu.memory_space<hbm>>) target(%dma_start3A_612 : memref<128x16xf32, #tpu.memory_space<vmem>>) offsets(%dma_start3A_615 : memref<128xi32, #tpu.memory_space<vmem>>) semaphore(%arg7 : memref<!tpu.dma_semaphore, #tpu.memory_space<semaphore_mem>>)
    %dma_start3A_619 = arith.constant 36 : i32
    %dma_start3A_620 = arith.constant 0 : i32
    %dma_start3A_621 = arith.constant 1280 : i32
    %dma_start3A_622 = arith.constant 0 : i32
    %dma_start3A_623 = tpu.memref_slice %arg6[%dma_start3A_620, %dma_start3A_621, %dma_start3A_622] : memref<2x1664x16xf32, #tpu.memory_space<vmem>> -> memref<1x128x16xf32, #tpu.memory_space<vmem>>
    %dma_start3A_624 = tpu.memref_squeeze %dma_start3A_623 : memref<1x128x16xf32, #tpu.memory_space<vmem>> -> memref<128x16xf32, #tpu.memory_space<vmem>>
    %dma_start3A_625 = arith.constant 0 : i32
    %dma_start3A_626 = tpu.memref_slice %arg5[%dma_start3A_619, %dma_start3A_625] : memref<104x128xi32, #tpu.memory_space<vmem>> -> memref<1x128xi32, #tpu.memory_space<vmem>>
    %dma_start3A_627 = tpu.memref_squeeze %dma_start3A_626 : memref<1x128xi32, #tpu.memory_space<vmem>> -> memref<128xi32, #tpu.memory_space<vmem>>
    %dma_start3A_628 = arith.constant 0 : i32
    %dma_start3A_629 = arith.constant 0 : i32
    %dma_start3A_630 = tpu.memref_slice %arg2[%dma_start3A_628, %dma_start3A_629] : memref<26000x16xf32, #tpu.memory_space<hbm>> -> memref<26000x16xf32, #tpu.memory_space<hbm>>
    tpu.enqueue_indirect_dma source(%dma_start3A_630 : memref<26000x16xf32, #tpu.memory_space<hbm>>) target(%dma_start3A_624 : memref<128x16xf32, #tpu.memory_space<vmem>>) offsets(%dma_start3A_627 : memref<128xi32, #tpu.memory_space<vmem>>) semaphore(%arg7 : memref<!tpu.dma_semaphore, #tpu.memory_space<semaphore_mem>>)
    %dma_start3A_631 = arith.constant 37 : i32
    %dma_start3A_632 = arith.constant 0 : i32
    %dma_start3A_633 = arith.constant 1408 : i32
    %dma_start3A_634 = arith.constant 0 : i32
    %dma_start3A_635 = tpu.memref_slice %arg6[%dma_start3A_632, %dma_start3A_633, %dma_start3A_634] : memref<2x1664x16xf32, #tpu.memory_space<vmem>> -> memref<1x128x16xf32, #tpu.memory_space<vmem>>
    %dma_start3A_636 = tpu.memref_squeeze %dma_start3A_635 : memref<1x128x16xf32, #tpu.memory_space<vmem>> -> memref<128x16xf32, #tpu.memory_space<vmem>>
    %dma_start3A_637 = arith.constant 0 : i32
    %dma_start3A_638 = tpu.memref_slice %arg5[%dma_start3A_631, %dma_start3A_637] : memref<104x128xi32, #tpu.memory_space<vmem>> -> memref<1x128xi32, #tpu.memory_space<vmem>>
    %dma_start3A_639 = tpu.memref_squeeze %dma_start3A_638 : memref<1x128xi32, #tpu.memory_space<vmem>> -> memref<128xi32, #tpu.memory_space<vmem>>
    %dma_start3A_640 = arith.constant 0 : i32
    %dma_start3A_641 = arith.constant 0 : i32
    %dma_start3A_642 = tpu.memref_slice %arg2[%dma_start3A_640, %dma_start3A_641] : memref<26000x16xf32, #tpu.memory_space<hbm>> -> memref<26000x16xf32, #tpu.memory_space<hbm>>
    tpu.enqueue_indirect_dma source(%dma_start3A_642 : memref<26000x16xf32, #tpu.memory_space<hbm>>) target(%dma_start3A_636 : memref<128x16xf32, #tpu.memory_space<vmem>>) offsets(%dma_start3A_639 : memref<128xi32, #tpu.memory_space<vmem>>) semaphore(%arg7 : memref<!tpu.dma_semaphore, #tpu.memory_space<semaphore_mem>>)
    %dma_start3A_643 = arith.constant 38 : i32
    %dma_start3A_644 = arith.constant 0 : i32
    %dma_start3A_645 = arith.constant 1536 : i32
    %dma_start3A_646 = arith.constant 0 : i32
    %dma_start3A_647 = tpu.memref_slice %arg6[%dma_start3A_644, %dma_start3A_645, %dma_start3A_646] : memref<2x1664x16xf32, #tpu.memory_space<vmem>> -> memref<1x128x16xf32, #tpu.memory_space<vmem>>
    %dma_start3A_648 = tpu.memref_squeeze %dma_start3A_647 : memref<1x128x16xf32, #tpu.memory_space<vmem>> -> memref<128x16xf32, #tpu.memory_space<vmem>>
    %dma_start3A_649 = arith.constant 0 : i32
    %dma_start3A_650 = tpu.memref_slice %arg5[%dma_start3A_643, %dma_start3A_649] : memref<104x128xi32, #tpu.memory_space<vmem>> -> memref<1x128xi32, #tpu.memory_space<vmem>>
    %dma_start3A_651 = tpu.memref_squeeze %dma_start3A_650 : memref<1x128xi32, #tpu.memory_space<vmem>> -> memref<128xi32, #tpu.memory_space<vmem>>
    %dma_start3A_652 = arith.constant 0 : i32
    %dma_start3A_653 = arith.constant 0 : i32
    %dma_start3A_654 = tpu.memref_slice %arg2[%dma_start3A_652, %dma_start3A_653] : memref<26000x16xf32, #tpu.memory_space<hbm>> -> memref<26000x16xf32, #tpu.memory_space<hbm>>
    tpu.enqueue_indirect_dma source(%dma_start3A_654 : memref<26000x16xf32, #tpu.memory_space<hbm>>) target(%dma_start3A_648 : memref<128x16xf32, #tpu.memory_space<vmem>>) offsets(%dma_start3A_651 : memref<128xi32, #tpu.memory_space<vmem>>) semaphore(%arg7 : memref<!tpu.dma_semaphore, #tpu.memory_space<semaphore_mem>>)
    %dma_wait3A_655 = arith.constant 13 : i32
    %dma_wait3A_656 = arith.constant 1 : i32
    %dma_wait3A_657 = arith.constant 0 : i32
    %dma_wait3A_658 = arith.constant 0 : i32
    %dma_wait3A_659 = tpu.memref_slice %arg6[%dma_wait3A_656, %dma_wait3A_657, %dma_wait3A_658] : memref<2x1664x16xf32, #tpu.memory_space<vmem>> -> memref<1x128x16xf32, #tpu.memory_space<vmem>>
    %dma_wait3A_660 = tpu.memref_squeeze %dma_wait3A_659 : memref<1x128x16xf32, #tpu.memory_space<vmem>> -> memref<128x16xf32, #tpu.memory_space<vmem>>
    %dma_wait3A_661 = arith.constant 0 : i32
    %dma_wait3A_662 = tpu.memref_slice %arg5[%dma_wait3A_655, %dma_wait3A_661] : memref<104x128xi32, #tpu.memory_space<vmem>> -> memref<1x128xi32, #tpu.memory_space<vmem>>
    %dma_wait3A_663 = tpu.memref_squeeze %dma_wait3A_662 : memref<1x128xi32, #tpu.memory_space<vmem>> -> memref<128xi32, #tpu.memory_space<vmem>>
    %dma_wait3A_664 = arith.constant 0 : i32
    %dma_wait3A_665 = arith.constant 0 : i32
    %dma_wait3A_666 = tpu.memref_slice %arg2[%dma_wait3A_664, %dma_wait3A_665] : memref<26000x16xf32, #tpu.memory_space<hbm>> -> memref<26000x16xf32, #tpu.memory_space<hbm>>
    tpu.wait_indirect_dma semaphore(%arg7 : memref<!tpu.dma_semaphore, #tpu.memory_space<semaphore_mem>>) src(%dma_wait3A_666 : memref<26000x16xf32, #tpu.memory_space<hbm>>) dst(%dma_wait3A_660 : memref<128x16xf32, #tpu.memory_space<vmem>>)
    %dma_wait3A_667 = arith.constant 14 : i32
    %dma_wait3A_668 = arith.constant 1 : i32
    %dma_wait3A_669 = arith.constant 128 : i32
    %dma_wait3A_670 = arith.constant 0 : i32
    %dma_wait3A_671 = tpu.memref_slice %arg6[%dma_wait3A_668, %dma_wait3A_669, %dma_wait3A_670] : memref<2x1664x16xf32, #tpu.memory_space<vmem>> -> memref<1x128x16xf32, #tpu.memory_space<vmem>>
    %dma_wait3A_672 = tpu.memref_squeeze %dma_wait3A_671 : memref<1x128x16xf32, #tpu.memory_space<vmem>> -> memref<128x16xf32, #tpu.memory_space<vmem>>
    %dma_wait3A_673 = arith.constant 0 : i32
    %dma_wait3A_674 = tpu.memref_slice %arg5[%dma_wait3A_667, %dma_wait3A_673] : memref<104x128xi32, #tpu.memory_space<vmem>> -> memref<1x128xi32, #tpu.memory_space<vmem>>
    %dma_wait3A_675 = tpu.memref_squeeze %dma_wait3A_674 : memref<1x128xi32, #tpu.memory_space<vmem>> -> memref<128xi32, #tpu.memory_space<vmem>>
    %dma_wait3A_676 = arith.constant 0 : i32
    %dma_wait3A_677 = arith.constant 0 : i32
    %dma_wait3A_678 = tpu.memref_slice %arg2[%dma_wait3A_676, %dma_wait3A_677] : memref<26000x16xf32, #tpu.memory_space<hbm>> -> memref<26000x16xf32, #tpu.memory_space<hbm>>
    tpu.wait_indirect_dma semaphore(%arg7 : memref<!tpu.dma_semaphore, #tpu.memory_space<semaphore_mem>>) src(%dma_wait3A_678 : memref<26000x16xf32, #tpu.memory_space<hbm>>) dst(%dma_wait3A_672 : memref<128x16xf32, #tpu.memory_space<vmem>>)
    %dma_wait3A_679 = arith.constant 15 : i32
    %dma_wait3A_680 = arith.constant 1 : i32
    %dma_wait3A_681 = arith.constant 256 : i32
    %dma_wait3A_682 = arith.constant 0 : i32
    %dma_wait3A_683 = tpu.memref_slice %arg6[%dma_wait3A_680, %dma_wait3A_681, %dma_wait3A_682] : memref<2x1664x16xf32, #tpu.memory_space<vmem>> -> memref<1x128x16xf32, #tpu.memory_space<vmem>>
    %dma_wait3A_684 = tpu.memref_squeeze %dma_wait3A_683 : memref<1x128x16xf32, #tpu.memory_space<vmem>> -> memref<128x16xf32, #tpu.memory_space<vmem>>
    %dma_wait3A_685 = arith.constant 0 : i32
    %dma_wait3A_686 = tpu.memref_slice %arg5[%dma_wait3A_679, %dma_wait3A_685] : memref<104x128xi32, #tpu.memory_space<vmem>> -> memref<1x128xi32, #tpu.memory_space<vmem>>
    %dma_wait3A_687 = tpu.memref_squeeze %dma_wait3A_686 : memref<1x128xi32, #tpu.memory_space<vmem>> -> memref<128xi32, #tpu.memory_space<vmem>>
    %dma_wait3A_688 = arith.constant 0 : i32
    %dma_wait3A_689 = arith.constant 0 : i32
    %dma_wait3A_690 = tpu.memref_slice %arg2[%dma_wait3A_688, %dma_wait3A_689] : memref<26000x16xf32, #tpu.memory_space<hbm>> -> memref<26000x16xf32, #tpu.memory_space<hbm>>
    tpu.wait_indirect_dma semaphore(%arg7 : memref<!tpu.dma_semaphore, #tpu.memory_space<semaphore_mem>>) src(%dma_wait3A_690 : memref<26000x16xf32, #tpu.memory_space<hbm>>) dst(%dma_wait3A_684 : memref<128x16xf32, #tpu.memory_space<vmem>>)
    %dma_wait3A_691 = arith.constant 16 : i32
    %dma_wait3A_692 = arith.constant 1 : i32
    %dma_wait3A_693 = arith.constant 384 : i32
    %dma_wait3A_694 = arith.constant 0 : i32
    %dma_wait3A_695 = tpu.memref_slice %arg6[%dma_wait3A_692, %dma_wait3A_693, %dma_wait3A_694] : memref<2x1664x16xf32, #tpu.memory_space<vmem>> -> memref<1x128x16xf32, #tpu.memory_space<vmem>>
    %dma_wait3A_696 = tpu.memref_squeeze %dma_wait3A_695 : memref<1x128x16xf32, #tpu.memory_space<vmem>> -> memref<128x16xf32, #tpu.memory_space<vmem>>
    %dma_wait3A_697 = arith.constant 0 : i32
    %dma_wait3A_698 = tpu.memref_slice %arg5[%dma_wait3A_691, %dma_wait3A_697] : memref<104x128xi32, #tpu.memory_space<vmem>> -> memref<1x128xi32, #tpu.memory_space<vmem>>
    %dma_wait3A_699 = tpu.memref_squeeze %dma_wait3A_698 : memref<1x128xi32, #tpu.memory_space<vmem>> -> memref<128xi32, #tpu.memory_space<vmem>>
    %dma_wait3A_700 = arith.constant 0 : i32
    %dma_wait3A_701 = arith.constant 0 : i32
    %dma_wait3A_702 = tpu.memref_slice %arg2[%dma_wait3A_700, %dma_wait3A_701] : memref<26000x16xf32, #tpu.memory_space<hbm>> -> memref<26000x16xf32, #tpu.memory_space<hbm>>
    tpu.wait_indirect_dma semaphore(%arg7 : memref<!tpu.dma_semaphore, #tpu.memory_space<semaphore_mem>>) src(%dma_wait3A_702 : memref<26000x16xf32, #tpu.memory_space<hbm>>) dst(%dma_wait3A_696 : memref<128x16xf32, #tpu.memory_space<vmem>>)
    %dma_wait3A_703 = arith.constant 17 : i32
    %dma_wait3A_704 = arith.constant 1 : i32
    %dma_wait3A_705 = arith.constant 512 : i32
    %dma_wait3A_706 = arith.constant 0 : i32
    %dma_wait3A_707 = tpu.memref_slice %arg6[%dma_wait3A_704, %dma_wait3A_705, %dma_wait3A_706] : memref<2x1664x16xf32, #tpu.memory_space<vmem>> -> memref<1x128x16xf32, #tpu.memory_space<vmem>>
    %dma_wait3A_708 = tpu.memref_squeeze %dma_wait3A_707 : memref<1x128x16xf32, #tpu.memory_space<vmem>> -> memref<128x16xf32, #tpu.memory_space<vmem>>
    %dma_wait3A_709 = arith.constant 0 : i32
    %dma_wait3A_710 = tpu.memref_slice %arg5[%dma_wait3A_703, %dma_wait3A_709] : memref<104x128xi32, #tpu.memory_space<vmem>> -> memref<1x128xi32, #tpu.memory_space<vmem>>
    %dma_wait3A_711 = tpu.memref_squeeze %dma_wait3A_710 : memref<1x128xi32, #tpu.memory_space<vmem>> -> memref<128xi32, #tpu.memory_space<vmem>>
    %dma_wait3A_712 = arith.constant 0 : i32
    %dma_wait3A_713 = arith.constant 0 : i32
    %dma_wait3A_714 = tpu.memref_slice %arg2[%dma_wait3A_712, %dma_wait3A_713] : memref<26000x16xf32, #tpu.memory_space<hbm>> -> memref<26000x16xf32, #tpu.memory_space<hbm>>
    tpu.wait_indirect_dma semaphore(%arg7 : memref<!tpu.dma_semaphore, #tpu.memory_space<semaphore_mem>>) src(%dma_wait3A_714 : memref<26000x16xf32, #tpu.memory_space<hbm>>) dst(%dma_wait3A_708 : memref<128x16xf32, #tpu.memory_space<vmem>>)
    %dma_wait3A_715 = arith.constant 18 : i32
    %dma_wait3A_716 = arith.constant 1 : i32
    %dma_wait3A_717 = arith.constant 640 : i32
    %dma_wait3A_718 = arith.constant 0 : i32
    %dma_wait3A_719 = tpu.memref_slice %arg6[%dma_wait3A_716, %dma_wait3A_717, %dma_wait3A_718] : memref<2x1664x16xf32, #tpu.memory_space<vmem>> -> memref<1x128x16xf32, #tpu.memory_space<vmem>>
    %dma_wait3A_720 = tpu.memref_squeeze %dma_wait3A_719 : memref<1x128x16xf32, #tpu.memory_space<vmem>> -> memref<128x16xf32, #tpu.memory_space<vmem>>
    %dma_wait3A_721 = arith.constant 0 : i32
    %dma_wait3A_722 = tpu.memref_slice %arg5[%dma_wait3A_715, %dma_wait3A_721] : memref<104x128xi32, #tpu.memory_space<vmem>> -> memref<1x128xi32, #tpu.memory_space<vmem>>
    %dma_wait3A_723 = tpu.memref_squeeze %dma_wait3A_722 : memref<1x128xi32, #tpu.memory_space<vmem>> -> memref<128xi32, #tpu.memory_space<vmem>>
    %dma_wait3A_724 = arith.constant 0 : i32
    %dma_wait3A_725 = arith.constant 0 : i32
    %dma_wait3A_726 = tpu.memref_slice %arg2[%dma_wait3A_724, %dma_wait3A_725] : memref<26000x16xf32, #tpu.memory_space<hbm>> -> memref<26000x16xf32, #tpu.memory_space<hbm>>
    tpu.wait_indirect_dma semaphore(%arg7 : memref<!tpu.dma_semaphore, #tpu.memory_space<semaphore_mem>>) src(%dma_wait3A_726 : memref<26000x16xf32, #tpu.memory_space<hbm>>) dst(%dma_wait3A_720 : memref<128x16xf32, #tpu.memory_space<vmem>>)
    %dma_wait3A_727 = arith.constant 19 : i32
    %dma_wait3A_728 = arith.constant 1 : i32
    %dma_wait3A_729 = arith.constant 768 : i32
    %dma_wait3A_730 = arith.constant 0 : i32
    %dma_wait3A_731 = tpu.memref_slice %arg6[%dma_wait3A_728, %dma_wait3A_729, %dma_wait3A_730] : memref<2x1664x16xf32, #tpu.memory_space<vmem>> -> memref<1x128x16xf32, #tpu.memory_space<vmem>>
    %dma_wait3A_732 = tpu.memref_squeeze %dma_wait3A_731 : memref<1x128x16xf32, #tpu.memory_space<vmem>> -> memref<128x16xf32, #tpu.memory_space<vmem>>
    %dma_wait3A_733 = arith.constant 0 : i32
    %dma_wait3A_734 = tpu.memref_slice %arg5[%dma_wait3A_727, %dma_wait3A_733] : memref<104x128xi32, #tpu.memory_space<vmem>> -> memref<1x128xi32, #tpu.memory_space<vmem>>
    %dma_wait3A_735 = tpu.memref_squeeze %dma_wait3A_734 : memref<1x128xi32, #tpu.memory_space<vmem>> -> memref<128xi32, #tpu.memory_space<vmem>>
    %dma_wait3A_736 = arith.constant 0 : i32
    %dma_wait3A_737 = arith.constant 0 : i32
    %dma_wait3A_738 = tpu.memref_slice %arg2[%dma_wait3A_736, %dma_wait3A_737] : memref<26000x16xf32, #tpu.memory_space<hbm>> -> memref<26000x16xf32, #tpu.memory_space<hbm>>
    tpu.wait_indirect_dma semaphore(%arg7 : memref<!tpu.dma_semaphore, #tpu.memory_space<semaphore_mem>>) src(%dma_wait3A_738 : memref<26000x16xf32, #tpu.memory_space<hbm>>) dst(%dma_wait3A_732 : memref<128x16xf32, #tpu.memory_space<vmem>>)
    %dma_wait3A_739 = arith.constant 20 : i32
    %dma_wait3A_740 = arith.constant 1 : i32
    %dma_wait3A_741 = arith.constant 896 : i32
    %dma_wait3A_742 = arith.constant 0 : i32
    %dma_wait3A_743 = tpu.memref_slice %arg6[%dma_wait3A_740, %dma_wait3A_741, %dma_wait3A_742] : memref<2x1664x16xf32, #tpu.memory_space<vmem>> -> memref<1x128x16xf32, #tpu.memory_space<vmem>>
    %dma_wait3A_744 = tpu.memref_squeeze %dma_wait3A_743 : memref<1x128x16xf32, #tpu.memory_space<vmem>> -> memref<128x16xf32, #tpu.memory_space<vmem>>
    %dma_wait3A_745 = arith.constant 0 : i32
    %dma_wait3A_746 = tpu.memref_slice %arg5[%dma_wait3A_739, %dma_wait3A_745] : memref<104x128xi32, #tpu.memory_space<vmem>> -> memref<1x128xi32, #tpu.memory_space<vmem>>
    %dma_wait3A_747 = tpu.memref_squeeze %dma_wait3A_746 : memref<1x128xi32, #tpu.memory_space<vmem>> -> memref<128xi32, #tpu.memory_space<vmem>>
    %dma_wait3A_748 = arith.constant 0 : i32
    %dma_wait3A_749 = arith.constant 0 : i32
    %dma_wait3A_750 = tpu.memref_slice %arg2[%dma_wait3A_748, %dma_wait3A_749] : memref<26000x16xf32, #tpu.memory_space<hbm>> -> memref<26000x16xf32, #tpu.memory_space<hbm>>
    tpu.wait_indirect_dma semaphore(%arg7 : memref<!tpu.dma_semaphore, #tpu.memory_space<semaphore_mem>>) src(%dma_wait3A_750 : memref<26000x16xf32, #tpu.memory_space<hbm>>) dst(%dma_wait3A_744 : memref<128x16xf32, #tpu.memory_space<vmem>>)
    %dma_wait3A_751 = arith.constant 21 : i32
    %dma_wait3A_752 = arith.constant 1 : i32
    %dma_wait3A_753 = arith.constant 1024 : i32
    %dma_wait3A_754 = arith.constant 0 : i32
    %dma_wait3A_755 = tpu.memref_slice %arg6[%dma_wait3A_752, %dma_wait3A_753, %dma_wait3A_754] : memref<2x1664x16xf32, #tpu.memory_space<vmem>> -> memref<1x128x16xf32, #tpu.memory_space<vmem>>
    %dma_wait3A_756 = tpu.memref_squeeze %dma_wait3A_755 : memref<1x128x16xf32, #tpu.memory_space<vmem>> -> memref<128x16xf32, #tpu.memory_space<vmem>>
    %dma_wait3A_757 = arith.constant 0 : i32
    %dma_wait3A_758 = tpu.memref_slice %arg5[%dma_wait3A_751, %dma_wait3A_757] : memref<104x128xi32, #tpu.memory_space<vmem>> -> memref<1x128xi32, #tpu.memory_space<vmem>>
    %dma_wait3A_759 = tpu.memref_squeeze %dma_wait3A_758 : memref<1x128xi32, #tpu.memory_space<vmem>> -> memref<128xi32, #tpu.memory_space<vmem>>
    %dma_wait3A_760 = arith.constant 0 : i32
    %dma_wait3A_761 = arith.constant 0 : i32
    %dma_wait3A_762 = tpu.memref_slice %arg2[%dma_wait3A_760, %dma_wait3A_761] : memref<26000x16xf32, #tpu.memory_space<hbm>> -> memref<26000x16xf32, #tpu.memory_space<hbm>>
    tpu.wait_indirect_dma semaphore(%arg7 : memref<!tpu.dma_semaphore, #tpu.memory_space<semaphore_mem>>) src(%dma_wait3A_762 : memref<26000x16xf32, #tpu.memory_space<hbm>>) dst(%dma_wait3A_756 : memref<128x16xf32, #tpu.memory_space<vmem>>)
    %dma_wait3A_763 = arith.constant 22 : i32
    %dma_wait3A_764 = arith.constant 1 : i32
    %dma_wait3A_765 = arith.constant 1152 : i32
    %dma_wait3A_766 = arith.constant 0 : i32
    %dma_wait3A_767 = tpu.memref_slice %arg6[%dma_wait3A_764, %dma_wait3A_765, %dma_wait3A_766] : memref<2x1664x16xf32, #tpu.memory_space<vmem>> -> memref<1x128x16xf32, #tpu.memory_space<vmem>>
    %dma_wait3A_768 = tpu.memref_squeeze %dma_wait3A_767 : memref<1x128x16xf32, #tpu.memory_space<vmem>> -> memref<128x16xf32, #tpu.memory_space<vmem>>
    %dma_wait3A_769 = arith.constant 0 : i32
    %dma_wait3A_770 = tpu.memref_slice %arg5[%dma_wait3A_763, %dma_wait3A_769] : memref<104x128xi32, #tpu.memory_space<vmem>> -> memref<1x128xi32, #tpu.memory_space<vmem>>
    %dma_wait3A_771 = tpu.memref_squeeze %dma_wait3A_770 : memref<1x128xi32, #tpu.memory_space<vmem>> -> memref<128xi32, #tpu.memory_space<vmem>>
    %dma_wait3A_772 = arith.constant 0 : i32
    %dma_wait3A_773 = arith.constant 0 : i32
    %dma_wait3A_774 = tpu.memref_slice %arg2[%dma_wait3A_772, %dma_wait3A_773] : memref<26000x16xf32, #tpu.memory_space<hbm>> -> memref<26000x16xf32, #tpu.memory_space<hbm>>
    tpu.wait_indirect_dma semaphore(%arg7 : memref<!tpu.dma_semaphore, #tpu.memory_space<semaphore_mem>>) src(%dma_wait3A_774 : memref<26000x16xf32, #tpu.memory_space<hbm>>) dst(%dma_wait3A_768 : memref<128x16xf32, #tpu.memory_space<vmem>>)
    %dma_wait3A_775 = arith.constant 23 : i32
    %dma_wait3A_776 = arith.constant 1 : i32
    %dma_wait3A_777 = arith.constant 1280 : i32
    %dma_wait3A_778 = arith.constant 0 : i32
    %dma_wait3A_779 = tpu.memref_slice %arg6[%dma_wait3A_776, %dma_wait3A_777, %dma_wait3A_778] : memref<2x1664x16xf32, #tpu.memory_space<vmem>> -> memref<1x128x16xf32, #tpu.memory_space<vmem>>
    %dma_wait3A_780 = tpu.memref_squeeze %dma_wait3A_779 : memref<1x128x16xf32, #tpu.memory_space<vmem>> -> memref<128x16xf32, #tpu.memory_space<vmem>>
    %dma_wait3A_781 = arith.constant 0 : i32
    %dma_wait3A_782 = tpu.memref_slice %arg5[%dma_wait3A_775, %dma_wait3A_781] : memref<104x128xi32, #tpu.memory_space<vmem>> -> memref<1x128xi32, #tpu.memory_space<vmem>>
    %dma_wait3A_783 = tpu.memref_squeeze %dma_wait3A_782 : memref<1x128xi32, #tpu.memory_space<vmem>> -> memref<128xi32, #tpu.memory_space<vmem>>
    %dma_wait3A_784 = arith.constant 0 : i32
    %dma_wait3A_785 = arith.constant 0 : i32
    %dma_wait3A_786 = tpu.memref_slice %arg2[%dma_wait3A_784, %dma_wait3A_785] : memref<26000x16xf32, #tpu.memory_space<hbm>> -> memref<26000x16xf32, #tpu.memory_space<hbm>>
    tpu.wait_indirect_dma semaphore(%arg7 : memref<!tpu.dma_semaphore, #tpu.memory_space<semaphore_mem>>) src(%dma_wait3A_786 : memref<26000x16xf32, #tpu.memory_space<hbm>>) dst(%dma_wait3A_780 : memref<128x16xf32, #tpu.memory_space<vmem>>)
    %dma_wait3A_787 = arith.constant 24 : i32
    %dma_wait3A_788 = arith.constant 1 : i32
    %dma_wait3A_789 = arith.constant 1408 : i32
    %dma_wait3A_790 = arith.constant 0 : i32
    %dma_wait3A_791 = tpu.memref_slice %arg6[%dma_wait3A_788, %dma_wait3A_789, %dma_wait3A_790] : memref<2x1664x16xf32, #tpu.memory_space<vmem>> -> memref<1x128x16xf32, #tpu.memory_space<vmem>>
    %dma_wait3A_792 = tpu.memref_squeeze %dma_wait3A_791 : memref<1x128x16xf32, #tpu.memory_space<vmem>> -> memref<128x16xf32, #tpu.memory_space<vmem>>
    %dma_wait3A_793 = arith.constant 0 : i32
    %dma_wait3A_794 = tpu.memref_slice %arg5[%dma_wait3A_787, %dma_wait3A_793] : memref<104x128xi32, #tpu.memory_space<vmem>> -> memref<1x128xi32, #tpu.memory_space<vmem>>
    %dma_wait3A_795 = tpu.memref_squeeze %dma_wait3A_794 : memref<1x128xi32, #tpu.memory_space<vmem>> -> memref<128xi32, #tpu.memory_space<vmem>>
    %dma_wait3A_796 = arith.constant 0 : i32
    %dma_wait3A_797 = arith.constant 0 : i32
    %dma_wait3A_798 = tpu.memref_slice %arg2[%dma_wait3A_796, %dma_wait3A_797] : memref<26000x16xf32, #tpu.memory_space<hbm>> -> memref<26000x16xf32, #tpu.memory_space<hbm>>
    tpu.wait_indirect_dma semaphore(%arg7 : memref<!tpu.dma_semaphore, #tpu.memory_space<semaphore_mem>>) src(%dma_wait3A_798 : memref<26000x16xf32, #tpu.memory_space<hbm>>) dst(%dma_wait3A_792 : memref<128x16xf32, #tpu.memory_space<vmem>>)
    %dma_wait3A_799 = arith.constant 25 : i32
    %dma_wait3A_800 = arith.constant 1 : i32
    %dma_wait3A_801 = arith.constant 1536 : i32
    %dma_wait3A_802 = arith.constant 0 : i32
    %dma_wait3A_803 = tpu.memref_slice %arg6[%dma_wait3A_800, %dma_wait3A_801, %dma_wait3A_802] : memref<2x1664x16xf32, #tpu.memory_space<vmem>> -> memref<1x128x16xf32, #tpu.memory_space<vmem>>
    %dma_wait3A_804 = tpu.memref_squeeze %dma_wait3A_803 : memref<1x128x16xf32, #tpu.memory_space<vmem>> -> memref<128x16xf32, #tpu.memory_space<vmem>>
    %dma_wait3A_805 = arith.constant 0 : i32
    %dma_wait3A_806 = tpu.memref_slice %arg5[%dma_wait3A_799, %dma_wait3A_805] : memref<104x128xi32, #tpu.memory_space<vmem>> -> memref<1x128xi32, #tpu.memory_space<vmem>>
    %dma_wait3A_807 = tpu.memref_squeeze %dma_wait3A_806 : memref<1x128xi32, #tpu.memory_space<vmem>> -> memref<128xi32, #tpu.memory_space<vmem>>
    %dma_wait3A_808 = arith.constant 0 : i32
    %dma_wait3A_809 = arith.constant 0 : i32
    %dma_wait3A_810 = tpu.memref_slice %arg2[%dma_wait3A_808, %dma_wait3A_809] : memref<26000x16xf32, #tpu.memory_space<hbm>> -> memref<26000x16xf32, #tpu.memory_space<hbm>>
    tpu.wait_indirect_dma semaphore(%arg7 : memref<!tpu.dma_semaphore, #tpu.memory_space<semaphore_mem>>) src(%dma_wait3A_810 : memref<26000x16xf32, #tpu.memory_space<hbm>>) dst(%dma_wait3A_804 : memref<128x16xf32, #tpu.memory_space<vmem>>)
    %add3A_811 = arith.constant 1664 : i32
    %add3A_812 = arith.addi %mul3A_2, %add3A_811 : i32
    %dma_start3A_813 = arith.constant 1 : i32
    %dma_start3A_814 = arith.constant 0 : i32
    %dma_start3A_815 = arith.constant 0 : i32
    %dma_start3A_816 = tpu.memref_slice %arg6[%dma_start3A_813, %dma_start3A_814, %dma_start3A_815] : memref<2x1664x16xf32, #tpu.memory_space<vmem>> -> memref<1x1664x16xf32, #tpu.memory_space<vmem>>
    %dma_start3A_817 = tpu.memref_squeeze %dma_start3A_816 : memref<1x1664x16xf32, #tpu.memory_space<vmem>> -> memref<1664x16xf32, #tpu.memory_space<vmem>>
    %dma_start3A_818 = arith.constant 0 : i32
    %dma_start3A_819 = tpu.memref_slice %arg4[%add3A_812, %dma_start3A_818] : memref<425984x16xf32, #tpu.memory_space<hbm>> -> memref<1664x16xf32, #tpu.memory_space<hbm>>
    %dma_start3A_820 = arith.constant 0 : i32
    %dma_start3A_821 = tpu.memref_slice %arg4[%add3A_812, %dma_start3A_820] : memref<425984x16xf32, #tpu.memory_space<hbm>> -> memref<1664x16xf32, #tpu.memory_space<hbm>>
    %dma_start3A_822 = arith.constant 0 : i32
    %dma_start3A_823 = arith.constant 0 : i32
    %dma_start3A_824 = tpu.memref_slice %arg6[%dma_start3A_813, %dma_start3A_822, %dma_start3A_823] : memref<2x1664x16xf32, #tpu.memory_space<vmem>> -> memref<1x1664x16xf32, #tpu.memory_space<vmem>>
    %dma_start3A_825 = tpu.memref_squeeze %dma_start3A_824 : memref<1x1664x16xf32, #tpu.memory_space<vmem>> -> memref<1664x16xf32, #tpu.memory_space<vmem>>
    tpu.enqueue_dma source(%dma_start3A_825 : memref<1664x16xf32, #tpu.memory_space<vmem>>) target(%dma_start3A_821 : memref<1664x16xf32, #tpu.memory_space<hbm>>) target_semaphore(%arg8 : memref<!tpu.dma_semaphore, #tpu.memory_space<semaphore_mem>>)
    %dma_wait3A_826 = arith.constant 1 : i32
    %dma_wait3A_827 = arith.constant 0 : i32
    %dma_wait3A_828 = arith.constant 0 : i32
    %dma_wait3A_829 = tpu.memref_slice %arg6[%dma_wait3A_826, %dma_wait3A_827, %dma_wait3A_828] : memref<2x1664x16xf32, #tpu.memory_space<vmem>> -> memref<1x1664x16xf32, #tpu.memory_space<vmem>>
    %dma_wait3A_830 = tpu.memref_squeeze %dma_wait3A_829 : memref<1x1664x16xf32, #tpu.memory_space<vmem>> -> memref<1664x16xf32, #tpu.memory_space<vmem>>
    %dma_wait3A_831 = arith.constant 0 : i32
    %dma_wait3A_832 = tpu.memref_slice %arg4[%add3A_812, %dma_wait3A_831] : memref<425984x16xf32, #tpu.memory_space<hbm>> -> memref<1664x16xf32, #tpu.memory_space<hbm>>
    %dma_wait3A_833 = arith.constant 0 : i32
    %dma_wait3A_834 = tpu.memref_slice %arg4[%add3A_812, %dma_wait3A_833] : memref<425984x16xf32, #tpu.memory_space<hbm>> -> memref<1664x16xf32, #tpu.memory_space<hbm>>
    %dma_wait3A_835 = arith.constant 0 : i32
    %dma_wait3A_836 = arith.constant 0 : i32
    %dma_wait3A_837 = tpu.memref_slice %arg6[%dma_wait3A_826, %dma_wait3A_835, %dma_wait3A_836] : memref<2x1664x16xf32, #tpu.memory_space<vmem>> -> memref<1x1664x16xf32, #tpu.memory_space<vmem>>
    %dma_wait3A_838 = tpu.memref_squeeze %dma_wait3A_837 : memref<1x1664x16xf32, #tpu.memory_space<vmem>> -> memref<1664x16xf32, #tpu.memory_space<vmem>>
    tpu.wait_dma2 semaphore(%arg8 : memref<!tpu.dma_semaphore, #tpu.memory_space<semaphore_mem>>) src(%dma_wait3A_838 : memref<1664x16xf32, #tpu.memory_space<vmem>>) dst(%dma_wait3A_834 : memref<1664x16xf32, #tpu.memory_space<hbm>>)
    %dma_start3A_839 = arith.constant 39 : i32
    %dma_start3A_840 = arith.constant 1 : i32
    %dma_start3A_841 = arith.constant 0 : i32
    %dma_start3A_842 = arith.constant 0 : i32
    %dma_start3A_843 = tpu.memref_slice %arg6[%dma_start3A_840, %dma_start3A_841, %dma_start3A_842] : memref<2x1664x16xf32, #tpu.memory_space<vmem>> -> memref<1x128x16xf32, #tpu.memory_space<vmem>>
    %dma_start3A_844 = tpu.memref_squeeze %dma_start3A_843 : memref<1x128x16xf32, #tpu.memory_space<vmem>> -> memref<128x16xf32, #tpu.memory_space<vmem>>
    %dma_start3A_845 = arith.constant 0 : i32
    %dma_start3A_846 = tpu.memref_slice %arg5[%dma_start3A_839, %dma_start3A_845] : memref<104x128xi32, #tpu.memory_space<vmem>> -> memref<1x128xi32, #tpu.memory_space<vmem>>
    %dma_start3A_847 = tpu.memref_squeeze %dma_start3A_846 : memref<1x128xi32, #tpu.memory_space<vmem>> -> memref<128xi32, #tpu.memory_space<vmem>>
    %dma_start3A_848 = arith.constant 0 : i32
    %dma_start3A_849 = arith.constant 0 : i32
    %dma_start3A_850 = tpu.memref_slice %arg2[%dma_start3A_848, %dma_start3A_849] : memref<26000x16xf32, #tpu.memory_space<hbm>> -> memref<26000x16xf32, #tpu.memory_space<hbm>>
    tpu.enqueue_indirect_dma source(%dma_start3A_850 : memref<26000x16xf32, #tpu.memory_space<hbm>>) target(%dma_start3A_844 : memref<128x16xf32, #tpu.memory_space<vmem>>) offsets(%dma_start3A_847 : memref<128xi32, #tpu.memory_space<vmem>>) semaphore(%arg7 : memref<!tpu.dma_semaphore, #tpu.memory_space<semaphore_mem>>)
    %dma_start3A_851 = arith.constant 40 : i32
    %dma_start3A_852 = arith.constant 1 : i32
    %dma_start3A_853 = arith.constant 128 : i32
    %dma_start3A_854 = arith.constant 0 : i32
    %dma_start3A_855 = tpu.memref_slice %arg6[%dma_start3A_852, %dma_start3A_853, %dma_start3A_854] : memref<2x1664x16xf32, #tpu.memory_space<vmem>> -> memref<1x128x16xf32, #tpu.memory_space<vmem>>
    %dma_start3A_856 = tpu.memref_squeeze %dma_start3A_855 : memref<1x128x16xf32, #tpu.memory_space<vmem>> -> memref<128x16xf32, #tpu.memory_space<vmem>>
    %dma_start3A_857 = arith.constant 0 : i32
    %dma_start3A_858 = tpu.memref_slice %arg5[%dma_start3A_851, %dma_start3A_857] : memref<104x128xi32, #tpu.memory_space<vmem>> -> memref<1x128xi32, #tpu.memory_space<vmem>>
    %dma_start3A_859 = tpu.memref_squeeze %dma_start3A_858 : memref<1x128xi32, #tpu.memory_space<vmem>> -> memref<128xi32, #tpu.memory_space<vmem>>
    %dma_start3A_860 = arith.constant 0 : i32
    %dma_start3A_861 = arith.constant 0 : i32
    %dma_start3A_862 = tpu.memref_slice %arg2[%dma_start3A_860, %dma_start3A_861] : memref<26000x16xf32, #tpu.memory_space<hbm>> -> memref<26000x16xf32, #tpu.memory_space<hbm>>
    tpu.enqueue_indirect_dma source(%dma_start3A_862 : memref<26000x16xf32, #tpu.memory_space<hbm>>) target(%dma_start3A_856 : memref<128x16xf32, #tpu.memory_space<vmem>>) offsets(%dma_start3A_859 : memref<128xi32, #tpu.memory_space<vmem>>) semaphore(%arg7 : memref<!tpu.dma_semaphore, #tpu.memory_space<semaphore_mem>>)
    %dma_start3A_863 = arith.constant 41 : i32
    %dma_start3A_864 = arith.constant 1 : i32
    %dma_start3A_865 = arith.constant 256 : i32
    %dma_start3A_866 = arith.constant 0 : i32
    %dma_start3A_867 = tpu.memref_slice %arg6[%dma_start3A_864, %dma_start3A_865, %dma_start3A_866] : memref<2x1664x16xf32, #tpu.memory_space<vmem>> -> memref<1x128x16xf32, #tpu.memory_space<vmem>>
    %dma_start3A_868 = tpu.memref_squeeze %dma_start3A_867 : memref<1x128x16xf32, #tpu.memory_space<vmem>> -> memref<128x16xf32, #tpu.memory_space<vmem>>
    %dma_start3A_869 = arith.constant 0 : i32
    %dma_start3A_870 = tpu.memref_slice %arg5[%dma_start3A_863, %dma_start3A_869] : memref<104x128xi32, #tpu.memory_space<vmem>> -> memref<1x128xi32, #tpu.memory_space<vmem>>
    %dma_start3A_871 = tpu.memref_squeeze %dma_start3A_870 : memref<1x128xi32, #tpu.memory_space<vmem>> -> memref<128xi32, #tpu.memory_space<vmem>>
    %dma_start3A_872 = arith.constant 0 : i32
    %dma_start3A_873 = arith.constant 0 : i32
    %dma_start3A_874 = tpu.memref_slice %arg2[%dma_start3A_872, %dma_start3A_873] : memref<26000x16xf32, #tpu.memory_space<hbm>> -> memref<26000x16xf32, #tpu.memory_space<hbm>>
    tpu.enqueue_indirect_dma source(%dma_start3A_874 : memref<26000x16xf32, #tpu.memory_space<hbm>>) target(%dma_start3A_868 : memref<128x16xf32, #tpu.memory_space<vmem>>) offsets(%dma_start3A_871 : memref<128xi32, #tpu.memory_space<vmem>>) semaphore(%arg7 : memref<!tpu.dma_semaphore, #tpu.memory_space<semaphore_mem>>)
    %dma_start3A_875 = arith.constant 42 : i32
    %dma_start3A_876 = arith.constant 1 : i32
    %dma_start3A_877 = arith.constant 384 : i32
    %dma_start3A_878 = arith.constant 0 : i32
    %dma_start3A_879 = tpu.memref_slice %arg6[%dma_start3A_876, %dma_start3A_877, %dma_start3A_878] : memref<2x1664x16xf32, #tpu.memory_space<vmem>> -> memref<1x128x16xf32, #tpu.memory_space<vmem>>
    %dma_start3A_880 = tpu.memref_squeeze %dma_start3A_879 : memref<1x128x16xf32, #tpu.memory_space<vmem>> -> memref<128x16xf32, #tpu.memory_space<vmem>>
    %dma_start3A_881 = arith.constant 0 : i32
    %dma_start3A_882 = tpu.memref_slice %arg5[%dma_start3A_875, %dma_start3A_881] : memref<104x128xi32, #tpu.memory_space<vmem>> -> memref<1x128xi32, #tpu.memory_space<vmem>>
    %dma_start3A_883 = tpu.memref_squeeze %dma_start3A_882 : memref<1x128xi32, #tpu.memory_space<vmem>> -> memref<128xi32, #tpu.memory_space<vmem>>
    %dma_start3A_884 = arith.constant 0 : i32
    %dma_start3A_885 = arith.constant 0 : i32
    %dma_start3A_886 = tpu.memref_slice %arg2[%dma_start3A_884, %dma_start3A_885] : memref<26000x16xf32, #tpu.memory_space<hbm>> -> memref<26000x16xf32, #tpu.memory_space<hbm>>
    tpu.enqueue_indirect_dma source(%dma_start3A_886 : memref<26000x16xf32, #tpu.memory_space<hbm>>) target(%dma_start3A_880 : memref<128x16xf32, #tpu.memory_space<vmem>>) offsets(%dma_start3A_883 : memref<128xi32, #tpu.memory_space<vmem>>) semaphore(%arg7 : memref<!tpu.dma_semaphore, #tpu.memory_space<semaphore_mem>>)
    %dma_start3A_887 = arith.constant 43 : i32
    %dma_start3A_888 = arith.constant 1 : i32
    %dma_start3A_889 = arith.constant 512 : i32
    %dma_start3A_890 = arith.constant 0 : i32
    %dma_start3A_891 = tpu.memref_slice %arg6[%dma_start3A_888, %dma_start3A_889, %dma_start3A_890] : memref<2x1664x16xf32, #tpu.memory_space<vmem>> -> memref<1x128x16xf32, #tpu.memory_space<vmem>>
    %dma_start3A_892 = tpu.memref_squeeze %dma_start3A_891 : memref<1x128x16xf32, #tpu.memory_space<vmem>> -> memref<128x16xf32, #tpu.memory_space<vmem>>
    %dma_start3A_893 = arith.constant 0 : i32
    %dma_start3A_894 = tpu.memref_slice %arg5[%dma_start3A_887, %dma_start3A_893] : memref<104x128xi32, #tpu.memory_space<vmem>> -> memref<1x128xi32, #tpu.memory_space<vmem>>
    %dma_start3A_895 = tpu.memref_squeeze %dma_start3A_894 : memref<1x128xi32, #tpu.memory_space<vmem>> -> memref<128xi32, #tpu.memory_space<vmem>>
    %dma_start3A_896 = arith.constant 0 : i32
    %dma_start3A_897 = arith.constant 0 : i32
    %dma_start3A_898 = tpu.memref_slice %arg2[%dma_start3A_896, %dma_start3A_897] : memref<26000x16xf32, #tpu.memory_space<hbm>> -> memref<26000x16xf32, #tpu.memory_space<hbm>>
    tpu.enqueue_indirect_dma source(%dma_start3A_898 : memref<26000x16xf32, #tpu.memory_space<hbm>>) target(%dma_start3A_892 : memref<128x16xf32, #tpu.memory_space<vmem>>) offsets(%dma_start3A_895 : memref<128xi32, #tpu.memory_space<vmem>>) semaphore(%arg7 : memref<!tpu.dma_semaphore, #tpu.memory_space<semaphore_mem>>)
    %dma_start3A_899 = arith.constant 44 : i32
    %dma_start3A_900 = arith.constant 1 : i32
    %dma_start3A_901 = arith.constant 640 : i32
    %dma_start3A_902 = arith.constant 0 : i32
    %dma_start3A_903 = tpu.memref_slice %arg6[%dma_start3A_900, %dma_start3A_901, %dma_start3A_902] : memref<2x1664x16xf32, #tpu.memory_space<vmem>> -> memref<1x128x16xf32, #tpu.memory_space<vmem>>
    %dma_start3A_904 = tpu.memref_squeeze %dma_start3A_903 : memref<1x128x16xf32, #tpu.memory_space<vmem>> -> memref<128x16xf32, #tpu.memory_space<vmem>>
    %dma_start3A_905 = arith.constant 0 : i32
    %dma_start3A_906 = tpu.memref_slice %arg5[%dma_start3A_899, %dma_start3A_905] : memref<104x128xi32, #tpu.memory_space<vmem>> -> memref<1x128xi32, #tpu.memory_space<vmem>>
    %dma_start3A_907 = tpu.memref_squeeze %dma_start3A_906 : memref<1x128xi32, #tpu.memory_space<vmem>> -> memref<128xi32, #tpu.memory_space<vmem>>
    %dma_start3A_908 = arith.constant 0 : i32
    %dma_start3A_909 = arith.constant 0 : i32
    %dma_start3A_910 = tpu.memref_slice %arg2[%dma_start3A_908, %dma_start3A_909] : memref<26000x16xf32, #tpu.memory_space<hbm>> -> memref<26000x16xf32, #tpu.memory_space<hbm>>
    tpu.enqueue_indirect_dma source(%dma_start3A_910 : memref<26000x16xf32, #tpu.memory_space<hbm>>) target(%dma_start3A_904 : memref<128x16xf32, #tpu.memory_space<vmem>>) offsets(%dma_start3A_907 : memref<128xi32, #tpu.memory_space<vmem>>) semaphore(%arg7 : memref<!tpu.dma_semaphore, #tpu.memory_space<semaphore_mem>>)
    %dma_start3A_911 = arith.constant 45 : i32
    %dma_start3A_912 = arith.constant 1 : i32
    %dma_start3A_913 = arith.constant 768 : i32
    %dma_start3A_914 = arith.constant 0 : i32
    %dma_start3A_915 = tpu.memref_slice %arg6[%dma_start3A_912, %dma_start3A_913, %dma_start3A_914] : memref<2x1664x16xf32, #tpu.memory_space<vmem>> -> memref<1x128x16xf32, #tpu.memory_space<vmem>>
    %dma_start3A_916 = tpu.memref_squeeze %dma_start3A_915 : memref<1x128x16xf32, #tpu.memory_space<vmem>> -> memref<128x16xf32, #tpu.memory_space<vmem>>
    %dma_start3A_917 = arith.constant 0 : i32
    %dma_start3A_918 = tpu.memref_slice %arg5[%dma_start3A_911, %dma_start3A_917] : memref<104x128xi32, #tpu.memory_space<vmem>> -> memref<1x128xi32, #tpu.memory_space<vmem>>
    %dma_start3A_919 = tpu.memref_squeeze %dma_start3A_918 : memref<1x128xi32, #tpu.memory_space<vmem>> -> memref<128xi32, #tpu.memory_space<vmem>>
    %dma_start3A_920 = arith.constant 0 : i32
    %dma_start3A_921 = arith.constant 0 : i32
    %dma_start3A_922 = tpu.memref_slice %arg2[%dma_start3A_920, %dma_start3A_921] : memref<26000x16xf32, #tpu.memory_space<hbm>> -> memref<26000x16xf32, #tpu.memory_space<hbm>>
    tpu.enqueue_indirect_dma source(%dma_start3A_922 : memref<26000x16xf32, #tpu.memory_space<hbm>>) target(%dma_start3A_916 : memref<128x16xf32, #tpu.memory_space<vmem>>) offsets(%dma_start3A_919 : memref<128xi32, #tpu.memory_space<vmem>>) semaphore(%arg7 : memref<!tpu.dma_semaphore, #tpu.memory_space<semaphore_mem>>)
    %dma_start3A_923 = arith.constant 46 : i32
    %dma_start3A_924 = arith.constant 1 : i32
    %dma_start3A_925 = arith.constant 896 : i32
    %dma_start3A_926 = arith.constant 0 : i32
    %dma_start3A_927 = tpu.memref_slice %arg6[%dma_start3A_924, %dma_start3A_925, %dma_start3A_926] : memref<2x1664x16xf32, #tpu.memory_space<vmem>> -> memref<1x128x16xf32, #tpu.memory_space<vmem>>
    %dma_start3A_928 = tpu.memref_squeeze %dma_start3A_927 : memref<1x128x16xf32, #tpu.memory_space<vmem>> -> memref<128x16xf32, #tpu.memory_space<vmem>>
    %dma_start3A_929 = arith.constant 0 : i32
    %dma_start3A_930 = tpu.memref_slice %arg5[%dma_start3A_923, %dma_start3A_929] : memref<104x128xi32, #tpu.memory_space<vmem>> -> memref<1x128xi32, #tpu.memory_space<vmem>>
    %dma_start3A_931 = tpu.memref_squeeze %dma_start3A_930 : memref<1x128xi32, #tpu.memory_space<vmem>> -> memref<128xi32, #tpu.memory_space<vmem>>
    %dma_start3A_932 = arith.constant 0 : i32
    %dma_start3A_933 = arith.constant 0 : i32
    %dma_start3A_934 = tpu.memref_slice %arg2[%dma_start3A_932, %dma_start3A_933] : memref<26000x16xf32, #tpu.memory_space<hbm>> -> memref<26000x16xf32, #tpu.memory_space<hbm>>
    tpu.enqueue_indirect_dma source(%dma_start3A_934 : memref<26000x16xf32, #tpu.memory_space<hbm>>) target(%dma_start3A_928 : memref<128x16xf32, #tpu.memory_space<vmem>>) offsets(%dma_start3A_931 : memref<128xi32, #tpu.memory_space<vmem>>) semaphore(%arg7 : memref<!tpu.dma_semaphore, #tpu.memory_space<semaphore_mem>>)
    %dma_start3A_935 = arith.constant 47 : i32
    %dma_start3A_936 = arith.constant 1 : i32
    %dma_start3A_937 = arith.constant 1024 : i32
    %dma_start3A_938 = arith.constant 0 : i32
    %dma_start3A_939 = tpu.memref_slice %arg6[%dma_start3A_936, %dma_start3A_937, %dma_start3A_938] : memref<2x1664x16xf32, #tpu.memory_space<vmem>> -> memref<1x128x16xf32, #tpu.memory_space<vmem>>
    %dma_start3A_940 = tpu.memref_squeeze %dma_start3A_939 : memref<1x128x16xf32, #tpu.memory_space<vmem>> -> memref<128x16xf32, #tpu.memory_space<vmem>>
    %dma_start3A_941 = arith.constant 0 : i32
    %dma_start3A_942 = tpu.memref_slice %arg5[%dma_start3A_935, %dma_start3A_941] : memref<104x128xi32, #tpu.memory_space<vmem>> -> memref<1x128xi32, #tpu.memory_space<vmem>>
    %dma_start3A_943 = tpu.memref_squeeze %dma_start3A_942 : memref<1x128xi32, #tpu.memory_space<vmem>> -> memref<128xi32, #tpu.memory_space<vmem>>
    %dma_start3A_944 = arith.constant 0 : i32
    %dma_start3A_945 = arith.constant 0 : i32
    %dma_start3A_946 = tpu.memref_slice %arg2[%dma_start3A_944, %dma_start3A_945] : memref<26000x16xf32, #tpu.memory_space<hbm>> -> memref<26000x16xf32, #tpu.memory_space<hbm>>
    tpu.enqueue_indirect_dma source(%dma_start3A_946 : memref<26000x16xf32, #tpu.memory_space<hbm>>) target(%dma_start3A_940 : memref<128x16xf32, #tpu.memory_space<vmem>>) offsets(%dma_start3A_943 : memref<128xi32, #tpu.memory_space<vmem>>) semaphore(%arg7 : memref<!tpu.dma_semaphore, #tpu.memory_space<semaphore_mem>>)
    %dma_start3A_947 = arith.constant 48 : i32
    %dma_start3A_948 = arith.constant 1 : i32
    %dma_start3A_949 = arith.constant 1152 : i32
    %dma_start3A_950 = arith.constant 0 : i32
    %dma_start3A_951 = tpu.memref_slice %arg6[%dma_start3A_948, %dma_start3A_949, %dma_start3A_950] : memref<2x1664x16xf32, #tpu.memory_space<vmem>> -> memref<1x128x16xf32, #tpu.memory_space<vmem>>
    %dma_start3A_952 = tpu.memref_squeeze %dma_start3A_951 : memref<1x128x16xf32, #tpu.memory_space<vmem>> -> memref<128x16xf32, #tpu.memory_space<vmem>>
    %dma_start3A_953 = arith.constant 0 : i32
    %dma_start3A_954 = tpu.memref_slice %arg5[%dma_start3A_947, %dma_start3A_953] : memref<104x128xi32, #tpu.memory_space<vmem>> -> memref<1x128xi32, #tpu.memory_space<vmem>>
    %dma_start3A_955 = tpu.memref_squeeze %dma_start3A_954 : memref<1x128xi32, #tpu.memory_space<vmem>> -> memref<128xi32, #tpu.memory_space<vmem>>
    %dma_start3A_956 = arith.constant 0 : i32
    %dma_start3A_957 = arith.constant 0 : i32
    %dma_start3A_958 = tpu.memref_slice %arg2[%dma_start3A_956, %dma_start3A_957] : memref<26000x16xf32, #tpu.memory_space<hbm>> -> memref<26000x16xf32, #tpu.memory_space<hbm>>
    tpu.enqueue_indirect_dma source(%dma_start3A_958 : memref<26000x16xf32, #tpu.memory_space<hbm>>) target(%dma_start3A_952 : memref<128x16xf32, #tpu.memory_space<vmem>>) offsets(%dma_start3A_955 : memref<128xi32, #tpu.memory_space<vmem>>) semaphore(%arg7 : memref<!tpu.dma_semaphore, #tpu.memory_space<semaphore_mem>>)
    %dma_start3A_959 = arith.constant 49 : i32
    %dma_start3A_960 = arith.constant 1 : i32
    %dma_start3A_961 = arith.constant 1280 : i32
    %dma_start3A_962 = arith.constant 0 : i32
    %dma_start3A_963 = tpu.memref_slice %arg6[%dma_start3A_960, %dma_start3A_961, %dma_start3A_962] : memref<2x1664x16xf32, #tpu.memory_space<vmem>> -> memref<1x128x16xf32, #tpu.memory_space<vmem>>
    %dma_start3A_964 = tpu.memref_squeeze %dma_start3A_963 : memref<1x128x16xf32, #tpu.memory_space<vmem>> -> memref<128x16xf32, #tpu.memory_space<vmem>>
    %dma_start3A_965 = arith.constant 0 : i32
    %dma_start3A_966 = tpu.memref_slice %arg5[%dma_start3A_959, %dma_start3A_965] : memref<104x128xi32, #tpu.memory_space<vmem>> -> memref<1x128xi32, #tpu.memory_space<vmem>>
    %dma_start3A_967 = tpu.memref_squeeze %dma_start3A_966 : memref<1x128xi32, #tpu.memory_space<vmem>> -> memref<128xi32, #tpu.memory_space<vmem>>
    %dma_start3A_968 = arith.constant 0 : i32
    %dma_start3A_969 = arith.constant 0 : i32
    %dma_start3A_970 = tpu.memref_slice %arg2[%dma_start3A_968, %dma_start3A_969] : memref<26000x16xf32, #tpu.memory_space<hbm>> -> memref<26000x16xf32, #tpu.memory_space<hbm>>
    tpu.enqueue_indirect_dma source(%dma_start3A_970 : memref<26000x16xf32, #tpu.memory_space<hbm>>) target(%dma_start3A_964 : memref<128x16xf32, #tpu.memory_space<vmem>>) offsets(%dma_start3A_967 : memref<128xi32, #tpu.memory_space<vmem>>) semaphore(%arg7 : memref<!tpu.dma_semaphore, #tpu.memory_space<semaphore_mem>>)
    %dma_start3A_971 = arith.constant 50 : i32
    %dma_start3A_972 = arith.constant 1 : i32
    %dma_start3A_973 = arith.constant 1408 : i32
    %dma_start3A_974 = arith.constant 0 : i32
    %dma_start3A_975 = tpu.memref_slice %arg6[%dma_start3A_972, %dma_start3A_973, %dma_start3A_974] : memref<2x1664x16xf32, #tpu.memory_space<vmem>> -> memref<1x128x16xf32, #tpu.memory_space<vmem>>
    %dma_start3A_976 = tpu.memref_squeeze %dma_start3A_975 : memref<1x128x16xf32, #tpu.memory_space<vmem>> -> memref<128x16xf32, #tpu.memory_space<vmem>>
    %dma_start3A_977 = arith.constant 0 : i32
    %dma_start3A_978 = tpu.memref_slice %arg5[%dma_start3A_971, %dma_start3A_977] : memref<104x128xi32, #tpu.memory_space<vmem>> -> memref<1x128xi32, #tpu.memory_space<vmem>>
    %dma_start3A_979 = tpu.memref_squeeze %dma_start3A_978 : memref<1x128xi32, #tpu.memory_space<vmem>> -> memref<128xi32, #tpu.memory_space<vmem>>
    %dma_start3A_980 = arith.constant 0 : i32
    %dma_start3A_981 = arith.constant 0 : i32
    %dma_start3A_982 = tpu.memref_slice %arg2[%dma_start3A_980, %dma_start3A_981] : memref<26000x16xf32, #tpu.memory_space<hbm>> -> memref<26000x16xf32, #tpu.memory_space<hbm>>
    tpu.enqueue_indirect_dma source(%dma_start3A_982 : memref<26000x16xf32, #tpu.memory_space<hbm>>) target(%dma_start3A_976 : memref<128x16xf32, #tpu.memory_space<vmem>>) offsets(%dma_start3A_979 : memref<128xi32, #tpu.memory_space<vmem>>) semaphore(%arg7 : memref<!tpu.dma_semaphore, #tpu.memory_space<semaphore_mem>>)
    %dma_start3A_983 = arith.constant 51 : i32
    %dma_start3A_984 = arith.constant 1 : i32
    %dma_start3A_985 = arith.constant 1536 : i32
    %dma_start3A_986 = arith.constant 0 : i32
    %dma_start3A_987 = tpu.memref_slice %arg6[%dma_start3A_984, %dma_start3A_985, %dma_start3A_986] : memref<2x1664x16xf32, #tpu.memory_space<vmem>> -> memref<1x128x16xf32, #tpu.memory_space<vmem>>
    %dma_start3A_988 = tpu.memref_squeeze %dma_start3A_987 : memref<1x128x16xf32, #tpu.memory_space<vmem>> -> memref<128x16xf32, #tpu.memory_space<vmem>>
    %dma_start3A_989 = arith.constant 0 : i32
    %dma_start3A_990 = tpu.memref_slice %arg5[%dma_start3A_983, %dma_start3A_989] : memref<104x128xi32, #tpu.memory_space<vmem>> -> memref<1x128xi32, #tpu.memory_space<vmem>>
    %dma_start3A_991 = tpu.memref_squeeze %dma_start3A_990 : memref<1x128xi32, #tpu.memory_space<vmem>> -> memref<128xi32, #tpu.memory_space<vmem>>
    %dma_start3A_992 = arith.constant 0 : i32
    %dma_start3A_993 = arith.constant 0 : i32
    %dma_start3A_994 = tpu.memref_slice %arg2[%dma_start3A_992, %dma_start3A_993] : memref<26000x16xf32, #tpu.memory_space<hbm>> -> memref<26000x16xf32, #tpu.memory_space<hbm>>
    tpu.enqueue_indirect_dma source(%dma_start3A_994 : memref<26000x16xf32, #tpu.memory_space<hbm>>) target(%dma_start3A_988 : memref<128x16xf32, #tpu.memory_space<vmem>>) offsets(%dma_start3A_991 : memref<128xi32, #tpu.memory_space<vmem>>) semaphore(%arg7 : memref<!tpu.dma_semaphore, #tpu.memory_space<semaphore_mem>>)
    %dma_wait3A_995 = arith.constant 26 : i32
    %dma_wait3A_996 = arith.constant 0 : i32
    %dma_wait3A_997 = arith.constant 0 : i32
    %dma_wait3A_998 = arith.constant 0 : i32
    %dma_wait3A_999 = tpu.memref_slice %arg6[%dma_wait3A_996, %dma_wait3A_997, %dma_wait3A_998] : memref<2x1664x16xf32, #tpu.memory_space<vmem>> -> memref<1x128x16xf32, #tpu.memory_space<vmem>>
    %dma_wait3A_1000 = tpu.memref_squeeze %dma_wait3A_999 : memref<1x128x16xf32, #tpu.memory_space<vmem>> -> memref<128x16xf32, #tpu.memory_space<vmem>>
    %dma_wait3A_1001 = arith.constant 0 : i32
    %dma_wait3A_1002 = tpu.memref_slice %arg5[%dma_wait3A_995, %dma_wait3A_1001] : memref<104x128xi32, #tpu.memory_space<vmem>> -> memref<1x128xi32, #tpu.memory_space<vmem>>
    %dma_wait3A_1003 = tpu.memref_squeeze %dma_wait3A_1002 : memref<1x128xi32, #tpu.memory_space<vmem>> -> memref<128xi32, #tpu.memory_space<vmem>>
    %dma_wait3A_1004 = arith.constant 0 : i32
    %dma_wait3A_1005 = arith.constant 0 : i32
    %dma_wait3A_1006 = tpu.memref_slice %arg2[%dma_wait3A_1004, %dma_wait3A_1005] : memref<26000x16xf32, #tpu.memory_space<hbm>> -> memref<26000x16xf32, #tpu.memory_space<hbm>>
    tpu.wait_indirect_dma semaphore(%arg7 : memref<!tpu.dma_semaphore, #tpu.memory_space<semaphore_mem>>) src(%dma_wait3A_1006 : memref<26000x16xf32, #tpu.memory_space<hbm>>) dst(%dma_wait3A_1000 : memref<128x16xf32, #tpu.memory_space<vmem>>)
    %dma_wait3A_1007 = arith.constant 27 : i32
    %dma_wait3A_1008 = arith.constant 0 : i32
    %dma_wait3A_1009 = arith.constant 128 : i32
    %dma_wait3A_1010 = arith.constant 0 : i32
    %dma_wait3A_1011 = tpu.memref_slice %arg6[%dma_wait3A_1008, %dma_wait3A_1009, %dma_wait3A_1010] : memref<2x1664x16xf32, #tpu.memory_space<vmem>> -> memref<1x128x16xf32, #tpu.memory_space<vmem>>
    %dma_wait3A_1012 = tpu.memref_squeeze %dma_wait3A_1011 : memref<1x128x16xf32, #tpu.memory_space<vmem>> -> memref<128x16xf32, #tpu.memory_space<vmem>>
    %dma_wait3A_1013 = arith.constant 0 : i32
    %dma_wait3A_1014 = tpu.memref_slice %arg5[%dma_wait3A_1007, %dma_wait3A_1013] : memref<104x128xi32, #tpu.memory_space<vmem>> -> memref<1x128xi32, #tpu.memory_space<vmem>>
    %dma_wait3A_1015 = tpu.memref_squeeze %dma_wait3A_1014 : memref<1x128xi32, #tpu.memory_space<vmem>> -> memref<128xi32, #tpu.memory_space<vmem>>
    %dma_wait3A_1016 = arith.constant 0 : i32
    %dma_wait3A_1017 = arith.constant 0 : i32
    %dma_wait3A_1018 = tpu.memref_slice %arg2[%dma_wait3A_1016, %dma_wait3A_1017] : memref<26000x16xf32, #tpu.memory_space<hbm>> -> memref<26000x16xf32, #tpu.memory_space<hbm>>
    tpu.wait_indirect_dma semaphore(%arg7 : memref<!tpu.dma_semaphore, #tpu.memory_space<semaphore_mem>>) src(%dma_wait3A_1018 : memref<26000x16xf32, #tpu.memory_space<hbm>>) dst(%dma_wait3A_1012 : memref<128x16xf32, #tpu.memory_space<vmem>>)
    %dma_wait3A_1019 = arith.constant 28 : i32
    %dma_wait3A_1020 = arith.constant 0 : i32
    %dma_wait3A_1021 = arith.constant 256 : i32
    %dma_wait3A_1022 = arith.constant 0 : i32
    %dma_wait3A_1023 = tpu.memref_slice %arg6[%dma_wait3A_1020, %dma_wait3A_1021, %dma_wait3A_1022] : memref<2x1664x16xf32, #tpu.memory_space<vmem>> -> memref<1x128x16xf32, #tpu.memory_space<vmem>>
    %dma_wait3A_1024 = tpu.memref_squeeze %dma_wait3A_1023 : memref<1x128x16xf32, #tpu.memory_space<vmem>> -> memref<128x16xf32, #tpu.memory_space<vmem>>
    %dma_wait3A_1025 = arith.constant 0 : i32
    %dma_wait3A_1026 = tpu.memref_slice %arg5[%dma_wait3A_1019, %dma_wait3A_1025] : memref<104x128xi32, #tpu.memory_space<vmem>> -> memref<1x128xi32, #tpu.memory_space<vmem>>
    %dma_wait3A_1027 = tpu.memref_squeeze %dma_wait3A_1026 : memref<1x128xi32, #tpu.memory_space<vmem>> -> memref<128xi32, #tpu.memory_space<vmem>>
    %dma_wait3A_1028 = arith.constant 0 : i32
    %dma_wait3A_1029 = arith.constant 0 : i32
    %dma_wait3A_1030 = tpu.memref_slice %arg2[%dma_wait3A_1028, %dma_wait3A_1029] : memref<26000x16xf32, #tpu.memory_space<hbm>> -> memref<26000x16xf32, #tpu.memory_space<hbm>>
    tpu.wait_indirect_dma semaphore(%arg7 : memref<!tpu.dma_semaphore, #tpu.memory_space<semaphore_mem>>) src(%dma_wait3A_1030 : memref<26000x16xf32, #tpu.memory_space<hbm>>) dst(%dma_wait3A_1024 : memref<128x16xf32, #tpu.memory_space<vmem>>)
    %dma_wait3A_1031 = arith.constant 29 : i32
    %dma_wait3A_1032 = arith.constant 0 : i32
    %dma_wait3A_1033 = arith.constant 384 : i32
    %dma_wait3A_1034 = arith.constant 0 : i32
    %dma_wait3A_1035 = tpu.memref_slice %arg6[%dma_wait3A_1032, %dma_wait3A_1033, %dma_wait3A_1034] : memref<2x1664x16xf32, #tpu.memory_space<vmem>> -> memref<1x128x16xf32, #tpu.memory_space<vmem>>
    %dma_wait3A_1036 = tpu.memref_squeeze %dma_wait3A_1035 : memref<1x128x16xf32, #tpu.memory_space<vmem>> -> memref<128x16xf32, #tpu.memory_space<vmem>>
    %dma_wait3A_1037 = arith.constant 0 : i32
    %dma_wait3A_1038 = tpu.memref_slice %arg5[%dma_wait3A_1031, %dma_wait3A_1037] : memref<104x128xi32, #tpu.memory_space<vmem>> -> memref<1x128xi32, #tpu.memory_space<vmem>>
    %dma_wait3A_1039 = tpu.memref_squeeze %dma_wait3A_1038 : memref<1x128xi32, #tpu.memory_space<vmem>> -> memref<128xi32, #tpu.memory_space<vmem>>
    %dma_wait3A_1040 = arith.constant 0 : i32
    %dma_wait3A_1041 = arith.constant 0 : i32
    %dma_wait3A_1042 = tpu.memref_slice %arg2[%dma_wait3A_1040, %dma_wait3A_1041] : memref<26000x16xf32, #tpu.memory_space<hbm>> -> memref<26000x16xf32, #tpu.memory_space<hbm>>
    tpu.wait_indirect_dma semaphore(%arg7 : memref<!tpu.dma_semaphore, #tpu.memory_space<semaphore_mem>>) src(%dma_wait3A_1042 : memref<26000x16xf32, #tpu.memory_space<hbm>>) dst(%dma_wait3A_1036 : memref<128x16xf32, #tpu.memory_space<vmem>>)
    %dma_wait3A_1043 = arith.constant 30 : i32
    %dma_wait3A_1044 = arith.constant 0 : i32
    %dma_wait3A_1045 = arith.constant 512 : i32
    %dma_wait3A_1046 = arith.constant 0 : i32
    %dma_wait3A_1047 = tpu.memref_slice %arg6[%dma_wait3A_1044, %dma_wait3A_1045, %dma_wait3A_1046] : memref<2x1664x16xf32, #tpu.memory_space<vmem>> -> memref<1x128x16xf32, #tpu.memory_space<vmem>>
    %dma_wait3A_1048 = tpu.memref_squeeze %dma_wait3A_1047 : memref<1x128x16xf32, #tpu.memory_space<vmem>> -> memref<128x16xf32, #tpu.memory_space<vmem>>
    %dma_wait3A_1049 = arith.constant 0 : i32
    %dma_wait3A_1050 = tpu.memref_slice %arg5[%dma_wait3A_1043, %dma_wait3A_1049] : memref<104x128xi32, #tpu.memory_space<vmem>> -> memref<1x128xi32, #tpu.memory_space<vmem>>
    %dma_wait3A_1051 = tpu.memref_squeeze %dma_wait3A_1050 : memref<1x128xi32, #tpu.memory_space<vmem>> -> memref<128xi32, #tpu.memory_space<vmem>>
    %dma_wait3A_1052 = arith.constant 0 : i32
    %dma_wait3A_1053 = arith.constant 0 : i32
    %dma_wait3A_1054 = tpu.memref_slice %arg2[%dma_wait3A_1052, %dma_wait3A_1053] : memref<26000x16xf32, #tpu.memory_space<hbm>> -> memref<26000x16xf32, #tpu.memory_space<hbm>>
    tpu.wait_indirect_dma semaphore(%arg7 : memref<!tpu.dma_semaphore, #tpu.memory_space<semaphore_mem>>) src(%dma_wait3A_1054 : memref<26000x16xf32, #tpu.memory_space<hbm>>) dst(%dma_wait3A_1048 : memref<128x16xf32, #tpu.memory_space<vmem>>)
    %dma_wait3A_1055 = arith.constant 31 : i32
    %dma_wait3A_1056 = arith.constant 0 : i32
    %dma_wait3A_1057 = arith.constant 640 : i32
    %dma_wait3A_1058 = arith.constant 0 : i32
    %dma_wait3A_1059 = tpu.memref_slice %arg6[%dma_wait3A_1056, %dma_wait3A_1057, %dma_wait3A_1058] : memref<2x1664x16xf32, #tpu.memory_space<vmem>> -> memref<1x128x16xf32, #tpu.memory_space<vmem>>
    %dma_wait3A_1060 = tpu.memref_squeeze %dma_wait3A_1059 : memref<1x128x16xf32, #tpu.memory_space<vmem>> -> memref<128x16xf32, #tpu.memory_space<vmem>>
    %dma_wait3A_1061 = arith.constant 0 : i32
    %dma_wait3A_1062 = tpu.memref_slice %arg5[%dma_wait3A_1055, %dma_wait3A_1061] : memref<104x128xi32, #tpu.memory_space<vmem>> -> memref<1x128xi32, #tpu.memory_space<vmem>>
    %dma_wait3A_1063 = tpu.memref_squeeze %dma_wait3A_1062 : memref<1x128xi32, #tpu.memory_space<vmem>> -> memref<128xi32, #tpu.memory_space<vmem>>
    %dma_wait3A_1064 = arith.constant 0 : i32
    %dma_wait3A_1065 = arith.constant 0 : i32
    %dma_wait3A_1066 = tpu.memref_slice %arg2[%dma_wait3A_1064, %dma_wait3A_1065] : memref<26000x16xf32, #tpu.memory_space<hbm>> -> memref<26000x16xf32, #tpu.memory_space<hbm>>
    tpu.wait_indirect_dma semaphore(%arg7 : memref<!tpu.dma_semaphore, #tpu.memory_space<semaphore_mem>>) src(%dma_wait3A_1066 : memref<26000x16xf32, #tpu.memory_space<hbm>>) dst(%dma_wait3A_1060 : memref<128x16xf32, #tpu.memory_space<vmem>>)
    %dma_wait3A_1067 = arith.constant 32 : i32
    %dma_wait3A_1068 = arith.constant 0 : i32
    %dma_wait3A_1069 = arith.constant 768 : i32
    %dma_wait3A_1070 = arith.constant 0 : i32
    %dma_wait3A_1071 = tpu.memref_slice %arg6[%dma_wait3A_1068, %dma_wait3A_1069, %dma_wait3A_1070] : memref<2x1664x16xf32, #tpu.memory_space<vmem>> -> memref<1x128x16xf32, #tpu.memory_space<vmem>>
    %dma_wait3A_1072 = tpu.memref_squeeze %dma_wait3A_1071 : memref<1x128x16xf32, #tpu.memory_space<vmem>> -> memref<128x16xf32, #tpu.memory_space<vmem>>
    %dma_wait3A_1073 = arith.constant 0 : i32
    %dma_wait3A_1074 = tpu.memref_slice %arg5[%dma_wait3A_1067, %dma_wait3A_1073] : memref<104x128xi32, #tpu.memory_space<vmem>> -> memref<1x128xi32, #tpu.memory_space<vmem>>
    %dma_wait3A_1075 = tpu.memref_squeeze %dma_wait3A_1074 : memref<1x128xi32, #tpu.memory_space<vmem>> -> memref<128xi32, #tpu.memory_space<vmem>>
    %dma_wait3A_1076 = arith.constant 0 : i32
    %dma_wait3A_1077 = arith.constant 0 : i32
    %dma_wait3A_1078 = tpu.memref_slice %arg2[%dma_wait3A_1076, %dma_wait3A_1077] : memref<26000x16xf32, #tpu.memory_space<hbm>> -> memref<26000x16xf32, #tpu.memory_space<hbm>>
    tpu.wait_indirect_dma semaphore(%arg7 : memref<!tpu.dma_semaphore, #tpu.memory_space<semaphore_mem>>) src(%dma_wait3A_1078 : memref<26000x16xf32, #tpu.memory_space<hbm>>) dst(%dma_wait3A_1072 : memref<128x16xf32, #tpu.memory_space<vmem>>)
    %dma_wait3A_1079 = arith.constant 33 : i32
    %dma_wait3A_1080 = arith.constant 0 : i32
    %dma_wait3A_1081 = arith.constant 896 : i32
    %dma_wait3A_1082 = arith.constant 0 : i32
    %dma_wait3A_1083 = tpu.memref_slice %arg6[%dma_wait3A_1080, %dma_wait3A_1081, %dma_wait3A_1082] : memref<2x1664x16xf32, #tpu.memory_space<vmem>> -> memref<1x128x16xf32, #tpu.memory_space<vmem>>
    %dma_wait3A_1084 = tpu.memref_squeeze %dma_wait3A_1083 : memref<1x128x16xf32, #tpu.memory_space<vmem>> -> memref<128x16xf32, #tpu.memory_space<vmem>>
    %dma_wait3A_1085 = arith.constant 0 : i32
    %dma_wait3A_1086 = tpu.memref_slice %arg5[%dma_wait3A_1079, %dma_wait3A_1085] : memref<104x128xi32, #tpu.memory_space<vmem>> -> memref<1x128xi32, #tpu.memory_space<vmem>>
    %dma_wait3A_1087 = tpu.memref_squeeze %dma_wait3A_1086 : memref<1x128xi32, #tpu.memory_space<vmem>> -> memref<128xi32, #tpu.memory_space<vmem>>
    %dma_wait3A_1088 = arith.constant 0 : i32
    %dma_wait3A_1089 = arith.constant 0 : i32
    %dma_wait3A_1090 = tpu.memref_slice %arg2[%dma_wait3A_1088, %dma_wait3A_1089] : memref<26000x16xf32, #tpu.memory_space<hbm>> -> memref<26000x16xf32, #tpu.memory_space<hbm>>
    tpu.wait_indirect_dma semaphore(%arg7 : memref<!tpu.dma_semaphore, #tpu.memory_space<semaphore_mem>>) src(%dma_wait3A_1090 : memref<26000x16xf32, #tpu.memory_space<hbm>>) dst(%dma_wait3A_1084 : memref<128x16xf32, #tpu.memory_space<vmem>>)
    %dma_wait3A_1091 = arith.constant 34 : i32
    %dma_wait3A_1092 = arith.constant 0 : i32
    %dma_wait3A_1093 = arith.constant 1024 : i32
    %dma_wait3A_1094 = arith.constant 0 : i32
    %dma_wait3A_1095 = tpu.memref_slice %arg6[%dma_wait3A_1092, %dma_wait3A_1093, %dma_wait3A_1094] : memref<2x1664x16xf32, #tpu.memory_space<vmem>> -> memref<1x128x16xf32, #tpu.memory_space<vmem>>
    %dma_wait3A_1096 = tpu.memref_squeeze %dma_wait3A_1095 : memref<1x128x16xf32, #tpu.memory_space<vmem>> -> memref<128x16xf32, #tpu.memory_space<vmem>>
    %dma_wait3A_1097 = arith.constant 0 : i32
    %dma_wait3A_1098 = tpu.memref_slice %arg5[%dma_wait3A_1091, %dma_wait3A_1097] : memref<104x128xi32, #tpu.memory_space<vmem>> -> memref<1x128xi32, #tpu.memory_space<vmem>>
    %dma_wait3A_1099 = tpu.memref_squeeze %dma_wait3A_1098 : memref<1x128xi32, #tpu.memory_space<vmem>> -> memref<128xi32, #tpu.memory_space<vmem>>
    %dma_wait3A_1100 = arith.constant 0 : i32
    %dma_wait3A_1101 = arith.constant 0 : i32
    %dma_wait3A_1102 = tpu.memref_slice %arg2[%dma_wait3A_1100, %dma_wait3A_1101] : memref<26000x16xf32, #tpu.memory_space<hbm>> -> memref<26000x16xf32, #tpu.memory_space<hbm>>
    tpu.wait_indirect_dma semaphore(%arg7 : memref<!tpu.dma_semaphore, #tpu.memory_space<semaphore_mem>>) src(%dma_wait3A_1102 : memref<26000x16xf32, #tpu.memory_space<hbm>>) dst(%dma_wait3A_1096 : memref<128x16xf32, #tpu.memory_space<vmem>>)
    %dma_wait3A_1103 = arith.constant 35 : i32
    %dma_wait3A_1104 = arith.constant 0 : i32
    %dma_wait3A_1105 = arith.constant 1152 : i32
    %dma_wait3A_1106 = arith.constant 0 : i32
    %dma_wait3A_1107 = tpu.memref_slice %arg6[%dma_wait3A_1104, %dma_wait3A_1105, %dma_wait3A_1106] : memref<2x1664x16xf32, #tpu.memory_space<vmem>> -> memref<1x128x16xf32, #tpu.memory_space<vmem>>
    %dma_wait3A_1108 = tpu.memref_squeeze %dma_wait3A_1107 : memref<1x128x16xf32, #tpu.memory_space<vmem>> -> memref<128x16xf32, #tpu.memory_space<vmem>>
    %dma_wait3A_1109 = arith.constant 0 : i32
    %dma_wait3A_1110 = tpu.memref_slice %arg5[%dma_wait3A_1103, %dma_wait3A_1109] : memref<104x128xi32, #tpu.memory_space<vmem>> -> memref<1x128xi32, #tpu.memory_space<vmem>>
    %dma_wait3A_1111 = tpu.memref_squeeze %dma_wait3A_1110 : memref<1x128xi32, #tpu.memory_space<vmem>> -> memref<128xi32, #tpu.memory_space<vmem>>
    %dma_wait3A_1112 = arith.constant 0 : i32
    %dma_wait3A_1113 = arith.constant 0 : i32
    %dma_wait3A_1114 = tpu.memref_slice %arg2[%dma_wait3A_1112, %dma_wait3A_1113] : memref<26000x16xf32, #tpu.memory_space<hbm>> -> memref<26000x16xf32, #tpu.memory_space<hbm>>
    tpu.wait_indirect_dma semaphore(%arg7 : memref<!tpu.dma_semaphore, #tpu.memory_space<semaphore_mem>>) src(%dma_wait3A_1114 : memref<26000x16xf32, #tpu.memory_space<hbm>>) dst(%dma_wait3A_1108 : memref<128x16xf32, #tpu.memory_space<vmem>>)
    %dma_wait3A_1115 = arith.constant 36 : i32
    %dma_wait3A_1116 = arith.constant 0 : i32
    %dma_wait3A_1117 = arith.constant 1280 : i32
    %dma_wait3A_1118 = arith.constant 0 : i32
    %dma_wait3A_1119 = tpu.memref_slice %arg6[%dma_wait3A_1116, %dma_wait3A_1117, %dma_wait3A_1118] : memref<2x1664x16xf32, #tpu.memory_space<vmem>> -> memref<1x128x16xf32, #tpu.memory_space<vmem>>
    %dma_wait3A_1120 = tpu.memref_squeeze %dma_wait3A_1119 : memref<1x128x16xf32, #tpu.memory_space<vmem>> -> memref<128x16xf32, #tpu.memory_space<vmem>>
    %dma_wait3A_1121 = arith.constant 0 : i32
    %dma_wait3A_1122 = tpu.memref_slice %arg5[%dma_wait3A_1115, %dma_wait3A_1121] : memref<104x128xi32, #tpu.memory_space<vmem>> -> memref<1x128xi32, #tpu.memory_space<vmem>>
    %dma_wait3A_1123 = tpu.memref_squeeze %dma_wait3A_1122 : memref<1x128xi32, #tpu.memory_space<vmem>> -> memref<128xi32, #tpu.memory_space<vmem>>
    %dma_wait3A_1124 = arith.constant 0 : i32
    %dma_wait3A_1125 = arith.constant 0 : i32
    %dma_wait3A_1126 = tpu.memref_slice %arg2[%dma_wait3A_1124, %dma_wait3A_1125] : memref<26000x16xf32, #tpu.memory_space<hbm>> -> memref<26000x16xf32, #tpu.memory_space<hbm>>
    tpu.wait_indirect_dma semaphore(%arg7 : memref<!tpu.dma_semaphore, #tpu.memory_space<semaphore_mem>>) src(%dma_wait3A_1126 : memref<26000x16xf32, #tpu.memory_space<hbm>>) dst(%dma_wait3A_1120 : memref<128x16xf32, #tpu.memory_space<vmem>>)
    %dma_wait3A_1127 = arith.constant 37 : i32
    %dma_wait3A_1128 = arith.constant 0 : i32
    %dma_wait3A_1129 = arith.constant 1408 : i32
    %dma_wait3A_1130 = arith.constant 0 : i32
    %dma_wait3A_1131 = tpu.memref_slice %arg6[%dma_wait3A_1128, %dma_wait3A_1129, %dma_wait3A_1130] : memref<2x1664x16xf32, #tpu.memory_space<vmem>> -> memref<1x128x16xf32, #tpu.memory_space<vmem>>
    %dma_wait3A_1132 = tpu.memref_squeeze %dma_wait3A_1131 : memref<1x128x16xf32, #tpu.memory_space<vmem>> -> memref<128x16xf32, #tpu.memory_space<vmem>>
    %dma_wait3A_1133 = arith.constant 0 : i32
    %dma_wait3A_1134 = tpu.memref_slice %arg5[%dma_wait3A_1127, %dma_wait3A_1133] : memref<104x128xi32, #tpu.memory_space<vmem>> -> memref<1x128xi32, #tpu.memory_space<vmem>>
    %dma_wait3A_1135 = tpu.memref_squeeze %dma_wait3A_1134 : memref<1x128xi32, #tpu.memory_space<vmem>> -> memref<128xi32, #tpu.memory_space<vmem>>
    %dma_wait3A_1136 = arith.constant 0 : i32
    %dma_wait3A_1137 = arith.constant 0 : i32
    %dma_wait3A_1138 = tpu.memref_slice %arg2[%dma_wait3A_1136, %dma_wait3A_1137] : memref<26000x16xf32, #tpu.memory_space<hbm>> -> memref<26000x16xf32, #tpu.memory_space<hbm>>
    tpu.wait_indirect_dma semaphore(%arg7 : memref<!tpu.dma_semaphore, #tpu.memory_space<semaphore_mem>>) src(%dma_wait3A_1138 : memref<26000x16xf32, #tpu.memory_space<hbm>>) dst(%dma_wait3A_1132 : memref<128x16xf32, #tpu.memory_space<vmem>>)
    %dma_wait3A_1139 = arith.constant 38 : i32
    %dma_wait3A_1140 = arith.constant 0 : i32
    %dma_wait3A_1141 = arith.constant 1536 : i32
    %dma_wait3A_1142 = arith.constant 0 : i32
    %dma_wait3A_1143 = tpu.memref_slice %arg6[%dma_wait3A_1140, %dma_wait3A_1141, %dma_wait3A_1142] : memref<2x1664x16xf32, #tpu.memory_space<vmem>> -> memref<1x128x16xf32, #tpu.memory_space<vmem>>
    %dma_wait3A_1144 = tpu.memref_squeeze %dma_wait3A_1143 : memref<1x128x16xf32, #tpu.memory_space<vmem>> -> memref<128x16xf32, #tpu.memory_space<vmem>>
    %dma_wait3A_1145 = arith.constant 0 : i32
    %dma_wait3A_1146 = tpu.memref_slice %arg5[%dma_wait3A_1139, %dma_wait3A_1145] : memref<104x128xi32, #tpu.memory_space<vmem>> -> memref<1x128xi32, #tpu.memory_space<vmem>>
    %dma_wait3A_1147 = tpu.memref_squeeze %dma_wait3A_1146 : memref<1x128xi32, #tpu.memory_space<vmem>> -> memref<128xi32, #tpu.memory_space<vmem>>
    %dma_wait3A_1148 = arith.constant 0 : i32
    %dma_wait3A_1149 = arith.constant 0 : i32
    %dma_wait3A_1150 = tpu.memref_slice %arg2[%dma_wait3A_1148, %dma_wait3A_1149] : memref<26000x16xf32, #tpu.memory_space<hbm>> -> memref<26000x16xf32, #tpu.memory_space<hbm>>
    tpu.wait_indirect_dma semaphore(%arg7 : memref<!tpu.dma_semaphore, #tpu.memory_space<semaphore_mem>>) src(%dma_wait3A_1150 : memref<26000x16xf32, #tpu.memory_space<hbm>>) dst(%dma_wait3A_1144 : memref<128x16xf32, #tpu.memory_space<vmem>>)
    %add3A_1151 = arith.constant 3328 : i32
    %add3A_1152 = arith.addi %mul3A_2, %add3A_1151 : i32
    %dma_start3A_1153 = arith.constant 0 : i32
    %dma_start3A_1154 = arith.constant 0 : i32
    %dma_start3A_1155 = arith.constant 0 : i32
    %dma_start3A_1156 = tpu.memref_slice %arg6[%dma_start3A_1153, %dma_start3A_1154, %dma_start3A_1155] : memref<2x1664x16xf32, #tpu.memory_space<vmem>> -> memref<1x1664x16xf32, #tpu.memory_space<vmem>>
    %dma_start3A_1157 = tpu.memref_squeeze %dma_start3A_1156 : memref<1x1664x16xf32, #tpu.memory_space<vmem>> -> memref<1664x16xf32, #tpu.memory_space<vmem>>
    %dma_start3A_1158 = arith.constant 0 : i32
    %dma_start3A_1159 = tpu.memref_slice %arg4[%add3A_1152, %dma_start3A_1158] : memref<425984x16xf32, #tpu.memory_space<hbm>> -> memref<1664x16xf32, #tpu.memory_space<hbm>>
    %dma_start3A_1160 = arith.constant 0 : i32
    %dma_start3A_1161 = tpu.memref_slice %arg4[%add3A_1152, %dma_start3A_1160] : memref<425984x16xf32, #tpu.memory_space<hbm>> -> memref<1664x16xf32, #tpu.memory_space<hbm>>
    %dma_start3A_1162 = arith.constant 0 : i32
    %dma_start3A_1163 = arith.constant 0 : i32
    %dma_start3A_1164 = tpu.memref_slice %arg6[%dma_start3A_1153, %dma_start3A_1162, %dma_start3A_1163] : memref<2x1664x16xf32, #tpu.memory_space<vmem>> -> memref<1x1664x16xf32, #tpu.memory_space<vmem>>
    %dma_start3A_1165 = tpu.memref_squeeze %dma_start3A_1164 : memref<1x1664x16xf32, #tpu.memory_space<vmem>> -> memref<1664x16xf32, #tpu.memory_space<vmem>>
    tpu.enqueue_dma source(%dma_start3A_1165 : memref<1664x16xf32, #tpu.memory_space<vmem>>) target(%dma_start3A_1161 : memref<1664x16xf32, #tpu.memory_space<hbm>>) target_semaphore(%arg8 : memref<!tpu.dma_semaphore, #tpu.memory_space<semaphore_mem>>)
    %dma_wait3A_1166 = arith.constant 0 : i32
    %dma_wait3A_1167 = arith.constant 0 : i32
    %dma_wait3A_1168 = arith.constant 0 : i32
    %dma_wait3A_1169 = tpu.memref_slice %arg6[%dma_wait3A_1166, %dma_wait3A_1167, %dma_wait3A_1168] : memref<2x1664x16xf32, #tpu.memory_space<vmem>> -> memref<1x1664x16xf32, #tpu.memory_space<vmem>>
    %dma_wait3A_1170 = tpu.memref_squeeze %dma_wait3A_1169 : memref<1x1664x16xf32, #tpu.memory_space<vmem>> -> memref<1664x16xf32, #tpu.memory_space<vmem>>
    %dma_wait3A_1171 = arith.constant 0 : i32
    %dma_wait3A_1172 = tpu.memref_slice %arg4[%add3A_1152, %dma_wait3A_1171] : memref<425984x16xf32, #tpu.memory_space<hbm>> -> memref<1664x16xf32, #tpu.memory_space<hbm>>
    %dma_wait3A_1173 = arith.constant 0 : i32
    %dma_wait3A_1174 = tpu.memref_slice %arg4[%add3A_1152, %dma_wait3A_1173] : memref<425984x16xf32, #tpu.memory_space<hbm>> -> memref<1664x16xf32, #tpu.memory_space<hbm>>
    %dma_wait3A_1175 = arith.constant 0 : i32
    %dma_wait3A_1176 = arith.constant 0 : i32
    %dma_wait3A_1177 = tpu.memref_slice %arg6[%dma_wait3A_1166, %dma_wait3A_1175, %dma_wait3A_1176] : memref<2x1664x16xf32, #tpu.memory_space<vmem>> -> memref<1x1664x16xf32, #tpu.memory_space<vmem>>
    %dma_wait3A_1178 = tpu.memref_squeeze %dma_wait3A_1177 : memref<1x1664x16xf32, #tpu.memory_space<vmem>> -> memref<1664x16xf32, #tpu.memory_space<vmem>>
    tpu.wait_dma2 semaphore(%arg8 : memref<!tpu.dma_semaphore, #tpu.memory_space<semaphore_mem>>) src(%dma_wait3A_1178 : memref<1664x16xf32, #tpu.memory_space<vmem>>) dst(%dma_wait3A_1174 : memref<1664x16xf32, #tpu.memory_space<hbm>>)
    %dma_start3A_1179 = arith.constant 52 : i32
    %dma_start3A_1180 = arith.constant 0 : i32
    %dma_start3A_1181 = arith.constant 0 : i32
    %dma_start3A_1182 = arith.constant 0 : i32
    %dma_start3A_1183 = tpu.memref_slice %arg6[%dma_start3A_1180, %dma_start3A_1181, %dma_start3A_1182] : memref<2x1664x16xf32, #tpu.memory_space<vmem>> -> memref<1x128x16xf32, #tpu.memory_space<vmem>>
    %dma_start3A_1184 = tpu.memref_squeeze %dma_start3A_1183 : memref<1x128x16xf32, #tpu.memory_space<vmem>> -> memref<128x16xf32, #tpu.memory_space<vmem>>
    %dma_start3A_1185 = arith.constant 0 : i32
    %dma_start3A_1186 = tpu.memref_slice %arg5[%dma_start3A_1179, %dma_start3A_1185] : memref<104x128xi32, #tpu.memory_space<vmem>> -> memref<1x128xi32, #tpu.memory_space<vmem>>
    %dma_start3A_1187 = tpu.memref_squeeze %dma_start3A_1186 : memref<1x128xi32, #tpu.memory_space<vmem>> -> memref<128xi32, #tpu.memory_space<vmem>>
    %dma_start3A_1188 = arith.constant 0 : i32
    %dma_start3A_1189 = arith.constant 0 : i32
    %dma_start3A_1190 = tpu.memref_slice %arg2[%dma_start3A_1188, %dma_start3A_1189] : memref<26000x16xf32, #tpu.memory_space<hbm>> -> memref<26000x16xf32, #tpu.memory_space<hbm>>
    tpu.enqueue_indirect_dma source(%dma_start3A_1190 : memref<26000x16xf32, #tpu.memory_space<hbm>>) target(%dma_start3A_1184 : memref<128x16xf32, #tpu.memory_space<vmem>>) offsets(%dma_start3A_1187 : memref<128xi32, #tpu.memory_space<vmem>>) semaphore(%arg7 : memref<!tpu.dma_semaphore, #tpu.memory_space<semaphore_mem>>)
    %dma_start3A_1191 = arith.constant 53 : i32
    %dma_start3A_1192 = arith.constant 0 : i32
    %dma_start3A_1193 = arith.constant 128 : i32
    %dma_start3A_1194 = arith.constant 0 : i32
    %dma_start3A_1195 = tpu.memref_slice %arg6[%dma_start3A_1192, %dma_start3A_1193, %dma_start3A_1194] : memref<2x1664x16xf32, #tpu.memory_space<vmem>> -> memref<1x128x16xf32, #tpu.memory_space<vmem>>
    %dma_start3A_1196 = tpu.memref_squeeze %dma_start3A_1195 : memref<1x128x16xf32, #tpu.memory_space<vmem>> -> memref<128x16xf32, #tpu.memory_space<vmem>>
    %dma_start3A_1197 = arith.constant 0 : i32
    %dma_start3A_1198 = tpu.memref_slice %arg5[%dma_start3A_1191, %dma_start3A_1197] : memref<104x128xi32, #tpu.memory_space<vmem>> -> memref<1x128xi32, #tpu.memory_space<vmem>>
    %dma_start3A_1199 = tpu.memref_squeeze %dma_start3A_1198 : memref<1x128xi32, #tpu.memory_space<vmem>> -> memref<128xi32, #tpu.memory_space<vmem>>
    %dma_start3A_1200 = arith.constant 0 : i32
    %dma_start3A_1201 = arith.constant 0 : i32
    %dma_start3A_1202 = tpu.memref_slice %arg2[%dma_start3A_1200, %dma_start3A_1201] : memref<26000x16xf32, #tpu.memory_space<hbm>> -> memref<26000x16xf32, #tpu.memory_space<hbm>>
    tpu.enqueue_indirect_dma source(%dma_start3A_1202 : memref<26000x16xf32, #tpu.memory_space<hbm>>) target(%dma_start3A_1196 : memref<128x16xf32, #tpu.memory_space<vmem>>) offsets(%dma_start3A_1199 : memref<128xi32, #tpu.memory_space<vmem>>) semaphore(%arg7 : memref<!tpu.dma_semaphore, #tpu.memory_space<semaphore_mem>>)
    %dma_start3A_1203 = arith.constant 54 : i32
    %dma_start3A_1204 = arith.constant 0 : i32
    %dma_start3A_1205 = arith.constant 256 : i32
    %dma_start3A_1206 = arith.constant 0 : i32
    %dma_start3A_1207 = tpu.memref_slice %arg6[%dma_start3A_1204, %dma_start3A_1205, %dma_start3A_1206] : memref<2x1664x16xf32, #tpu.memory_space<vmem>> -> memref<1x128x16xf32, #tpu.memory_space<vmem>>
    %dma_start3A_1208 = tpu.memref_squeeze %dma_start3A_1207 : memref<1x128x16xf32, #tpu.memory_space<vmem>> -> memref<128x16xf32, #tpu.memory_space<vmem>>
    %dma_start3A_1209 = arith.constant 0 : i32
    %dma_start3A_1210 = tpu.memref_slice %arg5[%dma_start3A_1203, %dma_start3A_1209] : memref<104x128xi32, #tpu.memory_space<vmem>> -> memref<1x128xi32, #tpu.memory_space<vmem>>
    %dma_start3A_1211 = tpu.memref_squeeze %dma_start3A_1210 : memref<1x128xi32, #tpu.memory_space<vmem>> -> memref<128xi32, #tpu.memory_space<vmem>>
    %dma_start3A_1212 = arith.constant 0 : i32
    %dma_start3A_1213 = arith.constant 0 : i32
    %dma_start3A_1214 = tpu.memref_slice %arg2[%dma_start3A_1212, %dma_start3A_1213] : memref<26000x16xf32, #tpu.memory_space<hbm>> -> memref<26000x16xf32, #tpu.memory_space<hbm>>
    tpu.enqueue_indirect_dma source(%dma_start3A_1214 : memref<26000x16xf32, #tpu.memory_space<hbm>>) target(%dma_start3A_1208 : memref<128x16xf32, #tpu.memory_space<vmem>>) offsets(%dma_start3A_1211 : memref<128xi32, #tpu.memory_space<vmem>>) semaphore(%arg7 : memref<!tpu.dma_semaphore, #tpu.memory_space<semaphore_mem>>)
    %dma_start3A_1215 = arith.constant 55 : i32
    %dma_start3A_1216 = arith.constant 0 : i32
    %dma_start3A_1217 = arith.constant 384 : i32
    %dma_start3A_1218 = arith.constant 0 : i32
    %dma_start3A_1219 = tpu.memref_slice %arg6[%dma_start3A_1216, %dma_start3A_1217, %dma_start3A_1218] : memref<2x1664x16xf32, #tpu.memory_space<vmem>> -> memref<1x128x16xf32, #tpu.memory_space<vmem>>
    %dma_start3A_1220 = tpu.memref_squeeze %dma_start3A_1219 : memref<1x128x16xf32, #tpu.memory_space<vmem>> -> memref<128x16xf32, #tpu.memory_space<vmem>>
    %dma_start3A_1221 = arith.constant 0 : i32
    %dma_start3A_1222 = tpu.memref_slice %arg5[%dma_start3A_1215, %dma_start3A_1221] : memref<104x128xi32, #tpu.memory_space<vmem>> -> memref<1x128xi32, #tpu.memory_space<vmem>>
    %dma_start3A_1223 = tpu.memref_squeeze %dma_start3A_1222 : memref<1x128xi32, #tpu.memory_space<vmem>> -> memref<128xi32, #tpu.memory_space<vmem>>
    %dma_start3A_1224 = arith.constant 0 : i32
    %dma_start3A_1225 = arith.constant 0 : i32
    %dma_start3A_1226 = tpu.memref_slice %arg2[%dma_start3A_1224, %dma_start3A_1225] : memref<26000x16xf32, #tpu.memory_space<hbm>> -> memref<26000x16xf32, #tpu.memory_space<hbm>>
    tpu.enqueue_indirect_dma source(%dma_start3A_1226 : memref<26000x16xf32, #tpu.memory_space<hbm>>) target(%dma_start3A_1220 : memref<128x16xf32, #tpu.memory_space<vmem>>) offsets(%dma_start3A_1223 : memref<128xi32, #tpu.memory_space<vmem>>) semaphore(%arg7 : memref<!tpu.dma_semaphore, #tpu.memory_space<semaphore_mem>>)
    %dma_start3A_1227 = arith.constant 56 : i32
    %dma_start3A_1228 = arith.constant 0 : i32
    %dma_start3A_1229 = arith.constant 512 : i32
    %dma_start3A_1230 = arith.constant 0 : i32
    %dma_start3A_1231 = tpu.memref_slice %arg6[%dma_start3A_1228, %dma_start3A_1229, %dma_start3A_1230] : memref<2x1664x16xf32, #tpu.memory_space<vmem>> -> memref<1x128x16xf32, #tpu.memory_space<vmem>>
    %dma_start3A_1232 = tpu.memref_squeeze %dma_start3A_1231 : memref<1x128x16xf32, #tpu.memory_space<vmem>> -> memref<128x16xf32, #tpu.memory_space<vmem>>
    %dma_start3A_1233 = arith.constant 0 : i32
    %dma_start3A_1234 = tpu.memref_slice %arg5[%dma_start3A_1227, %dma_start3A_1233] : memref<104x128xi32, #tpu.memory_space<vmem>> -> memref<1x128xi32, #tpu.memory_space<vmem>>
    %dma_start3A_1235 = tpu.memref_squeeze %dma_start3A_1234 : memref<1x128xi32, #tpu.memory_space<vmem>> -> memref<128xi32, #tpu.memory_space<vmem>>
    %dma_start3A_1236 = arith.constant 0 : i32
    %dma_start3A_1237 = arith.constant 0 : i32
    %dma_start3A_1238 = tpu.memref_slice %arg2[%dma_start3A_1236, %dma_start3A_1237] : memref<26000x16xf32, #tpu.memory_space<hbm>> -> memref<26000x16xf32, #tpu.memory_space<hbm>>
    tpu.enqueue_indirect_dma source(%dma_start3A_1238 : memref<26000x16xf32, #tpu.memory_space<hbm>>) target(%dma_start3A_1232 : memref<128x16xf32, #tpu.memory_space<vmem>>) offsets(%dma_start3A_1235 : memref<128xi32, #tpu.memory_space<vmem>>) semaphore(%arg7 : memref<!tpu.dma_semaphore, #tpu.memory_space<semaphore_mem>>)
    %dma_start3A_1239 = arith.constant 57 : i32
    %dma_start3A_1240 = arith.constant 0 : i32
    %dma_start3A_1241 = arith.constant 640 : i32
    %dma_start3A_1242 = arith.constant 0 : i32
    %dma_start3A_1243 = tpu.memref_slice %arg6[%dma_start3A_1240, %dma_start3A_1241, %dma_start3A_1242] : memref<2x1664x16xf32, #tpu.memory_space<vmem>> -> memref<1x128x16xf32, #tpu.memory_space<vmem>>
    %dma_start3A_1244 = tpu.memref_squeeze %dma_start3A_1243 : memref<1x128x16xf32, #tpu.memory_space<vmem>> -> memref<128x16xf32, #tpu.memory_space<vmem>>
    %dma_start3A_1245 = arith.constant 0 : i32
    %dma_start3A_1246 = tpu.memref_slice %arg5[%dma_start3A_1239, %dma_start3A_1245] : memref<104x128xi32, #tpu.memory_space<vmem>> -> memref<1x128xi32, #tpu.memory_space<vmem>>
    %dma_start3A_1247 = tpu.memref_squeeze %dma_start3A_1246 : memref<1x128xi32, #tpu.memory_space<vmem>> -> memref<128xi32, #tpu.memory_space<vmem>>
    %dma_start3A_1248 = arith.constant 0 : i32
    %dma_start3A_1249 = arith.constant 0 : i32
    %dma_start3A_1250 = tpu.memref_slice %arg2[%dma_start3A_1248, %dma_start3A_1249] : memref<26000x16xf32, #tpu.memory_space<hbm>> -> memref<26000x16xf32, #tpu.memory_space<hbm>>
    tpu.enqueue_indirect_dma source(%dma_start3A_1250 : memref<26000x16xf32, #tpu.memory_space<hbm>>) target(%dma_start3A_1244 : memref<128x16xf32, #tpu.memory_space<vmem>>) offsets(%dma_start3A_1247 : memref<128xi32, #tpu.memory_space<vmem>>) semaphore(%arg7 : memref<!tpu.dma_semaphore, #tpu.memory_space<semaphore_mem>>)
    %dma_start3A_1251 = arith.constant 58 : i32
    %dma_start3A_1252 = arith.constant 0 : i32
    %dma_start3A_1253 = arith.constant 768 : i32
    %dma_start3A_1254 = arith.constant 0 : i32
    %dma_start3A_1255 = tpu.memref_slice %arg6[%dma_start3A_1252, %dma_start3A_1253, %dma_start3A_1254] : memref<2x1664x16xf32, #tpu.memory_space<vmem>> -> memref<1x128x16xf32, #tpu.memory_space<vmem>>
    %dma_start3A_1256 = tpu.memref_squeeze %dma_start3A_1255 : memref<1x128x16xf32, #tpu.memory_space<vmem>> -> memref<128x16xf32, #tpu.memory_space<vmem>>
    %dma_start3A_1257 = arith.constant 0 : i32
    %dma_start3A_1258 = tpu.memref_slice %arg5[%dma_start3A_1251, %dma_start3A_1257] : memref<104x128xi32, #tpu.memory_space<vmem>> -> memref<1x128xi32, #tpu.memory_space<vmem>>
    %dma_start3A_1259 = tpu.memref_squeeze %dma_start3A_1258 : memref<1x128xi32, #tpu.memory_space<vmem>> -> memref<128xi32, #tpu.memory_space<vmem>>
    %dma_start3A_1260 = arith.constant 0 : i32
    %dma_start3A_1261 = arith.constant 0 : i32
    %dma_start3A_1262 = tpu.memref_slice %arg2[%dma_start3A_1260, %dma_start3A_1261] : memref<26000x16xf32, #tpu.memory_space<hbm>> -> memref<26000x16xf32, #tpu.memory_space<hbm>>
    tpu.enqueue_indirect_dma source(%dma_start3A_1262 : memref<26000x16xf32, #tpu.memory_space<hbm>>) target(%dma_start3A_1256 : memref<128x16xf32, #tpu.memory_space<vmem>>) offsets(%dma_start3A_1259 : memref<128xi32, #tpu.memory_space<vmem>>) semaphore(%arg7 : memref<!tpu.dma_semaphore, #tpu.memory_space<semaphore_mem>>)
    %dma_start3A_1263 = arith.constant 59 : i32
    %dma_start3A_1264 = arith.constant 0 : i32
    %dma_start3A_1265 = arith.constant 896 : i32
    %dma_start3A_1266 = arith.constant 0 : i32
    %dma_start3A_1267 = tpu.memref_slice %arg6[%dma_start3A_1264, %dma_start3A_1265, %dma_start3A_1266] : memref<2x1664x16xf32, #tpu.memory_space<vmem>> -> memref<1x128x16xf32, #tpu.memory_space<vmem>>
    %dma_start3A_1268 = tpu.memref_squeeze %dma_start3A_1267 : memref<1x128x16xf32, #tpu.memory_space<vmem>> -> memref<128x16xf32, #tpu.memory_space<vmem>>
    %dma_start3A_1269 = arith.constant 0 : i32
    %dma_start3A_1270 = tpu.memref_slice %arg5[%dma_start3A_1263, %dma_start3A_1269] : memref<104x128xi32, #tpu.memory_space<vmem>> -> memref<1x128xi32, #tpu.memory_space<vmem>>
    %dma_start3A_1271 = tpu.memref_squeeze %dma_start3A_1270 : memref<1x128xi32, #tpu.memory_space<vmem>> -> memref<128xi32, #tpu.memory_space<vmem>>
    %dma_start3A_1272 = arith.constant 0 : i32
    %dma_start3A_1273 = arith.constant 0 : i32
    %dma_start3A_1274 = tpu.memref_slice %arg2[%dma_start3A_1272, %dma_start3A_1273] : memref<26000x16xf32, #tpu.memory_space<hbm>> -> memref<26000x16xf32, #tpu.memory_space<hbm>>
    tpu.enqueue_indirect_dma source(%dma_start3A_1274 : memref<26000x16xf32, #tpu.memory_space<hbm>>) target(%dma_start3A_1268 : memref<128x16xf32, #tpu.memory_space<vmem>>) offsets(%dma_start3A_1271 : memref<128xi32, #tpu.memory_space<vmem>>) semaphore(%arg7 : memref<!tpu.dma_semaphore, #tpu.memory_space<semaphore_mem>>)
    %dma_start3A_1275 = arith.constant 60 : i32
    %dma_start3A_1276 = arith.constant 0 : i32
    %dma_start3A_1277 = arith.constant 1024 : i32
    %dma_start3A_1278 = arith.constant 0 : i32
    %dma_start3A_1279 = tpu.memref_slice %arg6[%dma_start3A_1276, %dma_start3A_1277, %dma_start3A_1278] : memref<2x1664x16xf32, #tpu.memory_space<vmem>> -> memref<1x128x16xf32, #tpu.memory_space<vmem>>
    %dma_start3A_1280 = tpu.memref_squeeze %dma_start3A_1279 : memref<1x128x16xf32, #tpu.memory_space<vmem>> -> memref<128x16xf32, #tpu.memory_space<vmem>>
    %dma_start3A_1281 = arith.constant 0 : i32
    %dma_start3A_1282 = tpu.memref_slice %arg5[%dma_start3A_1275, %dma_start3A_1281] : memref<104x128xi32, #tpu.memory_space<vmem>> -> memref<1x128xi32, #tpu.memory_space<vmem>>
    %dma_start3A_1283 = tpu.memref_squeeze %dma_start3A_1282 : memref<1x128xi32, #tpu.memory_space<vmem>> -> memref<128xi32, #tpu.memory_space<vmem>>
    %dma_start3A_1284 = arith.constant 0 : i32
    %dma_start3A_1285 = arith.constant 0 : i32
    %dma_start3A_1286 = tpu.memref_slice %arg2[%dma_start3A_1284, %dma_start3A_1285] : memref<26000x16xf32, #tpu.memory_space<hbm>> -> memref<26000x16xf32, #tpu.memory_space<hbm>>
    tpu.enqueue_indirect_dma source(%dma_start3A_1286 : memref<26000x16xf32, #tpu.memory_space<hbm>>) target(%dma_start3A_1280 : memref<128x16xf32, #tpu.memory_space<vmem>>) offsets(%dma_start3A_1283 : memref<128xi32, #tpu.memory_space<vmem>>) semaphore(%arg7 : memref<!tpu.dma_semaphore, #tpu.memory_space<semaphore_mem>>)
    %dma_start3A_1287 = arith.constant 61 : i32
    %dma_start3A_1288 = arith.constant 0 : i32
    %dma_start3A_1289 = arith.constant 1152 : i32
    %dma_start3A_1290 = arith.constant 0 : i32
    %dma_start3A_1291 = tpu.memref_slice %arg6[%dma_start3A_1288, %dma_start3A_1289, %dma_start3A_1290] : memref<2x1664x16xf32, #tpu.memory_space<vmem>> -> memref<1x128x16xf32, #tpu.memory_space<vmem>>
    %dma_start3A_1292 = tpu.memref_squeeze %dma_start3A_1291 : memref<1x128x16xf32, #tpu.memory_space<vmem>> -> memref<128x16xf32, #tpu.memory_space<vmem>>
    %dma_start3A_1293 = arith.constant 0 : i32
    %dma_start3A_1294 = tpu.memref_slice %arg5[%dma_start3A_1287, %dma_start3A_1293] : memref<104x128xi32, #tpu.memory_space<vmem>> -> memref<1x128xi32, #tpu.memory_space<vmem>>
    %dma_start3A_1295 = tpu.memref_squeeze %dma_start3A_1294 : memref<1x128xi32, #tpu.memory_space<vmem>> -> memref<128xi32, #tpu.memory_space<vmem>>
    %dma_start3A_1296 = arith.constant 0 : i32
    %dma_start3A_1297 = arith.constant 0 : i32
    %dma_start3A_1298 = tpu.memref_slice %arg2[%dma_start3A_1296, %dma_start3A_1297] : memref<26000x16xf32, #tpu.memory_space<hbm>> -> memref<26000x16xf32, #tpu.memory_space<hbm>>
    tpu.enqueue_indirect_dma source(%dma_start3A_1298 : memref<26000x16xf32, #tpu.memory_space<hbm>>) target(%dma_start3A_1292 : memref<128x16xf32, #tpu.memory_space<vmem>>) offsets(%dma_start3A_1295 : memref<128xi32, #tpu.memory_space<vmem>>) semaphore(%arg7 : memref<!tpu.dma_semaphore, #tpu.memory_space<semaphore_mem>>)
    %dma_start3A_1299 = arith.constant 62 : i32
    %dma_start3A_1300 = arith.constant 0 : i32
    %dma_start3A_1301 = arith.constant 1280 : i32
    %dma_start3A_1302 = arith.constant 0 : i32
    %dma_start3A_1303 = tpu.memref_slice %arg6[%dma_start3A_1300, %dma_start3A_1301, %dma_start3A_1302] : memref<2x1664x16xf32, #tpu.memory_space<vmem>> -> memref<1x128x16xf32, #tpu.memory_space<vmem>>
    %dma_start3A_1304 = tpu.memref_squeeze %dma_start3A_1303 : memref<1x128x16xf32, #tpu.memory_space<vmem>> -> memref<128x16xf32, #tpu.memory_space<vmem>>
    %dma_start3A_1305 = arith.constant 0 : i32
    %dma_start3A_1306 = tpu.memref_slice %arg5[%dma_start3A_1299, %dma_start3A_1305] : memref<104x128xi32, #tpu.memory_space<vmem>> -> memref<1x128xi32, #tpu.memory_space<vmem>>
    %dma_start3A_1307 = tpu.memref_squeeze %dma_start3A_1306 : memref<1x128xi32, #tpu.memory_space<vmem>> -> memref<128xi32, #tpu.memory_space<vmem>>
    %dma_start3A_1308 = arith.constant 0 : i32
    %dma_start3A_1309 = arith.constant 0 : i32
    %dma_start3A_1310 = tpu.memref_slice %arg2[%dma_start3A_1308, %dma_start3A_1309] : memref<26000x16xf32, #tpu.memory_space<hbm>> -> memref<26000x16xf32, #tpu.memory_space<hbm>>
    tpu.enqueue_indirect_dma source(%dma_start3A_1310 : memref<26000x16xf32, #tpu.memory_space<hbm>>) target(%dma_start3A_1304 : memref<128x16xf32, #tpu.memory_space<vmem>>) offsets(%dma_start3A_1307 : memref<128xi32, #tpu.memory_space<vmem>>) semaphore(%arg7 : memref<!tpu.dma_semaphore, #tpu.memory_space<semaphore_mem>>)
    %dma_start3A_1311 = arith.constant 63 : i32
    %dma_start3A_1312 = arith.constant 0 : i32
    %dma_start3A_1313 = arith.constant 1408 : i32
    %dma_start3A_1314 = arith.constant 0 : i32
    %dma_start3A_1315 = tpu.memref_slice %arg6[%dma_start3A_1312, %dma_start3A_1313, %dma_start3A_1314] : memref<2x1664x16xf32, #tpu.memory_space<vmem>> -> memref<1x128x16xf32, #tpu.memory_space<vmem>>
    %dma_start3A_1316 = tpu.memref_squeeze %dma_start3A_1315 : memref<1x128x16xf32, #tpu.memory_space<vmem>> -> memref<128x16xf32, #tpu.memory_space<vmem>>
    %dma_start3A_1317 = arith.constant 0 : i32
    %dma_start3A_1318 = tpu.memref_slice %arg5[%dma_start3A_1311, %dma_start3A_1317] : memref<104x128xi32, #tpu.memory_space<vmem>> -> memref<1x128xi32, #tpu.memory_space<vmem>>
    %dma_start3A_1319 = tpu.memref_squeeze %dma_start3A_1318 : memref<1x128xi32, #tpu.memory_space<vmem>> -> memref<128xi32, #tpu.memory_space<vmem>>
    %dma_start3A_1320 = arith.constant 0 : i32
    %dma_start3A_1321 = arith.constant 0 : i32
    %dma_start3A_1322 = tpu.memref_slice %arg2[%dma_start3A_1320, %dma_start3A_1321] : memref<26000x16xf32, #tpu.memory_space<hbm>> -> memref<26000x16xf32, #tpu.memory_space<hbm>>
    tpu.enqueue_indirect_dma source(%dma_start3A_1322 : memref<26000x16xf32, #tpu.memory_space<hbm>>) target(%dma_start3A_1316 : memref<128x16xf32, #tpu.memory_space<vmem>>) offsets(%dma_start3A_1319 : memref<128xi32, #tpu.memory_space<vmem>>) semaphore(%arg7 : memref<!tpu.dma_semaphore, #tpu.memory_space<semaphore_mem>>)
    %dma_start3A_1323 = arith.constant 64 : i32
    %dma_start3A_1324 = arith.constant 0 : i32
    %dma_start3A_1325 = arith.constant 1536 : i32
    %dma_start3A_1326 = arith.constant 0 : i32
    %dma_start3A_1327 = tpu.memref_slice %arg6[%dma_start3A_1324, %dma_start3A_1325, %dma_start3A_1326] : memref<2x1664x16xf32, #tpu.memory_space<vmem>> -> memref<1x128x16xf32, #tpu.memory_space<vmem>>
    %dma_start3A_1328 = tpu.memref_squeeze %dma_start3A_1327 : memref<1x128x16xf32, #tpu.memory_space<vmem>> -> memref<128x16xf32, #tpu.memory_space<vmem>>
    %dma_start3A_1329 = arith.constant 0 : i32
    %dma_start3A_1330 = tpu.memref_slice %arg5[%dma_start3A_1323, %dma_start3A_1329] : memref<104x128xi32, #tpu.memory_space<vmem>> -> memref<1x128xi32, #tpu.memory_space<vmem>>
    %dma_start3A_1331 = tpu.memref_squeeze %dma_start3A_1330 : memref<1x128xi32, #tpu.memory_space<vmem>> -> memref<128xi32, #tpu.memory_space<vmem>>
    %dma_start3A_1332 = arith.constant 0 : i32
    %dma_start3A_1333 = arith.constant 0 : i32
    %dma_start3A_1334 = tpu.memref_slice %arg2[%dma_start3A_1332, %dma_start3A_1333] : memref<26000x16xf32, #tpu.memory_space<hbm>> -> memref<26000x16xf32, #tpu.memory_space<hbm>>
    tpu.enqueue_indirect_dma source(%dma_start3A_1334 : memref<26000x16xf32, #tpu.memory_space<hbm>>) target(%dma_start3A_1328 : memref<128x16xf32, #tpu.memory_space<vmem>>) offsets(%dma_start3A_1331 : memref<128xi32, #tpu.memory_space<vmem>>) semaphore(%arg7 : memref<!tpu.dma_semaphore, #tpu.memory_space<semaphore_mem>>)
    %dma_wait3A_1335 = arith.constant 39 : i32
    %dma_wait3A_1336 = arith.constant 1 : i32
    %dma_wait3A_1337 = arith.constant 0 : i32
    %dma_wait3A_1338 = arith.constant 0 : i32
    %dma_wait3A_1339 = tpu.memref_slice %arg6[%dma_wait3A_1336, %dma_wait3A_1337, %dma_wait3A_1338] : memref<2x1664x16xf32, #tpu.memory_space<vmem>> -> memref<1x128x16xf32, #tpu.memory_space<vmem>>
    %dma_wait3A_1340 = tpu.memref_squeeze %dma_wait3A_1339 : memref<1x128x16xf32, #tpu.memory_space<vmem>> -> memref<128x16xf32, #tpu.memory_space<vmem>>
    %dma_wait3A_1341 = arith.constant 0 : i32
    %dma_wait3A_1342 = tpu.memref_slice %arg5[%dma_wait3A_1335, %dma_wait3A_1341] : memref<104x128xi32, #tpu.memory_space<vmem>> -> memref<1x128xi32, #tpu.memory_space<vmem>>
    %dma_wait3A_1343 = tpu.memref_squeeze %dma_wait3A_1342 : memref<1x128xi32, #tpu.memory_space<vmem>> -> memref<128xi32, #tpu.memory_space<vmem>>
    %dma_wait3A_1344 = arith.constant 0 : i32
    %dma_wait3A_1345 = arith.constant 0 : i32
    %dma_wait3A_1346 = tpu.memref_slice %arg2[%dma_wait3A_1344, %dma_wait3A_1345] : memref<26000x16xf32, #tpu.memory_space<hbm>> -> memref<26000x16xf32, #tpu.memory_space<hbm>>
    tpu.wait_indirect_dma semaphore(%arg7 : memref<!tpu.dma_semaphore, #tpu.memory_space<semaphore_mem>>) src(%dma_wait3A_1346 : memref<26000x16xf32, #tpu.memory_space<hbm>>) dst(%dma_wait3A_1340 : memref<128x16xf32, #tpu.memory_space<vmem>>)
    %dma_wait3A_1347 = arith.constant 40 : i32
    %dma_wait3A_1348 = arith.constant 1 : i32
    %dma_wait3A_1349 = arith.constant 128 : i32
    %dma_wait3A_1350 = arith.constant 0 : i32
    %dma_wait3A_1351 = tpu.memref_slice %arg6[%dma_wait3A_1348, %dma_wait3A_1349, %dma_wait3A_1350] : memref<2x1664x16xf32, #tpu.memory_space<vmem>> -> memref<1x128x16xf32, #tpu.memory_space<vmem>>
    %dma_wait3A_1352 = tpu.memref_squeeze %dma_wait3A_1351 : memref<1x128x16xf32, #tpu.memory_space<vmem>> -> memref<128x16xf32, #tpu.memory_space<vmem>>
    %dma_wait3A_1353 = arith.constant 0 : i32
    %dma_wait3A_1354 = tpu.memref_slice %arg5[%dma_wait3A_1347, %dma_wait3A_1353] : memref<104x128xi32, #tpu.memory_space<vmem>> -> memref<1x128xi32, #tpu.memory_space<vmem>>
    %dma_wait3A_1355 = tpu.memref_squeeze %dma_wait3A_1354 : memref<1x128xi32, #tpu.memory_space<vmem>> -> memref<128xi32, #tpu.memory_space<vmem>>
    %dma_wait3A_1356 = arith.constant 0 : i32
    %dma_wait3A_1357 = arith.constant 0 : i32
    %dma_wait3A_1358 = tpu.memref_slice %arg2[%dma_wait3A_1356, %dma_wait3A_1357] : memref<26000x16xf32, #tpu.memory_space<hbm>> -> memref<26000x16xf32, #tpu.memory_space<hbm>>
    tpu.wait_indirect_dma semaphore(%arg7 : memref<!tpu.dma_semaphore, #tpu.memory_space<semaphore_mem>>) src(%dma_wait3A_1358 : memref<26000x16xf32, #tpu.memory_space<hbm>>) dst(%dma_wait3A_1352 : memref<128x16xf32, #tpu.memory_space<vmem>>)
    %dma_wait3A_1359 = arith.constant 41 : i32
    %dma_wait3A_1360 = arith.constant 1 : i32
    %dma_wait3A_1361 = arith.constant 256 : i32
    %dma_wait3A_1362 = arith.constant 0 : i32
    %dma_wait3A_1363 = tpu.memref_slice %arg6[%dma_wait3A_1360, %dma_wait3A_1361, %dma_wait3A_1362] : memref<2x1664x16xf32, #tpu.memory_space<vmem>> -> memref<1x128x16xf32, #tpu.memory_space<vmem>>
    %dma_wait3A_1364 = tpu.memref_squeeze %dma_wait3A_1363 : memref<1x128x16xf32, #tpu.memory_space<vmem>> -> memref<128x16xf32, #tpu.memory_space<vmem>>
    %dma_wait3A_1365 = arith.constant 0 : i32
    %dma_wait3A_1366 = tpu.memref_slice %arg5[%dma_wait3A_1359, %dma_wait3A_1365] : memref<104x128xi32, #tpu.memory_space<vmem>> -> memref<1x128xi32, #tpu.memory_space<vmem>>
    %dma_wait3A_1367 = tpu.memref_squeeze %dma_wait3A_1366 : memref<1x128xi32, #tpu.memory_space<vmem>> -> memref<128xi32, #tpu.memory_space<vmem>>
    %dma_wait3A_1368 = arith.constant 0 : i32
    %dma_wait3A_1369 = arith.constant 0 : i32
    %dma_wait3A_1370 = tpu.memref_slice %arg2[%dma_wait3A_1368, %dma_wait3A_1369] : memref<26000x16xf32, #tpu.memory_space<hbm>> -> memref<26000x16xf32, #tpu.memory_space<hbm>>
    tpu.wait_indirect_dma semaphore(%arg7 : memref<!tpu.dma_semaphore, #tpu.memory_space<semaphore_mem>>) src(%dma_wait3A_1370 : memref<26000x16xf32, #tpu.memory_space<hbm>>) dst(%dma_wait3A_1364 : memref<128x16xf32, #tpu.memory_space<vmem>>)
    %dma_wait3A_1371 = arith.constant 42 : i32
    %dma_wait3A_1372 = arith.constant 1 : i32
    %dma_wait3A_1373 = arith.constant 384 : i32
    %dma_wait3A_1374 = arith.constant 0 : i32
    %dma_wait3A_1375 = tpu.memref_slice %arg6[%dma_wait3A_1372, %dma_wait3A_1373, %dma_wait3A_1374] : memref<2x1664x16xf32, #tpu.memory_space<vmem>> -> memref<1x128x16xf32, #tpu.memory_space<vmem>>
    %dma_wait3A_1376 = tpu.memref_squeeze %dma_wait3A_1375 : memref<1x128x16xf32, #tpu.memory_space<vmem>> -> memref<128x16xf32, #tpu.memory_space<vmem>>
    %dma_wait3A_1377 = arith.constant 0 : i32
    %dma_wait3A_1378 = tpu.memref_slice %arg5[%dma_wait3A_1371, %dma_wait3A_1377] : memref<104x128xi32, #tpu.memory_space<vmem>> -> memref<1x128xi32, #tpu.memory_space<vmem>>
    %dma_wait3A_1379 = tpu.memref_squeeze %dma_wait3A_1378 : memref<1x128xi32, #tpu.memory_space<vmem>> -> memref<128xi32, #tpu.memory_space<vmem>>
    %dma_wait3A_1380 = arith.constant 0 : i32
    %dma_wait3A_1381 = arith.constant 0 : i32
    %dma_wait3A_1382 = tpu.memref_slice %arg2[%dma_wait3A_1380, %dma_wait3A_1381] : memref<26000x16xf32, #tpu.memory_space<hbm>> -> memref<26000x16xf32, #tpu.memory_space<hbm>>
    tpu.wait_indirect_dma semaphore(%arg7 : memref<!tpu.dma_semaphore, #tpu.memory_space<semaphore_mem>>) src(%dma_wait3A_1382 : memref<26000x16xf32, #tpu.memory_space<hbm>>) dst(%dma_wait3A_1376 : memref<128x16xf32, #tpu.memory_space<vmem>>)
    %dma_wait3A_1383 = arith.constant 43 : i32
    %dma_wait3A_1384 = arith.constant 1 : i32
    %dma_wait3A_1385 = arith.constant 512 : i32
    %dma_wait3A_1386 = arith.constant 0 : i32
    %dma_wait3A_1387 = tpu.memref_slice %arg6[%dma_wait3A_1384, %dma_wait3A_1385, %dma_wait3A_1386] : memref<2x1664x16xf32, #tpu.memory_space<vmem>> -> memref<1x128x16xf32, #tpu.memory_space<vmem>>
    %dma_wait3A_1388 = tpu.memref_squeeze %dma_wait3A_1387 : memref<1x128x16xf32, #tpu.memory_space<vmem>> -> memref<128x16xf32, #tpu.memory_space<vmem>>
    %dma_wait3A_1389 = arith.constant 0 : i32
    %dma_wait3A_1390 = tpu.memref_slice %arg5[%dma_wait3A_1383, %dma_wait3A_1389] : memref<104x128xi32, #tpu.memory_space<vmem>> -> memref<1x128xi32, #tpu.memory_space<vmem>>
    %dma_wait3A_1391 = tpu.memref_squeeze %dma_wait3A_1390 : memref<1x128xi32, #tpu.memory_space<vmem>> -> memref<128xi32, #tpu.memory_space<vmem>>
    %dma_wait3A_1392 = arith.constant 0 : i32
    %dma_wait3A_1393 = arith.constant 0 : i32
    %dma_wait3A_1394 = tpu.memref_slice %arg2[%dma_wait3A_1392, %dma_wait3A_1393] : memref<26000x16xf32, #tpu.memory_space<hbm>> -> memref<26000x16xf32, #tpu.memory_space<hbm>>
    tpu.wait_indirect_dma semaphore(%arg7 : memref<!tpu.dma_semaphore, #tpu.memory_space<semaphore_mem>>) src(%dma_wait3A_1394 : memref<26000x16xf32, #tpu.memory_space<hbm>>) dst(%dma_wait3A_1388 : memref<128x16xf32, #tpu.memory_space<vmem>>)
    %dma_wait3A_1395 = arith.constant 44 : i32
    %dma_wait3A_1396 = arith.constant 1 : i32
    %dma_wait3A_1397 = arith.constant 640 : i32
    %dma_wait3A_1398 = arith.constant 0 : i32
    %dma_wait3A_1399 = tpu.memref_slice %arg6[%dma_wait3A_1396, %dma_wait3A_1397, %dma_wait3A_1398] : memref<2x1664x16xf32, #tpu.memory_space<vmem>> -> memref<1x128x16xf32, #tpu.memory_space<vmem>>
    %dma_wait3A_1400 = tpu.memref_squeeze %dma_wait3A_1399 : memref<1x128x16xf32, #tpu.memory_space<vmem>> -> memref<128x16xf32, #tpu.memory_space<vmem>>
    %dma_wait3A_1401 = arith.constant 0 : i32
    %dma_wait3A_1402 = tpu.memref_slice %arg5[%dma_wait3A_1395, %dma_wait3A_1401] : memref<104x128xi32, #tpu.memory_space<vmem>> -> memref<1x128xi32, #tpu.memory_space<vmem>>
    %dma_wait3A_1403 = tpu.memref_squeeze %dma_wait3A_1402 : memref<1x128xi32, #tpu.memory_space<vmem>> -> memref<128xi32, #tpu.memory_space<vmem>>
    %dma_wait3A_1404 = arith.constant 0 : i32
    %dma_wait3A_1405 = arith.constant 0 : i32
    %dma_wait3A_1406 = tpu.memref_slice %arg2[%dma_wait3A_1404, %dma_wait3A_1405] : memref<26000x16xf32, #tpu.memory_space<hbm>> -> memref<26000x16xf32, #tpu.memory_space<hbm>>
    tpu.wait_indirect_dma semaphore(%arg7 : memref<!tpu.dma_semaphore, #tpu.memory_space<semaphore_mem>>) src(%dma_wait3A_1406 : memref<26000x16xf32, #tpu.memory_space<hbm>>) dst(%dma_wait3A_1400 : memref<128x16xf32, #tpu.memory_space<vmem>>)
    %dma_wait3A_1407 = arith.constant 45 : i32
    %dma_wait3A_1408 = arith.constant 1 : i32
    %dma_wait3A_1409 = arith.constant 768 : i32
    %dma_wait3A_1410 = arith.constant 0 : i32
    %dma_wait3A_1411 = tpu.memref_slice %arg6[%dma_wait3A_1408, %dma_wait3A_1409, %dma_wait3A_1410] : memref<2x1664x16xf32, #tpu.memory_space<vmem>> -> memref<1x128x16xf32, #tpu.memory_space<vmem>>
    %dma_wait3A_1412 = tpu.memref_squeeze %dma_wait3A_1411 : memref<1x128x16xf32, #tpu.memory_space<vmem>> -> memref<128x16xf32, #tpu.memory_space<vmem>>
    %dma_wait3A_1413 = arith.constant 0 : i32
    %dma_wait3A_1414 = tpu.memref_slice %arg5[%dma_wait3A_1407, %dma_wait3A_1413] : memref<104x128xi32, #tpu.memory_space<vmem>> -> memref<1x128xi32, #tpu.memory_space<vmem>>
    %dma_wait3A_1415 = tpu.memref_squeeze %dma_wait3A_1414 : memref<1x128xi32, #tpu.memory_space<vmem>> -> memref<128xi32, #tpu.memory_space<vmem>>
    %dma_wait3A_1416 = arith.constant 0 : i32
    %dma_wait3A_1417 = arith.constant 0 : i32
    %dma_wait3A_1418 = tpu.memref_slice %arg2[%dma_wait3A_1416, %dma_wait3A_1417] : memref<26000x16xf32, #tpu.memory_space<hbm>> -> memref<26000x16xf32, #tpu.memory_space<hbm>>
    tpu.wait_indirect_dma semaphore(%arg7 : memref<!tpu.dma_semaphore, #tpu.memory_space<semaphore_mem>>) src(%dma_wait3A_1418 : memref<26000x16xf32, #tpu.memory_space<hbm>>) dst(%dma_wait3A_1412 : memref<128x16xf32, #tpu.memory_space<vmem>>)
    %dma_wait3A_1419 = arith.constant 46 : i32
    %dma_wait3A_1420 = arith.constant 1 : i32
    %dma_wait3A_1421 = arith.constant 896 : i32
    %dma_wait3A_1422 = arith.constant 0 : i32
    %dma_wait3A_1423 = tpu.memref_slice %arg6[%dma_wait3A_1420, %dma_wait3A_1421, %dma_wait3A_1422] : memref<2x1664x16xf32, #tpu.memory_space<vmem>> -> memref<1x128x16xf32, #tpu.memory_space<vmem>>
    %dma_wait3A_1424 = tpu.memref_squeeze %dma_wait3A_1423 : memref<1x128x16xf32, #tpu.memory_space<vmem>> -> memref<128x16xf32, #tpu.memory_space<vmem>>
    %dma_wait3A_1425 = arith.constant 0 : i32
    %dma_wait3A_1426 = tpu.memref_slice %arg5[%dma_wait3A_1419, %dma_wait3A_1425] : memref<104x128xi32, #tpu.memory_space<vmem>> -> memref<1x128xi32, #tpu.memory_space<vmem>>
    %dma_wait3A_1427 = tpu.memref_squeeze %dma_wait3A_1426 : memref<1x128xi32, #tpu.memory_space<vmem>> -> memref<128xi32, #tpu.memory_space<vmem>>
    %dma_wait3A_1428 = arith.constant 0 : i32
    %dma_wait3A_1429 = arith.constant 0 : i32
    %dma_wait3A_1430 = tpu.memref_slice %arg2[%dma_wait3A_1428, %dma_wait3A_1429] : memref<26000x16xf32, #tpu.memory_space<hbm>> -> memref<26000x16xf32, #tpu.memory_space<hbm>>
    tpu.wait_indirect_dma semaphore(%arg7 : memref<!tpu.dma_semaphore, #tpu.memory_space<semaphore_mem>>) src(%dma_wait3A_1430 : memref<26000x16xf32, #tpu.memory_space<hbm>>) dst(%dma_wait3A_1424 : memref<128x16xf32, #tpu.memory_space<vmem>>)
    %dma_wait3A_1431 = arith.constant 47 : i32
    %dma_wait3A_1432 = arith.constant 1 : i32
    %dma_wait3A_1433 = arith.constant 1024 : i32
    %dma_wait3A_1434 = arith.constant 0 : i32
    %dma_wait3A_1435 = tpu.memref_slice %arg6[%dma_wait3A_1432, %dma_wait3A_1433, %dma_wait3A_1434] : memref<2x1664x16xf32, #tpu.memory_space<vmem>> -> memref<1x128x16xf32, #tpu.memory_space<vmem>>
    %dma_wait3A_1436 = tpu.memref_squeeze %dma_wait3A_1435 : memref<1x128x16xf32, #tpu.memory_space<vmem>> -> memref<128x16xf32, #tpu.memory_space<vmem>>
    %dma_wait3A_1437 = arith.constant 0 : i32
    %dma_wait3A_1438 = tpu.memref_slice %arg5[%dma_wait3A_1431, %dma_wait3A_1437] : memref<104x128xi32, #tpu.memory_space<vmem>> -> memref<1x128xi32, #tpu.memory_space<vmem>>
    %dma_wait3A_1439 = tpu.memref_squeeze %dma_wait3A_1438 : memref<1x128xi32, #tpu.memory_space<vmem>> -> memref<128xi32, #tpu.memory_space<vmem>>
    %dma_wait3A_1440 = arith.constant 0 : i32
    %dma_wait3A_1441 = arith.constant 0 : i32
    %dma_wait3A_1442 = tpu.memref_slice %arg2[%dma_wait3A_1440, %dma_wait3A_1441] : memref<26000x16xf32, #tpu.memory_space<hbm>> -> memref<26000x16xf32, #tpu.memory_space<hbm>>
    tpu.wait_indirect_dma semaphore(%arg7 : memref<!tpu.dma_semaphore, #tpu.memory_space<semaphore_mem>>) src(%dma_wait3A_1442 : memref<26000x16xf32, #tpu.memory_space<hbm>>) dst(%dma_wait3A_1436 : memref<128x16xf32, #tpu.memory_space<vmem>>)
    %dma_wait3A_1443 = arith.constant 48 : i32
    %dma_wait3A_1444 = arith.constant 1 : i32
    %dma_wait3A_1445 = arith.constant 1152 : i32
    %dma_wait3A_1446 = arith.constant 0 : i32
    %dma_wait3A_1447 = tpu.memref_slice %arg6[%dma_wait3A_1444, %dma_wait3A_1445, %dma_wait3A_1446] : memref<2x1664x16xf32, #tpu.memory_space<vmem>> -> memref<1x128x16xf32, #tpu.memory_space<vmem>>
    %dma_wait3A_1448 = tpu.memref_squeeze %dma_wait3A_1447 : memref<1x128x16xf32, #tpu.memory_space<vmem>> -> memref<128x16xf32, #tpu.memory_space<vmem>>
    %dma_wait3A_1449 = arith.constant 0 : i32
    %dma_wait3A_1450 = tpu.memref_slice %arg5[%dma_wait3A_1443, %dma_wait3A_1449] : memref<104x128xi32, #tpu.memory_space<vmem>> -> memref<1x128xi32, #tpu.memory_space<vmem>>
    %dma_wait3A_1451 = tpu.memref_squeeze %dma_wait3A_1450 : memref<1x128xi32, #tpu.memory_space<vmem>> -> memref<128xi32, #tpu.memory_space<vmem>>
    %dma_wait3A_1452 = arith.constant 0 : i32
    %dma_wait3A_1453 = arith.constant 0 : i32
    %dma_wait3A_1454 = tpu.memref_slice %arg2[%dma_wait3A_1452, %dma_wait3A_1453] : memref<26000x16xf32, #tpu.memory_space<hbm>> -> memref<26000x16xf32, #tpu.memory_space<hbm>>
    tpu.wait_indirect_dma semaphore(%arg7 : memref<!tpu.dma_semaphore, #tpu.memory_space<semaphore_mem>>) src(%dma_wait3A_1454 : memref<26000x16xf32, #tpu.memory_space<hbm>>) dst(%dma_wait3A_1448 : memref<128x16xf32, #tpu.memory_space<vmem>>)
    %dma_wait3A_1455 = arith.constant 49 : i32
    %dma_wait3A_1456 = arith.constant 1 : i32
    %dma_wait3A_1457 = arith.constant 1280 : i32
    %dma_wait3A_1458 = arith.constant 0 : i32
    %dma_wait3A_1459 = tpu.memref_slice %arg6[%dma_wait3A_1456, %dma_wait3A_1457, %dma_wait3A_1458] : memref<2x1664x16xf32, #tpu.memory_space<vmem>> -> memref<1x128x16xf32, #tpu.memory_space<vmem>>
    %dma_wait3A_1460 = tpu.memref_squeeze %dma_wait3A_1459 : memref<1x128x16xf32, #tpu.memory_space<vmem>> -> memref<128x16xf32, #tpu.memory_space<vmem>>
    %dma_wait3A_1461 = arith.constant 0 : i32
    %dma_wait3A_1462 = tpu.memref_slice %arg5[%dma_wait3A_1455, %dma_wait3A_1461] : memref<104x128xi32, #tpu.memory_space<vmem>> -> memref<1x128xi32, #tpu.memory_space<vmem>>
    %dma_wait3A_1463 = tpu.memref_squeeze %dma_wait3A_1462 : memref<1x128xi32, #tpu.memory_space<vmem>> -> memref<128xi32, #tpu.memory_space<vmem>>
    %dma_wait3A_1464 = arith.constant 0 : i32
    %dma_wait3A_1465 = arith.constant 0 : i32
    %dma_wait3A_1466 = tpu.memref_slice %arg2[%dma_wait3A_1464, %dma_wait3A_1465] : memref<26000x16xf32, #tpu.memory_space<hbm>> -> memref<26000x16xf32, #tpu.memory_space<hbm>>
    tpu.wait_indirect_dma semaphore(%arg7 : memref<!tpu.dma_semaphore, #tpu.memory_space<semaphore_mem>>) src(%dma_wait3A_1466 : memref<26000x16xf32, #tpu.memory_space<hbm>>) dst(%dma_wait3A_1460 : memref<128x16xf32, #tpu.memory_space<vmem>>)
    %dma_wait3A_1467 = arith.constant 50 : i32
    %dma_wait3A_1468 = arith.constant 1 : i32
    %dma_wait3A_1469 = arith.constant 1408 : i32
    %dma_wait3A_1470 = arith.constant 0 : i32
    %dma_wait3A_1471 = tpu.memref_slice %arg6[%dma_wait3A_1468, %dma_wait3A_1469, %dma_wait3A_1470] : memref<2x1664x16xf32, #tpu.memory_space<vmem>> -> memref<1x128x16xf32, #tpu.memory_space<vmem>>
    %dma_wait3A_1472 = tpu.memref_squeeze %dma_wait3A_1471 : memref<1x128x16xf32, #tpu.memory_space<vmem>> -> memref<128x16xf32, #tpu.memory_space<vmem>>
    %dma_wait3A_1473 = arith.constant 0 : i32
    %dma_wait3A_1474 = tpu.memref_slice %arg5[%dma_wait3A_1467, %dma_wait3A_1473] : memref<104x128xi32, #tpu.memory_space<vmem>> -> memref<1x128xi32, #tpu.memory_space<vmem>>
    %dma_wait3A_1475 = tpu.memref_squeeze %dma_wait3A_1474 : memref<1x128xi32, #tpu.memory_space<vmem>> -> memref<128xi32, #tpu.memory_space<vmem>>
    %dma_wait3A_1476 = arith.constant 0 : i32
    %dma_wait3A_1477 = arith.constant 0 : i32
    %dma_wait3A_1478 = tpu.memref_slice %arg2[%dma_wait3A_1476, %dma_wait3A_1477] : memref<26000x16xf32, #tpu.memory_space<hbm>> -> memref<26000x16xf32, #tpu.memory_space<hbm>>
    tpu.wait_indirect_dma semaphore(%arg7 : memref<!tpu.dma_semaphore, #tpu.memory_space<semaphore_mem>>) src(%dma_wait3A_1478 : memref<26000x16xf32, #tpu.memory_space<hbm>>) dst(%dma_wait3A_1472 : memref<128x16xf32, #tpu.memory_space<vmem>>)
    %dma_wait3A_1479 = arith.constant 51 : i32
    %dma_wait3A_1480 = arith.constant 1 : i32
    %dma_wait3A_1481 = arith.constant 1536 : i32
    %dma_wait3A_1482 = arith.constant 0 : i32
    %dma_wait3A_1483 = tpu.memref_slice %arg6[%dma_wait3A_1480, %dma_wait3A_1481, %dma_wait3A_1482] : memref<2x1664x16xf32, #tpu.memory_space<vmem>> -> memref<1x128x16xf32, #tpu.memory_space<vmem>>
    %dma_wait3A_1484 = tpu.memref_squeeze %dma_wait3A_1483 : memref<1x128x16xf32, #tpu.memory_space<vmem>> -> memref<128x16xf32, #tpu.memory_space<vmem>>
    %dma_wait3A_1485 = arith.constant 0 : i32
    %dma_wait3A_1486 = tpu.memref_slice %arg5[%dma_wait3A_1479, %dma_wait3A_1485] : memref<104x128xi32, #tpu.memory_space<vmem>> -> memref<1x128xi32, #tpu.memory_space<vmem>>
    %dma_wait3A_1487 = tpu.memref_squeeze %dma_wait3A_1486 : memref<1x128xi32, #tpu.memory_space<vmem>> -> memref<128xi32, #tpu.memory_space<vmem>>
    %dma_wait3A_1488 = arith.constant 0 : i32
    %dma_wait3A_1489 = arith.constant 0 : i32
    %dma_wait3A_1490 = tpu.memref_slice %arg2[%dma_wait3A_1488, %dma_wait3A_1489] : memref<26000x16xf32, #tpu.memory_space<hbm>> -> memref<26000x16xf32, #tpu.memory_space<hbm>>
    tpu.wait_indirect_dma semaphore(%arg7 : memref<!tpu.dma_semaphore, #tpu.memory_space<semaphore_mem>>) src(%dma_wait3A_1490 : memref<26000x16xf32, #tpu.memory_space<hbm>>) dst(%dma_wait3A_1484 : memref<128x16xf32, #tpu.memory_space<vmem>>)
    %add3A_1491 = arith.constant 4992 : i32
    %add3A_1492 = arith.addi %mul3A_2, %add3A_1491 : i32
    %dma_start3A_1493 = arith.constant 1 : i32
    %dma_start3A_1494 = arith.constant 0 : i32
    %dma_start3A_1495 = arith.constant 0 : i32
    %dma_start3A_1496 = tpu.memref_slice %arg6[%dma_start3A_1493, %dma_start3A_1494, %dma_start3A_1495] : memref<2x1664x16xf32, #tpu.memory_space<vmem>> -> memref<1x1664x16xf32, #tpu.memory_space<vmem>>
    %dma_start3A_1497 = tpu.memref_squeeze %dma_start3A_1496 : memref<1x1664x16xf32, #tpu.memory_space<vmem>> -> memref<1664x16xf32, #tpu.memory_space<vmem>>
    %dma_start3A_1498 = arith.constant 0 : i32
    %dma_start3A_1499 = tpu.memref_slice %arg4[%add3A_1492, %dma_start3A_1498] : memref<425984x16xf32, #tpu.memory_space<hbm>> -> memref<1664x16xf32, #tpu.memory_space<hbm>>
    %dma_start3A_1500 = arith.constant 0 : i32
    %dma_start3A_1501 = tpu.memref_slice %arg4[%add3A_1492, %dma_start3A_1500] : memref<425984x16xf32, #tpu.memory_space<hbm>> -> memref<1664x16xf32, #tpu.memory_space<hbm>>
    %dma_start3A_1502 = arith.constant 0 : i32
    %dma_start3A_1503 = arith.constant 0 : i32
    %dma_start3A_1504 = tpu.memref_slice %arg6[%dma_start3A_1493, %dma_start3A_1502, %dma_start3A_1503] : memref<2x1664x16xf32, #tpu.memory_space<vmem>> -> memref<1x1664x16xf32, #tpu.memory_space<vmem>>
    %dma_start3A_1505 = tpu.memref_squeeze %dma_start3A_1504 : memref<1x1664x16xf32, #tpu.memory_space<vmem>> -> memref<1664x16xf32, #tpu.memory_space<vmem>>
    tpu.enqueue_dma source(%dma_start3A_1505 : memref<1664x16xf32, #tpu.memory_space<vmem>>) target(%dma_start3A_1501 : memref<1664x16xf32, #tpu.memory_space<hbm>>) target_semaphore(%arg8 : memref<!tpu.dma_semaphore, #tpu.memory_space<semaphore_mem>>)
    %dma_wait3A_1506 = arith.constant 1 : i32
    %dma_wait3A_1507 = arith.constant 0 : i32
    %dma_wait3A_1508 = arith.constant 0 : i32
    %dma_wait3A_1509 = tpu.memref_slice %arg6[%dma_wait3A_1506, %dma_wait3A_1507, %dma_wait3A_1508] : memref<2x1664x16xf32, #tpu.memory_space<vmem>> -> memref<1x1664x16xf32, #tpu.memory_space<vmem>>
    %dma_wait3A_1510 = tpu.memref_squeeze %dma_wait3A_1509 : memref<1x1664x16xf32, #tpu.memory_space<vmem>> -> memref<1664x16xf32, #tpu.memory_space<vmem>>
    %dma_wait3A_1511 = arith.constant 0 : i32
    %dma_wait3A_1512 = tpu.memref_slice %arg4[%add3A_1492, %dma_wait3A_1511] : memref<425984x16xf32, #tpu.memory_space<hbm>> -> memref<1664x16xf32, #tpu.memory_space<hbm>>
    %dma_wait3A_1513 = arith.constant 0 : i32
    %dma_wait3A_1514 = tpu.memref_slice %arg4[%add3A_1492, %dma_wait3A_1513] : memref<425984x16xf32, #tpu.memory_space<hbm>> -> memref<1664x16xf32, #tpu.memory_space<hbm>>
    %dma_wait3A_1515 = arith.constant 0 : i32
    %dma_wait3A_1516 = arith.constant 0 : i32
    %dma_wait3A_1517 = tpu.memref_slice %arg6[%dma_wait3A_1506, %dma_wait3A_1515, %dma_wait3A_1516] : memref<2x1664x16xf32, #tpu.memory_space<vmem>> -> memref<1x1664x16xf32, #tpu.memory_space<vmem>>
    %dma_wait3A_1518 = tpu.memref_squeeze %dma_wait3A_1517 : memref<1x1664x16xf32, #tpu.memory_space<vmem>> -> memref<1664x16xf32, #tpu.memory_space<vmem>>
    tpu.wait_dma2 semaphore(%arg8 : memref<!tpu.dma_semaphore, #tpu.memory_space<semaphore_mem>>) src(%dma_wait3A_1518 : memref<1664x16xf32, #tpu.memory_space<vmem>>) dst(%dma_wait3A_1514 : memref<1664x16xf32, #tpu.memory_space<hbm>>)
    %dma_start3A_1519 = arith.constant 65 : i32
    %dma_start3A_1520 = arith.constant 1 : i32
    %dma_start3A_1521 = arith.constant 0 : i32
    %dma_start3A_1522 = arith.constant 0 : i32
    %dma_start3A_1523 = tpu.memref_slice %arg6[%dma_start3A_1520, %dma_start3A_1521, %dma_start3A_1522] : memref<2x1664x16xf32, #tpu.memory_space<vmem>> -> memref<1x128x16xf32, #tpu.memory_space<vmem>>
    %dma_start3A_1524 = tpu.memref_squeeze %dma_start3A_1523 : memref<1x128x16xf32, #tpu.memory_space<vmem>> -> memref<128x16xf32, #tpu.memory_space<vmem>>
    %dma_start3A_1525 = arith.constant 0 : i32
    %dma_start3A_1526 = tpu.memref_slice %arg5[%dma_start3A_1519, %dma_start3A_1525] : memref<104x128xi32, #tpu.memory_space<vmem>> -> memref<1x128xi32, #tpu.memory_space<vmem>>
    %dma_start3A_1527 = tpu.memref_squeeze %dma_start3A_1526 : memref<1x128xi32, #tpu.memory_space<vmem>> -> memref<128xi32, #tpu.memory_space<vmem>>
    %dma_start3A_1528 = arith.constant 0 : i32
    %dma_start3A_1529 = arith.constant 0 : i32
    %dma_start3A_1530 = tpu.memref_slice %arg2[%dma_start3A_1528, %dma_start3A_1529] : memref<26000x16xf32, #tpu.memory_space<hbm>> -> memref<26000x16xf32, #tpu.memory_space<hbm>>
    tpu.enqueue_indirect_dma source(%dma_start3A_1530 : memref<26000x16xf32, #tpu.memory_space<hbm>>) target(%dma_start3A_1524 : memref<128x16xf32, #tpu.memory_space<vmem>>) offsets(%dma_start3A_1527 : memref<128xi32, #tpu.memory_space<vmem>>) semaphore(%arg7 : memref<!tpu.dma_semaphore, #tpu.memory_space<semaphore_mem>>)
    %dma_start3A_1531 = arith.constant 66 : i32
    %dma_start3A_1532 = arith.constant 1 : i32
    %dma_start3A_1533 = arith.constant 128 : i32
    %dma_start3A_1534 = arith.constant 0 : i32
    %dma_start3A_1535 = tpu.memref_slice %arg6[%dma_start3A_1532, %dma_start3A_1533, %dma_start3A_1534] : memref<2x1664x16xf32, #tpu.memory_space<vmem>> -> memref<1x128x16xf32, #tpu.memory_space<vmem>>
    %dma_start3A_1536 = tpu.memref_squeeze %dma_start3A_1535 : memref<1x128x16xf32, #tpu.memory_space<vmem>> -> memref<128x16xf32, #tpu.memory_space<vmem>>
    %dma_start3A_1537 = arith.constant 0 : i32
    %dma_start3A_1538 = tpu.memref_slice %arg5[%dma_start3A_1531, %dma_start3A_1537] : memref<104x128xi32, #tpu.memory_space<vmem>> -> memref<1x128xi32, #tpu.memory_space<vmem>>
    %dma_start3A_1539 = tpu.memref_squeeze %dma_start3A_1538 : memref<1x128xi32, #tpu.memory_space<vmem>> -> memref<128xi32, #tpu.memory_space<vmem>>
    %dma_start3A_1540 = arith.constant 0 : i32
    %dma_start3A_1541 = arith.constant 0 : i32
    %dma_start3A_1542 = tpu.memref_slice %arg2[%dma_start3A_1540, %dma_start3A_1541] : memref<26000x16xf32, #tpu.memory_space<hbm>> -> memref<26000x16xf32, #tpu.memory_space<hbm>>
    tpu.enqueue_indirect_dma source(%dma_start3A_1542 : memref<26000x16xf32, #tpu.memory_space<hbm>>) target(%dma_start3A_1536 : memref<128x16xf32, #tpu.memory_space<vmem>>) offsets(%dma_start3A_1539 : memref<128xi32, #tpu.memory_space<vmem>>) semaphore(%arg7 : memref<!tpu.dma_semaphore, #tpu.memory_space<semaphore_mem>>)
    %dma_start3A_1543 = arith.constant 67 : i32
    %dma_start3A_1544 = arith.constant 1 : i32
    %dma_start3A_1545 = arith.constant 256 : i32
    %dma_start3A_1546 = arith.constant 0 : i32
    %dma_start3A_1547 = tpu.memref_slice %arg6[%dma_start3A_1544, %dma_start3A_1545, %dma_start3A_1546] : memref<2x1664x16xf32, #tpu.memory_space<vmem>> -> memref<1x128x16xf32, #tpu.memory_space<vmem>>
    %dma_start3A_1548 = tpu.memref_squeeze %dma_start3A_1547 : memref<1x128x16xf32, #tpu.memory_space<vmem>> -> memref<128x16xf32, #tpu.memory_space<vmem>>
    %dma_start3A_1549 = arith.constant 0 : i32
    %dma_start3A_1550 = tpu.memref_slice %arg5[%dma_start3A_1543, %dma_start3A_1549] : memref<104x128xi32, #tpu.memory_space<vmem>> -> memref<1x128xi32, #tpu.memory_space<vmem>>
    %dma_start3A_1551 = tpu.memref_squeeze %dma_start3A_1550 : memref<1x128xi32, #tpu.memory_space<vmem>> -> memref<128xi32, #tpu.memory_space<vmem>>
    %dma_start3A_1552 = arith.constant 0 : i32
    %dma_start3A_1553 = arith.constant 0 : i32
    %dma_start3A_1554 = tpu.memref_slice %arg2[%dma_start3A_1552, %dma_start3A_1553] : memref<26000x16xf32, #tpu.memory_space<hbm>> -> memref<26000x16xf32, #tpu.memory_space<hbm>>
    tpu.enqueue_indirect_dma source(%dma_start3A_1554 : memref<26000x16xf32, #tpu.memory_space<hbm>>) target(%dma_start3A_1548 : memref<128x16xf32, #tpu.memory_space<vmem>>) offsets(%dma_start3A_1551 : memref<128xi32, #tpu.memory_space<vmem>>) semaphore(%arg7 : memref<!tpu.dma_semaphore, #tpu.memory_space<semaphore_mem>>)
    %dma_start3A_1555 = arith.constant 68 : i32
    %dma_start3A_1556 = arith.constant 1 : i32
    %dma_start3A_1557 = arith.constant 384 : i32
    %dma_start3A_1558 = arith.constant 0 : i32
    %dma_start3A_1559 = tpu.memref_slice %arg6[%dma_start3A_1556, %dma_start3A_1557, %dma_start3A_1558] : memref<2x1664x16xf32, #tpu.memory_space<vmem>> -> memref<1x128x16xf32, #tpu.memory_space<vmem>>
    %dma_start3A_1560 = tpu.memref_squeeze %dma_start3A_1559 : memref<1x128x16xf32, #tpu.memory_space<vmem>> -> memref<128x16xf32, #tpu.memory_space<vmem>>
    %dma_start3A_1561 = arith.constant 0 : i32
    %dma_start3A_1562 = tpu.memref_slice %arg5[%dma_start3A_1555, %dma_start3A_1561] : memref<104x128xi32, #tpu.memory_space<vmem>> -> memref<1x128xi32, #tpu.memory_space<vmem>>
    %dma_start3A_1563 = tpu.memref_squeeze %dma_start3A_1562 : memref<1x128xi32, #tpu.memory_space<vmem>> -> memref<128xi32, #tpu.memory_space<vmem>>
    %dma_start3A_1564 = arith.constant 0 : i32
    %dma_start3A_1565 = arith.constant 0 : i32
    %dma_start3A_1566 = tpu.memref_slice %arg2[%dma_start3A_1564, %dma_start3A_1565] : memref<26000x16xf32, #tpu.memory_space<hbm>> -> memref<26000x16xf32, #tpu.memory_space<hbm>>
    tpu.enqueue_indirect_dma source(%dma_start3A_1566 : memref<26000x16xf32, #tpu.memory_space<hbm>>) target(%dma_start3A_1560 : memref<128x16xf32, #tpu.memory_space<vmem>>) offsets(%dma_start3A_1563 : memref<128xi32, #tpu.memory_space<vmem>>) semaphore(%arg7 : memref<!tpu.dma_semaphore, #tpu.memory_space<semaphore_mem>>)
    %dma_start3A_1567 = arith.constant 69 : i32
    %dma_start3A_1568 = arith.constant 1 : i32
    %dma_start3A_1569 = arith.constant 512 : i32
    %dma_start3A_1570 = arith.constant 0 : i32
    %dma_start3A_1571 = tpu.memref_slice %arg6[%dma_start3A_1568, %dma_start3A_1569, %dma_start3A_1570] : memref<2x1664x16xf32, #tpu.memory_space<vmem>> -> memref<1x128x16xf32, #tpu.memory_space<vmem>>
    %dma_start3A_1572 = tpu.memref_squeeze %dma_start3A_1571 : memref<1x128x16xf32, #tpu.memory_space<vmem>> -> memref<128x16xf32, #tpu.memory_space<vmem>>
    %dma_start3A_1573 = arith.constant 0 : i32
    %dma_start3A_1574 = tpu.memref_slice %arg5[%dma_start3A_1567, %dma_start3A_1573] : memref<104x128xi32, #tpu.memory_space<vmem>> -> memref<1x128xi32, #tpu.memory_space<vmem>>
    %dma_start3A_1575 = tpu.memref_squeeze %dma_start3A_1574 : memref<1x128xi32, #tpu.memory_space<vmem>> -> memref<128xi32, #tpu.memory_space<vmem>>
    %dma_start3A_1576 = arith.constant 0 : i32
    %dma_start3A_1577 = arith.constant 0 : i32
    %dma_start3A_1578 = tpu.memref_slice %arg2[%dma_start3A_1576, %dma_start3A_1577] : memref<26000x16xf32, #tpu.memory_space<hbm>> -> memref<26000x16xf32, #tpu.memory_space<hbm>>
    tpu.enqueue_indirect_dma source(%dma_start3A_1578 : memref<26000x16xf32, #tpu.memory_space<hbm>>) target(%dma_start3A_1572 : memref<128x16xf32, #tpu.memory_space<vmem>>) offsets(%dma_start3A_1575 : memref<128xi32, #tpu.memory_space<vmem>>) semaphore(%arg7 : memref<!tpu.dma_semaphore, #tpu.memory_space<semaphore_mem>>)
    %dma_start3A_1579 = arith.constant 70 : i32
    %dma_start3A_1580 = arith.constant 1 : i32
    %dma_start3A_1581 = arith.constant 640 : i32
    %dma_start3A_1582 = arith.constant 0 : i32
    %dma_start3A_1583 = tpu.memref_slice %arg6[%dma_start3A_1580, %dma_start3A_1581, %dma_start3A_1582] : memref<2x1664x16xf32, #tpu.memory_space<vmem>> -> memref<1x128x16xf32, #tpu.memory_space<vmem>>
    %dma_start3A_1584 = tpu.memref_squeeze %dma_start3A_1583 : memref<1x128x16xf32, #tpu.memory_space<vmem>> -> memref<128x16xf32, #tpu.memory_space<vmem>>
    %dma_start3A_1585 = arith.constant 0 : i32
    %dma_start3A_1586 = tpu.memref_slice %arg5[%dma_start3A_1579, %dma_start3A_1585] : memref<104x128xi32, #tpu.memory_space<vmem>> -> memref<1x128xi32, #tpu.memory_space<vmem>>
    %dma_start3A_1587 = tpu.memref_squeeze %dma_start3A_1586 : memref<1x128xi32, #tpu.memory_space<vmem>> -> memref<128xi32, #tpu.memory_space<vmem>>
    %dma_start3A_1588 = arith.constant 0 : i32
    %dma_start3A_1589 = arith.constant 0 : i32
    %dma_start3A_1590 = tpu.memref_slice %arg2[%dma_start3A_1588, %dma_start3A_1589] : memref<26000x16xf32, #tpu.memory_space<hbm>> -> memref<26000x16xf32, #tpu.memory_space<hbm>>
    tpu.enqueue_indirect_dma source(%dma_start3A_1590 : memref<26000x16xf32, #tpu.memory_space<hbm>>) target(%dma_start3A_1584 : memref<128x16xf32, #tpu.memory_space<vmem>>) offsets(%dma_start3A_1587 : memref<128xi32, #tpu.memory_space<vmem>>) semaphore(%arg7 : memref<!tpu.dma_semaphore, #tpu.memory_space<semaphore_mem>>)
    %dma_start3A_1591 = arith.constant 71 : i32
    %dma_start3A_1592 = arith.constant 1 : i32
    %dma_start3A_1593 = arith.constant 768 : i32
    %dma_start3A_1594 = arith.constant 0 : i32
    %dma_start3A_1595 = tpu.memref_slice %arg6[%dma_start3A_1592, %dma_start3A_1593, %dma_start3A_1594] : memref<2x1664x16xf32, #tpu.memory_space<vmem>> -> memref<1x128x16xf32, #tpu.memory_space<vmem>>
    %dma_start3A_1596 = tpu.memref_squeeze %dma_start3A_1595 : memref<1x128x16xf32, #tpu.memory_space<vmem>> -> memref<128x16xf32, #tpu.memory_space<vmem>>
    %dma_start3A_1597 = arith.constant 0 : i32
    %dma_start3A_1598 = tpu.memref_slice %arg5[%dma_start3A_1591, %dma_start3A_1597] : memref<104x128xi32, #tpu.memory_space<vmem>> -> memref<1x128xi32, #tpu.memory_space<vmem>>
    %dma_start3A_1599 = tpu.memref_squeeze %dma_start3A_1598 : memref<1x128xi32, #tpu.memory_space<vmem>> -> memref<128xi32, #tpu.memory_space<vmem>>
    %dma_start3A_1600 = arith.constant 0 : i32
    %dma_start3A_1601 = arith.constant 0 : i32
    %dma_start3A_1602 = tpu.memref_slice %arg2[%dma_start3A_1600, %dma_start3A_1601] : memref<26000x16xf32, #tpu.memory_space<hbm>> -> memref<26000x16xf32, #tpu.memory_space<hbm>>
    tpu.enqueue_indirect_dma source(%dma_start3A_1602 : memref<26000x16xf32, #tpu.memory_space<hbm>>) target(%dma_start3A_1596 : memref<128x16xf32, #tpu.memory_space<vmem>>) offsets(%dma_start3A_1599 : memref<128xi32, #tpu.memory_space<vmem>>) semaphore(%arg7 : memref<!tpu.dma_semaphore, #tpu.memory_space<semaphore_mem>>)
    %dma_start3A_1603 = arith.constant 72 : i32
    %dma_start3A_1604 = arith.constant 1 : i32
    %dma_start3A_1605 = arith.constant 896 : i32
    %dma_start3A_1606 = arith.constant 0 : i32
    %dma_start3A_1607 = tpu.memref_slice %arg6[%dma_start3A_1604, %dma_start3A_1605, %dma_start3A_1606] : memref<2x1664x16xf32, #tpu.memory_space<vmem>> -> memref<1x128x16xf32, #tpu.memory_space<vmem>>
    %dma_start3A_1608 = tpu.memref_squeeze %dma_start3A_1607 : memref<1x128x16xf32, #tpu.memory_space<vmem>> -> memref<128x16xf32, #tpu.memory_space<vmem>>
    %dma_start3A_1609 = arith.constant 0 : i32
    %dma_start3A_1610 = tpu.memref_slice %arg5[%dma_start3A_1603, %dma_start3A_1609] : memref<104x128xi32, #tpu.memory_space<vmem>> -> memref<1x128xi32, #tpu.memory_space<vmem>>
    %dma_start3A_1611 = tpu.memref_squeeze %dma_start3A_1610 : memref<1x128xi32, #tpu.memory_space<vmem>> -> memref<128xi32, #tpu.memory_space<vmem>>
    %dma_start3A_1612 = arith.constant 0 : i32
    %dma_start3A_1613 = arith.constant 0 : i32
    %dma_start3A_1614 = tpu.memref_slice %arg2[%dma_start3A_1612, %dma_start3A_1613] : memref<26000x16xf32, #tpu.memory_space<hbm>> -> memref<26000x16xf32, #tpu.memory_space<hbm>>
    tpu.enqueue_indirect_dma source(%dma_start3A_1614 : memref<26000x16xf32, #tpu.memory_space<hbm>>) target(%dma_start3A_1608 : memref<128x16xf32, #tpu.memory_space<vmem>>) offsets(%dma_start3A_1611 : memref<128xi32, #tpu.memory_space<vmem>>) semaphore(%arg7 : memref<!tpu.dma_semaphore, #tpu.memory_space<semaphore_mem>>)
    %dma_start3A_1615 = arith.constant 73 : i32
    %dma_start3A_1616 = arith.constant 1 : i32
    %dma_start3A_1617 = arith.constant 1024 : i32
    %dma_start3A_1618 = arith.constant 0 : i32
    %dma_start3A_1619 = tpu.memref_slice %arg6[%dma_start3A_1616, %dma_start3A_1617, %dma_start3A_1618] : memref<2x1664x16xf32, #tpu.memory_space<vmem>> -> memref<1x128x16xf32, #tpu.memory_space<vmem>>
    %dma_start3A_1620 = tpu.memref_squeeze %dma_start3A_1619 : memref<1x128x16xf32, #tpu.memory_space<vmem>> -> memref<128x16xf32, #tpu.memory_space<vmem>>
    %dma_start3A_1621 = arith.constant 0 : i32
    %dma_start3A_1622 = tpu.memref_slice %arg5[%dma_start3A_1615, %dma_start3A_1621] : memref<104x128xi32, #tpu.memory_space<vmem>> -> memref<1x128xi32, #tpu.memory_space<vmem>>
    %dma_start3A_1623 = tpu.memref_squeeze %dma_start3A_1622 : memref<1x128xi32, #tpu.memory_space<vmem>> -> memref<128xi32, #tpu.memory_space<vmem>>
    %dma_start3A_1624 = arith.constant 0 : i32
    %dma_start3A_1625 = arith.constant 0 : i32
    %dma_start3A_1626 = tpu.memref_slice %arg2[%dma_start3A_1624, %dma_start3A_1625] : memref<26000x16xf32, #tpu.memory_space<hbm>> -> memref<26000x16xf32, #tpu.memory_space<hbm>>
    tpu.enqueue_indirect_dma source(%dma_start3A_1626 : memref<26000x16xf32, #tpu.memory_space<hbm>>) target(%dma_start3A_1620 : memref<128x16xf32, #tpu.memory_space<vmem>>) offsets(%dma_start3A_1623 : memref<128xi32, #tpu.memory_space<vmem>>) semaphore(%arg7 : memref<!tpu.dma_semaphore, #tpu.memory_space<semaphore_mem>>)
    %dma_start3A_1627 = arith.constant 74 : i32
    %dma_start3A_1628 = arith.constant 1 : i32
    %dma_start3A_1629 = arith.constant 1152 : i32
    %dma_start3A_1630 = arith.constant 0 : i32
    %dma_start3A_1631 = tpu.memref_slice %arg6[%dma_start3A_1628, %dma_start3A_1629, %dma_start3A_1630] : memref<2x1664x16xf32, #tpu.memory_space<vmem>> -> memref<1x128x16xf32, #tpu.memory_space<vmem>>
    %dma_start3A_1632 = tpu.memref_squeeze %dma_start3A_1631 : memref<1x128x16xf32, #tpu.memory_space<vmem>> -> memref<128x16xf32, #tpu.memory_space<vmem>>
    %dma_start3A_1633 = arith.constant 0 : i32
    %dma_start3A_1634 = tpu.memref_slice %arg5[%dma_start3A_1627, %dma_start3A_1633] : memref<104x128xi32, #tpu.memory_space<vmem>> -> memref<1x128xi32, #tpu.memory_space<vmem>>
    %dma_start3A_1635 = tpu.memref_squeeze %dma_start3A_1634 : memref<1x128xi32, #tpu.memory_space<vmem>> -> memref<128xi32, #tpu.memory_space<vmem>>
    %dma_start3A_1636 = arith.constant 0 : i32
    %dma_start3A_1637 = arith.constant 0 : i32
    %dma_start3A_1638 = tpu.memref_slice %arg2[%dma_start3A_1636, %dma_start3A_1637] : memref<26000x16xf32, #tpu.memory_space<hbm>> -> memref<26000x16xf32, #tpu.memory_space<hbm>>
    tpu.enqueue_indirect_dma source(%dma_start3A_1638 : memref<26000x16xf32, #tpu.memory_space<hbm>>) target(%dma_start3A_1632 : memref<128x16xf32, #tpu.memory_space<vmem>>) offsets(%dma_start3A_1635 : memref<128xi32, #tpu.memory_space<vmem>>) semaphore(%arg7 : memref<!tpu.dma_semaphore, #tpu.memory_space<semaphore_mem>>)
    %dma_start3A_1639 = arith.constant 75 : i32
    %dma_start3A_1640 = arith.constant 1 : i32
    %dma_start3A_1641 = arith.constant 1280 : i32
    %dma_start3A_1642 = arith.constant 0 : i32
    %dma_start3A_1643 = tpu.memref_slice %arg6[%dma_start3A_1640, %dma_start3A_1641, %dma_start3A_1642] : memref<2x1664x16xf32, #tpu.memory_space<vmem>> -> memref<1x128x16xf32, #tpu.memory_space<vmem>>
    %dma_start3A_1644 = tpu.memref_squeeze %dma_start3A_1643 : memref<1x128x16xf32, #tpu.memory_space<vmem>> -> memref<128x16xf32, #tpu.memory_space<vmem>>
    %dma_start3A_1645 = arith.constant 0 : i32
    %dma_start3A_1646 = tpu.memref_slice %arg5[%dma_start3A_1639, %dma_start3A_1645] : memref<104x128xi32, #tpu.memory_space<vmem>> -> memref<1x128xi32, #tpu.memory_space<vmem>>
    %dma_start3A_1647 = tpu.memref_squeeze %dma_start3A_1646 : memref<1x128xi32, #tpu.memory_space<vmem>> -> memref<128xi32, #tpu.memory_space<vmem>>
    %dma_start3A_1648 = arith.constant 0 : i32
    %dma_start3A_1649 = arith.constant 0 : i32
    %dma_start3A_1650 = tpu.memref_slice %arg2[%dma_start3A_1648, %dma_start3A_1649] : memref<26000x16xf32, #tpu.memory_space<hbm>> -> memref<26000x16xf32, #tpu.memory_space<hbm>>
    tpu.enqueue_indirect_dma source(%dma_start3A_1650 : memref<26000x16xf32, #tpu.memory_space<hbm>>) target(%dma_start3A_1644 : memref<128x16xf32, #tpu.memory_space<vmem>>) offsets(%dma_start3A_1647 : memref<128xi32, #tpu.memory_space<vmem>>) semaphore(%arg7 : memref<!tpu.dma_semaphore, #tpu.memory_space<semaphore_mem>>)
    %dma_start3A_1651 = arith.constant 76 : i32
    %dma_start3A_1652 = arith.constant 1 : i32
    %dma_start3A_1653 = arith.constant 1408 : i32
    %dma_start3A_1654 = arith.constant 0 : i32
    %dma_start3A_1655 = tpu.memref_slice %arg6[%dma_start3A_1652, %dma_start3A_1653, %dma_start3A_1654] : memref<2x1664x16xf32, #tpu.memory_space<vmem>> -> memref<1x128x16xf32, #tpu.memory_space<vmem>>
    %dma_start3A_1656 = tpu.memref_squeeze %dma_start3A_1655 : memref<1x128x16xf32, #tpu.memory_space<vmem>> -> memref<128x16xf32, #tpu.memory_space<vmem>>
    %dma_start3A_1657 = arith.constant 0 : i32
    %dma_start3A_1658 = tpu.memref_slice %arg5[%dma_start3A_1651, %dma_start3A_1657] : memref<104x128xi32, #tpu.memory_space<vmem>> -> memref<1x128xi32, #tpu.memory_space<vmem>>
    %dma_start3A_1659 = tpu.memref_squeeze %dma_start3A_1658 : memref<1x128xi32, #tpu.memory_space<vmem>> -> memref<128xi32, #tpu.memory_space<vmem>>
    %dma_start3A_1660 = arith.constant 0 : i32
    %dma_start3A_1661 = arith.constant 0 : i32
    %dma_start3A_1662 = tpu.memref_slice %arg2[%dma_start3A_1660, %dma_start3A_1661] : memref<26000x16xf32, #tpu.memory_space<hbm>> -> memref<26000x16xf32, #tpu.memory_space<hbm>>
    tpu.enqueue_indirect_dma source(%dma_start3A_1662 : memref<26000x16xf32, #tpu.memory_space<hbm>>) target(%dma_start3A_1656 : memref<128x16xf32, #tpu.memory_space<vmem>>) offsets(%dma_start3A_1659 : memref<128xi32, #tpu.memory_space<vmem>>) semaphore(%arg7 : memref<!tpu.dma_semaphore, #tpu.memory_space<semaphore_mem>>)
    %dma_start3A_1663 = arith.constant 77 : i32
    %dma_start3A_1664 = arith.constant 1 : i32
    %dma_start3A_1665 = arith.constant 1536 : i32
    %dma_start3A_1666 = arith.constant 0 : i32
    %dma_start3A_1667 = tpu.memref_slice %arg6[%dma_start3A_1664, %dma_start3A_1665, %dma_start3A_1666] : memref<2x1664x16xf32, #tpu.memory_space<vmem>> -> memref<1x128x16xf32, #tpu.memory_space<vmem>>
    %dma_start3A_1668 = tpu.memref_squeeze %dma_start3A_1667 : memref<1x128x16xf32, #tpu.memory_space<vmem>> -> memref<128x16xf32, #tpu.memory_space<vmem>>
    %dma_start3A_1669 = arith.constant 0 : i32
    %dma_start3A_1670 = tpu.memref_slice %arg5[%dma_start3A_1663, %dma_start3A_1669] : memref<104x128xi32, #tpu.memory_space<vmem>> -> memref<1x128xi32, #tpu.memory_space<vmem>>
    %dma_start3A_1671 = tpu.memref_squeeze %dma_start3A_1670 : memref<1x128xi32, #tpu.memory_space<vmem>> -> memref<128xi32, #tpu.memory_space<vmem>>
    %dma_start3A_1672 = arith.constant 0 : i32
    %dma_start3A_1673 = arith.constant 0 : i32
    %dma_start3A_1674 = tpu.memref_slice %arg2[%dma_start3A_1672, %dma_start3A_1673] : memref<26000x16xf32, #tpu.memory_space<hbm>> -> memref<26000x16xf32, #tpu.memory_space<hbm>>
    tpu.enqueue_indirect_dma source(%dma_start3A_1674 : memref<26000x16xf32, #tpu.memory_space<hbm>>) target(%dma_start3A_1668 : memref<128x16xf32, #tpu.memory_space<vmem>>) offsets(%dma_start3A_1671 : memref<128xi32, #tpu.memory_space<vmem>>) semaphore(%arg7 : memref<!tpu.dma_semaphore, #tpu.memory_space<semaphore_mem>>)
    %dma_wait3A_1675 = arith.constant 52 : i32
    %dma_wait3A_1676 = arith.constant 0 : i32
    %dma_wait3A_1677 = arith.constant 0 : i32
    %dma_wait3A_1678 = arith.constant 0 : i32
    %dma_wait3A_1679 = tpu.memref_slice %arg6[%dma_wait3A_1676, %dma_wait3A_1677, %dma_wait3A_1678] : memref<2x1664x16xf32, #tpu.memory_space<vmem>> -> memref<1x128x16xf32, #tpu.memory_space<vmem>>
    %dma_wait3A_1680 = tpu.memref_squeeze %dma_wait3A_1679 : memref<1x128x16xf32, #tpu.memory_space<vmem>> -> memref<128x16xf32, #tpu.memory_space<vmem>>
    %dma_wait3A_1681 = arith.constant 0 : i32
    %dma_wait3A_1682 = tpu.memref_slice %arg5[%dma_wait3A_1675, %dma_wait3A_1681] : memref<104x128xi32, #tpu.memory_space<vmem>> -> memref<1x128xi32, #tpu.memory_space<vmem>>
    %dma_wait3A_1683 = tpu.memref_squeeze %dma_wait3A_1682 : memref<1x128xi32, #tpu.memory_space<vmem>> -> memref<128xi32, #tpu.memory_space<vmem>>
    %dma_wait3A_1684 = arith.constant 0 : i32
    %dma_wait3A_1685 = arith.constant 0 : i32
    %dma_wait3A_1686 = tpu.memref_slice %arg2[%dma_wait3A_1684, %dma_wait3A_1685] : memref<26000x16xf32, #tpu.memory_space<hbm>> -> memref<26000x16xf32, #tpu.memory_space<hbm>>
    tpu.wait_indirect_dma semaphore(%arg7 : memref<!tpu.dma_semaphore, #tpu.memory_space<semaphore_mem>>) src(%dma_wait3A_1686 : memref<26000x16xf32, #tpu.memory_space<hbm>>) dst(%dma_wait3A_1680 : memref<128x16xf32, #tpu.memory_space<vmem>>)
    %dma_wait3A_1687 = arith.constant 53 : i32
    %dma_wait3A_1688 = arith.constant 0 : i32
    %dma_wait3A_1689 = arith.constant 128 : i32
    %dma_wait3A_1690 = arith.constant 0 : i32
    %dma_wait3A_1691 = tpu.memref_slice %arg6[%dma_wait3A_1688, %dma_wait3A_1689, %dma_wait3A_1690] : memref<2x1664x16xf32, #tpu.memory_space<vmem>> -> memref<1x128x16xf32, #tpu.memory_space<vmem>>
    %dma_wait3A_1692 = tpu.memref_squeeze %dma_wait3A_1691 : memref<1x128x16xf32, #tpu.memory_space<vmem>> -> memref<128x16xf32, #tpu.memory_space<vmem>>
    %dma_wait3A_1693 = arith.constant 0 : i32
    %dma_wait3A_1694 = tpu.memref_slice %arg5[%dma_wait3A_1687, %dma_wait3A_1693] : memref<104x128xi32, #tpu.memory_space<vmem>> -> memref<1x128xi32, #tpu.memory_space<vmem>>
    %dma_wait3A_1695 = tpu.memref_squeeze %dma_wait3A_1694 : memref<1x128xi32, #tpu.memory_space<vmem>> -> memref<128xi32, #tpu.memory_space<vmem>>
    %dma_wait3A_1696 = arith.constant 0 : i32
    %dma_wait3A_1697 = arith.constant 0 : i32
    %dma_wait3A_1698 = tpu.memref_slice %arg2[%dma_wait3A_1696, %dma_wait3A_1697] : memref<26000x16xf32, #tpu.memory_space<hbm>> -> memref<26000x16xf32, #tpu.memory_space<hbm>>
    tpu.wait_indirect_dma semaphore(%arg7 : memref<!tpu.dma_semaphore, #tpu.memory_space<semaphore_mem>>) src(%dma_wait3A_1698 : memref<26000x16xf32, #tpu.memory_space<hbm>>) dst(%dma_wait3A_1692 : memref<128x16xf32, #tpu.memory_space<vmem>>)
    %dma_wait3A_1699 = arith.constant 54 : i32
    %dma_wait3A_1700 = arith.constant 0 : i32
    %dma_wait3A_1701 = arith.constant 256 : i32
    %dma_wait3A_1702 = arith.constant 0 : i32
    %dma_wait3A_1703 = tpu.memref_slice %arg6[%dma_wait3A_1700, %dma_wait3A_1701, %dma_wait3A_1702] : memref<2x1664x16xf32, #tpu.memory_space<vmem>> -> memref<1x128x16xf32, #tpu.memory_space<vmem>>
    %dma_wait3A_1704 = tpu.memref_squeeze %dma_wait3A_1703 : memref<1x128x16xf32, #tpu.memory_space<vmem>> -> memref<128x16xf32, #tpu.memory_space<vmem>>
    %dma_wait3A_1705 = arith.constant 0 : i32
    %dma_wait3A_1706 = tpu.memref_slice %arg5[%dma_wait3A_1699, %dma_wait3A_1705] : memref<104x128xi32, #tpu.memory_space<vmem>> -> memref<1x128xi32, #tpu.memory_space<vmem>>
    %dma_wait3A_1707 = tpu.memref_squeeze %dma_wait3A_1706 : memref<1x128xi32, #tpu.memory_space<vmem>> -> memref<128xi32, #tpu.memory_space<vmem>>
    %dma_wait3A_1708 = arith.constant 0 : i32
    %dma_wait3A_1709 = arith.constant 0 : i32
    %dma_wait3A_1710 = tpu.memref_slice %arg2[%dma_wait3A_1708, %dma_wait3A_1709] : memref<26000x16xf32, #tpu.memory_space<hbm>> -> memref<26000x16xf32, #tpu.memory_space<hbm>>
    tpu.wait_indirect_dma semaphore(%arg7 : memref<!tpu.dma_semaphore, #tpu.memory_space<semaphore_mem>>) src(%dma_wait3A_1710 : memref<26000x16xf32, #tpu.memory_space<hbm>>) dst(%dma_wait3A_1704 : memref<128x16xf32, #tpu.memory_space<vmem>>)
    %dma_wait3A_1711 = arith.constant 55 : i32
    %dma_wait3A_1712 = arith.constant 0 : i32
    %dma_wait3A_1713 = arith.constant 384 : i32
    %dma_wait3A_1714 = arith.constant 0 : i32
    %dma_wait3A_1715 = tpu.memref_slice %arg6[%dma_wait3A_1712, %dma_wait3A_1713, %dma_wait3A_1714] : memref<2x1664x16xf32, #tpu.memory_space<vmem>> -> memref<1x128x16xf32, #tpu.memory_space<vmem>>
    %dma_wait3A_1716 = tpu.memref_squeeze %dma_wait3A_1715 : memref<1x128x16xf32, #tpu.memory_space<vmem>> -> memref<128x16xf32, #tpu.memory_space<vmem>>
    %dma_wait3A_1717 = arith.constant 0 : i32
    %dma_wait3A_1718 = tpu.memref_slice %arg5[%dma_wait3A_1711, %dma_wait3A_1717] : memref<104x128xi32, #tpu.memory_space<vmem>> -> memref<1x128xi32, #tpu.memory_space<vmem>>
    %dma_wait3A_1719 = tpu.memref_squeeze %dma_wait3A_1718 : memref<1x128xi32, #tpu.memory_space<vmem>> -> memref<128xi32, #tpu.memory_space<vmem>>
    %dma_wait3A_1720 = arith.constant 0 : i32
    %dma_wait3A_1721 = arith.constant 0 : i32
    %dma_wait3A_1722 = tpu.memref_slice %arg2[%dma_wait3A_1720, %dma_wait3A_1721] : memref<26000x16xf32, #tpu.memory_space<hbm>> -> memref<26000x16xf32, #tpu.memory_space<hbm>>
    tpu.wait_indirect_dma semaphore(%arg7 : memref<!tpu.dma_semaphore, #tpu.memory_space<semaphore_mem>>) src(%dma_wait3A_1722 : memref<26000x16xf32, #tpu.memory_space<hbm>>) dst(%dma_wait3A_1716 : memref<128x16xf32, #tpu.memory_space<vmem>>)
    %dma_wait3A_1723 = arith.constant 56 : i32
    %dma_wait3A_1724 = arith.constant 0 : i32
    %dma_wait3A_1725 = arith.constant 512 : i32
    %dma_wait3A_1726 = arith.constant 0 : i32
    %dma_wait3A_1727 = tpu.memref_slice %arg6[%dma_wait3A_1724, %dma_wait3A_1725, %dma_wait3A_1726] : memref<2x1664x16xf32, #tpu.memory_space<vmem>> -> memref<1x128x16xf32, #tpu.memory_space<vmem>>
    %dma_wait3A_1728 = tpu.memref_squeeze %dma_wait3A_1727 : memref<1x128x16xf32, #tpu.memory_space<vmem>> -> memref<128x16xf32, #tpu.memory_space<vmem>>
    %dma_wait3A_1729 = arith.constant 0 : i32
    %dma_wait3A_1730 = tpu.memref_slice %arg5[%dma_wait3A_1723, %dma_wait3A_1729] : memref<104x128xi32, #tpu.memory_space<vmem>> -> memref<1x128xi32, #tpu.memory_space<vmem>>
    %dma_wait3A_1731 = tpu.memref_squeeze %dma_wait3A_1730 : memref<1x128xi32, #tpu.memory_space<vmem>> -> memref<128xi32, #tpu.memory_space<vmem>>
    %dma_wait3A_1732 = arith.constant 0 : i32
    %dma_wait3A_1733 = arith.constant 0 : i32
    %dma_wait3A_1734 = tpu.memref_slice %arg2[%dma_wait3A_1732, %dma_wait3A_1733] : memref<26000x16xf32, #tpu.memory_space<hbm>> -> memref<26000x16xf32, #tpu.memory_space<hbm>>
    tpu.wait_indirect_dma semaphore(%arg7 : memref<!tpu.dma_semaphore, #tpu.memory_space<semaphore_mem>>) src(%dma_wait3A_1734 : memref<26000x16xf32, #tpu.memory_space<hbm>>) dst(%dma_wait3A_1728 : memref<128x16xf32, #tpu.memory_space<vmem>>)
    %dma_wait3A_1735 = arith.constant 57 : i32
    %dma_wait3A_1736 = arith.constant 0 : i32
    %dma_wait3A_1737 = arith.constant 640 : i32
    %dma_wait3A_1738 = arith.constant 0 : i32
    %dma_wait3A_1739 = tpu.memref_slice %arg6[%dma_wait3A_1736, %dma_wait3A_1737, %dma_wait3A_1738] : memref<2x1664x16xf32, #tpu.memory_space<vmem>> -> memref<1x128x16xf32, #tpu.memory_space<vmem>>
    %dma_wait3A_1740 = tpu.memref_squeeze %dma_wait3A_1739 : memref<1x128x16xf32, #tpu.memory_space<vmem>> -> memref<128x16xf32, #tpu.memory_space<vmem>>
    %dma_wait3A_1741 = arith.constant 0 : i32
    %dma_wait3A_1742 = tpu.memref_slice %arg5[%dma_wait3A_1735, %dma_wait3A_1741] : memref<104x128xi32, #tpu.memory_space<vmem>> -> memref<1x128xi32, #tpu.memory_space<vmem>>
    %dma_wait3A_1743 = tpu.memref_squeeze %dma_wait3A_1742 : memref<1x128xi32, #tpu.memory_space<vmem>> -> memref<128xi32, #tpu.memory_space<vmem>>
    %dma_wait3A_1744 = arith.constant 0 : i32
    %dma_wait3A_1745 = arith.constant 0 : i32
    %dma_wait3A_1746 = tpu.memref_slice %arg2[%dma_wait3A_1744, %dma_wait3A_1745] : memref<26000x16xf32, #tpu.memory_space<hbm>> -> memref<26000x16xf32, #tpu.memory_space<hbm>>
    tpu.wait_indirect_dma semaphore(%arg7 : memref<!tpu.dma_semaphore, #tpu.memory_space<semaphore_mem>>) src(%dma_wait3A_1746 : memref<26000x16xf32, #tpu.memory_space<hbm>>) dst(%dma_wait3A_1740 : memref<128x16xf32, #tpu.memory_space<vmem>>)
    %dma_wait3A_1747 = arith.constant 58 : i32
    %dma_wait3A_1748 = arith.constant 0 : i32
    %dma_wait3A_1749 = arith.constant 768 : i32
    %dma_wait3A_1750 = arith.constant 0 : i32
    %dma_wait3A_1751 = tpu.memref_slice %arg6[%dma_wait3A_1748, %dma_wait3A_1749, %dma_wait3A_1750] : memref<2x1664x16xf32, #tpu.memory_space<vmem>> -> memref<1x128x16xf32, #tpu.memory_space<vmem>>
    %dma_wait3A_1752 = tpu.memref_squeeze %dma_wait3A_1751 : memref<1x128x16xf32, #tpu.memory_space<vmem>> -> memref<128x16xf32, #tpu.memory_space<vmem>>
    %dma_wait3A_1753 = arith.constant 0 : i32
    %dma_wait3A_1754 = tpu.memref_slice %arg5[%dma_wait3A_1747, %dma_wait3A_1753] : memref<104x128xi32, #tpu.memory_space<vmem>> -> memref<1x128xi32, #tpu.memory_space<vmem>>
    %dma_wait3A_1755 = tpu.memref_squeeze %dma_wait3A_1754 : memref<1x128xi32, #tpu.memory_space<vmem>> -> memref<128xi32, #tpu.memory_space<vmem>>
    %dma_wait3A_1756 = arith.constant 0 : i32
    %dma_wait3A_1757 = arith.constant 0 : i32
    %dma_wait3A_1758 = tpu.memref_slice %arg2[%dma_wait3A_1756, %dma_wait3A_1757] : memref<26000x16xf32, #tpu.memory_space<hbm>> -> memref<26000x16xf32, #tpu.memory_space<hbm>>
    tpu.wait_indirect_dma semaphore(%arg7 : memref<!tpu.dma_semaphore, #tpu.memory_space<semaphore_mem>>) src(%dma_wait3A_1758 : memref<26000x16xf32, #tpu.memory_space<hbm>>) dst(%dma_wait3A_1752 : memref<128x16xf32, #tpu.memory_space<vmem>>)
    %dma_wait3A_1759 = arith.constant 59 : i32
    %dma_wait3A_1760 = arith.constant 0 : i32
    %dma_wait3A_1761 = arith.constant 896 : i32
    %dma_wait3A_1762 = arith.constant 0 : i32
    %dma_wait3A_1763 = tpu.memref_slice %arg6[%dma_wait3A_1760, %dma_wait3A_1761, %dma_wait3A_1762] : memref<2x1664x16xf32, #tpu.memory_space<vmem>> -> memref<1x128x16xf32, #tpu.memory_space<vmem>>
    %dma_wait3A_1764 = tpu.memref_squeeze %dma_wait3A_1763 : memref<1x128x16xf32, #tpu.memory_space<vmem>> -> memref<128x16xf32, #tpu.memory_space<vmem>>
    %dma_wait3A_1765 = arith.constant 0 : i32
    %dma_wait3A_1766 = tpu.memref_slice %arg5[%dma_wait3A_1759, %dma_wait3A_1765] : memref<104x128xi32, #tpu.memory_space<vmem>> -> memref<1x128xi32, #tpu.memory_space<vmem>>
    %dma_wait3A_1767 = tpu.memref_squeeze %dma_wait3A_1766 : memref<1x128xi32, #tpu.memory_space<vmem>> -> memref<128xi32, #tpu.memory_space<vmem>>
    %dma_wait3A_1768 = arith.constant 0 : i32
    %dma_wait3A_1769 = arith.constant 0 : i32
    %dma_wait3A_1770 = tpu.memref_slice %arg2[%dma_wait3A_1768, %dma_wait3A_1769] : memref<26000x16xf32, #tpu.memory_space<hbm>> -> memref<26000x16xf32, #tpu.memory_space<hbm>>
    tpu.wait_indirect_dma semaphore(%arg7 : memref<!tpu.dma_semaphore, #tpu.memory_space<semaphore_mem>>) src(%dma_wait3A_1770 : memref<26000x16xf32, #tpu.memory_space<hbm>>) dst(%dma_wait3A_1764 : memref<128x16xf32, #tpu.memory_space<vmem>>)
    %dma_wait3A_1771 = arith.constant 60 : i32
    %dma_wait3A_1772 = arith.constant 0 : i32
    %dma_wait3A_1773 = arith.constant 1024 : i32
    %dma_wait3A_1774 = arith.constant 0 : i32
    %dma_wait3A_1775 = tpu.memref_slice %arg6[%dma_wait3A_1772, %dma_wait3A_1773, %dma_wait3A_1774] : memref<2x1664x16xf32, #tpu.memory_space<vmem>> -> memref<1x128x16xf32, #tpu.memory_space<vmem>>
    %dma_wait3A_1776 = tpu.memref_squeeze %dma_wait3A_1775 : memref<1x128x16xf32, #tpu.memory_space<vmem>> -> memref<128x16xf32, #tpu.memory_space<vmem>>
    %dma_wait3A_1777 = arith.constant 0 : i32
    %dma_wait3A_1778 = tpu.memref_slice %arg5[%dma_wait3A_1771, %dma_wait3A_1777] : memref<104x128xi32, #tpu.memory_space<vmem>> -> memref<1x128xi32, #tpu.memory_space<vmem>>
    %dma_wait3A_1779 = tpu.memref_squeeze %dma_wait3A_1778 : memref<1x128xi32, #tpu.memory_space<vmem>> -> memref<128xi32, #tpu.memory_space<vmem>>
    %dma_wait3A_1780 = arith.constant 0 : i32
    %dma_wait3A_1781 = arith.constant 0 : i32
    %dma_wait3A_1782 = tpu.memref_slice %arg2[%dma_wait3A_1780, %dma_wait3A_1781] : memref<26000x16xf32, #tpu.memory_space<hbm>> -> memref<26000x16xf32, #tpu.memory_space<hbm>>
    tpu.wait_indirect_dma semaphore(%arg7 : memref<!tpu.dma_semaphore, #tpu.memory_space<semaphore_mem>>) src(%dma_wait3A_1782 : memref<26000x16xf32, #tpu.memory_space<hbm>>) dst(%dma_wait3A_1776 : memref<128x16xf32, #tpu.memory_space<vmem>>)
    %dma_wait3A_1783 = arith.constant 61 : i32
    %dma_wait3A_1784 = arith.constant 0 : i32
    %dma_wait3A_1785 = arith.constant 1152 : i32
    %dma_wait3A_1786 = arith.constant 0 : i32
    %dma_wait3A_1787 = tpu.memref_slice %arg6[%dma_wait3A_1784, %dma_wait3A_1785, %dma_wait3A_1786] : memref<2x1664x16xf32, #tpu.memory_space<vmem>> -> memref<1x128x16xf32, #tpu.memory_space<vmem>>
    %dma_wait3A_1788 = tpu.memref_squeeze %dma_wait3A_1787 : memref<1x128x16xf32, #tpu.memory_space<vmem>> -> memref<128x16xf32, #tpu.memory_space<vmem>>
    %dma_wait3A_1789 = arith.constant 0 : i32
    %dma_wait3A_1790 = tpu.memref_slice %arg5[%dma_wait3A_1783, %dma_wait3A_1789] : memref<104x128xi32, #tpu.memory_space<vmem>> -> memref<1x128xi32, #tpu.memory_space<vmem>>
    %dma_wait3A_1791 = tpu.memref_squeeze %dma_wait3A_1790 : memref<1x128xi32, #tpu.memory_space<vmem>> -> memref<128xi32, #tpu.memory_space<vmem>>
    %dma_wait3A_1792 = arith.constant 0 : i32
    %dma_wait3A_1793 = arith.constant 0 : i32
    %dma_wait3A_1794 = tpu.memref_slice %arg2[%dma_wait3A_1792, %dma_wait3A_1793] : memref<26000x16xf32, #tpu.memory_space<hbm>> -> memref<26000x16xf32, #tpu.memory_space<hbm>>
    tpu.wait_indirect_dma semaphore(%arg7 : memref<!tpu.dma_semaphore, #tpu.memory_space<semaphore_mem>>) src(%dma_wait3A_1794 : memref<26000x16xf32, #tpu.memory_space<hbm>>) dst(%dma_wait3A_1788 : memref<128x16xf32, #tpu.memory_space<vmem>>)
    %dma_wait3A_1795 = arith.constant 62 : i32
    %dma_wait3A_1796 = arith.constant 0 : i32
    %dma_wait3A_1797 = arith.constant 1280 : i32
    %dma_wait3A_1798 = arith.constant 0 : i32
    %dma_wait3A_1799 = tpu.memref_slice %arg6[%dma_wait3A_1796, %dma_wait3A_1797, %dma_wait3A_1798] : memref<2x1664x16xf32, #tpu.memory_space<vmem>> -> memref<1x128x16xf32, #tpu.memory_space<vmem>>
    %dma_wait3A_1800 = tpu.memref_squeeze %dma_wait3A_1799 : memref<1x128x16xf32, #tpu.memory_space<vmem>> -> memref<128x16xf32, #tpu.memory_space<vmem>>
    %dma_wait3A_1801 = arith.constant 0 : i32
    %dma_wait3A_1802 = tpu.memref_slice %arg5[%dma_wait3A_1795, %dma_wait3A_1801] : memref<104x128xi32, #tpu.memory_space<vmem>> -> memref<1x128xi32, #tpu.memory_space<vmem>>
    %dma_wait3A_1803 = tpu.memref_squeeze %dma_wait3A_1802 : memref<1x128xi32, #tpu.memory_space<vmem>> -> memref<128xi32, #tpu.memory_space<vmem>>
    %dma_wait3A_1804 = arith.constant 0 : i32
    %dma_wait3A_1805 = arith.constant 0 : i32
    %dma_wait3A_1806 = tpu.memref_slice %arg2[%dma_wait3A_1804, %dma_wait3A_1805] : memref<26000x16xf32, #tpu.memory_space<hbm>> -> memref<26000x16xf32, #tpu.memory_space<hbm>>
    tpu.wait_indirect_dma semaphore(%arg7 : memref<!tpu.dma_semaphore, #tpu.memory_space<semaphore_mem>>) src(%dma_wait3A_1806 : memref<26000x16xf32, #tpu.memory_space<hbm>>) dst(%dma_wait3A_1800 : memref<128x16xf32, #tpu.memory_space<vmem>>)
    %dma_wait3A_1807 = arith.constant 63 : i32
    %dma_wait3A_1808 = arith.constant 0 : i32
    %dma_wait3A_1809 = arith.constant 1408 : i32
    %dma_wait3A_1810 = arith.constant 0 : i32
    %dma_wait3A_1811 = tpu.memref_slice %arg6[%dma_wait3A_1808, %dma_wait3A_1809, %dma_wait3A_1810] : memref<2x1664x16xf32, #tpu.memory_space<vmem>> -> memref<1x128x16xf32, #tpu.memory_space<vmem>>
    %dma_wait3A_1812 = tpu.memref_squeeze %dma_wait3A_1811 : memref<1x128x16xf32, #tpu.memory_space<vmem>> -> memref<128x16xf32, #tpu.memory_space<vmem>>
    %dma_wait3A_1813 = arith.constant 0 : i32
    %dma_wait3A_1814 = tpu.memref_slice %arg5[%dma_wait3A_1807, %dma_wait3A_1813] : memref<104x128xi32, #tpu.memory_space<vmem>> -> memref<1x128xi32, #tpu.memory_space<vmem>>
    %dma_wait3A_1815 = tpu.memref_squeeze %dma_wait3A_1814 : memref<1x128xi32, #tpu.memory_space<vmem>> -> memref<128xi32, #tpu.memory_space<vmem>>
    %dma_wait3A_1816 = arith.constant 0 : i32
    %dma_wait3A_1817 = arith.constant 0 : i32
    %dma_wait3A_1818 = tpu.memref_slice %arg2[%dma_wait3A_1816, %dma_wait3A_1817] : memref<26000x16xf32, #tpu.memory_space<hbm>> -> memref<26000x16xf32, #tpu.memory_space<hbm>>
    tpu.wait_indirect_dma semaphore(%arg7 : memref<!tpu.dma_semaphore, #tpu.memory_space<semaphore_mem>>) src(%dma_wait3A_1818 : memref<26000x16xf32, #tpu.memory_space<hbm>>) dst(%dma_wait3A_1812 : memref<128x16xf32, #tpu.memory_space<vmem>>)
    %dma_wait3A_1819 = arith.constant 64 : i32
    %dma_wait3A_1820 = arith.constant 0 : i32
    %dma_wait3A_1821 = arith.constant 1536 : i32
    %dma_wait3A_1822 = arith.constant 0 : i32
    %dma_wait3A_1823 = tpu.memref_slice %arg6[%dma_wait3A_1820, %dma_wait3A_1821, %dma_wait3A_1822] : memref<2x1664x16xf32, #tpu.memory_space<vmem>> -> memref<1x128x16xf32, #tpu.memory_space<vmem>>
    %dma_wait3A_1824 = tpu.memref_squeeze %dma_wait3A_1823 : memref<1x128x16xf32, #tpu.memory_space<vmem>> -> memref<128x16xf32, #tpu.memory_space<vmem>>
    %dma_wait3A_1825 = arith.constant 0 : i32
    %dma_wait3A_1826 = tpu.memref_slice %arg5[%dma_wait3A_1819, %dma_wait3A_1825] : memref<104x128xi32, #tpu.memory_space<vmem>> -> memref<1x128xi32, #tpu.memory_space<vmem>>
    %dma_wait3A_1827 = tpu.memref_squeeze %dma_wait3A_1826 : memref<1x128xi32, #tpu.memory_space<vmem>> -> memref<128xi32, #tpu.memory_space<vmem>>
    %dma_wait3A_1828 = arith.constant 0 : i32
    %dma_wait3A_1829 = arith.constant 0 : i32
    %dma_wait3A_1830 = tpu.memref_slice %arg2[%dma_wait3A_1828, %dma_wait3A_1829] : memref<26000x16xf32, #tpu.memory_space<hbm>> -> memref<26000x16xf32, #tpu.memory_space<hbm>>
    tpu.wait_indirect_dma semaphore(%arg7 : memref<!tpu.dma_semaphore, #tpu.memory_space<semaphore_mem>>) src(%dma_wait3A_1830 : memref<26000x16xf32, #tpu.memory_space<hbm>>) dst(%dma_wait3A_1824 : memref<128x16xf32, #tpu.memory_space<vmem>>)
    %add3A_1831 = arith.constant 6656 : i32
    %add3A_1832 = arith.addi %mul3A_2, %add3A_1831 : i32
    %dma_start3A_1833 = arith.constant 0 : i32
    %dma_start3A_1834 = arith.constant 0 : i32
    %dma_start3A_1835 = arith.constant 0 : i32
    %dma_start3A_1836 = tpu.memref_slice %arg6[%dma_start3A_1833, %dma_start3A_1834, %dma_start3A_1835] : memref<2x1664x16xf32, #tpu.memory_space<vmem>> -> memref<1x1664x16xf32, #tpu.memory_space<vmem>>
    %dma_start3A_1837 = tpu.memref_squeeze %dma_start3A_1836 : memref<1x1664x16xf32, #tpu.memory_space<vmem>> -> memref<1664x16xf32, #tpu.memory_space<vmem>>
    %dma_start3A_1838 = arith.constant 0 : i32
    %dma_start3A_1839 = tpu.memref_slice %arg4[%add3A_1832, %dma_start3A_1838] : memref<425984x16xf32, #tpu.memory_space<hbm>> -> memref<1664x16xf32, #tpu.memory_space<hbm>>
    %dma_start3A_1840 = arith.constant 0 : i32
    %dma_start3A_1841 = tpu.memref_slice %arg4[%add3A_1832, %dma_start3A_1840] : memref<425984x16xf32, #tpu.memory_space<hbm>> -> memref<1664x16xf32, #tpu.memory_space<hbm>>
    %dma_start3A_1842 = arith.constant 0 : i32
    %dma_start3A_1843 = arith.constant 0 : i32
    %dma_start3A_1844 = tpu.memref_slice %arg6[%dma_start3A_1833, %dma_start3A_1842, %dma_start3A_1843] : memref<2x1664x16xf32, #tpu.memory_space<vmem>> -> memref<1x1664x16xf32, #tpu.memory_space<vmem>>
    %dma_start3A_1845 = tpu.memref_squeeze %dma_start3A_1844 : memref<1x1664x16xf32, #tpu.memory_space<vmem>> -> memref<1664x16xf32, #tpu.memory_space<vmem>>
    tpu.enqueue_dma source(%dma_start3A_1845 : memref<1664x16xf32, #tpu.memory_space<vmem>>) target(%dma_start3A_1841 : memref<1664x16xf32, #tpu.memory_space<hbm>>) target_semaphore(%arg8 : memref<!tpu.dma_semaphore, #tpu.memory_space<semaphore_mem>>)
    %dma_wait3A_1846 = arith.constant 0 : i32
    %dma_wait3A_1847 = arith.constant 0 : i32
    %dma_wait3A_1848 = arith.constant 0 : i32
    %dma_wait3A_1849 = tpu.memref_slice %arg6[%dma_wait3A_1846, %dma_wait3A_1847, %dma_wait3A_1848] : memref<2x1664x16xf32, #tpu.memory_space<vmem>> -> memref<1x1664x16xf32, #tpu.memory_space<vmem>>
    %dma_wait3A_1850 = tpu.memref_squeeze %dma_wait3A_1849 : memref<1x1664x16xf32, #tpu.memory_space<vmem>> -> memref<1664x16xf32, #tpu.memory_space<vmem>>
    %dma_wait3A_1851 = arith.constant 0 : i32
    %dma_wait3A_1852 = tpu.memref_slice %arg4[%add3A_1832, %dma_wait3A_1851] : memref<425984x16xf32, #tpu.memory_space<hbm>> -> memref<1664x16xf32, #tpu.memory_space<hbm>>
    %dma_wait3A_1853 = arith.constant 0 : i32
    %dma_wait3A_1854 = tpu.memref_slice %arg4[%add3A_1832, %dma_wait3A_1853] : memref<425984x16xf32, #tpu.memory_space<hbm>> -> memref<1664x16xf32, #tpu.memory_space<hbm>>
    %dma_wait3A_1855 = arith.constant 0 : i32
    %dma_wait3A_1856 = arith.constant 0 : i32
    %dma_wait3A_1857 = tpu.memref_slice %arg6[%dma_wait3A_1846, %dma_wait3A_1855, %dma_wait3A_1856] : memref<2x1664x16xf32, #tpu.memory_space<vmem>> -> memref<1x1664x16xf32, #tpu.memory_space<vmem>>
    %dma_wait3A_1858 = tpu.memref_squeeze %dma_wait3A_1857 : memref<1x1664x16xf32, #tpu.memory_space<vmem>> -> memref<1664x16xf32, #tpu.memory_space<vmem>>
    tpu.wait_dma2 semaphore(%arg8 : memref<!tpu.dma_semaphore, #tpu.memory_space<semaphore_mem>>) src(%dma_wait3A_1858 : memref<1664x16xf32, #tpu.memory_space<vmem>>) dst(%dma_wait3A_1854 : memref<1664x16xf32, #tpu.memory_space<hbm>>)
    %dma_start3A_1859 = arith.constant 78 : i32
    %dma_start3A_1860 = arith.constant 0 : i32
    %dma_start3A_1861 = arith.constant 0 : i32
    %dma_start3A_1862 = arith.constant 0 : i32
    %dma_start3A_1863 = tpu.memref_slice %arg6[%dma_start3A_1860, %dma_start3A_1861, %dma_start3A_1862] : memref<2x1664x16xf32, #tpu.memory_space<vmem>> -> memref<1x128x16xf32, #tpu.memory_space<vmem>>
    %dma_start3A_1864 = tpu.memref_squeeze %dma_start3A_1863 : memref<1x128x16xf32, #tpu.memory_space<vmem>> -> memref<128x16xf32, #tpu.memory_space<vmem>>
    %dma_start3A_1865 = arith.constant 0 : i32
    %dma_start3A_1866 = tpu.memref_slice %arg5[%dma_start3A_1859, %dma_start3A_1865] : memref<104x128xi32, #tpu.memory_space<vmem>> -> memref<1x128xi32, #tpu.memory_space<vmem>>
    %dma_start3A_1867 = tpu.memref_squeeze %dma_start3A_1866 : memref<1x128xi32, #tpu.memory_space<vmem>> -> memref<128xi32, #tpu.memory_space<vmem>>
    %dma_start3A_1868 = arith.constant 0 : i32
    %dma_start3A_1869 = arith.constant 0 : i32
    %dma_start3A_1870 = tpu.memref_slice %arg2[%dma_start3A_1868, %dma_start3A_1869] : memref<26000x16xf32, #tpu.memory_space<hbm>> -> memref<26000x16xf32, #tpu.memory_space<hbm>>
    tpu.enqueue_indirect_dma source(%dma_start3A_1870 : memref<26000x16xf32, #tpu.memory_space<hbm>>) target(%dma_start3A_1864 : memref<128x16xf32, #tpu.memory_space<vmem>>) offsets(%dma_start3A_1867 : memref<128xi32, #tpu.memory_space<vmem>>) semaphore(%arg7 : memref<!tpu.dma_semaphore, #tpu.memory_space<semaphore_mem>>)
    %dma_start3A_1871 = arith.constant 79 : i32
    %dma_start3A_1872 = arith.constant 0 : i32
    %dma_start3A_1873 = arith.constant 128 : i32
    %dma_start3A_1874 = arith.constant 0 : i32
    %dma_start3A_1875 = tpu.memref_slice %arg6[%dma_start3A_1872, %dma_start3A_1873, %dma_start3A_1874] : memref<2x1664x16xf32, #tpu.memory_space<vmem>> -> memref<1x128x16xf32, #tpu.memory_space<vmem>>
    %dma_start3A_1876 = tpu.memref_squeeze %dma_start3A_1875 : memref<1x128x16xf32, #tpu.memory_space<vmem>> -> memref<128x16xf32, #tpu.memory_space<vmem>>
    %dma_start3A_1877 = arith.constant 0 : i32
    %dma_start3A_1878 = tpu.memref_slice %arg5[%dma_start3A_1871, %dma_start3A_1877] : memref<104x128xi32, #tpu.memory_space<vmem>> -> memref<1x128xi32, #tpu.memory_space<vmem>>
    %dma_start3A_1879 = tpu.memref_squeeze %dma_start3A_1878 : memref<1x128xi32, #tpu.memory_space<vmem>> -> memref<128xi32, #tpu.memory_space<vmem>>
    %dma_start3A_1880 = arith.constant 0 : i32
    %dma_start3A_1881 = arith.constant 0 : i32
    %dma_start3A_1882 = tpu.memref_slice %arg2[%dma_start3A_1880, %dma_start3A_1881] : memref<26000x16xf32, #tpu.memory_space<hbm>> -> memref<26000x16xf32, #tpu.memory_space<hbm>>
    tpu.enqueue_indirect_dma source(%dma_start3A_1882 : memref<26000x16xf32, #tpu.memory_space<hbm>>) target(%dma_start3A_1876 : memref<128x16xf32, #tpu.memory_space<vmem>>) offsets(%dma_start3A_1879 : memref<128xi32, #tpu.memory_space<vmem>>) semaphore(%arg7 : memref<!tpu.dma_semaphore, #tpu.memory_space<semaphore_mem>>)
    %dma_start3A_1883 = arith.constant 80 : i32
    %dma_start3A_1884 = arith.constant 0 : i32
    %dma_start3A_1885 = arith.constant 256 : i32
    %dma_start3A_1886 = arith.constant 0 : i32
    %dma_start3A_1887 = tpu.memref_slice %arg6[%dma_start3A_1884, %dma_start3A_1885, %dma_start3A_1886] : memref<2x1664x16xf32, #tpu.memory_space<vmem>> -> memref<1x128x16xf32, #tpu.memory_space<vmem>>
    %dma_start3A_1888 = tpu.memref_squeeze %dma_start3A_1887 : memref<1x128x16xf32, #tpu.memory_space<vmem>> -> memref<128x16xf32, #tpu.memory_space<vmem>>
    %dma_start3A_1889 = arith.constant 0 : i32
    %dma_start3A_1890 = tpu.memref_slice %arg5[%dma_start3A_1883, %dma_start3A_1889] : memref<104x128xi32, #tpu.memory_space<vmem>> -> memref<1x128xi32, #tpu.memory_space<vmem>>
    %dma_start3A_1891 = tpu.memref_squeeze %dma_start3A_1890 : memref<1x128xi32, #tpu.memory_space<vmem>> -> memref<128xi32, #tpu.memory_space<vmem>>
    %dma_start3A_1892 = arith.constant 0 : i32
    %dma_start3A_1893 = arith.constant 0 : i32
    %dma_start3A_1894 = tpu.memref_slice %arg2[%dma_start3A_1892, %dma_start3A_1893] : memref<26000x16xf32, #tpu.memory_space<hbm>> -> memref<26000x16xf32, #tpu.memory_space<hbm>>
    tpu.enqueue_indirect_dma source(%dma_start3A_1894 : memref<26000x16xf32, #tpu.memory_space<hbm>>) target(%dma_start3A_1888 : memref<128x16xf32, #tpu.memory_space<vmem>>) offsets(%dma_start3A_1891 : memref<128xi32, #tpu.memory_space<vmem>>) semaphore(%arg7 : memref<!tpu.dma_semaphore, #tpu.memory_space<semaphore_mem>>)
    %dma_start3A_1895 = arith.constant 81 : i32
    %dma_start3A_1896 = arith.constant 0 : i32
    %dma_start3A_1897 = arith.constant 384 : i32
    %dma_start3A_1898 = arith.constant 0 : i32
    %dma_start3A_1899 = tpu.memref_slice %arg6[%dma_start3A_1896, %dma_start3A_1897, %dma_start3A_1898] : memref<2x1664x16xf32, #tpu.memory_space<vmem>> -> memref<1x128x16xf32, #tpu.memory_space<vmem>>
    %dma_start3A_1900 = tpu.memref_squeeze %dma_start3A_1899 : memref<1x128x16xf32, #tpu.memory_space<vmem>> -> memref<128x16xf32, #tpu.memory_space<vmem>>
    %dma_start3A_1901 = arith.constant 0 : i32
    %dma_start3A_1902 = tpu.memref_slice %arg5[%dma_start3A_1895, %dma_start3A_1901] : memref<104x128xi32, #tpu.memory_space<vmem>> -> memref<1x128xi32, #tpu.memory_space<vmem>>
    %dma_start3A_1903 = tpu.memref_squeeze %dma_start3A_1902 : memref<1x128xi32, #tpu.memory_space<vmem>> -> memref<128xi32, #tpu.memory_space<vmem>>
    %dma_start3A_1904 = arith.constant 0 : i32
    %dma_start3A_1905 = arith.constant 0 : i32
    %dma_start3A_1906 = tpu.memref_slice %arg2[%dma_start3A_1904, %dma_start3A_1905] : memref<26000x16xf32, #tpu.memory_space<hbm>> -> memref<26000x16xf32, #tpu.memory_space<hbm>>
    tpu.enqueue_indirect_dma source(%dma_start3A_1906 : memref<26000x16xf32, #tpu.memory_space<hbm>>) target(%dma_start3A_1900 : memref<128x16xf32, #tpu.memory_space<vmem>>) offsets(%dma_start3A_1903 : memref<128xi32, #tpu.memory_space<vmem>>) semaphore(%arg7 : memref<!tpu.dma_semaphore, #tpu.memory_space<semaphore_mem>>)
    %dma_start3A_1907 = arith.constant 82 : i32
    %dma_start3A_1908 = arith.constant 0 : i32
    %dma_start3A_1909 = arith.constant 512 : i32
    %dma_start3A_1910 = arith.constant 0 : i32
    %dma_start3A_1911 = tpu.memref_slice %arg6[%dma_start3A_1908, %dma_start3A_1909, %dma_start3A_1910] : memref<2x1664x16xf32, #tpu.memory_space<vmem>> -> memref<1x128x16xf32, #tpu.memory_space<vmem>>
    %dma_start3A_1912 = tpu.memref_squeeze %dma_start3A_1911 : memref<1x128x16xf32, #tpu.memory_space<vmem>> -> memref<128x16xf32, #tpu.memory_space<vmem>>
    %dma_start3A_1913 = arith.constant 0 : i32
    %dma_start3A_1914 = tpu.memref_slice %arg5[%dma_start3A_1907, %dma_start3A_1913] : memref<104x128xi32, #tpu.memory_space<vmem>> -> memref<1x128xi32, #tpu.memory_space<vmem>>
    %dma_start3A_1915 = tpu.memref_squeeze %dma_start3A_1914 : memref<1x128xi32, #tpu.memory_space<vmem>> -> memref<128xi32, #tpu.memory_space<vmem>>
    %dma_start3A_1916 = arith.constant 0 : i32
    %dma_start3A_1917 = arith.constant 0 : i32
    %dma_start3A_1918 = tpu.memref_slice %arg2[%dma_start3A_1916, %dma_start3A_1917] : memref<26000x16xf32, #tpu.memory_space<hbm>> -> memref<26000x16xf32, #tpu.memory_space<hbm>>
    tpu.enqueue_indirect_dma source(%dma_start3A_1918 : memref<26000x16xf32, #tpu.memory_space<hbm>>) target(%dma_start3A_1912 : memref<128x16xf32, #tpu.memory_space<vmem>>) offsets(%dma_start3A_1915 : memref<128xi32, #tpu.memory_space<vmem>>) semaphore(%arg7 : memref<!tpu.dma_semaphore, #tpu.memory_space<semaphore_mem>>)
    %dma_start3A_1919 = arith.constant 83 : i32
    %dma_start3A_1920 = arith.constant 0 : i32
    %dma_start3A_1921 = arith.constant 640 : i32
    %dma_start3A_1922 = arith.constant 0 : i32
    %dma_start3A_1923 = tpu.memref_slice %arg6[%dma_start3A_1920, %dma_start3A_1921, %dma_start3A_1922] : memref<2x1664x16xf32, #tpu.memory_space<vmem>> -> memref<1x128x16xf32, #tpu.memory_space<vmem>>
    %dma_start3A_1924 = tpu.memref_squeeze %dma_start3A_1923 : memref<1x128x16xf32, #tpu.memory_space<vmem>> -> memref<128x16xf32, #tpu.memory_space<vmem>>
    %dma_start3A_1925 = arith.constant 0 : i32
    %dma_start3A_1926 = tpu.memref_slice %arg5[%dma_start3A_1919, %dma_start3A_1925] : memref<104x128xi32, #tpu.memory_space<vmem>> -> memref<1x128xi32, #tpu.memory_space<vmem>>
    %dma_start3A_1927 = tpu.memref_squeeze %dma_start3A_1926 : memref<1x128xi32, #tpu.memory_space<vmem>> -> memref<128xi32, #tpu.memory_space<vmem>>
    %dma_start3A_1928 = arith.constant 0 : i32
    %dma_start3A_1929 = arith.constant 0 : i32
    %dma_start3A_1930 = tpu.memref_slice %arg2[%dma_start3A_1928, %dma_start3A_1929] : memref<26000x16xf32, #tpu.memory_space<hbm>> -> memref<26000x16xf32, #tpu.memory_space<hbm>>
    tpu.enqueue_indirect_dma source(%dma_start3A_1930 : memref<26000x16xf32, #tpu.memory_space<hbm>>) target(%dma_start3A_1924 : memref<128x16xf32, #tpu.memory_space<vmem>>) offsets(%dma_start3A_1927 : memref<128xi32, #tpu.memory_space<vmem>>) semaphore(%arg7 : memref<!tpu.dma_semaphore, #tpu.memory_space<semaphore_mem>>)
    %dma_start3A_1931 = arith.constant 84 : i32
    %dma_start3A_1932 = arith.constant 0 : i32
    %dma_start3A_1933 = arith.constant 768 : i32
    %dma_start3A_1934 = arith.constant 0 : i32
    %dma_start3A_1935 = tpu.memref_slice %arg6[%dma_start3A_1932, %dma_start3A_1933, %dma_start3A_1934] : memref<2x1664x16xf32, #tpu.memory_space<vmem>> -> memref<1x128x16xf32, #tpu.memory_space<vmem>>
    %dma_start3A_1936 = tpu.memref_squeeze %dma_start3A_1935 : memref<1x128x16xf32, #tpu.memory_space<vmem>> -> memref<128x16xf32, #tpu.memory_space<vmem>>
    %dma_start3A_1937 = arith.constant 0 : i32
    %dma_start3A_1938 = tpu.memref_slice %arg5[%dma_start3A_1931, %dma_start3A_1937] : memref<104x128xi32, #tpu.memory_space<vmem>> -> memref<1x128xi32, #tpu.memory_space<vmem>>
    %dma_start3A_1939 = tpu.memref_squeeze %dma_start3A_1938 : memref<1x128xi32, #tpu.memory_space<vmem>> -> memref<128xi32, #tpu.memory_space<vmem>>
    %dma_start3A_1940 = arith.constant 0 : i32
    %dma_start3A_1941 = arith.constant 0 : i32
    %dma_start3A_1942 = tpu.memref_slice %arg2[%dma_start3A_1940, %dma_start3A_1941] : memref<26000x16xf32, #tpu.memory_space<hbm>> -> memref<26000x16xf32, #tpu.memory_space<hbm>>
    tpu.enqueue_indirect_dma source(%dma_start3A_1942 : memref<26000x16xf32, #tpu.memory_space<hbm>>) target(%dma_start3A_1936 : memref<128x16xf32, #tpu.memory_space<vmem>>) offsets(%dma_start3A_1939 : memref<128xi32, #tpu.memory_space<vmem>>) semaphore(%arg7 : memref<!tpu.dma_semaphore, #tpu.memory_space<semaphore_mem>>)
    %dma_start3A_1943 = arith.constant 85 : i32
    %dma_start3A_1944 = arith.constant 0 : i32
    %dma_start3A_1945 = arith.constant 896 : i32
    %dma_start3A_1946 = arith.constant 0 : i32
    %dma_start3A_1947 = tpu.memref_slice %arg6[%dma_start3A_1944, %dma_start3A_1945, %dma_start3A_1946] : memref<2x1664x16xf32, #tpu.memory_space<vmem>> -> memref<1x128x16xf32, #tpu.memory_space<vmem>>
    %dma_start3A_1948 = tpu.memref_squeeze %dma_start3A_1947 : memref<1x128x16xf32, #tpu.memory_space<vmem>> -> memref<128x16xf32, #tpu.memory_space<vmem>>
    %dma_start3A_1949 = arith.constant 0 : i32
    %dma_start3A_1950 = tpu.memref_slice %arg5[%dma_start3A_1943, %dma_start3A_1949] : memref<104x128xi32, #tpu.memory_space<vmem>> -> memref<1x128xi32, #tpu.memory_space<vmem>>
    %dma_start3A_1951 = tpu.memref_squeeze %dma_start3A_1950 : memref<1x128xi32, #tpu.memory_space<vmem>> -> memref<128xi32, #tpu.memory_space<vmem>>
    %dma_start3A_1952 = arith.constant 0 : i32
    %dma_start3A_1953 = arith.constant 0 : i32
    %dma_start3A_1954 = tpu.memref_slice %arg2[%dma_start3A_1952, %dma_start3A_1953] : memref<26000x16xf32, #tpu.memory_space<hbm>> -> memref<26000x16xf32, #tpu.memory_space<hbm>>
    tpu.enqueue_indirect_dma source(%dma_start3A_1954 : memref<26000x16xf32, #tpu.memory_space<hbm>>) target(%dma_start3A_1948 : memref<128x16xf32, #tpu.memory_space<vmem>>) offsets(%dma_start3A_1951 : memref<128xi32, #tpu.memory_space<vmem>>) semaphore(%arg7 : memref<!tpu.dma_semaphore, #tpu.memory_space<semaphore_mem>>)
    %dma_start3A_1955 = arith.constant 86 : i32
    %dma_start3A_1956 = arith.constant 0 : i32
    %dma_start3A_1957 = arith.constant 1024 : i32
    %dma_start3A_1958 = arith.constant 0 : i32
    %dma_start3A_1959 = tpu.memref_slice %arg6[%dma_start3A_1956, %dma_start3A_1957, %dma_start3A_1958] : memref<2x1664x16xf32, #tpu.memory_space<vmem>> -> memref<1x128x16xf32, #tpu.memory_space<vmem>>
    %dma_start3A_1960 = tpu.memref_squeeze %dma_start3A_1959 : memref<1x128x16xf32, #tpu.memory_space<vmem>> -> memref<128x16xf32, #tpu.memory_space<vmem>>
    %dma_start3A_1961 = arith.constant 0 : i32
    %dma_start3A_1962 = tpu.memref_slice %arg5[%dma_start3A_1955, %dma_start3A_1961] : memref<104x128xi32, #tpu.memory_space<vmem>> -> memref<1x128xi32, #tpu.memory_space<vmem>>
    %dma_start3A_1963 = tpu.memref_squeeze %dma_start3A_1962 : memref<1x128xi32, #tpu.memory_space<vmem>> -> memref<128xi32, #tpu.memory_space<vmem>>
    %dma_start3A_1964 = arith.constant 0 : i32
    %dma_start3A_1965 = arith.constant 0 : i32
    %dma_start3A_1966 = tpu.memref_slice %arg2[%dma_start3A_1964, %dma_start3A_1965] : memref<26000x16xf32, #tpu.memory_space<hbm>> -> memref<26000x16xf32, #tpu.memory_space<hbm>>
    tpu.enqueue_indirect_dma source(%dma_start3A_1966 : memref<26000x16xf32, #tpu.memory_space<hbm>>) target(%dma_start3A_1960 : memref<128x16xf32, #tpu.memory_space<vmem>>) offsets(%dma_start3A_1963 : memref<128xi32, #tpu.memory_space<vmem>>) semaphore(%arg7 : memref<!tpu.dma_semaphore, #tpu.memory_space<semaphore_mem>>)
    %dma_start3A_1967 = arith.constant 87 : i32
    %dma_start3A_1968 = arith.constant 0 : i32
    %dma_start3A_1969 = arith.constant 1152 : i32
    %dma_start3A_1970 = arith.constant 0 : i32
    %dma_start3A_1971 = tpu.memref_slice %arg6[%dma_start3A_1968, %dma_start3A_1969, %dma_start3A_1970] : memref<2x1664x16xf32, #tpu.memory_space<vmem>> -> memref<1x128x16xf32, #tpu.memory_space<vmem>>
    %dma_start3A_1972 = tpu.memref_squeeze %dma_start3A_1971 : memref<1x128x16xf32, #tpu.memory_space<vmem>> -> memref<128x16xf32, #tpu.memory_space<vmem>>
    %dma_start3A_1973 = arith.constant 0 : i32
    %dma_start3A_1974 = tpu.memref_slice %arg5[%dma_start3A_1967, %dma_start3A_1973] : memref<104x128xi32, #tpu.memory_space<vmem>> -> memref<1x128xi32, #tpu.memory_space<vmem>>
    %dma_start3A_1975 = tpu.memref_squeeze %dma_start3A_1974 : memref<1x128xi32, #tpu.memory_space<vmem>> -> memref<128xi32, #tpu.memory_space<vmem>>
    %dma_start3A_1976 = arith.constant 0 : i32
    %dma_start3A_1977 = arith.constant 0 : i32
    %dma_start3A_1978 = tpu.memref_slice %arg2[%dma_start3A_1976, %dma_start3A_1977] : memref<26000x16xf32, #tpu.memory_space<hbm>> -> memref<26000x16xf32, #tpu.memory_space<hbm>>
    tpu.enqueue_indirect_dma source(%dma_start3A_1978 : memref<26000x16xf32, #tpu.memory_space<hbm>>) target(%dma_start3A_1972 : memref<128x16xf32, #tpu.memory_space<vmem>>) offsets(%dma_start3A_1975 : memref<128xi32, #tpu.memory_space<vmem>>) semaphore(%arg7 : memref<!tpu.dma_semaphore, #tpu.memory_space<semaphore_mem>>)
    %dma_start3A_1979 = arith.constant 88 : i32
    %dma_start3A_1980 = arith.constant 0 : i32
    %dma_start3A_1981 = arith.constant 1280 : i32
    %dma_start3A_1982 = arith.constant 0 : i32
    %dma_start3A_1983 = tpu.memref_slice %arg6[%dma_start3A_1980, %dma_start3A_1981, %dma_start3A_1982] : memref<2x1664x16xf32, #tpu.memory_space<vmem>> -> memref<1x128x16xf32, #tpu.memory_space<vmem>>
    %dma_start3A_1984 = tpu.memref_squeeze %dma_start3A_1983 : memref<1x128x16xf32, #tpu.memory_space<vmem>> -> memref<128x16xf32, #tpu.memory_space<vmem>>
    %dma_start3A_1985 = arith.constant 0 : i32
    %dma_start3A_1986 = tpu.memref_slice %arg5[%dma_start3A_1979, %dma_start3A_1985] : memref<104x128xi32, #tpu.memory_space<vmem>> -> memref<1x128xi32, #tpu.memory_space<vmem>>
    %dma_start3A_1987 = tpu.memref_squeeze %dma_start3A_1986 : memref<1x128xi32, #tpu.memory_space<vmem>> -> memref<128xi32, #tpu.memory_space<vmem>>
    %dma_start3A_1988 = arith.constant 0 : i32
    %dma_start3A_1989 = arith.constant 0 : i32
    %dma_start3A_1990 = tpu.memref_slice %arg2[%dma_start3A_1988, %dma_start3A_1989] : memref<26000x16xf32, #tpu.memory_space<hbm>> -> memref<26000x16xf32, #tpu.memory_space<hbm>>
    tpu.enqueue_indirect_dma source(%dma_start3A_1990 : memref<26000x16xf32, #tpu.memory_space<hbm>>) target(%dma_start3A_1984 : memref<128x16xf32, #tpu.memory_space<vmem>>) offsets(%dma_start3A_1987 : memref<128xi32, #tpu.memory_space<vmem>>) semaphore(%arg7 : memref<!tpu.dma_semaphore, #tpu.memory_space<semaphore_mem>>)
    %dma_start3A_1991 = arith.constant 89 : i32
    %dma_start3A_1992 = arith.constant 0 : i32
    %dma_start3A_1993 = arith.constant 1408 : i32
    %dma_start3A_1994 = arith.constant 0 : i32
    %dma_start3A_1995 = tpu.memref_slice %arg6[%dma_start3A_1992, %dma_start3A_1993, %dma_start3A_1994] : memref<2x1664x16xf32, #tpu.memory_space<vmem>> -> memref<1x128x16xf32, #tpu.memory_space<vmem>>
    %dma_start3A_1996 = tpu.memref_squeeze %dma_start3A_1995 : memref<1x128x16xf32, #tpu.memory_space<vmem>> -> memref<128x16xf32, #tpu.memory_space<vmem>>
    %dma_start3A_1997 = arith.constant 0 : i32
    %dma_start3A_1998 = tpu.memref_slice %arg5[%dma_start3A_1991, %dma_start3A_1997] : memref<104x128xi32, #tpu.memory_space<vmem>> -> memref<1x128xi32, #tpu.memory_space<vmem>>
    %dma_start3A_1999 = tpu.memref_squeeze %dma_start3A_1998 : memref<1x128xi32, #tpu.memory_space<vmem>> -> memref<128xi32, #tpu.memory_space<vmem>>
    %dma_start3A_2000 = arith.constant 0 : i32
    %dma_start3A_2001 = arith.constant 0 : i32
    %dma_start3A_2002 = tpu.memref_slice %arg2[%dma_start3A_2000, %dma_start3A_2001] : memref<26000x16xf32, #tpu.memory_space<hbm>> -> memref<26000x16xf32, #tpu.memory_space<hbm>>
    tpu.enqueue_indirect_dma source(%dma_start3A_2002 : memref<26000x16xf32, #tpu.memory_space<hbm>>) target(%dma_start3A_1996 : memref<128x16xf32, #tpu.memory_space<vmem>>) offsets(%dma_start3A_1999 : memref<128xi32, #tpu.memory_space<vmem>>) semaphore(%arg7 : memref<!tpu.dma_semaphore, #tpu.memory_space<semaphore_mem>>)
    %dma_start3A_2003 = arith.constant 90 : i32
    %dma_start3A_2004 = arith.constant 0 : i32
    %dma_start3A_2005 = arith.constant 1536 : i32
    %dma_start3A_2006 = arith.constant 0 : i32
    %dma_start3A_2007 = tpu.memref_slice %arg6[%dma_start3A_2004, %dma_start3A_2005, %dma_start3A_2006] : memref<2x1664x16xf32, #tpu.memory_space<vmem>> -> memref<1x128x16xf32, #tpu.memory_space<vmem>>
    %dma_start3A_2008 = tpu.memref_squeeze %dma_start3A_2007 : memref<1x128x16xf32, #tpu.memory_space<vmem>> -> memref<128x16xf32, #tpu.memory_space<vmem>>
    %dma_start3A_2009 = arith.constant 0 : i32
    %dma_start3A_2010 = tpu.memref_slice %arg5[%dma_start3A_2003, %dma_start3A_2009] : memref<104x128xi32, #tpu.memory_space<vmem>> -> memref<1x128xi32, #tpu.memory_space<vmem>>
    %dma_start3A_2011 = tpu.memref_squeeze %dma_start3A_2010 : memref<1x128xi32, #tpu.memory_space<vmem>> -> memref<128xi32, #tpu.memory_space<vmem>>
    %dma_start3A_2012 = arith.constant 0 : i32
    %dma_start3A_2013 = arith.constant 0 : i32
    %dma_start3A_2014 = tpu.memref_slice %arg2[%dma_start3A_2012, %dma_start3A_2013] : memref<26000x16xf32, #tpu.memory_space<hbm>> -> memref<26000x16xf32, #tpu.memory_space<hbm>>
    tpu.enqueue_indirect_dma source(%dma_start3A_2014 : memref<26000x16xf32, #tpu.memory_space<hbm>>) target(%dma_start3A_2008 : memref<128x16xf32, #tpu.memory_space<vmem>>) offsets(%dma_start3A_2011 : memref<128xi32, #tpu.memory_space<vmem>>) semaphore(%arg7 : memref<!tpu.dma_semaphore, #tpu.memory_space<semaphore_mem>>)
    %dma_wait3A_2015 = arith.constant 65 : i32
    %dma_wait3A_2016 = arith.constant 1 : i32
    %dma_wait3A_2017 = arith.constant 0 : i32
    %dma_wait3A_2018 = arith.constant 0 : i32
    %dma_wait3A_2019 = tpu.memref_slice %arg6[%dma_wait3A_2016, %dma_wait3A_2017, %dma_wait3A_2018] : memref<2x1664x16xf32, #tpu.memory_space<vmem>> -> memref<1x128x16xf32, #tpu.memory_space<vmem>>
    %dma_wait3A_2020 = tpu.memref_squeeze %dma_wait3A_2019 : memref<1x128x16xf32, #tpu.memory_space<vmem>> -> memref<128x16xf32, #tpu.memory_space<vmem>>
    %dma_wait3A_2021 = arith.constant 0 : i32
    %dma_wait3A_2022 = tpu.memref_slice %arg5[%dma_wait3A_2015, %dma_wait3A_2021] : memref<104x128xi32, #tpu.memory_space<vmem>> -> memref<1x128xi32, #tpu.memory_space<vmem>>
    %dma_wait3A_2023 = tpu.memref_squeeze %dma_wait3A_2022 : memref<1x128xi32, #tpu.memory_space<vmem>> -> memref<128xi32, #tpu.memory_space<vmem>>
    %dma_wait3A_2024 = arith.constant 0 : i32
    %dma_wait3A_2025 = arith.constant 0 : i32
    %dma_wait3A_2026 = tpu.memref_slice %arg2[%dma_wait3A_2024, %dma_wait3A_2025] : memref<26000x16xf32, #tpu.memory_space<hbm>> -> memref<26000x16xf32, #tpu.memory_space<hbm>>
    tpu.wait_indirect_dma semaphore(%arg7 : memref<!tpu.dma_semaphore, #tpu.memory_space<semaphore_mem>>) src(%dma_wait3A_2026 : memref<26000x16xf32, #tpu.memory_space<hbm>>) dst(%dma_wait3A_2020 : memref<128x16xf32, #tpu.memory_space<vmem>>)
    %dma_wait3A_2027 = arith.constant 66 : i32
    %dma_wait3A_2028 = arith.constant 1 : i32
    %dma_wait3A_2029 = arith.constant 128 : i32
    %dma_wait3A_2030 = arith.constant 0 : i32
    %dma_wait3A_2031 = tpu.memref_slice %arg6[%dma_wait3A_2028, %dma_wait3A_2029, %dma_wait3A_2030] : memref<2x1664x16xf32, #tpu.memory_space<vmem>> -> memref<1x128x16xf32, #tpu.memory_space<vmem>>
    %dma_wait3A_2032 = tpu.memref_squeeze %dma_wait3A_2031 : memref<1x128x16xf32, #tpu.memory_space<vmem>> -> memref<128x16xf32, #tpu.memory_space<vmem>>
    %dma_wait3A_2033 = arith.constant 0 : i32
    %dma_wait3A_2034 = tpu.memref_slice %arg5[%dma_wait3A_2027, %dma_wait3A_2033] : memref<104x128xi32, #tpu.memory_space<vmem>> -> memref<1x128xi32, #tpu.memory_space<vmem>>
    %dma_wait3A_2035 = tpu.memref_squeeze %dma_wait3A_2034 : memref<1x128xi32, #tpu.memory_space<vmem>> -> memref<128xi32, #tpu.memory_space<vmem>>
    %dma_wait3A_2036 = arith.constant 0 : i32
    %dma_wait3A_2037 = arith.constant 0 : i32
    %dma_wait3A_2038 = tpu.memref_slice %arg2[%dma_wait3A_2036, %dma_wait3A_2037] : memref<26000x16xf32, #tpu.memory_space<hbm>> -> memref<26000x16xf32, #tpu.memory_space<hbm>>
    tpu.wait_indirect_dma semaphore(%arg7 : memref<!tpu.dma_semaphore, #tpu.memory_space<semaphore_mem>>) src(%dma_wait3A_2038 : memref<26000x16xf32, #tpu.memory_space<hbm>>) dst(%dma_wait3A_2032 : memref<128x16xf32, #tpu.memory_space<vmem>>)
    %dma_wait3A_2039 = arith.constant 67 : i32
    %dma_wait3A_2040 = arith.constant 1 : i32
    %dma_wait3A_2041 = arith.constant 256 : i32
    %dma_wait3A_2042 = arith.constant 0 : i32
    %dma_wait3A_2043 = tpu.memref_slice %arg6[%dma_wait3A_2040, %dma_wait3A_2041, %dma_wait3A_2042] : memref<2x1664x16xf32, #tpu.memory_space<vmem>> -> memref<1x128x16xf32, #tpu.memory_space<vmem>>
    %dma_wait3A_2044 = tpu.memref_squeeze %dma_wait3A_2043 : memref<1x128x16xf32, #tpu.memory_space<vmem>> -> memref<128x16xf32, #tpu.memory_space<vmem>>
    %dma_wait3A_2045 = arith.constant 0 : i32
    %dma_wait3A_2046 = tpu.memref_slice %arg5[%dma_wait3A_2039, %dma_wait3A_2045] : memref<104x128xi32, #tpu.memory_space<vmem>> -> memref<1x128xi32, #tpu.memory_space<vmem>>
    %dma_wait3A_2047 = tpu.memref_squeeze %dma_wait3A_2046 : memref<1x128xi32, #tpu.memory_space<vmem>> -> memref<128xi32, #tpu.memory_space<vmem>>
    %dma_wait3A_2048 = arith.constant 0 : i32
    %dma_wait3A_2049 = arith.constant 0 : i32
    %dma_wait3A_2050 = tpu.memref_slice %arg2[%dma_wait3A_2048, %dma_wait3A_2049] : memref<26000x16xf32, #tpu.memory_space<hbm>> -> memref<26000x16xf32, #tpu.memory_space<hbm>>
    tpu.wait_indirect_dma semaphore(%arg7 : memref<!tpu.dma_semaphore, #tpu.memory_space<semaphore_mem>>) src(%dma_wait3A_2050 : memref<26000x16xf32, #tpu.memory_space<hbm>>) dst(%dma_wait3A_2044 : memref<128x16xf32, #tpu.memory_space<vmem>>)
    %dma_wait3A_2051 = arith.constant 68 : i32
    %dma_wait3A_2052 = arith.constant 1 : i32
    %dma_wait3A_2053 = arith.constant 384 : i32
    %dma_wait3A_2054 = arith.constant 0 : i32
    %dma_wait3A_2055 = tpu.memref_slice %arg6[%dma_wait3A_2052, %dma_wait3A_2053, %dma_wait3A_2054] : memref<2x1664x16xf32, #tpu.memory_space<vmem>> -> memref<1x128x16xf32, #tpu.memory_space<vmem>>
    %dma_wait3A_2056 = tpu.memref_squeeze %dma_wait3A_2055 : memref<1x128x16xf32, #tpu.memory_space<vmem>> -> memref<128x16xf32, #tpu.memory_space<vmem>>
    %dma_wait3A_2057 = arith.constant 0 : i32
    %dma_wait3A_2058 = tpu.memref_slice %arg5[%dma_wait3A_2051, %dma_wait3A_2057] : memref<104x128xi32, #tpu.memory_space<vmem>> -> memref<1x128xi32, #tpu.memory_space<vmem>>
    %dma_wait3A_2059 = tpu.memref_squeeze %dma_wait3A_2058 : memref<1x128xi32, #tpu.memory_space<vmem>> -> memref<128xi32, #tpu.memory_space<vmem>>
    %dma_wait3A_2060 = arith.constant 0 : i32
    %dma_wait3A_2061 = arith.constant 0 : i32
    %dma_wait3A_2062 = tpu.memref_slice %arg2[%dma_wait3A_2060, %dma_wait3A_2061] : memref<26000x16xf32, #tpu.memory_space<hbm>> -> memref<26000x16xf32, #tpu.memory_space<hbm>>
    tpu.wait_indirect_dma semaphore(%arg7 : memref<!tpu.dma_semaphore, #tpu.memory_space<semaphore_mem>>) src(%dma_wait3A_2062 : memref<26000x16xf32, #tpu.memory_space<hbm>>) dst(%dma_wait3A_2056 : memref<128x16xf32, #tpu.memory_space<vmem>>)
    %dma_wait3A_2063 = arith.constant 69 : i32
    %dma_wait3A_2064 = arith.constant 1 : i32
    %dma_wait3A_2065 = arith.constant 512 : i32
    %dma_wait3A_2066 = arith.constant 0 : i32
    %dma_wait3A_2067 = tpu.memref_slice %arg6[%dma_wait3A_2064, %dma_wait3A_2065, %dma_wait3A_2066] : memref<2x1664x16xf32, #tpu.memory_space<vmem>> -> memref<1x128x16xf32, #tpu.memory_space<vmem>>
    %dma_wait3A_2068 = tpu.memref_squeeze %dma_wait3A_2067 : memref<1x128x16xf32, #tpu.memory_space<vmem>> -> memref<128x16xf32, #tpu.memory_space<vmem>>
    %dma_wait3A_2069 = arith.constant 0 : i32
    %dma_wait3A_2070 = tpu.memref_slice %arg5[%dma_wait3A_2063, %dma_wait3A_2069] : memref<104x128xi32, #tpu.memory_space<vmem>> -> memref<1x128xi32, #tpu.memory_space<vmem>>
    %dma_wait3A_2071 = tpu.memref_squeeze %dma_wait3A_2070 : memref<1x128xi32, #tpu.memory_space<vmem>> -> memref<128xi32, #tpu.memory_space<vmem>>
    %dma_wait3A_2072 = arith.constant 0 : i32
    %dma_wait3A_2073 = arith.constant 0 : i32
    %dma_wait3A_2074 = tpu.memref_slice %arg2[%dma_wait3A_2072, %dma_wait3A_2073] : memref<26000x16xf32, #tpu.memory_space<hbm>> -> memref<26000x16xf32, #tpu.memory_space<hbm>>
    tpu.wait_indirect_dma semaphore(%arg7 : memref<!tpu.dma_semaphore, #tpu.memory_space<semaphore_mem>>) src(%dma_wait3A_2074 : memref<26000x16xf32, #tpu.memory_space<hbm>>) dst(%dma_wait3A_2068 : memref<128x16xf32, #tpu.memory_space<vmem>>)
    %dma_wait3A_2075 = arith.constant 70 : i32
    %dma_wait3A_2076 = arith.constant 1 : i32
    %dma_wait3A_2077 = arith.constant 640 : i32
    %dma_wait3A_2078 = arith.constant 0 : i32
    %dma_wait3A_2079 = tpu.memref_slice %arg6[%dma_wait3A_2076, %dma_wait3A_2077, %dma_wait3A_2078] : memref<2x1664x16xf32, #tpu.memory_space<vmem>> -> memref<1x128x16xf32, #tpu.memory_space<vmem>>
    %dma_wait3A_2080 = tpu.memref_squeeze %dma_wait3A_2079 : memref<1x128x16xf32, #tpu.memory_space<vmem>> -> memref<128x16xf32, #tpu.memory_space<vmem>>
    %dma_wait3A_2081 = arith.constant 0 : i32
    %dma_wait3A_2082 = tpu.memref_slice %arg5[%dma_wait3A_2075, %dma_wait3A_2081] : memref<104x128xi32, #tpu.memory_space<vmem>> -> memref<1x128xi32, #tpu.memory_space<vmem>>
    %dma_wait3A_2083 = tpu.memref_squeeze %dma_wait3A_2082 : memref<1x128xi32, #tpu.memory_space<vmem>> -> memref<128xi32, #tpu.memory_space<vmem>>
    %dma_wait3A_2084 = arith.constant 0 : i32
    %dma_wait3A_2085 = arith.constant 0 : i32
    %dma_wait3A_2086 = tpu.memref_slice %arg2[%dma_wait3A_2084, %dma_wait3A_2085] : memref<26000x16xf32, #tpu.memory_space<hbm>> -> memref<26000x16xf32, #tpu.memory_space<hbm>>
    tpu.wait_indirect_dma semaphore(%arg7 : memref<!tpu.dma_semaphore, #tpu.memory_space<semaphore_mem>>) src(%dma_wait3A_2086 : memref<26000x16xf32, #tpu.memory_space<hbm>>) dst(%dma_wait3A_2080 : memref<128x16xf32, #tpu.memory_space<vmem>>)
    %dma_wait3A_2087 = arith.constant 71 : i32
    %dma_wait3A_2088 = arith.constant 1 : i32
    %dma_wait3A_2089 = arith.constant 768 : i32
    %dma_wait3A_2090 = arith.constant 0 : i32
    %dma_wait3A_2091 = tpu.memref_slice %arg6[%dma_wait3A_2088, %dma_wait3A_2089, %dma_wait3A_2090] : memref<2x1664x16xf32, #tpu.memory_space<vmem>> -> memref<1x128x16xf32, #tpu.memory_space<vmem>>
    %dma_wait3A_2092 = tpu.memref_squeeze %dma_wait3A_2091 : memref<1x128x16xf32, #tpu.memory_space<vmem>> -> memref<128x16xf32, #tpu.memory_space<vmem>>
    %dma_wait3A_2093 = arith.constant 0 : i32
    %dma_wait3A_2094 = tpu.memref_slice %arg5[%dma_wait3A_2087, %dma_wait3A_2093] : memref<104x128xi32, #tpu.memory_space<vmem>> -> memref<1x128xi32, #tpu.memory_space<vmem>>
    %dma_wait3A_2095 = tpu.memref_squeeze %dma_wait3A_2094 : memref<1x128xi32, #tpu.memory_space<vmem>> -> memref<128xi32, #tpu.memory_space<vmem>>
    %dma_wait3A_2096 = arith.constant 0 : i32
    %dma_wait3A_2097 = arith.constant 0 : i32
    %dma_wait3A_2098 = tpu.memref_slice %arg2[%dma_wait3A_2096, %dma_wait3A_2097] : memref<26000x16xf32, #tpu.memory_space<hbm>> -> memref<26000x16xf32, #tpu.memory_space<hbm>>
    tpu.wait_indirect_dma semaphore(%arg7 : memref<!tpu.dma_semaphore, #tpu.memory_space<semaphore_mem>>) src(%dma_wait3A_2098 : memref<26000x16xf32, #tpu.memory_space<hbm>>) dst(%dma_wait3A_2092 : memref<128x16xf32, #tpu.memory_space<vmem>>)
    %dma_wait3A_2099 = arith.constant 72 : i32
    %dma_wait3A_2100 = arith.constant 1 : i32
    %dma_wait3A_2101 = arith.constant 896 : i32
    %dma_wait3A_2102 = arith.constant 0 : i32
    %dma_wait3A_2103 = tpu.memref_slice %arg6[%dma_wait3A_2100, %dma_wait3A_2101, %dma_wait3A_2102] : memref<2x1664x16xf32, #tpu.memory_space<vmem>> -> memref<1x128x16xf32, #tpu.memory_space<vmem>>
    %dma_wait3A_2104 = tpu.memref_squeeze %dma_wait3A_2103 : memref<1x128x16xf32, #tpu.memory_space<vmem>> -> memref<128x16xf32, #tpu.memory_space<vmem>>
    %dma_wait3A_2105 = arith.constant 0 : i32
    %dma_wait3A_2106 = tpu.memref_slice %arg5[%dma_wait3A_2099, %dma_wait3A_2105] : memref<104x128xi32, #tpu.memory_space<vmem>> -> memref<1x128xi32, #tpu.memory_space<vmem>>
    %dma_wait3A_2107 = tpu.memref_squeeze %dma_wait3A_2106 : memref<1x128xi32, #tpu.memory_space<vmem>> -> memref<128xi32, #tpu.memory_space<vmem>>
    %dma_wait3A_2108 = arith.constant 0 : i32
    %dma_wait3A_2109 = arith.constant 0 : i32
    %dma_wait3A_2110 = tpu.memref_slice %arg2[%dma_wait3A_2108, %dma_wait3A_2109] : memref<26000x16xf32, #tpu.memory_space<hbm>> -> memref<26000x16xf32, #tpu.memory_space<hbm>>
    tpu.wait_indirect_dma semaphore(%arg7 : memref<!tpu.dma_semaphore, #tpu.memory_space<semaphore_mem>>) src(%dma_wait3A_2110 : memref<26000x16xf32, #tpu.memory_space<hbm>>) dst(%dma_wait3A_2104 : memref<128x16xf32, #tpu.memory_space<vmem>>)
    %dma_wait3A_2111 = arith.constant 73 : i32
    %dma_wait3A_2112 = arith.constant 1 : i32
    %dma_wait3A_2113 = arith.constant 1024 : i32
    %dma_wait3A_2114 = arith.constant 0 : i32
    %dma_wait3A_2115 = tpu.memref_slice %arg6[%dma_wait3A_2112, %dma_wait3A_2113, %dma_wait3A_2114] : memref<2x1664x16xf32, #tpu.memory_space<vmem>> -> memref<1x128x16xf32, #tpu.memory_space<vmem>>
    %dma_wait3A_2116 = tpu.memref_squeeze %dma_wait3A_2115 : memref<1x128x16xf32, #tpu.memory_space<vmem>> -> memref<128x16xf32, #tpu.memory_space<vmem>>
    %dma_wait3A_2117 = arith.constant 0 : i32
    %dma_wait3A_2118 = tpu.memref_slice %arg5[%dma_wait3A_2111, %dma_wait3A_2117] : memref<104x128xi32, #tpu.memory_space<vmem>> -> memref<1x128xi32, #tpu.memory_space<vmem>>
    %dma_wait3A_2119 = tpu.memref_squeeze %dma_wait3A_2118 : memref<1x128xi32, #tpu.memory_space<vmem>> -> memref<128xi32, #tpu.memory_space<vmem>>
    %dma_wait3A_2120 = arith.constant 0 : i32
    %dma_wait3A_2121 = arith.constant 0 : i32
    %dma_wait3A_2122 = tpu.memref_slice %arg2[%dma_wait3A_2120, %dma_wait3A_2121] : memref<26000x16xf32, #tpu.memory_space<hbm>> -> memref<26000x16xf32, #tpu.memory_space<hbm>>
    tpu.wait_indirect_dma semaphore(%arg7 : memref<!tpu.dma_semaphore, #tpu.memory_space<semaphore_mem>>) src(%dma_wait3A_2122 : memref<26000x16xf32, #tpu.memory_space<hbm>>) dst(%dma_wait3A_2116 : memref<128x16xf32, #tpu.memory_space<vmem>>)
    %dma_wait3A_2123 = arith.constant 74 : i32
    %dma_wait3A_2124 = arith.constant 1 : i32
    %dma_wait3A_2125 = arith.constant 1152 : i32
    %dma_wait3A_2126 = arith.constant 0 : i32
    %dma_wait3A_2127 = tpu.memref_slice %arg6[%dma_wait3A_2124, %dma_wait3A_2125, %dma_wait3A_2126] : memref<2x1664x16xf32, #tpu.memory_space<vmem>> -> memref<1x128x16xf32, #tpu.memory_space<vmem>>
    %dma_wait3A_2128 = tpu.memref_squeeze %dma_wait3A_2127 : memref<1x128x16xf32, #tpu.memory_space<vmem>> -> memref<128x16xf32, #tpu.memory_space<vmem>>
    %dma_wait3A_2129 = arith.constant 0 : i32
    %dma_wait3A_2130 = tpu.memref_slice %arg5[%dma_wait3A_2123, %dma_wait3A_2129] : memref<104x128xi32, #tpu.memory_space<vmem>> -> memref<1x128xi32, #tpu.memory_space<vmem>>
    %dma_wait3A_2131 = tpu.memref_squeeze %dma_wait3A_2130 : memref<1x128xi32, #tpu.memory_space<vmem>> -> memref<128xi32, #tpu.memory_space<vmem>>
    %dma_wait3A_2132 = arith.constant 0 : i32
    %dma_wait3A_2133 = arith.constant 0 : i32
    %dma_wait3A_2134 = tpu.memref_slice %arg2[%dma_wait3A_2132, %dma_wait3A_2133] : memref<26000x16xf32, #tpu.memory_space<hbm>> -> memref<26000x16xf32, #tpu.memory_space<hbm>>
    tpu.wait_indirect_dma semaphore(%arg7 : memref<!tpu.dma_semaphore, #tpu.memory_space<semaphore_mem>>) src(%dma_wait3A_2134 : memref<26000x16xf32, #tpu.memory_space<hbm>>) dst(%dma_wait3A_2128 : memref<128x16xf32, #tpu.memory_space<vmem>>)
    %dma_wait3A_2135 = arith.constant 75 : i32
    %dma_wait3A_2136 = arith.constant 1 : i32
    %dma_wait3A_2137 = arith.constant 1280 : i32
    %dma_wait3A_2138 = arith.constant 0 : i32
    %dma_wait3A_2139 = tpu.memref_slice %arg6[%dma_wait3A_2136, %dma_wait3A_2137, %dma_wait3A_2138] : memref<2x1664x16xf32, #tpu.memory_space<vmem>> -> memref<1x128x16xf32, #tpu.memory_space<vmem>>
    %dma_wait3A_2140 = tpu.memref_squeeze %dma_wait3A_2139 : memref<1x128x16xf32, #tpu.memory_space<vmem>> -> memref<128x16xf32, #tpu.memory_space<vmem>>
    %dma_wait3A_2141 = arith.constant 0 : i32
    %dma_wait3A_2142 = tpu.memref_slice %arg5[%dma_wait3A_2135, %dma_wait3A_2141] : memref<104x128xi32, #tpu.memory_space<vmem>> -> memref<1x128xi32, #tpu.memory_space<vmem>>
    %dma_wait3A_2143 = tpu.memref_squeeze %dma_wait3A_2142 : memref<1x128xi32, #tpu.memory_space<vmem>> -> memref<128xi32, #tpu.memory_space<vmem>>
    %dma_wait3A_2144 = arith.constant 0 : i32
    %dma_wait3A_2145 = arith.constant 0 : i32
    %dma_wait3A_2146 = tpu.memref_slice %arg2[%dma_wait3A_2144, %dma_wait3A_2145] : memref<26000x16xf32, #tpu.memory_space<hbm>> -> memref<26000x16xf32, #tpu.memory_space<hbm>>
    tpu.wait_indirect_dma semaphore(%arg7 : memref<!tpu.dma_semaphore, #tpu.memory_space<semaphore_mem>>) src(%dma_wait3A_2146 : memref<26000x16xf32, #tpu.memory_space<hbm>>) dst(%dma_wait3A_2140 : memref<128x16xf32, #tpu.memory_space<vmem>>)
    %dma_wait3A_2147 = arith.constant 76 : i32
    %dma_wait3A_2148 = arith.constant 1 : i32
    %dma_wait3A_2149 = arith.constant 1408 : i32
    %dma_wait3A_2150 = arith.constant 0 : i32
    %dma_wait3A_2151 = tpu.memref_slice %arg6[%dma_wait3A_2148, %dma_wait3A_2149, %dma_wait3A_2150] : memref<2x1664x16xf32, #tpu.memory_space<vmem>> -> memref<1x128x16xf32, #tpu.memory_space<vmem>>
    %dma_wait3A_2152 = tpu.memref_squeeze %dma_wait3A_2151 : memref<1x128x16xf32, #tpu.memory_space<vmem>> -> memref<128x16xf32, #tpu.memory_space<vmem>>
    %dma_wait3A_2153 = arith.constant 0 : i32
    %dma_wait3A_2154 = tpu.memref_slice %arg5[%dma_wait3A_2147, %dma_wait3A_2153] : memref<104x128xi32, #tpu.memory_space<vmem>> -> memref<1x128xi32, #tpu.memory_space<vmem>>
    %dma_wait3A_2155 = tpu.memref_squeeze %dma_wait3A_2154 : memref<1x128xi32, #tpu.memory_space<vmem>> -> memref<128xi32, #tpu.memory_space<vmem>>
    %dma_wait3A_2156 = arith.constant 0 : i32
    %dma_wait3A_2157 = arith.constant 0 : i32
    %dma_wait3A_2158 = tpu.memref_slice %arg2[%dma_wait3A_2156, %dma_wait3A_2157] : memref<26000x16xf32, #tpu.memory_space<hbm>> -> memref<26000x16xf32, #tpu.memory_space<hbm>>
    tpu.wait_indirect_dma semaphore(%arg7 : memref<!tpu.dma_semaphore, #tpu.memory_space<semaphore_mem>>) src(%dma_wait3A_2158 : memref<26000x16xf32, #tpu.memory_space<hbm>>) dst(%dma_wait3A_2152 : memref<128x16xf32, #tpu.memory_space<vmem>>)
    %dma_wait3A_2159 = arith.constant 77 : i32
    %dma_wait3A_2160 = arith.constant 1 : i32
    %dma_wait3A_2161 = arith.constant 1536 : i32
    %dma_wait3A_2162 = arith.constant 0 : i32
    %dma_wait3A_2163 = tpu.memref_slice %arg6[%dma_wait3A_2160, %dma_wait3A_2161, %dma_wait3A_2162] : memref<2x1664x16xf32, #tpu.memory_space<vmem>> -> memref<1x128x16xf32, #tpu.memory_space<vmem>>
    %dma_wait3A_2164 = tpu.memref_squeeze %dma_wait3A_2163 : memref<1x128x16xf32, #tpu.memory_space<vmem>> -> memref<128x16xf32, #tpu.memory_space<vmem>>
    %dma_wait3A_2165 = arith.constant 0 : i32
    %dma_wait3A_2166 = tpu.memref_slice %arg5[%dma_wait3A_2159, %dma_wait3A_2165] : memref<104x128xi32, #tpu.memory_space<vmem>> -> memref<1x128xi32, #tpu.memory_space<vmem>>
    %dma_wait3A_2167 = tpu.memref_squeeze %dma_wait3A_2166 : memref<1x128xi32, #tpu.memory_space<vmem>> -> memref<128xi32, #tpu.memory_space<vmem>>
    %dma_wait3A_2168 = arith.constant 0 : i32
    %dma_wait3A_2169 = arith.constant 0 : i32
    %dma_wait3A_2170 = tpu.memref_slice %arg2[%dma_wait3A_2168, %dma_wait3A_2169] : memref<26000x16xf32, #tpu.memory_space<hbm>> -> memref<26000x16xf32, #tpu.memory_space<hbm>>
    tpu.wait_indirect_dma semaphore(%arg7 : memref<!tpu.dma_semaphore, #tpu.memory_space<semaphore_mem>>) src(%dma_wait3A_2170 : memref<26000x16xf32, #tpu.memory_space<hbm>>) dst(%dma_wait3A_2164 : memref<128x16xf32, #tpu.memory_space<vmem>>)
    %add3A_2171 = arith.constant 8320 : i32
    %add3A_2172 = arith.addi %mul3A_2, %add3A_2171 : i32
    %dma_start3A_2173 = arith.constant 1 : i32
    %dma_start3A_2174 = arith.constant 0 : i32
    %dma_start3A_2175 = arith.constant 0 : i32
    %dma_start3A_2176 = tpu.memref_slice %arg6[%dma_start3A_2173, %dma_start3A_2174, %dma_start3A_2175] : memref<2x1664x16xf32, #tpu.memory_space<vmem>> -> memref<1x1664x16xf32, #tpu.memory_space<vmem>>
    %dma_start3A_2177 = tpu.memref_squeeze %dma_start3A_2176 : memref<1x1664x16xf32, #tpu.memory_space<vmem>> -> memref<1664x16xf32, #tpu.memory_space<vmem>>
    %dma_start3A_2178 = arith.constant 0 : i32
    %dma_start3A_2179 = tpu.memref_slice %arg4[%add3A_2172, %dma_start3A_2178] : memref<425984x16xf32, #tpu.memory_space<hbm>> -> memref<1664x16xf32, #tpu.memory_space<hbm>>
    %dma_start3A_2180 = arith.constant 0 : i32
    %dma_start3A_2181 = tpu.memref_slice %arg4[%add3A_2172, %dma_start3A_2180] : memref<425984x16xf32, #tpu.memory_space<hbm>> -> memref<1664x16xf32, #tpu.memory_space<hbm>>
    %dma_start3A_2182 = arith.constant 0 : i32
    %dma_start3A_2183 = arith.constant 0 : i32
    %dma_start3A_2184 = tpu.memref_slice %arg6[%dma_start3A_2173, %dma_start3A_2182, %dma_start3A_2183] : memref<2x1664x16xf32, #tpu.memory_space<vmem>> -> memref<1x1664x16xf32, #tpu.memory_space<vmem>>
    %dma_start3A_2185 = tpu.memref_squeeze %dma_start3A_2184 : memref<1x1664x16xf32, #tpu.memory_space<vmem>> -> memref<1664x16xf32, #tpu.memory_space<vmem>>
    tpu.enqueue_dma source(%dma_start3A_2185 : memref<1664x16xf32, #tpu.memory_space<vmem>>) target(%dma_start3A_2181 : memref<1664x16xf32, #tpu.memory_space<hbm>>) target_semaphore(%arg8 : memref<!tpu.dma_semaphore, #tpu.memory_space<semaphore_mem>>)
    %dma_wait3A_2186 = arith.constant 1 : i32
    %dma_wait3A_2187 = arith.constant 0 : i32
    %dma_wait3A_2188 = arith.constant 0 : i32
    %dma_wait3A_2189 = tpu.memref_slice %arg6[%dma_wait3A_2186, %dma_wait3A_2187, %dma_wait3A_2188] : memref<2x1664x16xf32, #tpu.memory_space<vmem>> -> memref<1x1664x16xf32, #tpu.memory_space<vmem>>
    %dma_wait3A_2190 = tpu.memref_squeeze %dma_wait3A_2189 : memref<1x1664x16xf32, #tpu.memory_space<vmem>> -> memref<1664x16xf32, #tpu.memory_space<vmem>>
    %dma_wait3A_2191 = arith.constant 0 : i32
    %dma_wait3A_2192 = tpu.memref_slice %arg4[%add3A_2172, %dma_wait3A_2191] : memref<425984x16xf32, #tpu.memory_space<hbm>> -> memref<1664x16xf32, #tpu.memory_space<hbm>>
    %dma_wait3A_2193 = arith.constant 0 : i32
    %dma_wait3A_2194 = tpu.memref_slice %arg4[%add3A_2172, %dma_wait3A_2193] : memref<425984x16xf32, #tpu.memory_space<hbm>> -> memref<1664x16xf32, #tpu.memory_space<hbm>>
    %dma_wait3A_2195 = arith.constant 0 : i32
    %dma_wait3A_2196 = arith.constant 0 : i32
    %dma_wait3A_2197 = tpu.memref_slice %arg6[%dma_wait3A_2186, %dma_wait3A_2195, %dma_wait3A_2196] : memref<2x1664x16xf32, #tpu.memory_space<vmem>> -> memref<1x1664x16xf32, #tpu.memory_space<vmem>>
    %dma_wait3A_2198 = tpu.memref_squeeze %dma_wait3A_2197 : memref<1x1664x16xf32, #tpu.memory_space<vmem>> -> memref<1664x16xf32, #tpu.memory_space<vmem>>
    tpu.wait_dma2 semaphore(%arg8 : memref<!tpu.dma_semaphore, #tpu.memory_space<semaphore_mem>>) src(%dma_wait3A_2198 : memref<1664x16xf32, #tpu.memory_space<vmem>>) dst(%dma_wait3A_2194 : memref<1664x16xf32, #tpu.memory_space<hbm>>)
    %dma_start3A_2199 = arith.constant 91 : i32
    %dma_start3A_2200 = arith.constant 1 : i32
    %dma_start3A_2201 = arith.constant 0 : i32
    %dma_start3A_2202 = arith.constant 0 : i32
    %dma_start3A_2203 = tpu.memref_slice %arg6[%dma_start3A_2200, %dma_start3A_2201, %dma_start3A_2202] : memref<2x1664x16xf32, #tpu.memory_space<vmem>> -> memref<1x128x16xf32, #tpu.memory_space<vmem>>
    %dma_start3A_2204 = tpu.memref_squeeze %dma_start3A_2203 : memref<1x128x16xf32, #tpu.memory_space<vmem>> -> memref<128x16xf32, #tpu.memory_space<vmem>>
    %dma_start3A_2205 = arith.constant 0 : i32
    %dma_start3A_2206 = tpu.memref_slice %arg5[%dma_start3A_2199, %dma_start3A_2205] : memref<104x128xi32, #tpu.memory_space<vmem>> -> memref<1x128xi32, #tpu.memory_space<vmem>>
    %dma_start3A_2207 = tpu.memref_squeeze %dma_start3A_2206 : memref<1x128xi32, #tpu.memory_space<vmem>> -> memref<128xi32, #tpu.memory_space<vmem>>
    %dma_start3A_2208 = arith.constant 0 : i32
    %dma_start3A_2209 = arith.constant 0 : i32
    %dma_start3A_2210 = tpu.memref_slice %arg2[%dma_start3A_2208, %dma_start3A_2209] : memref<26000x16xf32, #tpu.memory_space<hbm>> -> memref<26000x16xf32, #tpu.memory_space<hbm>>
    tpu.enqueue_indirect_dma source(%dma_start3A_2210 : memref<26000x16xf32, #tpu.memory_space<hbm>>) target(%dma_start3A_2204 : memref<128x16xf32, #tpu.memory_space<vmem>>) offsets(%dma_start3A_2207 : memref<128xi32, #tpu.memory_space<vmem>>) semaphore(%arg7 : memref<!tpu.dma_semaphore, #tpu.memory_space<semaphore_mem>>)
    %dma_start3A_2211 = arith.constant 92 : i32
    %dma_start3A_2212 = arith.constant 1 : i32
    %dma_start3A_2213 = arith.constant 128 : i32
    %dma_start3A_2214 = arith.constant 0 : i32
    %dma_start3A_2215 = tpu.memref_slice %arg6[%dma_start3A_2212, %dma_start3A_2213, %dma_start3A_2214] : memref<2x1664x16xf32, #tpu.memory_space<vmem>> -> memref<1x128x16xf32, #tpu.memory_space<vmem>>
    %dma_start3A_2216 = tpu.memref_squeeze %dma_start3A_2215 : memref<1x128x16xf32, #tpu.memory_space<vmem>> -> memref<128x16xf32, #tpu.memory_space<vmem>>
    %dma_start3A_2217 = arith.constant 0 : i32
    %dma_start3A_2218 = tpu.memref_slice %arg5[%dma_start3A_2211, %dma_start3A_2217] : memref<104x128xi32, #tpu.memory_space<vmem>> -> memref<1x128xi32, #tpu.memory_space<vmem>>
    %dma_start3A_2219 = tpu.memref_squeeze %dma_start3A_2218 : memref<1x128xi32, #tpu.memory_space<vmem>> -> memref<128xi32, #tpu.memory_space<vmem>>
    %dma_start3A_2220 = arith.constant 0 : i32
    %dma_start3A_2221 = arith.constant 0 : i32
    %dma_start3A_2222 = tpu.memref_slice %arg2[%dma_start3A_2220, %dma_start3A_2221] : memref<26000x16xf32, #tpu.memory_space<hbm>> -> memref<26000x16xf32, #tpu.memory_space<hbm>>
    tpu.enqueue_indirect_dma source(%dma_start3A_2222 : memref<26000x16xf32, #tpu.memory_space<hbm>>) target(%dma_start3A_2216 : memref<128x16xf32, #tpu.memory_space<vmem>>) offsets(%dma_start3A_2219 : memref<128xi32, #tpu.memory_space<vmem>>) semaphore(%arg7 : memref<!tpu.dma_semaphore, #tpu.memory_space<semaphore_mem>>)
    %dma_start3A_2223 = arith.constant 93 : i32
    %dma_start3A_2224 = arith.constant 1 : i32
    %dma_start3A_2225 = arith.constant 256 : i32
    %dma_start3A_2226 = arith.constant 0 : i32
    %dma_start3A_2227 = tpu.memref_slice %arg6[%dma_start3A_2224, %dma_start3A_2225, %dma_start3A_2226] : memref<2x1664x16xf32, #tpu.memory_space<vmem>> -> memref<1x128x16xf32, #tpu.memory_space<vmem>>
    %dma_start3A_2228 = tpu.memref_squeeze %dma_start3A_2227 : memref<1x128x16xf32, #tpu.memory_space<vmem>> -> memref<128x16xf32, #tpu.memory_space<vmem>>
    %dma_start3A_2229 = arith.constant 0 : i32
    %dma_start3A_2230 = tpu.memref_slice %arg5[%dma_start3A_2223, %dma_start3A_2229] : memref<104x128xi32, #tpu.memory_space<vmem>> -> memref<1x128xi32, #tpu.memory_space<vmem>>
    %dma_start3A_2231 = tpu.memref_squeeze %dma_start3A_2230 : memref<1x128xi32, #tpu.memory_space<vmem>> -> memref<128xi32, #tpu.memory_space<vmem>>
    %dma_start3A_2232 = arith.constant 0 : i32
    %dma_start3A_2233 = arith.constant 0 : i32
    %dma_start3A_2234 = tpu.memref_slice %arg2[%dma_start3A_2232, %dma_start3A_2233] : memref<26000x16xf32, #tpu.memory_space<hbm>> -> memref<26000x16xf32, #tpu.memory_space<hbm>>
    tpu.enqueue_indirect_dma source(%dma_start3A_2234 : memref<26000x16xf32, #tpu.memory_space<hbm>>) target(%dma_start3A_2228 : memref<128x16xf32, #tpu.memory_space<vmem>>) offsets(%dma_start3A_2231 : memref<128xi32, #tpu.memory_space<vmem>>) semaphore(%arg7 : memref<!tpu.dma_semaphore, #tpu.memory_space<semaphore_mem>>)
    %dma_start3A_2235 = arith.constant 94 : i32
    %dma_start3A_2236 = arith.constant 1 : i32
    %dma_start3A_2237 = arith.constant 384 : i32
    %dma_start3A_2238 = arith.constant 0 : i32
    %dma_start3A_2239 = tpu.memref_slice %arg6[%dma_start3A_2236, %dma_start3A_2237, %dma_start3A_2238] : memref<2x1664x16xf32, #tpu.memory_space<vmem>> -> memref<1x128x16xf32, #tpu.memory_space<vmem>>
    %dma_start3A_2240 = tpu.memref_squeeze %dma_start3A_2239 : memref<1x128x16xf32, #tpu.memory_space<vmem>> -> memref<128x16xf32, #tpu.memory_space<vmem>>
    %dma_start3A_2241 = arith.constant 0 : i32
    %dma_start3A_2242 = tpu.memref_slice %arg5[%dma_start3A_2235, %dma_start3A_2241] : memref<104x128xi32, #tpu.memory_space<vmem>> -> memref<1x128xi32, #tpu.memory_space<vmem>>
    %dma_start3A_2243 = tpu.memref_squeeze %dma_start3A_2242 : memref<1x128xi32, #tpu.memory_space<vmem>> -> memref<128xi32, #tpu.memory_space<vmem>>
    %dma_start3A_2244 = arith.constant 0 : i32
    %dma_start3A_2245 = arith.constant 0 : i32
    %dma_start3A_2246 = tpu.memref_slice %arg2[%dma_start3A_2244, %dma_start3A_2245] : memref<26000x16xf32, #tpu.memory_space<hbm>> -> memref<26000x16xf32, #tpu.memory_space<hbm>>
    tpu.enqueue_indirect_dma source(%dma_start3A_2246 : memref<26000x16xf32, #tpu.memory_space<hbm>>) target(%dma_start3A_2240 : memref<128x16xf32, #tpu.memory_space<vmem>>) offsets(%dma_start3A_2243 : memref<128xi32, #tpu.memory_space<vmem>>) semaphore(%arg7 : memref<!tpu.dma_semaphore, #tpu.memory_space<semaphore_mem>>)
    %dma_start3A_2247 = arith.constant 95 : i32
    %dma_start3A_2248 = arith.constant 1 : i32
    %dma_start3A_2249 = arith.constant 512 : i32
    %dma_start3A_2250 = arith.constant 0 : i32
    %dma_start3A_2251 = tpu.memref_slice %arg6[%dma_start3A_2248, %dma_start3A_2249, %dma_start3A_2250] : memref<2x1664x16xf32, #tpu.memory_space<vmem>> -> memref<1x128x16xf32, #tpu.memory_space<vmem>>
    %dma_start3A_2252 = tpu.memref_squeeze %dma_start3A_2251 : memref<1x128x16xf32, #tpu.memory_space<vmem>> -> memref<128x16xf32, #tpu.memory_space<vmem>>
    %dma_start3A_2253 = arith.constant 0 : i32
    %dma_start3A_2254 = tpu.memref_slice %arg5[%dma_start3A_2247, %dma_start3A_2253] : memref<104x128xi32, #tpu.memory_space<vmem>> -> memref<1x128xi32, #tpu.memory_space<vmem>>
    %dma_start3A_2255 = tpu.memref_squeeze %dma_start3A_2254 : memref<1x128xi32, #tpu.memory_space<vmem>> -> memref<128xi32, #tpu.memory_space<vmem>>
    %dma_start3A_2256 = arith.constant 0 : i32
    %dma_start3A_2257 = arith.constant 0 : i32
    %dma_start3A_2258 = tpu.memref_slice %arg2[%dma_start3A_2256, %dma_start3A_2257] : memref<26000x16xf32, #tpu.memory_space<hbm>> -> memref<26000x16xf32, #tpu.memory_space<hbm>>
    tpu.enqueue_indirect_dma source(%dma_start3A_2258 : memref<26000x16xf32, #tpu.memory_space<hbm>>) target(%dma_start3A_2252 : memref<128x16xf32, #tpu.memory_space<vmem>>) offsets(%dma_start3A_2255 : memref<128xi32, #tpu.memory_space<vmem>>) semaphore(%arg7 : memref<!tpu.dma_semaphore, #tpu.memory_space<semaphore_mem>>)
    %dma_start3A_2259 = arith.constant 96 : i32
    %dma_start3A_2260 = arith.constant 1 : i32
    %dma_start3A_2261 = arith.constant 640 : i32
    %dma_start3A_2262 = arith.constant 0 : i32
    %dma_start3A_2263 = tpu.memref_slice %arg6[%dma_start3A_2260, %dma_start3A_2261, %dma_start3A_2262] : memref<2x1664x16xf32, #tpu.memory_space<vmem>> -> memref<1x128x16xf32, #tpu.memory_space<vmem>>
    %dma_start3A_2264 = tpu.memref_squeeze %dma_start3A_2263 : memref<1x128x16xf32, #tpu.memory_space<vmem>> -> memref<128x16xf32, #tpu.memory_space<vmem>>
    %dma_start3A_2265 = arith.constant 0 : i32
    %dma_start3A_2266 = tpu.memref_slice %arg5[%dma_start3A_2259, %dma_start3A_2265] : memref<104x128xi32, #tpu.memory_space<vmem>> -> memref<1x128xi32, #tpu.memory_space<vmem>>
    %dma_start3A_2267 = tpu.memref_squeeze %dma_start3A_2266 : memref<1x128xi32, #tpu.memory_space<vmem>> -> memref<128xi32, #tpu.memory_space<vmem>>
    %dma_start3A_2268 = arith.constant 0 : i32
    %dma_start3A_2269 = arith.constant 0 : i32
    %dma_start3A_2270 = tpu.memref_slice %arg2[%dma_start3A_2268, %dma_start3A_2269] : memref<26000x16xf32, #tpu.memory_space<hbm>> -> memref<26000x16xf32, #tpu.memory_space<hbm>>
    tpu.enqueue_indirect_dma source(%dma_start3A_2270 : memref<26000x16xf32, #tpu.memory_space<hbm>>) target(%dma_start3A_2264 : memref<128x16xf32, #tpu.memory_space<vmem>>) offsets(%dma_start3A_2267 : memref<128xi32, #tpu.memory_space<vmem>>) semaphore(%arg7 : memref<!tpu.dma_semaphore, #tpu.memory_space<semaphore_mem>>)
    %dma_start3A_2271 = arith.constant 97 : i32
    %dma_start3A_2272 = arith.constant 1 : i32
    %dma_start3A_2273 = arith.constant 768 : i32
    %dma_start3A_2274 = arith.constant 0 : i32
    %dma_start3A_2275 = tpu.memref_slice %arg6[%dma_start3A_2272, %dma_start3A_2273, %dma_start3A_2274] : memref<2x1664x16xf32, #tpu.memory_space<vmem>> -> memref<1x128x16xf32, #tpu.memory_space<vmem>>
    %dma_start3A_2276 = tpu.memref_squeeze %dma_start3A_2275 : memref<1x128x16xf32, #tpu.memory_space<vmem>> -> memref<128x16xf32, #tpu.memory_space<vmem>>
    %dma_start3A_2277 = arith.constant 0 : i32
    %dma_start3A_2278 = tpu.memref_slice %arg5[%dma_start3A_2271, %dma_start3A_2277] : memref<104x128xi32, #tpu.memory_space<vmem>> -> memref<1x128xi32, #tpu.memory_space<vmem>>
    %dma_start3A_2279 = tpu.memref_squeeze %dma_start3A_2278 : memref<1x128xi32, #tpu.memory_space<vmem>> -> memref<128xi32, #tpu.memory_space<vmem>>
    %dma_start3A_2280 = arith.constant 0 : i32
    %dma_start3A_2281 = arith.constant 0 : i32
    %dma_start3A_2282 = tpu.memref_slice %arg2[%dma_start3A_2280, %dma_start3A_2281] : memref<26000x16xf32, #tpu.memory_space<hbm>> -> memref<26000x16xf32, #tpu.memory_space<hbm>>
    tpu.enqueue_indirect_dma source(%dma_start3A_2282 : memref<26000x16xf32, #tpu.memory_space<hbm>>) target(%dma_start3A_2276 : memref<128x16xf32, #tpu.memory_space<vmem>>) offsets(%dma_start3A_2279 : memref<128xi32, #tpu.memory_space<vmem>>) semaphore(%arg7 : memref<!tpu.dma_semaphore, #tpu.memory_space<semaphore_mem>>)
    %dma_start3A_2283 = arith.constant 98 : i32
    %dma_start3A_2284 = arith.constant 1 : i32
    %dma_start3A_2285 = arith.constant 896 : i32
    %dma_start3A_2286 = arith.constant 0 : i32
    %dma_start3A_2287 = tpu.memref_slice %arg6[%dma_start3A_2284, %dma_start3A_2285, %dma_start3A_2286] : memref<2x1664x16xf32, #tpu.memory_space<vmem>> -> memref<1x128x16xf32, #tpu.memory_space<vmem>>
    %dma_start3A_2288 = tpu.memref_squeeze %dma_start3A_2287 : memref<1x128x16xf32, #tpu.memory_space<vmem>> -> memref<128x16xf32, #tpu.memory_space<vmem>>
    %dma_start3A_2289 = arith.constant 0 : i32
    %dma_start3A_2290 = tpu.memref_slice %arg5[%dma_start3A_2283, %dma_start3A_2289] : memref<104x128xi32, #tpu.memory_space<vmem>> -> memref<1x128xi32, #tpu.memory_space<vmem>>
    %dma_start3A_2291 = tpu.memref_squeeze %dma_start3A_2290 : memref<1x128xi32, #tpu.memory_space<vmem>> -> memref<128xi32, #tpu.memory_space<vmem>>
    %dma_start3A_2292 = arith.constant 0 : i32
    %dma_start3A_2293 = arith.constant 0 : i32
    %dma_start3A_2294 = tpu.memref_slice %arg2[%dma_start3A_2292, %dma_start3A_2293] : memref<26000x16xf32, #tpu.memory_space<hbm>> -> memref<26000x16xf32, #tpu.memory_space<hbm>>
    tpu.enqueue_indirect_dma source(%dma_start3A_2294 : memref<26000x16xf32, #tpu.memory_space<hbm>>) target(%dma_start3A_2288 : memref<128x16xf32, #tpu.memory_space<vmem>>) offsets(%dma_start3A_2291 : memref<128xi32, #tpu.memory_space<vmem>>) semaphore(%arg7 : memref<!tpu.dma_semaphore, #tpu.memory_space<semaphore_mem>>)
    %dma_start3A_2295 = arith.constant 99 : i32
    %dma_start3A_2296 = arith.constant 1 : i32
    %dma_start3A_2297 = arith.constant 1024 : i32
    %dma_start3A_2298 = arith.constant 0 : i32
    %dma_start3A_2299 = tpu.memref_slice %arg6[%dma_start3A_2296, %dma_start3A_2297, %dma_start3A_2298] : memref<2x1664x16xf32, #tpu.memory_space<vmem>> -> memref<1x128x16xf32, #tpu.memory_space<vmem>>
    %dma_start3A_2300 = tpu.memref_squeeze %dma_start3A_2299 : memref<1x128x16xf32, #tpu.memory_space<vmem>> -> memref<128x16xf32, #tpu.memory_space<vmem>>
    %dma_start3A_2301 = arith.constant 0 : i32
    %dma_start3A_2302 = tpu.memref_slice %arg5[%dma_start3A_2295, %dma_start3A_2301] : memref<104x128xi32, #tpu.memory_space<vmem>> -> memref<1x128xi32, #tpu.memory_space<vmem>>
    %dma_start3A_2303 = tpu.memref_squeeze %dma_start3A_2302 : memref<1x128xi32, #tpu.memory_space<vmem>> -> memref<128xi32, #tpu.memory_space<vmem>>
    %dma_start3A_2304 = arith.constant 0 : i32
    %dma_start3A_2305 = arith.constant 0 : i32
    %dma_start3A_2306 = tpu.memref_slice %arg2[%dma_start3A_2304, %dma_start3A_2305] : memref<26000x16xf32, #tpu.memory_space<hbm>> -> memref<26000x16xf32, #tpu.memory_space<hbm>>
    tpu.enqueue_indirect_dma source(%dma_start3A_2306 : memref<26000x16xf32, #tpu.memory_space<hbm>>) target(%dma_start3A_2300 : memref<128x16xf32, #tpu.memory_space<vmem>>) offsets(%dma_start3A_2303 : memref<128xi32, #tpu.memory_space<vmem>>) semaphore(%arg7 : memref<!tpu.dma_semaphore, #tpu.memory_space<semaphore_mem>>)
    %dma_start3A_2307 = arith.constant 100 : i32
    %dma_start3A_2308 = arith.constant 1 : i32
    %dma_start3A_2309 = arith.constant 1152 : i32
    %dma_start3A_2310 = arith.constant 0 : i32
    %dma_start3A_2311 = tpu.memref_slice %arg6[%dma_start3A_2308, %dma_start3A_2309, %dma_start3A_2310] : memref<2x1664x16xf32, #tpu.memory_space<vmem>> -> memref<1x128x16xf32, #tpu.memory_space<vmem>>
    %dma_start3A_2312 = tpu.memref_squeeze %dma_start3A_2311 : memref<1x128x16xf32, #tpu.memory_space<vmem>> -> memref<128x16xf32, #tpu.memory_space<vmem>>
    %dma_start3A_2313 = arith.constant 0 : i32
    %dma_start3A_2314 = tpu.memref_slice %arg5[%dma_start3A_2307, %dma_start3A_2313] : memref<104x128xi32, #tpu.memory_space<vmem>> -> memref<1x128xi32, #tpu.memory_space<vmem>>
    %dma_start3A_2315 = tpu.memref_squeeze %dma_start3A_2314 : memref<1x128xi32, #tpu.memory_space<vmem>> -> memref<128xi32, #tpu.memory_space<vmem>>
    %dma_start3A_2316 = arith.constant 0 : i32
    %dma_start3A_2317 = arith.constant 0 : i32
    %dma_start3A_2318 = tpu.memref_slice %arg2[%dma_start3A_2316, %dma_start3A_2317] : memref<26000x16xf32, #tpu.memory_space<hbm>> -> memref<26000x16xf32, #tpu.memory_space<hbm>>
    tpu.enqueue_indirect_dma source(%dma_start3A_2318 : memref<26000x16xf32, #tpu.memory_space<hbm>>) target(%dma_start3A_2312 : memref<128x16xf32, #tpu.memory_space<vmem>>) offsets(%dma_start3A_2315 : memref<128xi32, #tpu.memory_space<vmem>>) semaphore(%arg7 : memref<!tpu.dma_semaphore, #tpu.memory_space<semaphore_mem>>)
    %dma_start3A_2319 = arith.constant 101 : i32
    %dma_start3A_2320 = arith.constant 1 : i32
    %dma_start3A_2321 = arith.constant 1280 : i32
    %dma_start3A_2322 = arith.constant 0 : i32
    %dma_start3A_2323 = tpu.memref_slice %arg6[%dma_start3A_2320, %dma_start3A_2321, %dma_start3A_2322] : memref<2x1664x16xf32, #tpu.memory_space<vmem>> -> memref<1x128x16xf32, #tpu.memory_space<vmem>>
    %dma_start3A_2324 = tpu.memref_squeeze %dma_start3A_2323 : memref<1x128x16xf32, #tpu.memory_space<vmem>> -> memref<128x16xf32, #tpu.memory_space<vmem>>
    %dma_start3A_2325 = arith.constant 0 : i32
    %dma_start3A_2326 = tpu.memref_slice %arg5[%dma_start3A_2319, %dma_start3A_2325] : memref<104x128xi32, #tpu.memory_space<vmem>> -> memref<1x128xi32, #tpu.memory_space<vmem>>
    %dma_start3A_2327 = tpu.memref_squeeze %dma_start3A_2326 : memref<1x128xi32, #tpu.memory_space<vmem>> -> memref<128xi32, #tpu.memory_space<vmem>>
    %dma_start3A_2328 = arith.constant 0 : i32
    %dma_start3A_2329 = arith.constant 0 : i32
    %dma_start3A_2330 = tpu.memref_slice %arg2[%dma_start3A_2328, %dma_start3A_2329] : memref<26000x16xf32, #tpu.memory_space<hbm>> -> memref<26000x16xf32, #tpu.memory_space<hbm>>
    tpu.enqueue_indirect_dma source(%dma_start3A_2330 : memref<26000x16xf32, #tpu.memory_space<hbm>>) target(%dma_start3A_2324 : memref<128x16xf32, #tpu.memory_space<vmem>>) offsets(%dma_start3A_2327 : memref<128xi32, #tpu.memory_space<vmem>>) semaphore(%arg7 : memref<!tpu.dma_semaphore, #tpu.memory_space<semaphore_mem>>)
    %dma_start3A_2331 = arith.constant 102 : i32
    %dma_start3A_2332 = arith.constant 1 : i32
    %dma_start3A_2333 = arith.constant 1408 : i32
    %dma_start3A_2334 = arith.constant 0 : i32
    %dma_start3A_2335 = tpu.memref_slice %arg6[%dma_start3A_2332, %dma_start3A_2333, %dma_start3A_2334] : memref<2x1664x16xf32, #tpu.memory_space<vmem>> -> memref<1x128x16xf32, #tpu.memory_space<vmem>>
    %dma_start3A_2336 = tpu.memref_squeeze %dma_start3A_2335 : memref<1x128x16xf32, #tpu.memory_space<vmem>> -> memref<128x16xf32, #tpu.memory_space<vmem>>
    %dma_start3A_2337 = arith.constant 0 : i32
    %dma_start3A_2338 = tpu.memref_slice %arg5[%dma_start3A_2331, %dma_start3A_2337] : memref<104x128xi32, #tpu.memory_space<vmem>> -> memref<1x128xi32, #tpu.memory_space<vmem>>
    %dma_start3A_2339 = tpu.memref_squeeze %dma_start3A_2338 : memref<1x128xi32, #tpu.memory_space<vmem>> -> memref<128xi32, #tpu.memory_space<vmem>>
    %dma_start3A_2340 = arith.constant 0 : i32
    %dma_start3A_2341 = arith.constant 0 : i32
    %dma_start3A_2342 = tpu.memref_slice %arg2[%dma_start3A_2340, %dma_start3A_2341] : memref<26000x16xf32, #tpu.memory_space<hbm>> -> memref<26000x16xf32, #tpu.memory_space<hbm>>
    tpu.enqueue_indirect_dma source(%dma_start3A_2342 : memref<26000x16xf32, #tpu.memory_space<hbm>>) target(%dma_start3A_2336 : memref<128x16xf32, #tpu.memory_space<vmem>>) offsets(%dma_start3A_2339 : memref<128xi32, #tpu.memory_space<vmem>>) semaphore(%arg7 : memref<!tpu.dma_semaphore, #tpu.memory_space<semaphore_mem>>)
    %dma_start3A_2343 = arith.constant 103 : i32
    %dma_start3A_2344 = arith.constant 1 : i32
    %dma_start3A_2345 = arith.constant 1536 : i32
    %dma_start3A_2346 = arith.constant 0 : i32
    %dma_start3A_2347 = tpu.memref_slice %arg6[%dma_start3A_2344, %dma_start3A_2345, %dma_start3A_2346] : memref<2x1664x16xf32, #tpu.memory_space<vmem>> -> memref<1x128x16xf32, #tpu.memory_space<vmem>>
    %dma_start3A_2348 = tpu.memref_squeeze %dma_start3A_2347 : memref<1x128x16xf32, #tpu.memory_space<vmem>> -> memref<128x16xf32, #tpu.memory_space<vmem>>
    %dma_start3A_2349 = arith.constant 0 : i32
    %dma_start3A_2350 = tpu.memref_slice %arg5[%dma_start3A_2343, %dma_start3A_2349] : memref<104x128xi32, #tpu.memory_space<vmem>> -> memref<1x128xi32, #tpu.memory_space<vmem>>
    %dma_start3A_2351 = tpu.memref_squeeze %dma_start3A_2350 : memref<1x128xi32, #tpu.memory_space<vmem>> -> memref<128xi32, #tpu.memory_space<vmem>>
    %dma_start3A_2352 = arith.constant 0 : i32
    %dma_start3A_2353 = arith.constant 0 : i32
    %dma_start3A_2354 = tpu.memref_slice %arg2[%dma_start3A_2352, %dma_start3A_2353] : memref<26000x16xf32, #tpu.memory_space<hbm>> -> memref<26000x16xf32, #tpu.memory_space<hbm>>
    tpu.enqueue_indirect_dma source(%dma_start3A_2354 : memref<26000x16xf32, #tpu.memory_space<hbm>>) target(%dma_start3A_2348 : memref<128x16xf32, #tpu.memory_space<vmem>>) offsets(%dma_start3A_2351 : memref<128xi32, #tpu.memory_space<vmem>>) semaphore(%arg7 : memref<!tpu.dma_semaphore, #tpu.memory_space<semaphore_mem>>)
    %dma_wait3A_2355 = arith.constant 78 : i32
    %dma_wait3A_2356 = arith.constant 0 : i32
    %dma_wait3A_2357 = arith.constant 0 : i32
    %dma_wait3A_2358 = arith.constant 0 : i32
    %dma_wait3A_2359 = tpu.memref_slice %arg6[%dma_wait3A_2356, %dma_wait3A_2357, %dma_wait3A_2358] : memref<2x1664x16xf32, #tpu.memory_space<vmem>> -> memref<1x128x16xf32, #tpu.memory_space<vmem>>
    %dma_wait3A_2360 = tpu.memref_squeeze %dma_wait3A_2359 : memref<1x128x16xf32, #tpu.memory_space<vmem>> -> memref<128x16xf32, #tpu.memory_space<vmem>>
    %dma_wait3A_2361 = arith.constant 0 : i32
    %dma_wait3A_2362 = tpu.memref_slice %arg5[%dma_wait3A_2355, %dma_wait3A_2361] : memref<104x128xi32, #tpu.memory_space<vmem>> -> memref<1x128xi32, #tpu.memory_space<vmem>>
    %dma_wait3A_2363 = tpu.memref_squeeze %dma_wait3A_2362 : memref<1x128xi32, #tpu.memory_space<vmem>> -> memref<128xi32, #tpu.memory_space<vmem>>
    %dma_wait3A_2364 = arith.constant 0 : i32
    %dma_wait3A_2365 = arith.constant 0 : i32
    %dma_wait3A_2366 = tpu.memref_slice %arg2[%dma_wait3A_2364, %dma_wait3A_2365] : memref<26000x16xf32, #tpu.memory_space<hbm>> -> memref<26000x16xf32, #tpu.memory_space<hbm>>
    tpu.wait_indirect_dma semaphore(%arg7 : memref<!tpu.dma_semaphore, #tpu.memory_space<semaphore_mem>>) src(%dma_wait3A_2366 : memref<26000x16xf32, #tpu.memory_space<hbm>>) dst(%dma_wait3A_2360 : memref<128x16xf32, #tpu.memory_space<vmem>>)
    %dma_wait3A_2367 = arith.constant 79 : i32
    %dma_wait3A_2368 = arith.constant 0 : i32
    %dma_wait3A_2369 = arith.constant 128 : i32
    %dma_wait3A_2370 = arith.constant 0 : i32
    %dma_wait3A_2371 = tpu.memref_slice %arg6[%dma_wait3A_2368, %dma_wait3A_2369, %dma_wait3A_2370] : memref<2x1664x16xf32, #tpu.memory_space<vmem>> -> memref<1x128x16xf32, #tpu.memory_space<vmem>>
    %dma_wait3A_2372 = tpu.memref_squeeze %dma_wait3A_2371 : memref<1x128x16xf32, #tpu.memory_space<vmem>> -> memref<128x16xf32, #tpu.memory_space<vmem>>
    %dma_wait3A_2373 = arith.constant 0 : i32
    %dma_wait3A_2374 = tpu.memref_slice %arg5[%dma_wait3A_2367, %dma_wait3A_2373] : memref<104x128xi32, #tpu.memory_space<vmem>> -> memref<1x128xi32, #tpu.memory_space<vmem>>
    %dma_wait3A_2375 = tpu.memref_squeeze %dma_wait3A_2374 : memref<1x128xi32, #tpu.memory_space<vmem>> -> memref<128xi32, #tpu.memory_space<vmem>>
    %dma_wait3A_2376 = arith.constant 0 : i32
    %dma_wait3A_2377 = arith.constant 0 : i32
    %dma_wait3A_2378 = tpu.memref_slice %arg2[%dma_wait3A_2376, %dma_wait3A_2377] : memref<26000x16xf32, #tpu.memory_space<hbm>> -> memref<26000x16xf32, #tpu.memory_space<hbm>>
    tpu.wait_indirect_dma semaphore(%arg7 : memref<!tpu.dma_semaphore, #tpu.memory_space<semaphore_mem>>) src(%dma_wait3A_2378 : memref<26000x16xf32, #tpu.memory_space<hbm>>) dst(%dma_wait3A_2372 : memref<128x16xf32, #tpu.memory_space<vmem>>)
    %dma_wait3A_2379 = arith.constant 80 : i32
    %dma_wait3A_2380 = arith.constant 0 : i32
    %dma_wait3A_2381 = arith.constant 256 : i32
    %dma_wait3A_2382 = arith.constant 0 : i32
    %dma_wait3A_2383 = tpu.memref_slice %arg6[%dma_wait3A_2380, %dma_wait3A_2381, %dma_wait3A_2382] : memref<2x1664x16xf32, #tpu.memory_space<vmem>> -> memref<1x128x16xf32, #tpu.memory_space<vmem>>
    %dma_wait3A_2384 = tpu.memref_squeeze %dma_wait3A_2383 : memref<1x128x16xf32, #tpu.memory_space<vmem>> -> memref<128x16xf32, #tpu.memory_space<vmem>>
    %dma_wait3A_2385 = arith.constant 0 : i32
    %dma_wait3A_2386 = tpu.memref_slice %arg5[%dma_wait3A_2379, %dma_wait3A_2385] : memref<104x128xi32, #tpu.memory_space<vmem>> -> memref<1x128xi32, #tpu.memory_space<vmem>>
    %dma_wait3A_2387 = tpu.memref_squeeze %dma_wait3A_2386 : memref<1x128xi32, #tpu.memory_space<vmem>> -> memref<128xi32, #tpu.memory_space<vmem>>
    %dma_wait3A_2388 = arith.constant 0 : i32
    %dma_wait3A_2389 = arith.constant 0 : i32
    %dma_wait3A_2390 = tpu.memref_slice %arg2[%dma_wait3A_2388, %dma_wait3A_2389] : memref<26000x16xf32, #tpu.memory_space<hbm>> -> memref<26000x16xf32, #tpu.memory_space<hbm>>
    tpu.wait_indirect_dma semaphore(%arg7 : memref<!tpu.dma_semaphore, #tpu.memory_space<semaphore_mem>>) src(%dma_wait3A_2390 : memref<26000x16xf32, #tpu.memory_space<hbm>>) dst(%dma_wait3A_2384 : memref<128x16xf32, #tpu.memory_space<vmem>>)
    %dma_wait3A_2391 = arith.constant 81 : i32
    %dma_wait3A_2392 = arith.constant 0 : i32
    %dma_wait3A_2393 = arith.constant 384 : i32
    %dma_wait3A_2394 = arith.constant 0 : i32
    %dma_wait3A_2395 = tpu.memref_slice %arg6[%dma_wait3A_2392, %dma_wait3A_2393, %dma_wait3A_2394] : memref<2x1664x16xf32, #tpu.memory_space<vmem>> -> memref<1x128x16xf32, #tpu.memory_space<vmem>>
    %dma_wait3A_2396 = tpu.memref_squeeze %dma_wait3A_2395 : memref<1x128x16xf32, #tpu.memory_space<vmem>> -> memref<128x16xf32, #tpu.memory_space<vmem>>
    %dma_wait3A_2397 = arith.constant 0 : i32
    %dma_wait3A_2398 = tpu.memref_slice %arg5[%dma_wait3A_2391, %dma_wait3A_2397] : memref<104x128xi32, #tpu.memory_space<vmem>> -> memref<1x128xi32, #tpu.memory_space<vmem>>
    %dma_wait3A_2399 = tpu.memref_squeeze %dma_wait3A_2398 : memref<1x128xi32, #tpu.memory_space<vmem>> -> memref<128xi32, #tpu.memory_space<vmem>>
    %dma_wait3A_2400 = arith.constant 0 : i32
    %dma_wait3A_2401 = arith.constant 0 : i32
    %dma_wait3A_2402 = tpu.memref_slice %arg2[%dma_wait3A_2400, %dma_wait3A_2401] : memref<26000x16xf32, #tpu.memory_space<hbm>> -> memref<26000x16xf32, #tpu.memory_space<hbm>>
    tpu.wait_indirect_dma semaphore(%arg7 : memref<!tpu.dma_semaphore, #tpu.memory_space<semaphore_mem>>) src(%dma_wait3A_2402 : memref<26000x16xf32, #tpu.memory_space<hbm>>) dst(%dma_wait3A_2396 : memref<128x16xf32, #tpu.memory_space<vmem>>)
    %dma_wait3A_2403 = arith.constant 82 : i32
    %dma_wait3A_2404 = arith.constant 0 : i32
    %dma_wait3A_2405 = arith.constant 512 : i32
    %dma_wait3A_2406 = arith.constant 0 : i32
    %dma_wait3A_2407 = tpu.memref_slice %arg6[%dma_wait3A_2404, %dma_wait3A_2405, %dma_wait3A_2406] : memref<2x1664x16xf32, #tpu.memory_space<vmem>> -> memref<1x128x16xf32, #tpu.memory_space<vmem>>
    %dma_wait3A_2408 = tpu.memref_squeeze %dma_wait3A_2407 : memref<1x128x16xf32, #tpu.memory_space<vmem>> -> memref<128x16xf32, #tpu.memory_space<vmem>>
    %dma_wait3A_2409 = arith.constant 0 : i32
    %dma_wait3A_2410 = tpu.memref_slice %arg5[%dma_wait3A_2403, %dma_wait3A_2409] : memref<104x128xi32, #tpu.memory_space<vmem>> -> memref<1x128xi32, #tpu.memory_space<vmem>>
    %dma_wait3A_2411 = tpu.memref_squeeze %dma_wait3A_2410 : memref<1x128xi32, #tpu.memory_space<vmem>> -> memref<128xi32, #tpu.memory_space<vmem>>
    %dma_wait3A_2412 = arith.constant 0 : i32
    %dma_wait3A_2413 = arith.constant 0 : i32
    %dma_wait3A_2414 = tpu.memref_slice %arg2[%dma_wait3A_2412, %dma_wait3A_2413] : memref<26000x16xf32, #tpu.memory_space<hbm>> -> memref<26000x16xf32, #tpu.memory_space<hbm>>
    tpu.wait_indirect_dma semaphore(%arg7 : memref<!tpu.dma_semaphore, #tpu.memory_space<semaphore_mem>>) src(%dma_wait3A_2414 : memref<26000x16xf32, #tpu.memory_space<hbm>>) dst(%dma_wait3A_2408 : memref<128x16xf32, #tpu.memory_space<vmem>>)
    %dma_wait3A_2415 = arith.constant 83 : i32
    %dma_wait3A_2416 = arith.constant 0 : i32
    %dma_wait3A_2417 = arith.constant 640 : i32
    %dma_wait3A_2418 = arith.constant 0 : i32
    %dma_wait3A_2419 = tpu.memref_slice %arg6[%dma_wait3A_2416, %dma_wait3A_2417, %dma_wait3A_2418] : memref<2x1664x16xf32, #tpu.memory_space<vmem>> -> memref<1x128x16xf32, #tpu.memory_space<vmem>>
    %dma_wait3A_2420 = tpu.memref_squeeze %dma_wait3A_2419 : memref<1x128x16xf32, #tpu.memory_space<vmem>> -> memref<128x16xf32, #tpu.memory_space<vmem>>
    %dma_wait3A_2421 = arith.constant 0 : i32
    %dma_wait3A_2422 = tpu.memref_slice %arg5[%dma_wait3A_2415, %dma_wait3A_2421] : memref<104x128xi32, #tpu.memory_space<vmem>> -> memref<1x128xi32, #tpu.memory_space<vmem>>
    %dma_wait3A_2423 = tpu.memref_squeeze %dma_wait3A_2422 : memref<1x128xi32, #tpu.memory_space<vmem>> -> memref<128xi32, #tpu.memory_space<vmem>>
    %dma_wait3A_2424 = arith.constant 0 : i32
    %dma_wait3A_2425 = arith.constant 0 : i32
    %dma_wait3A_2426 = tpu.memref_slice %arg2[%dma_wait3A_2424, %dma_wait3A_2425] : memref<26000x16xf32, #tpu.memory_space<hbm>> -> memref<26000x16xf32, #tpu.memory_space<hbm>>
    tpu.wait_indirect_dma semaphore(%arg7 : memref<!tpu.dma_semaphore, #tpu.memory_space<semaphore_mem>>) src(%dma_wait3A_2426 : memref<26000x16xf32, #tpu.memory_space<hbm>>) dst(%dma_wait3A_2420 : memref<128x16xf32, #tpu.memory_space<vmem>>)
    %dma_wait3A_2427 = arith.constant 84 : i32
    %dma_wait3A_2428 = arith.constant 0 : i32
    %dma_wait3A_2429 = arith.constant 768 : i32
    %dma_wait3A_2430 = arith.constant 0 : i32
    %dma_wait3A_2431 = tpu.memref_slice %arg6[%dma_wait3A_2428, %dma_wait3A_2429, %dma_wait3A_2430] : memref<2x1664x16xf32, #tpu.memory_space<vmem>> -> memref<1x128x16xf32, #tpu.memory_space<vmem>>
    %dma_wait3A_2432 = tpu.memref_squeeze %dma_wait3A_2431 : memref<1x128x16xf32, #tpu.memory_space<vmem>> -> memref<128x16xf32, #tpu.memory_space<vmem>>
    %dma_wait3A_2433 = arith.constant 0 : i32
    %dma_wait3A_2434 = tpu.memref_slice %arg5[%dma_wait3A_2427, %dma_wait3A_2433] : memref<104x128xi32, #tpu.memory_space<vmem>> -> memref<1x128xi32, #tpu.memory_space<vmem>>
    %dma_wait3A_2435 = tpu.memref_squeeze %dma_wait3A_2434 : memref<1x128xi32, #tpu.memory_space<vmem>> -> memref<128xi32, #tpu.memory_space<vmem>>
    %dma_wait3A_2436 = arith.constant 0 : i32
    %dma_wait3A_2437 = arith.constant 0 : i32
    %dma_wait3A_2438 = tpu.memref_slice %arg2[%dma_wait3A_2436, %dma_wait3A_2437] : memref<26000x16xf32, #tpu.memory_space<hbm>> -> memref<26000x16xf32, #tpu.memory_space<hbm>>
    tpu.wait_indirect_dma semaphore(%arg7 : memref<!tpu.dma_semaphore, #tpu.memory_space<semaphore_mem>>) src(%dma_wait3A_2438 : memref<26000x16xf32, #tpu.memory_space<hbm>>) dst(%dma_wait3A_2432 : memref<128x16xf32, #tpu.memory_space<vmem>>)
    %dma_wait3A_2439 = arith.constant 85 : i32
    %dma_wait3A_2440 = arith.constant 0 : i32
    %dma_wait3A_2441 = arith.constant 896 : i32
    %dma_wait3A_2442 = arith.constant 0 : i32
    %dma_wait3A_2443 = tpu.memref_slice %arg6[%dma_wait3A_2440, %dma_wait3A_2441, %dma_wait3A_2442] : memref<2x1664x16xf32, #tpu.memory_space<vmem>> -> memref<1x128x16xf32, #tpu.memory_space<vmem>>
    %dma_wait3A_2444 = tpu.memref_squeeze %dma_wait3A_2443 : memref<1x128x16xf32, #tpu.memory_space<vmem>> -> memref<128x16xf32, #tpu.memory_space<vmem>>
    %dma_wait3A_2445 = arith.constant 0 : i32
    %dma_wait3A_2446 = tpu.memref_slice %arg5[%dma_wait3A_2439, %dma_wait3A_2445] : memref<104x128xi32, #tpu.memory_space<vmem>> -> memref<1x128xi32, #tpu.memory_space<vmem>>
    %dma_wait3A_2447 = tpu.memref_squeeze %dma_wait3A_2446 : memref<1x128xi32, #tpu.memory_space<vmem>> -> memref<128xi32, #tpu.memory_space<vmem>>
    %dma_wait3A_2448 = arith.constant 0 : i32
    %dma_wait3A_2449 = arith.constant 0 : i32
    %dma_wait3A_2450 = tpu.memref_slice %arg2[%dma_wait3A_2448, %dma_wait3A_2449] : memref<26000x16xf32, #tpu.memory_space<hbm>> -> memref<26000x16xf32, #tpu.memory_space<hbm>>
    tpu.wait_indirect_dma semaphore(%arg7 : memref<!tpu.dma_semaphore, #tpu.memory_space<semaphore_mem>>) src(%dma_wait3A_2450 : memref<26000x16xf32, #tpu.memory_space<hbm>>) dst(%dma_wait3A_2444 : memref<128x16xf32, #tpu.memory_space<vmem>>)
    %dma_wait3A_2451 = arith.constant 86 : i32
    %dma_wait3A_2452 = arith.constant 0 : i32
    %dma_wait3A_2453 = arith.constant 1024 : i32
    %dma_wait3A_2454 = arith.constant 0 : i32
    %dma_wait3A_2455 = tpu.memref_slice %arg6[%dma_wait3A_2452, %dma_wait3A_2453, %dma_wait3A_2454] : memref<2x1664x16xf32, #tpu.memory_space<vmem>> -> memref<1x128x16xf32, #tpu.memory_space<vmem>>
    %dma_wait3A_2456 = tpu.memref_squeeze %dma_wait3A_2455 : memref<1x128x16xf32, #tpu.memory_space<vmem>> -> memref<128x16xf32, #tpu.memory_space<vmem>>
    %dma_wait3A_2457 = arith.constant 0 : i32
    %dma_wait3A_2458 = tpu.memref_slice %arg5[%dma_wait3A_2451, %dma_wait3A_2457] : memref<104x128xi32, #tpu.memory_space<vmem>> -> memref<1x128xi32, #tpu.memory_space<vmem>>
    %dma_wait3A_2459 = tpu.memref_squeeze %dma_wait3A_2458 : memref<1x128xi32, #tpu.memory_space<vmem>> -> memref<128xi32, #tpu.memory_space<vmem>>
    %dma_wait3A_2460 = arith.constant 0 : i32
    %dma_wait3A_2461 = arith.constant 0 : i32
    %dma_wait3A_2462 = tpu.memref_slice %arg2[%dma_wait3A_2460, %dma_wait3A_2461] : memref<26000x16xf32, #tpu.memory_space<hbm>> -> memref<26000x16xf32, #tpu.memory_space<hbm>>
    tpu.wait_indirect_dma semaphore(%arg7 : memref<!tpu.dma_semaphore, #tpu.memory_space<semaphore_mem>>) src(%dma_wait3A_2462 : memref<26000x16xf32, #tpu.memory_space<hbm>>) dst(%dma_wait3A_2456 : memref<128x16xf32, #tpu.memory_space<vmem>>)
    %dma_wait3A_2463 = arith.constant 87 : i32
    %dma_wait3A_2464 = arith.constant 0 : i32
    %dma_wait3A_2465 = arith.constant 1152 : i32
    %dma_wait3A_2466 = arith.constant 0 : i32
    %dma_wait3A_2467 = tpu.memref_slice %arg6[%dma_wait3A_2464, %dma_wait3A_2465, %dma_wait3A_2466] : memref<2x1664x16xf32, #tpu.memory_space<vmem>> -> memref<1x128x16xf32, #tpu.memory_space<vmem>>
    %dma_wait3A_2468 = tpu.memref_squeeze %dma_wait3A_2467 : memref<1x128x16xf32, #tpu.memory_space<vmem>> -> memref<128x16xf32, #tpu.memory_space<vmem>>
    %dma_wait3A_2469 = arith.constant 0 : i32
    %dma_wait3A_2470 = tpu.memref_slice %arg5[%dma_wait3A_2463, %dma_wait3A_2469] : memref<104x128xi32, #tpu.memory_space<vmem>> -> memref<1x128xi32, #tpu.memory_space<vmem>>
    %dma_wait3A_2471 = tpu.memref_squeeze %dma_wait3A_2470 : memref<1x128xi32, #tpu.memory_space<vmem>> -> memref<128xi32, #tpu.memory_space<vmem>>
    %dma_wait3A_2472 = arith.constant 0 : i32
    %dma_wait3A_2473 = arith.constant 0 : i32
    %dma_wait3A_2474 = tpu.memref_slice %arg2[%dma_wait3A_2472, %dma_wait3A_2473] : memref<26000x16xf32, #tpu.memory_space<hbm>> -> memref<26000x16xf32, #tpu.memory_space<hbm>>
    tpu.wait_indirect_dma semaphore(%arg7 : memref<!tpu.dma_semaphore, #tpu.memory_space<semaphore_mem>>) src(%dma_wait3A_2474 : memref<26000x16xf32, #tpu.memory_space<hbm>>) dst(%dma_wait3A_2468 : memref<128x16xf32, #tpu.memory_space<vmem>>)
    %dma_wait3A_2475 = arith.constant 88 : i32
    %dma_wait3A_2476 = arith.constant 0 : i32
    %dma_wait3A_2477 = arith.constant 1280 : i32
    %dma_wait3A_2478 = arith.constant 0 : i32
    %dma_wait3A_2479 = tpu.memref_slice %arg6[%dma_wait3A_2476, %dma_wait3A_2477, %dma_wait3A_2478] : memref<2x1664x16xf32, #tpu.memory_space<vmem>> -> memref<1x128x16xf32, #tpu.memory_space<vmem>>
    %dma_wait3A_2480 = tpu.memref_squeeze %dma_wait3A_2479 : memref<1x128x16xf32, #tpu.memory_space<vmem>> -> memref<128x16xf32, #tpu.memory_space<vmem>>
    %dma_wait3A_2481 = arith.constant 0 : i32
    %dma_wait3A_2482 = tpu.memref_slice %arg5[%dma_wait3A_2475, %dma_wait3A_2481] : memref<104x128xi32, #tpu.memory_space<vmem>> -> memref<1x128xi32, #tpu.memory_space<vmem>>
    %dma_wait3A_2483 = tpu.memref_squeeze %dma_wait3A_2482 : memref<1x128xi32, #tpu.memory_space<vmem>> -> memref<128xi32, #tpu.memory_space<vmem>>
    %dma_wait3A_2484 = arith.constant 0 : i32
    %dma_wait3A_2485 = arith.constant 0 : i32
    %dma_wait3A_2486 = tpu.memref_slice %arg2[%dma_wait3A_2484, %dma_wait3A_2485] : memref<26000x16xf32, #tpu.memory_space<hbm>> -> memref<26000x16xf32, #tpu.memory_space<hbm>>
    tpu.wait_indirect_dma semaphore(%arg7 : memref<!tpu.dma_semaphore, #tpu.memory_space<semaphore_mem>>) src(%dma_wait3A_2486 : memref<26000x16xf32, #tpu.memory_space<hbm>>) dst(%dma_wait3A_2480 : memref<128x16xf32, #tpu.memory_space<vmem>>)
    %dma_wait3A_2487 = arith.constant 89 : i32
    %dma_wait3A_2488 = arith.constant 0 : i32
    %dma_wait3A_2489 = arith.constant 1408 : i32
    %dma_wait3A_2490 = arith.constant 0 : i32
    %dma_wait3A_2491 = tpu.memref_slice %arg6[%dma_wait3A_2488, %dma_wait3A_2489, %dma_wait3A_2490] : memref<2x1664x16xf32, #tpu.memory_space<vmem>> -> memref<1x128x16xf32, #tpu.memory_space<vmem>>
    %dma_wait3A_2492 = tpu.memref_squeeze %dma_wait3A_2491 : memref<1x128x16xf32, #tpu.memory_space<vmem>> -> memref<128x16xf32, #tpu.memory_space<vmem>>
    %dma_wait3A_2493 = arith.constant 0 : i32
    %dma_wait3A_2494 = tpu.memref_slice %arg5[%dma_wait3A_2487, %dma_wait3A_2493] : memref<104x128xi32, #tpu.memory_space<vmem>> -> memref<1x128xi32, #tpu.memory_space<vmem>>
    %dma_wait3A_2495 = tpu.memref_squeeze %dma_wait3A_2494 : memref<1x128xi32, #tpu.memory_space<vmem>> -> memref<128xi32, #tpu.memory_space<vmem>>
    %dma_wait3A_2496 = arith.constant 0 : i32
    %dma_wait3A_2497 = arith.constant 0 : i32
    %dma_wait3A_2498 = tpu.memref_slice %arg2[%dma_wait3A_2496, %dma_wait3A_2497] : memref<26000x16xf32, #tpu.memory_space<hbm>> -> memref<26000x16xf32, #tpu.memory_space<hbm>>
    tpu.wait_indirect_dma semaphore(%arg7 : memref<!tpu.dma_semaphore, #tpu.memory_space<semaphore_mem>>) src(%dma_wait3A_2498 : memref<26000x16xf32, #tpu.memory_space<hbm>>) dst(%dma_wait3A_2492 : memref<128x16xf32, #tpu.memory_space<vmem>>)
    %dma_wait3A_2499 = arith.constant 90 : i32
    %dma_wait3A_2500 = arith.constant 0 : i32
    %dma_wait3A_2501 = arith.constant 1536 : i32
    %dma_wait3A_2502 = arith.constant 0 : i32
    %dma_wait3A_2503 = tpu.memref_slice %arg6[%dma_wait3A_2500, %dma_wait3A_2501, %dma_wait3A_2502] : memref<2x1664x16xf32, #tpu.memory_space<vmem>> -> memref<1x128x16xf32, #tpu.memory_space<vmem>>
    %dma_wait3A_2504 = tpu.memref_squeeze %dma_wait3A_2503 : memref<1x128x16xf32, #tpu.memory_space<vmem>> -> memref<128x16xf32, #tpu.memory_space<vmem>>
    %dma_wait3A_2505 = arith.constant 0 : i32
    %dma_wait3A_2506 = tpu.memref_slice %arg5[%dma_wait3A_2499, %dma_wait3A_2505] : memref<104x128xi32, #tpu.memory_space<vmem>> -> memref<1x128xi32, #tpu.memory_space<vmem>>
    %dma_wait3A_2507 = tpu.memref_squeeze %dma_wait3A_2506 : memref<1x128xi32, #tpu.memory_space<vmem>> -> memref<128xi32, #tpu.memory_space<vmem>>
    %dma_wait3A_2508 = arith.constant 0 : i32
    %dma_wait3A_2509 = arith.constant 0 : i32
    %dma_wait3A_2510 = tpu.memref_slice %arg2[%dma_wait3A_2508, %dma_wait3A_2509] : memref<26000x16xf32, #tpu.memory_space<hbm>> -> memref<26000x16xf32, #tpu.memory_space<hbm>>
    tpu.wait_indirect_dma semaphore(%arg7 : memref<!tpu.dma_semaphore, #tpu.memory_space<semaphore_mem>>) src(%dma_wait3A_2510 : memref<26000x16xf32, #tpu.memory_space<hbm>>) dst(%dma_wait3A_2504 : memref<128x16xf32, #tpu.memory_space<vmem>>)
    %add3A_2511 = arith.constant 9984 : i32
    %add3A_2512 = arith.addi %mul3A_2, %add3A_2511 : i32
    %dma_start3A_2513 = arith.constant 0 : i32
    %dma_start3A_2514 = arith.constant 0 : i32
    %dma_start3A_2515 = arith.constant 0 : i32
    %dma_start3A_2516 = tpu.memref_slice %arg6[%dma_start3A_2513, %dma_start3A_2514, %dma_start3A_2515] : memref<2x1664x16xf32, #tpu.memory_space<vmem>> -> memref<1x1664x16xf32, #tpu.memory_space<vmem>>
    %dma_start3A_2517 = tpu.memref_squeeze %dma_start3A_2516 : memref<1x1664x16xf32, #tpu.memory_space<vmem>> -> memref<1664x16xf32, #tpu.memory_space<vmem>>
    %dma_start3A_2518 = arith.constant 0 : i32
    %dma_start3A_2519 = tpu.memref_slice %arg4[%add3A_2512, %dma_start3A_2518] : memref<425984x16xf32, #tpu.memory_space<hbm>> -> memref<1664x16xf32, #tpu.memory_space<hbm>>
    %dma_start3A_2520 = arith.constant 0 : i32
    %dma_start3A_2521 = tpu.memref_slice %arg4[%add3A_2512, %dma_start3A_2520] : memref<425984x16xf32, #tpu.memory_space<hbm>> -> memref<1664x16xf32, #tpu.memory_space<hbm>>
    %dma_start3A_2522 = arith.constant 0 : i32
    %dma_start3A_2523 = arith.constant 0 : i32
    %dma_start3A_2524 = tpu.memref_slice %arg6[%dma_start3A_2513, %dma_start3A_2522, %dma_start3A_2523] : memref<2x1664x16xf32, #tpu.memory_space<vmem>> -> memref<1x1664x16xf32, #tpu.memory_space<vmem>>
    %dma_start3A_2525 = tpu.memref_squeeze %dma_start3A_2524 : memref<1x1664x16xf32, #tpu.memory_space<vmem>> -> memref<1664x16xf32, #tpu.memory_space<vmem>>
    tpu.enqueue_dma source(%dma_start3A_2525 : memref<1664x16xf32, #tpu.memory_space<vmem>>) target(%dma_start3A_2521 : memref<1664x16xf32, #tpu.memory_space<hbm>>) target_semaphore(%arg8 : memref<!tpu.dma_semaphore, #tpu.memory_space<semaphore_mem>>)
    %dma_wait3A_2526 = arith.constant 91 : i32
    %dma_wait3A_2527 = arith.constant 1 : i32
    %dma_wait3A_2528 = arith.constant 0 : i32
    %dma_wait3A_2529 = arith.constant 0 : i32
    %dma_wait3A_2530 = tpu.memref_slice %arg6[%dma_wait3A_2527, %dma_wait3A_2528, %dma_wait3A_2529] : memref<2x1664x16xf32, #tpu.memory_space<vmem>> -> memref<1x128x16xf32, #tpu.memory_space<vmem>>
    %dma_wait3A_2531 = tpu.memref_squeeze %dma_wait3A_2530 : memref<1x128x16xf32, #tpu.memory_space<vmem>> -> memref<128x16xf32, #tpu.memory_space<vmem>>
    %dma_wait3A_2532 = arith.constant 0 : i32
    %dma_wait3A_2533 = tpu.memref_slice %arg5[%dma_wait3A_2526, %dma_wait3A_2532] : memref<104x128xi32, #tpu.memory_space<vmem>> -> memref<1x128xi32, #tpu.memory_space<vmem>>
    %dma_wait3A_2534 = tpu.memref_squeeze %dma_wait3A_2533 : memref<1x128xi32, #tpu.memory_space<vmem>> -> memref<128xi32, #tpu.memory_space<vmem>>
    %dma_wait3A_2535 = arith.constant 0 : i32
    %dma_wait3A_2536 = arith.constant 0 : i32
    %dma_wait3A_2537 = tpu.memref_slice %arg2[%dma_wait3A_2535, %dma_wait3A_2536] : memref<26000x16xf32, #tpu.memory_space<hbm>> -> memref<26000x16xf32, #tpu.memory_space<hbm>>
    tpu.wait_indirect_dma semaphore(%arg7 : memref<!tpu.dma_semaphore, #tpu.memory_space<semaphore_mem>>) src(%dma_wait3A_2537 : memref<26000x16xf32, #tpu.memory_space<hbm>>) dst(%dma_wait3A_2531 : memref<128x16xf32, #tpu.memory_space<vmem>>)
    %dma_wait3A_2538 = arith.constant 92 : i32
    %dma_wait3A_2539 = arith.constant 1 : i32
    %dma_wait3A_2540 = arith.constant 128 : i32
    %dma_wait3A_2541 = arith.constant 0 : i32
    %dma_wait3A_2542 = tpu.memref_slice %arg6[%dma_wait3A_2539, %dma_wait3A_2540, %dma_wait3A_2541] : memref<2x1664x16xf32, #tpu.memory_space<vmem>> -> memref<1x128x16xf32, #tpu.memory_space<vmem>>
    %dma_wait3A_2543 = tpu.memref_squeeze %dma_wait3A_2542 : memref<1x128x16xf32, #tpu.memory_space<vmem>> -> memref<128x16xf32, #tpu.memory_space<vmem>>
    %dma_wait3A_2544 = arith.constant 0 : i32
    %dma_wait3A_2545 = tpu.memref_slice %arg5[%dma_wait3A_2538, %dma_wait3A_2544] : memref<104x128xi32, #tpu.memory_space<vmem>> -> memref<1x128xi32, #tpu.memory_space<vmem>>
    %dma_wait3A_2546 = tpu.memref_squeeze %dma_wait3A_2545 : memref<1x128xi32, #tpu.memory_space<vmem>> -> memref<128xi32, #tpu.memory_space<vmem>>
    %dma_wait3A_2547 = arith.constant 0 : i32
    %dma_wait3A_2548 = arith.constant 0 : i32
    %dma_wait3A_2549 = tpu.memref_slice %arg2[%dma_wait3A_2547, %dma_wait3A_2548] : memref<26000x16xf32, #tpu.memory_space<hbm>> -> memref<26000x16xf32, #tpu.memory_space<hbm>>
    tpu.wait_indirect_dma semaphore(%arg7 : memref<!tpu.dma_semaphore, #tpu.memory_space<semaphore_mem>>) src(%dma_wait3A_2549 : memref<26000x16xf32, #tpu.memory_space<hbm>>) dst(%dma_wait3A_2543 : memref<128x16xf32, #tpu.memory_space<vmem>>)
    %dma_wait3A_2550 = arith.constant 93 : i32
    %dma_wait3A_2551 = arith.constant 1 : i32
    %dma_wait3A_2552 = arith.constant 256 : i32
    %dma_wait3A_2553 = arith.constant 0 : i32
    %dma_wait3A_2554 = tpu.memref_slice %arg6[%dma_wait3A_2551, %dma_wait3A_2552, %dma_wait3A_2553] : memref<2x1664x16xf32, #tpu.memory_space<vmem>> -> memref<1x128x16xf32, #tpu.memory_space<vmem>>
    %dma_wait3A_2555 = tpu.memref_squeeze %dma_wait3A_2554 : memref<1x128x16xf32, #tpu.memory_space<vmem>> -> memref<128x16xf32, #tpu.memory_space<vmem>>
    %dma_wait3A_2556 = arith.constant 0 : i32
    %dma_wait3A_2557 = tpu.memref_slice %arg5[%dma_wait3A_2550, %dma_wait3A_2556] : memref<104x128xi32, #tpu.memory_space<vmem>> -> memref<1x128xi32, #tpu.memory_space<vmem>>
    %dma_wait3A_2558 = tpu.memref_squeeze %dma_wait3A_2557 : memref<1x128xi32, #tpu.memory_space<vmem>> -> memref<128xi32, #tpu.memory_space<vmem>>
    %dma_wait3A_2559 = arith.constant 0 : i32
    %dma_wait3A_2560 = arith.constant 0 : i32
    %dma_wait3A_2561 = tpu.memref_slice %arg2[%dma_wait3A_2559, %dma_wait3A_2560] : memref<26000x16xf32, #tpu.memory_space<hbm>> -> memref<26000x16xf32, #tpu.memory_space<hbm>>
    tpu.wait_indirect_dma semaphore(%arg7 : memref<!tpu.dma_semaphore, #tpu.memory_space<semaphore_mem>>) src(%dma_wait3A_2561 : memref<26000x16xf32, #tpu.memory_space<hbm>>) dst(%dma_wait3A_2555 : memref<128x16xf32, #tpu.memory_space<vmem>>)
    %dma_wait3A_2562 = arith.constant 94 : i32
    %dma_wait3A_2563 = arith.constant 1 : i32
    %dma_wait3A_2564 = arith.constant 384 : i32
    %dma_wait3A_2565 = arith.constant 0 : i32
    %dma_wait3A_2566 = tpu.memref_slice %arg6[%dma_wait3A_2563, %dma_wait3A_2564, %dma_wait3A_2565] : memref<2x1664x16xf32, #tpu.memory_space<vmem>> -> memref<1x128x16xf32, #tpu.memory_space<vmem>>
    %dma_wait3A_2567 = tpu.memref_squeeze %dma_wait3A_2566 : memref<1x128x16xf32, #tpu.memory_space<vmem>> -> memref<128x16xf32, #tpu.memory_space<vmem>>
    %dma_wait3A_2568 = arith.constant 0 : i32
    %dma_wait3A_2569 = tpu.memref_slice %arg5[%dma_wait3A_2562, %dma_wait3A_2568] : memref<104x128xi32, #tpu.memory_space<vmem>> -> memref<1x128xi32, #tpu.memory_space<vmem>>
    %dma_wait3A_2570 = tpu.memref_squeeze %dma_wait3A_2569 : memref<1x128xi32, #tpu.memory_space<vmem>> -> memref<128xi32, #tpu.memory_space<vmem>>
    %dma_wait3A_2571 = arith.constant 0 : i32
    %dma_wait3A_2572 = arith.constant 0 : i32
    %dma_wait3A_2573 = tpu.memref_slice %arg2[%dma_wait3A_2571, %dma_wait3A_2572] : memref<26000x16xf32, #tpu.memory_space<hbm>> -> memref<26000x16xf32, #tpu.memory_space<hbm>>
    tpu.wait_indirect_dma semaphore(%arg7 : memref<!tpu.dma_semaphore, #tpu.memory_space<semaphore_mem>>) src(%dma_wait3A_2573 : memref<26000x16xf32, #tpu.memory_space<hbm>>) dst(%dma_wait3A_2567 : memref<128x16xf32, #tpu.memory_space<vmem>>)
    %dma_wait3A_2574 = arith.constant 95 : i32
    %dma_wait3A_2575 = arith.constant 1 : i32
    %dma_wait3A_2576 = arith.constant 512 : i32
    %dma_wait3A_2577 = arith.constant 0 : i32
    %dma_wait3A_2578 = tpu.memref_slice %arg6[%dma_wait3A_2575, %dma_wait3A_2576, %dma_wait3A_2577] : memref<2x1664x16xf32, #tpu.memory_space<vmem>> -> memref<1x128x16xf32, #tpu.memory_space<vmem>>
    %dma_wait3A_2579 = tpu.memref_squeeze %dma_wait3A_2578 : memref<1x128x16xf32, #tpu.memory_space<vmem>> -> memref<128x16xf32, #tpu.memory_space<vmem>>
    %dma_wait3A_2580 = arith.constant 0 : i32
    %dma_wait3A_2581 = tpu.memref_slice %arg5[%dma_wait3A_2574, %dma_wait3A_2580] : memref<104x128xi32, #tpu.memory_space<vmem>> -> memref<1x128xi32, #tpu.memory_space<vmem>>
    %dma_wait3A_2582 = tpu.memref_squeeze %dma_wait3A_2581 : memref<1x128xi32, #tpu.memory_space<vmem>> -> memref<128xi32, #tpu.memory_space<vmem>>
    %dma_wait3A_2583 = arith.constant 0 : i32
    %dma_wait3A_2584 = arith.constant 0 : i32
    %dma_wait3A_2585 = tpu.memref_slice %arg2[%dma_wait3A_2583, %dma_wait3A_2584] : memref<26000x16xf32, #tpu.memory_space<hbm>> -> memref<26000x16xf32, #tpu.memory_space<hbm>>
    tpu.wait_indirect_dma semaphore(%arg7 : memref<!tpu.dma_semaphore, #tpu.memory_space<semaphore_mem>>) src(%dma_wait3A_2585 : memref<26000x16xf32, #tpu.memory_space<hbm>>) dst(%dma_wait3A_2579 : memref<128x16xf32, #tpu.memory_space<vmem>>)
    %dma_wait3A_2586 = arith.constant 96 : i32
    %dma_wait3A_2587 = arith.constant 1 : i32
    %dma_wait3A_2588 = arith.constant 640 : i32
    %dma_wait3A_2589 = arith.constant 0 : i32
    %dma_wait3A_2590 = tpu.memref_slice %arg6[%dma_wait3A_2587, %dma_wait3A_2588, %dma_wait3A_2589] : memref<2x1664x16xf32, #tpu.memory_space<vmem>> -> memref<1x128x16xf32, #tpu.memory_space<vmem>>
    %dma_wait3A_2591 = tpu.memref_squeeze %dma_wait3A_2590 : memref<1x128x16xf32, #tpu.memory_space<vmem>> -> memref<128x16xf32, #tpu.memory_space<vmem>>
    %dma_wait3A_2592 = arith.constant 0 : i32
    %dma_wait3A_2593 = tpu.memref_slice %arg5[%dma_wait3A_2586, %dma_wait3A_2592] : memref<104x128xi32, #tpu.memory_space<vmem>> -> memref<1x128xi32, #tpu.memory_space<vmem>>
    %dma_wait3A_2594 = tpu.memref_squeeze %dma_wait3A_2593 : memref<1x128xi32, #tpu.memory_space<vmem>> -> memref<128xi32, #tpu.memory_space<vmem>>
    %dma_wait3A_2595 = arith.constant 0 : i32
    %dma_wait3A_2596 = arith.constant 0 : i32
    %dma_wait3A_2597 = tpu.memref_slice %arg2[%dma_wait3A_2595, %dma_wait3A_2596] : memref<26000x16xf32, #tpu.memory_space<hbm>> -> memref<26000x16xf32, #tpu.memory_space<hbm>>
    tpu.wait_indirect_dma semaphore(%arg7 : memref<!tpu.dma_semaphore, #tpu.memory_space<semaphore_mem>>) src(%dma_wait3A_2597 : memref<26000x16xf32, #tpu.memory_space<hbm>>) dst(%dma_wait3A_2591 : memref<128x16xf32, #tpu.memory_space<vmem>>)
    %dma_wait3A_2598 = arith.constant 97 : i32
    %dma_wait3A_2599 = arith.constant 1 : i32
    %dma_wait3A_2600 = arith.constant 768 : i32
    %dma_wait3A_2601 = arith.constant 0 : i32
    %dma_wait3A_2602 = tpu.memref_slice %arg6[%dma_wait3A_2599, %dma_wait3A_2600, %dma_wait3A_2601] : memref<2x1664x16xf32, #tpu.memory_space<vmem>> -> memref<1x128x16xf32, #tpu.memory_space<vmem>>
    %dma_wait3A_2603 = tpu.memref_squeeze %dma_wait3A_2602 : memref<1x128x16xf32, #tpu.memory_space<vmem>> -> memref<128x16xf32, #tpu.memory_space<vmem>>
    %dma_wait3A_2604 = arith.constant 0 : i32
    %dma_wait3A_2605 = tpu.memref_slice %arg5[%dma_wait3A_2598, %dma_wait3A_2604] : memref<104x128xi32, #tpu.memory_space<vmem>> -> memref<1x128xi32, #tpu.memory_space<vmem>>
    %dma_wait3A_2606 = tpu.memref_squeeze %dma_wait3A_2605 : memref<1x128xi32, #tpu.memory_space<vmem>> -> memref<128xi32, #tpu.memory_space<vmem>>
    %dma_wait3A_2607 = arith.constant 0 : i32
    %dma_wait3A_2608 = arith.constant 0 : i32
    %dma_wait3A_2609 = tpu.memref_slice %arg2[%dma_wait3A_2607, %dma_wait3A_2608] : memref<26000x16xf32, #tpu.memory_space<hbm>> -> memref<26000x16xf32, #tpu.memory_space<hbm>>
    tpu.wait_indirect_dma semaphore(%arg7 : memref<!tpu.dma_semaphore, #tpu.memory_space<semaphore_mem>>) src(%dma_wait3A_2609 : memref<26000x16xf32, #tpu.memory_space<hbm>>) dst(%dma_wait3A_2603 : memref<128x16xf32, #tpu.memory_space<vmem>>)
    %dma_wait3A_2610 = arith.constant 98 : i32
    %dma_wait3A_2611 = arith.constant 1 : i32
    %dma_wait3A_2612 = arith.constant 896 : i32
    %dma_wait3A_2613 = arith.constant 0 : i32
    %dma_wait3A_2614 = tpu.memref_slice %arg6[%dma_wait3A_2611, %dma_wait3A_2612, %dma_wait3A_2613] : memref<2x1664x16xf32, #tpu.memory_space<vmem>> -> memref<1x128x16xf32, #tpu.memory_space<vmem>>
    %dma_wait3A_2615 = tpu.memref_squeeze %dma_wait3A_2614 : memref<1x128x16xf32, #tpu.memory_space<vmem>> -> memref<128x16xf32, #tpu.memory_space<vmem>>
    %dma_wait3A_2616 = arith.constant 0 : i32
    %dma_wait3A_2617 = tpu.memref_slice %arg5[%dma_wait3A_2610, %dma_wait3A_2616] : memref<104x128xi32, #tpu.memory_space<vmem>> -> memref<1x128xi32, #tpu.memory_space<vmem>>
    %dma_wait3A_2618 = tpu.memref_squeeze %dma_wait3A_2617 : memref<1x128xi32, #tpu.memory_space<vmem>> -> memref<128xi32, #tpu.memory_space<vmem>>
    %dma_wait3A_2619 = arith.constant 0 : i32
    %dma_wait3A_2620 = arith.constant 0 : i32
    %dma_wait3A_2621 = tpu.memref_slice %arg2[%dma_wait3A_2619, %dma_wait3A_2620] : memref<26000x16xf32, #tpu.memory_space<hbm>> -> memref<26000x16xf32, #tpu.memory_space<hbm>>
    tpu.wait_indirect_dma semaphore(%arg7 : memref<!tpu.dma_semaphore, #tpu.memory_space<semaphore_mem>>) src(%dma_wait3A_2621 : memref<26000x16xf32, #tpu.memory_space<hbm>>) dst(%dma_wait3A_2615 : memref<128x16xf32, #tpu.memory_space<vmem>>)
    %dma_wait3A_2622 = arith.constant 99 : i32
    %dma_wait3A_2623 = arith.constant 1 : i32
    %dma_wait3A_2624 = arith.constant 1024 : i32
    %dma_wait3A_2625 = arith.constant 0 : i32
    %dma_wait3A_2626 = tpu.memref_slice %arg6[%dma_wait3A_2623, %dma_wait3A_2624, %dma_wait3A_2625] : memref<2x1664x16xf32, #tpu.memory_space<vmem>> -> memref<1x128x16xf32, #tpu.memory_space<vmem>>
    %dma_wait3A_2627 = tpu.memref_squeeze %dma_wait3A_2626 : memref<1x128x16xf32, #tpu.memory_space<vmem>> -> memref<128x16xf32, #tpu.memory_space<vmem>>
    %dma_wait3A_2628 = arith.constant 0 : i32
    %dma_wait3A_2629 = tpu.memref_slice %arg5[%dma_wait3A_2622, %dma_wait3A_2628] : memref<104x128xi32, #tpu.memory_space<vmem>> -> memref<1x128xi32, #tpu.memory_space<vmem>>
    %dma_wait3A_2630 = tpu.memref_squeeze %dma_wait3A_2629 : memref<1x128xi32, #tpu.memory_space<vmem>> -> memref<128xi32, #tpu.memory_space<vmem>>
    %dma_wait3A_2631 = arith.constant 0 : i32
    %dma_wait3A_2632 = arith.constant 0 : i32
    %dma_wait3A_2633 = tpu.memref_slice %arg2[%dma_wait3A_2631, %dma_wait3A_2632] : memref<26000x16xf32, #tpu.memory_space<hbm>> -> memref<26000x16xf32, #tpu.memory_space<hbm>>
    tpu.wait_indirect_dma semaphore(%arg7 : memref<!tpu.dma_semaphore, #tpu.memory_space<semaphore_mem>>) src(%dma_wait3A_2633 : memref<26000x16xf32, #tpu.memory_space<hbm>>) dst(%dma_wait3A_2627 : memref<128x16xf32, #tpu.memory_space<vmem>>)
    %dma_wait3A_2634 = arith.constant 100 : i32
    %dma_wait3A_2635 = arith.constant 1 : i32
    %dma_wait3A_2636 = arith.constant 1152 : i32
    %dma_wait3A_2637 = arith.constant 0 : i32
    %dma_wait3A_2638 = tpu.memref_slice %arg6[%dma_wait3A_2635, %dma_wait3A_2636, %dma_wait3A_2637] : memref<2x1664x16xf32, #tpu.memory_space<vmem>> -> memref<1x128x16xf32, #tpu.memory_space<vmem>>
    %dma_wait3A_2639 = tpu.memref_squeeze %dma_wait3A_2638 : memref<1x128x16xf32, #tpu.memory_space<vmem>> -> memref<128x16xf32, #tpu.memory_space<vmem>>
    %dma_wait3A_2640 = arith.constant 0 : i32
    %dma_wait3A_2641 = tpu.memref_slice %arg5[%dma_wait3A_2634, %dma_wait3A_2640] : memref<104x128xi32, #tpu.memory_space<vmem>> -> memref<1x128xi32, #tpu.memory_space<vmem>>
    %dma_wait3A_2642 = tpu.memref_squeeze %dma_wait3A_2641 : memref<1x128xi32, #tpu.memory_space<vmem>> -> memref<128xi32, #tpu.memory_space<vmem>>
    %dma_wait3A_2643 = arith.constant 0 : i32
    %dma_wait3A_2644 = arith.constant 0 : i32
    %dma_wait3A_2645 = tpu.memref_slice %arg2[%dma_wait3A_2643, %dma_wait3A_2644] : memref<26000x16xf32, #tpu.memory_space<hbm>> -> memref<26000x16xf32, #tpu.memory_space<hbm>>
    tpu.wait_indirect_dma semaphore(%arg7 : memref<!tpu.dma_semaphore, #tpu.memory_space<semaphore_mem>>) src(%dma_wait3A_2645 : memref<26000x16xf32, #tpu.memory_space<hbm>>) dst(%dma_wait3A_2639 : memref<128x16xf32, #tpu.memory_space<vmem>>)
    %dma_wait3A_2646 = arith.constant 101 : i32
    %dma_wait3A_2647 = arith.constant 1 : i32
    %dma_wait3A_2648 = arith.constant 1280 : i32
    %dma_wait3A_2649 = arith.constant 0 : i32
    %dma_wait3A_2650 = tpu.memref_slice %arg6[%dma_wait3A_2647, %dma_wait3A_2648, %dma_wait3A_2649] : memref<2x1664x16xf32, #tpu.memory_space<vmem>> -> memref<1x128x16xf32, #tpu.memory_space<vmem>>
    %dma_wait3A_2651 = tpu.memref_squeeze %dma_wait3A_2650 : memref<1x128x16xf32, #tpu.memory_space<vmem>> -> memref<128x16xf32, #tpu.memory_space<vmem>>
    %dma_wait3A_2652 = arith.constant 0 : i32
    %dma_wait3A_2653 = tpu.memref_slice %arg5[%dma_wait3A_2646, %dma_wait3A_2652] : memref<104x128xi32, #tpu.memory_space<vmem>> -> memref<1x128xi32, #tpu.memory_space<vmem>>
    %dma_wait3A_2654 = tpu.memref_squeeze %dma_wait3A_2653 : memref<1x128xi32, #tpu.memory_space<vmem>> -> memref<128xi32, #tpu.memory_space<vmem>>
    %dma_wait3A_2655 = arith.constant 0 : i32
    %dma_wait3A_2656 = arith.constant 0 : i32
    %dma_wait3A_2657 = tpu.memref_slice %arg2[%dma_wait3A_2655, %dma_wait3A_2656] : memref<26000x16xf32, #tpu.memory_space<hbm>> -> memref<26000x16xf32, #tpu.memory_space<hbm>>
    tpu.wait_indirect_dma semaphore(%arg7 : memref<!tpu.dma_semaphore, #tpu.memory_space<semaphore_mem>>) src(%dma_wait3A_2657 : memref<26000x16xf32, #tpu.memory_space<hbm>>) dst(%dma_wait3A_2651 : memref<128x16xf32, #tpu.memory_space<vmem>>)
    %dma_wait3A_2658 = arith.constant 102 : i32
    %dma_wait3A_2659 = arith.constant 1 : i32
    %dma_wait3A_2660 = arith.constant 1408 : i32
    %dma_wait3A_2661 = arith.constant 0 : i32
    %dma_wait3A_2662 = tpu.memref_slice %arg6[%dma_wait3A_2659, %dma_wait3A_2660, %dma_wait3A_2661] : memref<2x1664x16xf32, #tpu.memory_space<vmem>> -> memref<1x128x16xf32, #tpu.memory_space<vmem>>
    %dma_wait3A_2663 = tpu.memref_squeeze %dma_wait3A_2662 : memref<1x128x16xf32, #tpu.memory_space<vmem>> -> memref<128x16xf32, #tpu.memory_space<vmem>>
    %dma_wait3A_2664 = arith.constant 0 : i32
    %dma_wait3A_2665 = tpu.memref_slice %arg5[%dma_wait3A_2658, %dma_wait3A_2664] : memref<104x128xi32, #tpu.memory_space<vmem>> -> memref<1x128xi32, #tpu.memory_space<vmem>>
    %dma_wait3A_2666 = tpu.memref_squeeze %dma_wait3A_2665 : memref<1x128xi32, #tpu.memory_space<vmem>> -> memref<128xi32, #tpu.memory_space<vmem>>
    %dma_wait3A_2667 = arith.constant 0 : i32
    %dma_wait3A_2668 = arith.constant 0 : i32
    %dma_wait3A_2669 = tpu.memref_slice %arg2[%dma_wait3A_2667, %dma_wait3A_2668] : memref<26000x16xf32, #tpu.memory_space<hbm>> -> memref<26000x16xf32, #tpu.memory_space<hbm>>
    tpu.wait_indirect_dma semaphore(%arg7 : memref<!tpu.dma_semaphore, #tpu.memory_space<semaphore_mem>>) src(%dma_wait3A_2669 : memref<26000x16xf32, #tpu.memory_space<hbm>>) dst(%dma_wait3A_2663 : memref<128x16xf32, #tpu.memory_space<vmem>>)
    %dma_wait3A_2670 = arith.constant 103 : i32
    %dma_wait3A_2671 = arith.constant 1 : i32
    %dma_wait3A_2672 = arith.constant 1536 : i32
    %dma_wait3A_2673 = arith.constant 0 : i32
    %dma_wait3A_2674 = tpu.memref_slice %arg6[%dma_wait3A_2671, %dma_wait3A_2672, %dma_wait3A_2673] : memref<2x1664x16xf32, #tpu.memory_space<vmem>> -> memref<1x128x16xf32, #tpu.memory_space<vmem>>
    %dma_wait3A_2675 = tpu.memref_squeeze %dma_wait3A_2674 : memref<1x128x16xf32, #tpu.memory_space<vmem>> -> memref<128x16xf32, #tpu.memory_space<vmem>>
    %dma_wait3A_2676 = arith.constant 0 : i32
    %dma_wait3A_2677 = tpu.memref_slice %arg5[%dma_wait3A_2670, %dma_wait3A_2676] : memref<104x128xi32, #tpu.memory_space<vmem>> -> memref<1x128xi32, #tpu.memory_space<vmem>>
    %dma_wait3A_2678 = tpu.memref_squeeze %dma_wait3A_2677 : memref<1x128xi32, #tpu.memory_space<vmem>> -> memref<128xi32, #tpu.memory_space<vmem>>
    %dma_wait3A_2679 = arith.constant 0 : i32
    %dma_wait3A_2680 = arith.constant 0 : i32
    %dma_wait3A_2681 = tpu.memref_slice %arg2[%dma_wait3A_2679, %dma_wait3A_2680] : memref<26000x16xf32, #tpu.memory_space<hbm>> -> memref<26000x16xf32, #tpu.memory_space<hbm>>
    tpu.wait_indirect_dma semaphore(%arg7 : memref<!tpu.dma_semaphore, #tpu.memory_space<semaphore_mem>>) src(%dma_wait3A_2681 : memref<26000x16xf32, #tpu.memory_space<hbm>>) dst(%dma_wait3A_2675 : memref<128x16xf32, #tpu.memory_space<vmem>>)
    %add3A_2682 = arith.constant 11648 : i32
    %add3A_2683 = arith.addi %mul3A_2, %add3A_2682 : i32
    %dma_start3A_2684 = arith.constant 1 : i32
    %dma_start3A_2685 = arith.constant 0 : i32
    %dma_start3A_2686 = arith.constant 0 : i32
    %dma_start3A_2687 = tpu.memref_slice %arg6[%dma_start3A_2684, %dma_start3A_2685, %dma_start3A_2686] : memref<2x1664x16xf32, #tpu.memory_space<vmem>> -> memref<1x1664x16xf32, #tpu.memory_space<vmem>>
    %dma_start3A_2688 = tpu.memref_squeeze %dma_start3A_2687 : memref<1x1664x16xf32, #tpu.memory_space<vmem>> -> memref<1664x16xf32, #tpu.memory_space<vmem>>
    %dma_start3A_2689 = arith.constant 0 : i32
    %dma_start3A_2690 = tpu.memref_slice %arg4[%add3A_2683, %dma_start3A_2689] : memref<425984x16xf32, #tpu.memory_space<hbm>> -> memref<1664x16xf32, #tpu.memory_space<hbm>>
    %dma_start3A_2691 = arith.constant 0 : i32
    %dma_start3A_2692 = tpu.memref_slice %arg4[%add3A_2683, %dma_start3A_2691] : memref<425984x16xf32, #tpu.memory_space<hbm>> -> memref<1664x16xf32, #tpu.memory_space<hbm>>
    %dma_start3A_2693 = arith.constant 0 : i32
    %dma_start3A_2694 = arith.constant 0 : i32
    %dma_start3A_2695 = tpu.memref_slice %arg6[%dma_start3A_2684, %dma_start3A_2693, %dma_start3A_2694] : memref<2x1664x16xf32, #tpu.memory_space<vmem>> -> memref<1x1664x16xf32, #tpu.memory_space<vmem>>
    %dma_start3A_2696 = tpu.memref_squeeze %dma_start3A_2695 : memref<1x1664x16xf32, #tpu.memory_space<vmem>> -> memref<1664x16xf32, #tpu.memory_space<vmem>>
    tpu.enqueue_dma source(%dma_start3A_2696 : memref<1664x16xf32, #tpu.memory_space<vmem>>) target(%dma_start3A_2692 : memref<1664x16xf32, #tpu.memory_space<hbm>>) target_semaphore(%arg8 : memref<!tpu.dma_semaphore, #tpu.memory_space<semaphore_mem>>)
    %dma_wait3A_2697 = arith.constant 0 : i32
    %dma_wait3A_2698 = arith.constant 0 : i32
    %dma_wait3A_2699 = arith.constant 0 : i32
    %dma_wait3A_2700 = tpu.memref_slice %arg6[%dma_wait3A_2697, %dma_wait3A_2698, %dma_wait3A_2699] : memref<2x1664x16xf32, #tpu.memory_space<vmem>> -> memref<1x1664x16xf32, #tpu.memory_space<vmem>>
    %dma_wait3A_2701 = tpu.memref_squeeze %dma_wait3A_2700 : memref<1x1664x16xf32, #tpu.memory_space<vmem>> -> memref<1664x16xf32, #tpu.memory_space<vmem>>
    %dma_wait3A_2702 = arith.constant 0 : i32
    %dma_wait3A_2703 = tpu.memref_slice %arg4[%add3A_2512, %dma_wait3A_2702] : memref<425984x16xf32, #tpu.memory_space<hbm>> -> memref<1664x16xf32, #tpu.memory_space<hbm>>
    %dma_wait3A_2704 = arith.constant 0 : i32
    %dma_wait3A_2705 = tpu.memref_slice %arg4[%add3A_2512, %dma_wait3A_2704] : memref<425984x16xf32, #tpu.memory_space<hbm>> -> memref<1664x16xf32, #tpu.memory_space<hbm>>
    %dma_wait3A_2706 = arith.constant 0 : i32
    %dma_wait3A_2707 = arith.constant 0 : i32
    %dma_wait3A_2708 = tpu.memref_slice %arg6[%dma_wait3A_2697, %dma_wait3A_2706, %dma_wait3A_2707] : memref<2x1664x16xf32, #tpu.memory_space<vmem>> -> memref<1x1664x16xf32, #tpu.memory_space<vmem>>
    %dma_wait3A_2709 = tpu.memref_squeeze %dma_wait3A_2708 : memref<1x1664x16xf32, #tpu.memory_space<vmem>> -> memref<1664x16xf32, #tpu.memory_space<vmem>>
    tpu.wait_dma2 semaphore(%arg8 : memref<!tpu.dma_semaphore, #tpu.memory_space<semaphore_mem>>) src(%dma_wait3A_2709 : memref<1664x16xf32, #tpu.memory_space<vmem>>) dst(%dma_wait3A_2705 : memref<1664x16xf32, #tpu.memory_space<hbm>>)
    %dma_wait3A_2710 = arith.constant 1 : i32
    %dma_wait3A_2711 = arith.constant 0 : i32
    %dma_wait3A_2712 = arith.constant 0 : i32
    %dma_wait3A_2713 = tpu.memref_slice %arg6[%dma_wait3A_2710, %dma_wait3A_2711, %dma_wait3A_2712] : memref<2x1664x16xf32, #tpu.memory_space<vmem>> -> memref<1x1664x16xf32, #tpu.memory_space<vmem>>
    %dma_wait3A_2714 = tpu.memref_squeeze %dma_wait3A_2713 : memref<1x1664x16xf32, #tpu.memory_space<vmem>> -> memref<1664x16xf32, #tpu.memory_space<vmem>>
    %dma_wait3A_2715 = arith.constant 0 : i32
    %dma_wait3A_2716 = tpu.memref_slice %arg4[%add3A_2683, %dma_wait3A_2715] : memref<425984x16xf32, #tpu.memory_space<hbm>> -> memref<1664x16xf32, #tpu.memory_space<hbm>>
    %dma_wait3A_2717 = arith.constant 0 : i32
    %dma_wait3A_2718 = tpu.memref_slice %arg4[%add3A_2683, %dma_wait3A_2717] : memref<425984x16xf32, #tpu.memory_space<hbm>> -> memref<1664x16xf32, #tpu.memory_space<hbm>>
    %dma_wait3A_2719 = arith.constant 0 : i32
    %dma_wait3A_2720 = arith.constant 0 : i32
    %dma_wait3A_2721 = tpu.memref_slice %arg6[%dma_wait3A_2710, %dma_wait3A_2719, %dma_wait3A_2720] : memref<2x1664x16xf32, #tpu.memory_space<vmem>> -> memref<1x1664x16xf32, #tpu.memory_space<vmem>>
    %dma_wait3A_2722 = tpu.memref_squeeze %dma_wait3A_2721 : memref<1x1664x16xf32, #tpu.memory_space<vmem>> -> memref<1664x16xf32, #tpu.memory_space<vmem>>
    tpu.wait_dma2 semaphore(%arg8 : memref<!tpu.dma_semaphore, #tpu.memory_space<semaphore_mem>>) src(%dma_wait3A_2722 : memref<1664x16xf32, #tpu.memory_space<vmem>>) dst(%dma_wait3A_2718 : memref<1664x16xf32, #tpu.memory_space<hbm>>)
    return
  }
}

module attributes {stable_mosaic.version = 14 : i64} {
  func.func @_mlp_body(%arg0: i32, %arg1: memref<2048x416xf32, #tpu.memory_space<vmem>>, %arg2: memref<2048x13xf32, #tpu.memory_space<vmem>>, %arg3: memref<416x858xbf16, #tpu.memory_space<vmem>>, %arg4: memref<13x858xbf16, #tpu.memory_space<vmem>>, %arg5: memref<1x858xf32, #tpu.memory_space<vmem>>, %arg6: memref<858x429xbf16, #tpu.memory_space<vmem>>, %arg7: memref<1x429xf32, #tpu.memory_space<vmem>>, %arg8: memref<429x1xbf16, #tpu.memory_space<vmem>>, %arg9: memref<1x1xf32, #tpu.memory_space<vmem>>, %arg10: memref<2048x1xf32, #tpu.memory_space<vmem>>) attributes {dimension_semantics = [#tpu.dimension_semantics<arbitrary>], iteration_bounds = array<i64: 8>, scalar_prefetch = 0 : i64, scratch_operands = 0 : i64, tpu.core_type = #tpu.core_type<tc>, window_params = [{transform_indices = @transform_0, window_bounds = array<i64: 2048, 416>}, {transform_indices = @transform_1, window_bounds = array<i64: 2048, 13>}, {pipeline_mode = #tpu.pipeline_mode<synchronous>, transform_indices = @transform_2, window_bounds = array<i64: 416, 858>}, {pipeline_mode = #tpu.pipeline_mode<synchronous>, transform_indices = @transform_3, window_bounds = array<i64: 13, 858>}, {pipeline_mode = #tpu.pipeline_mode<synchronous>, transform_indices = @transform_4, window_bounds = array<i64: 1, 858>}, {pipeline_mode = #tpu.pipeline_mode<synchronous>, transform_indices = @transform_5, window_bounds = array<i64: 858, 429>}, {pipeline_mode = #tpu.pipeline_mode<synchronous>, transform_indices = @transform_6, window_bounds = array<i64: 1, 429>}, {pipeline_mode = #tpu.pipeline_mode<synchronous>, transform_indices = @transform_7, window_bounds = array<i64: 429, 1>}, {pipeline_mode = #tpu.pipeline_mode<synchronous>, transform_indices = @transform_8, window_bounds = array<i64: 1, 1>}, {transform_indices = @transform_9, window_bounds = array<i64: 2048, 1>}]} {
    %get3A = arith.constant 0 : index
    %get3A_0 = arith.constant 0 : index
    %get3A_1 = vector.load %arg1[%get3A, %get3A_0] : memref<2048x416xf32, #tpu.memory_space<vmem>>, vector<2048x416xf32>
    %convert_element_type3A = arith.truncf %get3A_1 : vector<2048x416xf32> to vector<2048x416xbf16>
    %get3A_2 = arith.constant 0 : index
    %get3A_3 = arith.constant 0 : index
    %get3A_4 = vector.load %arg3[%get3A_2, %get3A_3] : memref<416x858xbf16, #tpu.memory_space<vmem>>, vector<416x858xbf16>
    %dot_general3A = arith.constant dense<0.000000e+00> : vector<2048x858xf32>
    %dot_general3A_5 = tpu.matmul %convert_element_type3A, %get3A_4, %dot_general3A {dimension_numbers = #tpu.dot_dimension_numbers<[1], [0], [0], [1], [0, 0, 1, 1], [], []>, transpose_lhs_hint = false} : vector<2048x416xbf16>, vector<416x858xbf16>, vector<2048x858xf32> -> vector<2048x858xf32>
    %get3A_6 = arith.constant 0 : index
    %get3A_7 = arith.constant 0 : index
    %get3A_8 = vector.load %arg2[%get3A_6, %get3A_7] : memref<2048x13xf32, #tpu.memory_space<vmem>>, vector<2048x13xf32>
    %convert_element_type3A_9 = arith.truncf %get3A_8 : vector<2048x13xf32> to vector<2048x13xbf16>
    %get3A_10 = arith.constant 0 : index
    %get3A_11 = arith.constant 0 : index
    %get3A_12 = vector.load %arg4[%get3A_10, %get3A_11] : memref<13x858xbf16, #tpu.memory_space<vmem>>, vector<13x858xbf16>
    %dot_general3A_13 = arith.constant dense<0.000000e+00> : vector<2048x858xf32>
    %dot_general3A_14 = tpu.matmul %convert_element_type3A_9, %get3A_12, %dot_general3A_13 {dimension_numbers = #tpu.dot_dimension_numbers<[1], [0], [0], [1], [0, 0, 1, 1], [], []>, transpose_lhs_hint = false} : vector<2048x13xbf16>, vector<13x858xbf16>, vector<2048x858xf32> -> vector<2048x858xf32>
    %add3A = arith.addf %dot_general3A_5, %dot_general3A_14 : vector<2048x858xf32>
    %get3A_15 = arith.constant 0 : index
    %get3A_16 = arith.constant 0 : index
    %get3A_17 = vector.load %arg5[%get3A_15, %get3A_16] : memref<1x858xf32, #tpu.memory_space<vmem>>, vector<1x858xf32>
    %add3A_18 = vector.broadcast %get3A_17 : vector<1x858xf32> to vector<2048x858xf32>
    %add3A_19 = arith.addf %add3A, %add3A_18 : vector<2048x858xf32>
    %max3A = arith.constant 0.000000e+00 : f32
    %max3A_20 = vector.broadcast %max3A : f32 to vector<2048x858xf32>
    %max3A_21 = arith.maximumf %add3A_19, %max3A_20 : vector<2048x858xf32>
    %convert_element_type3A_22 = arith.truncf %max3A_21 : vector<2048x858xf32> to vector<2048x858xbf16>
    %get3A_23 = arith.constant 0 : index
    %get3A_24 = arith.constant 0 : index
    %get3A_25 = vector.load %arg6[%get3A_23, %get3A_24] : memref<858x429xbf16, #tpu.memory_space<vmem>>, vector<858x429xbf16>
    %dot_general3A_26 = arith.constant dense<0.000000e+00> : vector<2048x429xf32>
    %dot_general3A_27 = tpu.matmul %convert_element_type3A_22, %get3A_25, %dot_general3A_26 {dimension_numbers = #tpu.dot_dimension_numbers<[1], [0], [0], [1], [0, 0, 1, 1], [], []>, transpose_lhs_hint = false} : vector<2048x858xbf16>, vector<858x429xbf16>, vector<2048x429xf32> -> vector<2048x429xf32>
    %get3A_28 = arith.constant 0 : index
    %get3A_29 = arith.constant 0 : index
    %get3A_30 = vector.load %arg7[%get3A_28, %get3A_29] : memref<1x429xf32, #tpu.memory_space<vmem>>, vector<1x429xf32>
    %add3A_31 = vector.broadcast %get3A_30 : vector<1x429xf32> to vector<2048x429xf32>
    %add3A_32 = arith.addf %dot_general3A_27, %add3A_31 : vector<2048x429xf32>
    %max3A_33 = arith.constant 0.000000e+00 : f32
    %max3A_34 = vector.broadcast %max3A_33 : f32 to vector<2048x429xf32>
    %max3A_35 = arith.maximumf %add3A_32, %max3A_34 : vector<2048x429xf32>
    %convert_element_type3A_36 = arith.truncf %max3A_35 : vector<2048x429xf32> to vector<2048x429xbf16>
    %get3A_37 = arith.constant 0 : index
    %get3A_38 = arith.constant 0 : index
    %get3A_39 = vector.load %arg8[%get3A_37, %get3A_38] : memref<429x1xbf16, #tpu.memory_space<vmem>>, vector<429x1xbf16>
    %dot_general3A_40 = arith.constant dense<0.000000e+00> : vector<2048x1xf32>
    %dot_general3A_41 = tpu.matmul %convert_element_type3A_36, %get3A_39, %dot_general3A_40 {dimension_numbers = #tpu.dot_dimension_numbers<[1], [0], [0], [1], [0, 0, 1, 1], [], []>, transpose_lhs_hint = false} : vector<2048x429xbf16>, vector<429x1xbf16>, vector<2048x1xf32> -> vector<2048x1xf32>
    %get3A_42 = arith.constant 0 : index
    %get3A_43 = arith.constant 0 : index
    %get3A_44 = vector.load %arg9[%get3A_42, %get3A_43] : memref<1x1xf32, #tpu.memory_space<vmem>>, vector<1x1xf32>
    %add3A_45 = vector.broadcast %get3A_44 : vector<1x1xf32> to vector<2048x1xf32>
    %add3A_46 = arith.addf %dot_general3A_41, %add3A_45 : vector<2048x1xf32>
    %swap3A = arith.constant 0 : index
    %swap3A_47 = arith.constant 0 : index
    %swap3A_48 = vector.load %arg10[%swap3A, %swap3A_47] : memref<2048x1xf32, #tpu.memory_space<vmem>>, vector<2048x1xf32>
    tpu.vector_store %arg10[%swap3A, %swap3A_47], %add3A_46 {strides = array<i32>} : memref<2048x1xf32, #tpu.memory_space<vmem>>, vector<2048x1xf32>,
    return
  }
  func.func @transform_0(%arg0: i32) -> (i32, i32) {
    %c0_i32 = arith.constant 0 : i32
    %c0_i32_0 = arith.constant 0 : i32
    return %arg0, %c0_i32 : i32, i32
  }
  func.func @transform_1(%arg0: i32) -> (i32, i32) {
    %c0_i32 = arith.constant 0 : i32
    %c0_i32_0 = arith.constant 0 : i32
    return %arg0, %c0_i32 : i32, i32
  }
  func.func @transform_2(%arg0: i32) -> (i32, i32) {
    %c0_i32 = arith.constant 0 : i32
    %c0_i32_0 = arith.constant 0 : i32
    %c0_i32_1 = arith.constant 0 : i32
    return %c0_i32, %c0_i32_0 : i32, i32
  }
  func.func @transform_3(%arg0: i32) -> (i32, i32) {
    %c0_i32 = arith.constant 0 : i32
    %c0_i32_0 = arith.constant 0 : i32
    %c0_i32_1 = arith.constant 0 : i32
    return %c0_i32, %c0_i32_0 : i32, i32
  }
  func.func @transform_4(%arg0: i32) -> (i32, i32) {
    %c0_i32 = arith.constant 0 : i32
    %c0_i32_0 = arith.constant 0 : i32
    %c0_i32_1 = arith.constant 0 : i32
    return %c0_i32, %c0_i32_0 : i32, i32
  }
  func.func @transform_5(%arg0: i32) -> (i32, i32) {
    %c0_i32 = arith.constant 0 : i32
    %c0_i32_0 = arith.constant 0 : i32
    %c0_i32_1 = arith.constant 0 : i32
    return %c0_i32, %c0_i32_0 : i32, i32
  }
  func.func @transform_6(%arg0: i32) -> (i32, i32) {
    %c0_i32 = arith.constant 0 : i32
    %c0_i32_0 = arith.constant 0 : i32
    %c0_i32_1 = arith.constant 0 : i32
    return %c0_i32, %c0_i32_0 : i32, i32
  }
  func.func @transform_7(%arg0: i32) -> (i32, i32) {
    %c0_i32 = arith.constant 0 : i32
    %c0_i32_0 = arith.constant 0 : i32
    %c0_i32_1 = arith.constant 0 : i32
    return %c0_i32, %c0_i32_0 : i32, i32
  }
  func.func @transform_8(%arg0: i32) -> (i32, i32) {
    %c0_i32 = arith.constant 0 : i32
    %c0_i32_0 = arith.constant 0 : i32
    %c0_i32_1 = arith.constant 0 : i32
    return %c0_i32, %c0_i32_0 : i32, i32
  }
  func.func @transform_9(%arg0: i32) -> (i32, i32) {
    %c0_i32 = arith.constant 0 : i32
    %c0_i32_0 = arith.constant 0 : i32
    return %arg0, %c0_i32 : i32, i32
  }
}

</mosaic_0001>

<sc_bundles>
// kernel: kernel.4.cloned.1.call-start
scs
__scs_entry_jumppad:
0x0: {  	(pc) =	sbr.rel $0x88, $3  }
0x1: {  	(tag) =	ssettag $0x0;
	lr =	simm.s32 $0x1  }
0x2: {  	[smem:$0x3F98] =	sst lr;
	_ =	strace $0xD0000000  }
0x3: {  	_ = 	snop  }
0x4: {  	_ = 	snop  }
0x5: {  	_ = 	snop  }
0x6: {  	_ = 	snop  }
0x7: {  	_ = 	snop  }
__scs_overlays_trampoline_lowered:
0x8: {  	[smem:$0x3FA7] =	sst s0  }
0x9: {  	[smem:$0x3FA8] =	sst s1  }
0xa: {  	[smem:$0x3FA9] =	sst s2  }
0xb: {  	[smem:$0x3FAA] =	sst s3  }
0xc: {  	[smem:$0x3FAB] =	sst s4  }
0xd: {  	[smem:$0x3FAC] =	sst s5  }
0xe: {  	[smem:$0x3FAD] =	sst s6  }
0xf: {  	[smem:$0x3FAE] =	sst s7  }
0x10: {  	[smem:$0x3FAF] =	sst s8  }
0x11: {  	[smem:$0x3FB0] =	sst s9;
	s0 =	simm.s32 @!p0 $0x0  }
0x12: {  	s1 =	sld [smem:$0x3F96];
	s0 =	simm.s32 @p0 $0x1  }
0x13: {  	[smem:$0x3FB1] =	sst s0;
	s0 =	simm.s32 @!p1 $0x0  }
0x14: {  	s2 =	sld [smem:$0x3F95];
	s0 =	simm.s32 @p1 $0x1  }
0x15: {  	[smem:$0x3FB2] =	sst s0;
	s0 =	simm.s32 @!p2 $0x0  }
0x16: {  	s3 =	sld [smem:$0x3FDB];
	s0 =	simm.s32 @p2 $0x1  }
0x17: {  	s4 =	simm.s32 $0x1BF5;
	[smem:$0x3FB4] =	sst s0  }
0x18: {  	s0 =	sld [smem:$0x3F97];
	_ =	swait.ge [sflag:s4], $0x0  }
0x19: {  	s7 =	sld [smem:$0x3F98]  }
0x1a: {  	s8 =	sadd.s32 $0xFFFFE003, lr  }
0x1b: {  	s9 =	sadd.s32 $0xFFFFFEF7, lr;
	s5 =	simm.s32 $0xFFFFFFFF;
	p2 =	slt.u32 s8, $0xFFFFF086  }
0x1c: {  	p1 =	slt.u32 s9, $0xF7A;
	s5 =	simm.s32 @!p2 $0x0  }
0x1d: {  	s5 =	simm.s32 @p1 $0x1;
	p0 =	seq.s32 s7, s2  }
0x1e: {  	s7 =	smul.u32 @!p0 $0xF7A, s2;
	p2 =	seq.s32 @!p0 s5, $0x0  }
0x1f: {  	s9 =	smul.u32 $0xF7A, s1;
	s8 =	simm.s32 @!p0 $0x1BF5;
	p2 =	por !p2, p0  }
0x20: {  	[sflag:s8] =	ssyncset.s32 @!p0 $0xFFFFF086;
	s6 =	sadd.s32 @!p0 s3, s7;
	s7 =	simm.s32 @!p0 $0x108  }
0x21: {  	s3 =	sadd.s32 s3, s9;
	s6 =	sadd.s32 @!p0 $0x88, s6;
	s7 =	simm.s32 @p2 $0x1082  }
0x22: {  	[simem:s7], [sflag:s8] =	dma.local @!p0 [hbm:s6], $0xF7A  }
0x23: {  	s9 =	sor.u32 $0xD0000000, s2;
	s6 =	simm.s32 $0x108;
	_ =	swait.ge @!p0 [sflag:s8], $0x0  }
0x24: {  	s3 =	sadd.s32 $0x88, s3;
	s6 =	simm.s32 @!p1 $0x1082;
	[sflag:s4] =	ssyncset.s32 $0xFFFFF086  }
0x25: {  	[simem:s6], [sflag:s4] =	dma.local [hbm:s3], $0xF7A  }
0x26: {  	[smem:$0x3F98] =	sst s1;
	(tag) =	ssettag s2;
	_ =	strace s9  }
0x27: {  	s1 =	sld [smem:$0x3FA8]  }
0x28: {  	s2 =	sld [smem:$0x3FA9]  }
0x29: {  	s4 =	sld [smem:$0x3FAB]  }
0x2a: {  	p0 =	seq.s32 s5, $0x0;
	s5 =	sld [smem:$0x3FAC]  }
0x2b: {  	s6 =	sld [smem:$0x3FAD]  }
0x2c: {  	s7 =	sld [smem:$0x3FAE]  }
0x2d: {  	s3 =	simm.s32 $0x108;
	s8 =	sld [smem:$0x3FAF]  }
0x2e: {  	s3 =	simm.s32 @!p0 $0x1082;
	s9 =	sld [smem:$0x3FB0]  }
0x2f: {  	lr =	sadd.s32 s0, s3;
	s0 =	sld [smem:$0x3FA7]  }
0x30: {  	s3 =	sld [smem:$0x3FAA]  }
0x31: {  	[smem:$0x3FB3] =	sst s10  }
0x32: {  	s10 =	sld [smem:$0x3FB1];
	_ =	sdelay $0x3  }
0x33: {  	p0 =	seq.s32 s10, $0x1;
	s10 =	sld [smem:$0x3FB3];
	_ =	sdelay $0x3  }
0x34: {  	[smem:$0x3FB3] =	sst s10  }
0x35: {  	s10 =	sld [smem:$0x3FB2];
	_ =	sdelay $0x3  }
0x36: {  	p1 =	seq.s32 s10, $0x1;
	s10 =	sld [smem:$0x3FB3];
	_ =	sdelay $0x3  }
0x37: {  	[smem:$0x3FB3] =	sst s10  }
0x38: {  	s10 =	sld [smem:$0x3FB4]  }
0x39: {  	_ = 	snop;
	(pc) =	sbr.ind lr, $3  }
0x3a: {  	_ = 	snop  }
0x3b: {  	_ = 	snop  }
0x3c: {  	p2 =	seq.s32 s10, $0x1;
	s10 =	sld [smem:$0x3FB3]  }
0x3d: {  	_ =	shalt  }
0x3e: {  	_ =	shalt  }
0x3f: {  	_ =	shalt  }
0x40: {  	_ =	shalt  }
0x41: {  	_ =	shalt  }
0x42: {  	_ =	shalt  }
0x43: {  	_ =	shalt  }
0x44: {  	_ =	shalt  }
0x45: {  	_ =	shalt  }
0x46: {  	_ =	shalt  }
0x47: {  	_ =	shalt  }
0x48: {  	_ =	shalt  }
0x49: {  	_ =	shalt  }
0x4a: {  	_ =	shalt  }
0x4b: {  	_ =	shalt  }
0x4c: {  	_ =	shalt  }
0x4d: {  	_ =	shalt  }
0x4e: {  	_ =	shalt  }
0x4f: {  	_ =	shalt  }
0x50: {  	_ =	shalt  }
0x51: {  	_ =	shalt  }
0x52: {  	_ =	shalt  }
0x53: {  	_ =	shalt  }
0x54: {  	_ =	shalt  }
0x55: {  	_ =	shalt  }
0x56: {  	_ =	shalt  }
0x57: {  	_ =	shalt  }
0x58: {  	_ =	shalt  }
0x59: {  	_ =	shalt  }
0x5a: {  	_ =	shalt  }
0x5b: {  	_ =	shalt  }
0x5c: {  	_ =	shalt  }
0x5d: {  	_ =	shalt  }
0x5e: {  	_ =	shalt  }
0x5f: {  	_ =	shalt  }
0x60: {  	_ =	shalt  }
0x61: {  	_ =	shalt  }
0x62: {  	_ =	shalt  }
0x63: {  	_ =	shalt  }
0x64: {  	_ =	shalt  }
0x65: {  	_ =	shalt  }
0x66: {  	_ =	shalt  }
0x67: {  	_ =	shalt  }
0x68: {  	_ =	shalt  }
0x69: {  	_ =	shalt  }
0x6a: {  	_ =	shalt  }
0x6b: {  	_ =	shalt  }
0x6c: {  	_ =	shalt  }
0x6d: {  	_ =	shalt  }
0x6e: {  	_ =	shalt  }
0x6f: {  	_ =	shalt  }
0x70: {  	_ =	shalt  }
0x71: {  	_ =	shalt  }
0x72: {  	_ =	shalt  }
0x73: {  	_ =	shalt  }
0x74: {  	_ =	shalt  }
0x75: {  	_ =	shalt  }
0x76: {  	_ =	shalt  }
0x77: {  	_ =	shalt  }
0x78: {  	_ =	shalt  }
0x79: {  	_ =	shalt  }
0x7a: {  	_ =	shalt  }
0x7b: {  	_ =	shalt  }
0x7c: {  	_ =	shalt  }
0x7d: {  	_ =	shalt  }
0x7e: {  	_ =	shalt  }
0x7f: {  	_ =	shalt  }
0x80: {  	_ =	shalt  }
0x81: {  	_ =	shalt  }
0x82: {  	_ =	shalt  }
0x83: {  	_ =	shalt  }
0x84: {  	_ =	shalt  }
0x85: {  	_ =	shalt  }
0x86: {  	_ =	shalt  }
0x87: {  	_ =	shalt  }
.Lfunc_end0:
.L_simem_size_0:
called_computation_lowered:
.L_overlay_start_0:
0x88: {  	s2 =	sld [smem:$0x3FD9]  }
0x89: {  	s3 =	sld [smem:$0x3FFE];
	_ =	sdelay $0x1  }
0x8a: {  	s1 =	srdreg.scid  }
0x8b: {  	s0 =	sand.u32 $0x1, s1  }
0x8c: {  	s16 =	sshll.u32 s0, $0xA;
	s2 =	sadd.s32 s3, s2  }
0x8d: {  	s2 =	sadd.s32 s2, s16  }
0x8e: {  	[smem:$0x3FBF] =	sst s2  }
0x8f: {  	_ = 	snop  }
0x90: {  	(tm) =	ssettm $0x1  }
0x91: {  	s17 =	sld [smem:$0x3FFB];
	_ =	sdelay $0x3  }
0x92: {  	_ =	strace s17  }
0x93: {  	s2 =	sld [smem:$0x3FFC];
	_ =	sdelay $0x3  }
0x94: {  	_ =	strace s2  }
0x95: {  	s2 =	sld [smem:$0x3FFD];
	_ =	sdelay $0x3  }
0x96: {  	_ =	strace s2  }
0x97: {  	_ =	strace $0x8FFFFFFF  }
0x98: {  	s18 =	sld [smem:$0x3FDB];
	_ =	sdelay $0x1  }
0x99: {  	s19 =	simm.s32 $_scs_section_size  }
0x9a: {  	s4 =	simm.s32 $_size__tile_overlayer_lowered;
	s5 =	simm.s32 $_tile_overlayer_lowered  }
0x9b: {  	s22 =	simm.s32 $0x1BFF;
	s21 =	sshll.u32 s5, $0x1;
	s2 =	sadd.s32 s19, s18  }
0x9c: {  	s6 =	simm.s32 $0x0;
	s20 =	sshll.u32 s4, $0x1;
	s4 =	sadd.s32 s21, s2  }
0x9d: {  	[timem:s6], [sflag:s22] =	dma.local [hbm:s4], s20  }
0x9e: {  	_ =	swait.ge [sflag:s22], s20  }
0x9f: {  	s3 =	ssub.s32 $0x0, s20;
	[sflag:s22] =	ssyncset.done $0x0  }
0xa0: {  	[sflag:s22] =	ssyncadd.s32 s3;
	_ =	sdelay $0x1  }
0xa1: {  	s23 =	simm.s32 $0x1B8B  }
0xa2: {  	_ =	swait.ge [sflag:s23], $0x1  }
0xa3: {  	[sflag:s23] =	ssyncset.done $0x0  }
0xa4: {  	s25 =	simm.s32 $0x1B8E;
	s24 =	sld [smem:$0x3FFE];
	[sflag:s23] =	ssyncadd.s32 $0xFFFFFFFF  }
0xa5: {  	s26 =	simm.s32 $execute0_lowered;
	[smem:$0x3FD2] =	sst s25  }
0xa6: {  	s4 =	sshll.u32 s26, $0x1;
	_ =	strace $0x80000046;
	[dreg:$0x1] =	wrdreg $0xFFFFFFFF  }
0xa7: {  	s28 =	simm.s32 $_size_execute0_lowered;
	s2 =	sadd.s32 s2, s4;
	[dreg:$0x0] =	wrdreg $0x0  }
0xa8: {  	s4 =	sshll.u32 s28, $0x1;
	[dreg:$0x2] =	wrdreg s2  }
0xa9: {  	[dreg:$0x3] =	wrdreg s4  }
0xaa: {  	[dreg:$0x4] =	wrdreg $0xC0  }
0xab: {  	_ =	task [dreg:s6], $0x5FFFF  }
0xac: {  	[dreg:$0x1] =	wrdreg $0xFFFFFFFF  }
0xad: {  	[dreg:$0x0] =	wrdreg $0x60  }
0xae: {  	[dreg:$0x2] =	wrdreg s24  }
0xaf: {  	[dreg:$0x3] =	wrdreg $0x9  }
0xb0: {  	_ =	task.clear_ibuf [dreg:s6], $0x4FFFF;
	_ =	strace $0x90000046  }
0xb1: {  	s29 =	simm.s32 $0x9;
	_ =	strace $0x80000048  }
0xb2: {  	_ =	swait.ge [sflag:s29], $0x1  }
0xb3: {  	[sflag:s29] =	ssyncadd.s32 $0xFFFFFFFF  }
0xb4: {  	_ =	strace $0x90000048  }
0xb5: {  	_ =	sfence  }
0xb6: {  	s30 =	sld [smem:$0x0];
	_ =	sdelay $0x2  }
0xb7: {  	s31 =	sshll.u32 s1, $0xD;
	s1 =	sshrl.u32 s1, $0x2  }
0xb8: {  	s3 =	sand.u32 $0x4000, s31;
	s1 =	sadd.s32 s1, s30  }
0xb9: {  	s0 =	sor.u32 s3, s0;
	s1 =	sshll.u32 s1, $0x11  }
0xba: {  	s0 =	sor.u32 s1, s0  }
0xbb: {  	s0 =	sadd.s32 $0x8F2B, s0  }
0xbc: {  	[sflag:s0] =	ssyncadd.remote.s32 $0x1  }
0xbd: {  	_ =	sfence.sel $0xFFFF  }
0xbe: {  	[dreg:$0x0] =	wrdreg $0xFFFFFFFF;
	(pc) =	sbr.abs _section_cstart, $3  }
0xbf: {  	[dreg:$0x1] =	wrdreg $0xFFFFFFFF  }
0xc0: {  	_ =	task.clear_ibuf [dreg:s6], $0x2FFFF;
	_ =	strace $0x9FFFFFFF  }
0xc1: {  	(tm) =	ssettm $0x7FFFFFFF  }
tec
execute0_lowered:
.L_overlay_start_1:
0x0: {  	(tag) =	ssettag $0x1  }
0x1: {  	s0 =	srdreg.scid;
	s1 =	stileid.u32  }
0x2: {  	s0 =	sand.u32 $0x1, s0;
	s2 =	sshll.u32 s1, $0x1  }
0x3: {  	s1 =	rddreg [dreg:$0x0];
	s3 =	sor.u32 s0, s2;
	s2 =	simm.s32 $0x0  }
0x4: {  	s7 =	simm.s32 $0x200;
	[smem:$0x7FF] =	sst s2  }
0x5: {  	s8 =	simm.s32 $0x280;
	_ =	strace $0x80000047;
	[dreg:$0xd] =	wrdreg s7  }
0x6: {  	s9 =	simm.s32 $0x300;
	[dreg:$0xe] =	wrdreg s8  }
0x7: {  	s10 =	simm.s32 $0x380;
	[dreg:$0xf] =	wrdreg s9  }
0x8: {  	s11 =	simm.s32 $0x400;
	[dreg:$0x10] =	wrdreg s10  }
0x9: {  	s12 =	simm.s32 $0x480;
	[dreg:$0x11] =	wrdreg s11  }
0xa: {  	s13 =	simm.s32 $0x500;
	[dreg:$0x12] =	wrdreg s12  }
0xb: {  	s14 =	simm.s32 $0x580;
	[dreg:$0x13] =	wrdreg s13  }
0xc: {  	s15 =	simm.s32 $0x600;
	[dreg:$0x14] =	wrdreg s14  }
0xd: {  	s16 =	simm.s32 $0x680;
	[dreg:$0x15] =	wrdreg s15  }
0xe: {  	s17 =	simm.s32 $0x700;
	[dreg:$0x16] =	wrdreg s16  }
0xf: {  	s18 =	simm.s32 $0x780;
	[dreg:$0x17] =	wrdreg s17  }
0x10: {  	s19 =	simm.s32 $0x800;
	[dreg:$0x18] =	wrdreg s18  }
0x11: {  	s20 =	simm.s32 $0x880;
	[dreg:$0x19] =	wrdreg s19  }
0x12: {  	s21 =	simm.s32 $0x900;
	[dreg:$0x1a] =	wrdreg s20  }
0x13: {  	s22 =	simm.s32 $0x980;
	[dreg:$0x1b] =	wrdreg s21  }
0x14: {  	[dreg:$0x1c] =	wrdreg s22;
	s7 =	simm.s32 $0xF00  }
0x15: {  	s8 =	simm.s32 $0xF80;
	[smem:$0x7B4] =	sst s7  }
0x16: {  	s9 =	simm.s32 $0x1000;
	[smem:$0x7B5] =	sst s8  }
0x17: {  	s10 =	simm.s32 $0x1080;
	[smem:$0x7B6] =	sst s9  }
0x18: {  	s11 =	simm.s32 $0x1100;
	[smem:$0x7B7] =	sst s10  }
0x19: {  	s12 =	simm.s32 $0x1180;
	[smem:$0x7B8] =	sst s11  }
0x1a: {  	s13 =	simm.s32 $0x1200;
	[smem:$0x7B9] =	sst s12  }
0x1b: {  	s14 =	simm.s32 $0x1280;
	[smem:$0x7BA] =	sst s13  }
0x1c: {  	s15 =	simm.s32 $0x1300;
	[smem:$0x7BB] =	sst s14  }
0x1d: {  	s16 =	simm.s32 $0x1380;
	[smem:$0x7BC] =	sst s15  }
0x1e: {  	s17 =	simm.s32 $0x1400;
	[smem:$0x7BD] =	sst s16  }
0x1f: {  	s18 =	simm.s32 $0x1480;
	[smem:$0x7BE] =	sst s17  }
0x20: {  	s4 =	smul.u32 $0x680, s3;
	s19 =	simm.s32 $0x1500;
	[smem:$0x7BF] =	sst s18  }
0x21: {  	s5 =	smul.u32 $0x34000, s3;
	s20 =	simm.s32 $0x1580;
	[smem:$0x7C0] =	sst s19  }
0x22: {  	s3 =	smul.u32 $0x6800, s3;
	s21 =	simm.s32 $0x1600;
	[smem:$0x7C1] =	sst s20  }
0x23: {  	s6 =	sadd.s32 $0x1AE00, s1;
	s22 =	simm.s32 $0x1680;
	[smem:$0x7C2] =	sst s21  }
0x24: {  	s3 =	sadd.s32 s6, s3;
	[smem:$0x7C3] =	sst s22  }
0x25: {  	s7 =	simm.s32 $0x1C00;
	[dreg:$0x3] =	wrdreg s3  }
0x26: {  	s8 =	simm.s32 $0x1C80;
	[smem:$0x7CE] =	sst s7  }
0x27: {  	s9 =	simm.s32 $0x1D00;
	[smem:$0x7CF] =	sst s8  }
0x28: {  	s10 =	simm.s32 $0x1D80;
	[smem:$0x7D0] =	sst s9  }
0x29: {  	s11 =	simm.s32 $0x1E00;
	[smem:$0x7D1] =	sst s10  }
0x2a: {  	s12 =	simm.s32 $0x1E80;
	[smem:$0x7D2] =	sst s11  }
0x2b: {  	s13 =	simm.s32 $0x1F00;
	[smem:$0x7D3] =	sst s12  }
0x2c: {  	s14 =	simm.s32 $0x1F80;
	[smem:$0x7D4] =	sst s13  }
0x2d: {  	s15 =	simm.s32 $0x2000;
	[smem:$0x7D5] =	sst s14  }
0x2e: {  	s16 =	simm.s32 $0x2080;
	[smem:$0x7D6] =	sst s15  }
0x2f: {  	s17 =	simm.s32 $0x2100;
	[smem:$0x7D7] =	sst s16  }
0x30: {  	s18 =	simm.s32 $0x2180;
	[smem:$0x7D8] =	sst s17  }
0x31: {  	s19 =	simm.s32 $0x2200;
	[smem:$0x7D9] =	sst s18  }
0x32: {  	s20 =	simm.s32 $0x2280;
	[smem:$0x7DA] =	sst s19  }
0x33: {  	s21 =	simm.s32 $0x2300;
	[smem:$0x7DB] =	sst s20  }
0x34: {  	s4 =	sadd.s32 s4, s1;
	s22 =	simm.s32 $0x2380;
	[smem:$0x7DC] =	sst s21  }
0x35: {  	s5 =	sshrl.u32 s5, $0x3;
	s4 =	sadd.s32 $0xDE00, s4;
	[smem:$0x7DD] =	sst s22  }
0x36: {  	s23 =	sadd.s32 s6, s5;
	s5 =	simm.s32 $0x100;
	[dreg:$0x2] =	wrdreg s4  }
0x37: {  	s6 =	simm.s32 $0x180;
	[dreg:$0xb] =	wrdreg s5  }
0x38: {  	s3 =	simm.s32 $0x2780;
	[dreg:$0xc] =	wrdreg s6  }
0x39: {  	s7 =	simm.s32 $0x2880;
	[smem:$0x7E5] =	sst s3  }
0x3a: {  	s8 =	simm.s32 $0x2900;
	[smem:$0x7E7] =	sst s7  }
0x3b: {  	s9 =	simm.s32 $0x2980;
	[smem:$0x7E8] =	sst s8  }
0x3c: {  	s10 =	simm.s32 $0x2A00;
	[smem:$0x7E9] =	sst s9  }
0x3d: {  	s11 =	simm.s32 $0x2A80;
	[smem:$0x7EA] =	sst s10  }
0x3e: {  	s12 =	simm.s32 $0x2B00;
	[smem:$0x7EB] =	sst s11  }
0x3f: {  	s13 =	simm.s32 $0x2B80;
	[smem:$0x7EC] =	sst s12  }
0x40: {  	s14 =	simm.s32 $0x2C00;
	[smem:$0x7ED] =	sst s13  }
0x41: {  	s15 =	simm.s32 $0x2C80;
	[smem:$0x7EE] =	sst s14  }
0x42: {  	s16 =	simm.s32 $0x2D00;
	[smem:$0x7EF] =	sst s15  }
0x43: {  	s17 =	simm.s32 $0x2D80;
	[smem:$0x7F0] =	sst s16  }
0x44: {  	s18 =	simm.s32 $0x2E00;
	[smem:$0x7F1] =	sst s17  }
0x45: {  	s19 =	simm.s32 $0x2E80;
	[smem:$0x7F2] =	sst s18  }
0x46: {  	s20 =	simm.s32 $0x2F00;
	[smem:$0x7F3] =	sst s19  }
0x47: {  	s21 =	simm.s32 $0x2F80;
	[smem:$0x7F4] =	sst s20  }
0x48: {  	s22 =	simm.s32 $0x3000;
	[smem:$0x7F5] =	sst s21  }
0x49: {  	s24 =	sadd.s32 $0xD00, s23;
	[smem:$0x7F6] =	sst s22  }
0x4a: {  	s25 =	sadd.s32 $0x1A00, s23;
	[dreg:$0x4] =	wrdreg s24  }
0x4b: {  	s26 =	sadd.s32 $0x2700, s23;
	[dreg:$0x5] =	wrdreg s25  }
0x4c: {  	s28 =	sadd.s32 $0x3400, s23;
	[dreg:$0x6] =	wrdreg s26  }
0x4d: {  	s29 =	sadd.s32 $0x4100, s23;
	[dreg:$0x7] =	wrdreg s28  }
0x4e: {  	s30 =	sadd.s32 $0x4E00, s23;
	[dreg:$0x8] =	wrdreg s29  }
0x4f: {  	s4 =	sadd.s32 $0x5B00, s23;
	[dreg:$0x9] =	wrdreg s30  }
0x50: {  	s23 =	simm.s32 $0xA00;
	[dreg:$0xa] =	wrdreg s4  }
0x51: {  	s5 =	simm.s32 $0xE00;
	[dreg:$0x1d] =	wrdreg s23  }
0x52: {  	s6 =	simm.s32 $0xE80;
	[smem:$0x7B2] =	sst s5  }
0x53: {  	s7 =	simm.s32 $0x3100;
	[smem:$0x7B3] =	sst s6  }
0x54: {  	[smem:$0x7F8] =	sst s7  }
0x55: {  	s24 =	simm.s32 $0xA80;
	s10 =	rddreg [dreg:$0x2]  }
0x56: {  	s25 =	simm.s32 $0xB00;
	[dreg:$0x1e] =	wrdreg s24  }
0x57: {  	s26 =	simm.s32 $0xB80;
	[dreg:$0x1f] =	wrdreg s25  }
0x58: {  	s28 =	simm.s32 $0xC00;
	[smem:$0x7AD] =	sst s26  }
0x59: {  	s29 =	simm.s32 $0xC80;
	[smem:$0x7AE] =	sst s28  }
0x5a: {  	s30 =	simm.s32 $0xD00;
	[smem:$0x7AF] =	sst s29  }
0x5b: {  	s4 =	simm.s32 $0xD80;
	[smem:$0x7B0] =	sst s30  }
0x5c: {  	s23 =	simm.s32 $0x1700;
	[smem:$0x7B1] =	sst s4  }
0x5d: {  	s5 =	simm.s32 $0x1B00;
	[smem:$0x7C4] =	sst s23  }
0x5e: {  	s6 =	simm.s32 $0x1B80;
	[smem:$0x7CC] =	sst s5  }
0x5f: {  	s24 =	simm.s32 $0x1780;
	[smem:$0x7CD] =	sst s6  }
0x60: {  	s25 =	simm.s32 $0x1800;
	[smem:$0x7C5] =	sst s24  }
0x61: {  	s26 =	simm.s32 $0x1880;
	[smem:$0x7C6] =	sst s25  }
0x62: {  	s28 =	simm.s32 $0x1900;
	[smem:$0x7C7] =	sst s26  }
0x63: {  	s29 =	simm.s32 $0x1980;
	[smem:$0x7C8] =	sst s28  }
0x64: {  	s31 =	simm.s32 $0x3400;
	s30 =	simm.s32 $0x1A00;
	[smem:$0x7C9] =	sst s29  }
0x65: {  	p0 =	por $0x0, $0x0;
	s4 =	simm.s32 $0x1A80;
	[smem:$0x7CA] =	sst s30  }
0x66: {  	s0 =	ssub.s32 $0x2, s0;
	s23 =	simm.s32 $0x2400;
	[smem:$0x7CB] =	sst s4  }
0x67: {  	s8 =	simm.s32 $0x80;
	[smem:$0x7DE] =	sst s23;
	s24 =	simm.s32 $0x2480  }
0x68: {  	s9 =	simm.s32 $0x3C00;
	s25 =	simm.s32 $0x2500;
	[smem:$0x7DF] =	sst s24  }
0x69: {  	s11 =	simm.s32 $0x9400;
	s26 =	simm.s32 $0x2580;
	[smem:$0x7E0] =	sst s25  }
0x6a: {  	s3 =	simm.s32 $0x9C00;
	s28 =	simm.s32 $0x2600;
	[smem:$0x7E1] =	sst s26  }
0x6b: {  	s7 =	simm.s32 $0x1;
	s29 =	simm.s32 $0x2680;
	[smem:$0x7E2] =	sst s28  }
0x6c: {  	s6 =	sshrl.u32 s0, $0x1;
	s30 =	simm.s32 $0x2700;
	[smem:$0x7E3] =	sst s29  }
0x6d: {  	s4 =	simm.s32 $0x2800;
	s0 =	ssub.s32 s0, s6;
	[smem:$0x7E4] =	sst s30  }
0x6e: {  	s23 =	simm.s32 $0x3080;
	[smem:$0x7E6] =	sst s4;
	s6 =	smax.u32 s0, $0x1  }
0x6f: {  	[smem:$0x7F7] =	sst s23;
	s25 =	simm.s32 $0x3180;
	p1 =	sne.s32 s6, $0x1  }
.Ltmp0:
0x70: {  	s26 =	simm.s32 $0x3200;
	[smem:$0x7F9] =	sst s25;
	(pc) =	sbr.rel @!p1 .LBB2_5-.Ltmp0, $4  }
0x71: {  	s5 =	sadd.s32 $0x1200, s1;
	s28 =	simm.s32 $0x3280;
	[smem:$0x7FA] =	sst s26  }
0x72: {  	s24 =	simm.s32 $0x3;
	s29 =	simm.s32 $0x3300;
	[smem:$0x7FB] =	sst s28  }
0x73: {  	s4 =	simm.s32 $0x8C00;
	s30 =	simm.s32 $0x3380;
	[smem:$0x7FC] =	sst s29  }
0x74: {  	[smem:$0x7FD] =	sst s30;
	s0 =	sadd.s32 $0xFFFFFFFF, s6;
	s6 =	simm.s32 $0x2  }
0x75: {  	[tilespmem:s2], [sflag:$0x3] =	stream.linear.gather [hbm4b:s10+s2], $0x3400, $0x38;
	[tilespmem:$0x10400] =	vst v63  }
0x76: {  	_ =	swait.ge [sflag:s24], $0x3400  }
0x77: {  	[sflag:s24] =	ssyncset.done $0x0  }
0x78: {  	s17 =	rddreg [dreg:$0xb];
	[sflag:s24] =	ssyncadd.s32 $0xFFFFCC00  }
0x79: {  	[tilespmem:s31], [sflag:$0x1] =	stream.indirect.gather [hbm4b:s5+s8], $0x10, s2, s8, $0xb8;
	[tilespmem:$0x10400] =	vst v63  }
0x7a: {  	s18 =	rddreg [dreg:$0xc]  }
0x7b: {  	[tilespmem:s9], [sflag:$0x1] =	stream.indirect.gather [hbm4b:s5+s8], $0x10, s8, s8, $0xb8;
	[tilespmem:$0x10400] =	vst v63  }
0x7c: {  	s28 =	simm.s32 $0x4400;
	s19 =	rddreg [dreg:$0xd]  }
0x7d: {  	[tilespmem:s28], [sflag:$0x1] =	stream.indirect.gather [hbm4b:s5+s8], $0x10, s17, s8, $0xb8;
	[tilespmem:$0x10400] =	vst v63  }
0x7e: {  	s29 =	simm.s32 $0x4C00;
	s20 =	rddreg [dreg:$0xe]  }
0x7f: {  	[tilespmem:s29], [sflag:$0x1] =	stream.indirect.gather [hbm4b:s5+s8], $0x10, s18, s8, $0xb8;
	[tilespmem:$0x10400] =	vst v63  }
0x80: {  	s30 =	simm.s32 $0x5400;
	s21 =	rddreg [dreg:$0xf]  }
0x81: {  	[tilespmem:s30], [sflag:$0x1] =	stream.indirect.gather [hbm4b:s5+s8], $0x10, s19, s8, $0xb8;
	[tilespmem:$0x10400] =	vst v63  }
0x82: {  	s12 =	simm.s32 $0x5C00;
	s22 =	rddreg [dreg:$0x10]  }
0x83: {  	[tilespmem:s12], [sflag:$0x1] =	stream.indirect.gather [hbm4b:s5+s8], $0x10, s20, s8, $0xb8;
	[tilespmem:$0x10400] =	vst v63  }
0x84: {  	s13 =	simm.s32 $0x6400;
	s23 =	rddreg [dreg:$0x11]  }
0x85: {  	[tilespmem:s13], [sflag:$0x1] =	stream.indirect.gather [hbm4b:s5+s8], $0x10, s21, s8, $0xb8;
	[tilespmem:$0x10400] =	vst v63  }
0x86: {  	s14 =	simm.s32 $0x6C00;
	[smem:$0x7AC] =	sst s0  }
0x87: {  	[tilespmem:s14], [sflag:$0x1] =	stream.indirect.gather [hbm4b:s5+s8], $0x10, s22, s8, $0xb8;
	[tilespmem:$0x10400] =	vst v63  }
0x88: {  	s15 =	simm.s32 $0x7400;
	s25 =	rddreg [dreg:$0x13]  }
0x89: {  	[tilespmem:s15], [sflag:$0x1] =	stream.indirect.gather [hbm4b:s5+s8], $0x10, s23, s8, $0xb8;
	[tilespmem:$0x10400] =	vst v63  }
0x8a: {  	s16 =	simm.s32 $0x7C00;
	s24 =	rddreg [dreg:$0x12]  }
0x8b: {  	[tilespmem:s16], [sflag:$0x1] =	stream.indirect.gather [hbm4b:s5+s8], $0x10, s24, s8, $0xb8;
	[tilespmem:$0x10400] =	vst v63  }
0x8c: {  	s0 =	rddreg [dreg:$0x14];
	s17 =	simm.s32 $0x8400  }
0x8d: {  	[tilespmem:s17], [sflag:$0x1] =	stream.indirect.gather [hbm4b:s5+s8], $0x10, s25, s8, $0xb8;
	[tilespmem:$0x10400] =	vst v63  }
0x8e: {  	s1 =	rddreg [dreg:$0x15]  }
0x8f: {  	[tilespmem:s4], [sflag:$0x1] =	stream.indirect.gather [hbm4b:s5+s8], $0x10, s0, s8, $0xb8;
	[tilespmem:$0x10400] =	vst v63  }
0x90: {  	s18 =	rddreg [dreg:$0x17]  }
0x91: {  	[tilespmem:s11], [sflag:$0x1] =	stream.indirect.gather [hbm4b:s5+s8], $0x10, s1, s8, $0xb8;
	[tilespmem:$0x10400] =	vst v63  }
0x92: {  	s4 =	rddreg [dreg:$0x16]  }
0x93: {  	[tilespmem:s3], [sflag:$0x1] =	stream.indirect.gather [hbm4b:s5+s8], $0x10, s4, s8, $0xb8;
	[tilespmem:$0x10400] =	vst v63  }
0x94: {  	s19 =	rddreg [dreg:$0x18];
	s20 =	simm.s32 $0xA400  }
0x95: {  	[tilespmem:s20], [sflag:$0x1] =	stream.indirect.gather [hbm4b:s5+s8], $0x10, s18, s8, $0xb8;
	[tilespmem:$0x10400] =	vst v63  }
0x96: {  	s21 =	rddreg [dreg:$0x19];
	s23 =	simm.s32 $0xAC00  }
0x97: {  	[tilespmem:s23], [sflag:$0x1] =	stream.indirect.gather [hbm4b:s5+s8], $0x10, s19, s8, $0xb8;
	[tilespmem:$0x10400] =	vst v63  }
0x98: {  	s24 =	rddreg [dreg:$0x1a];
	s25 =	simm.s32 $0xB400  }
0x99: {  	[tilespmem:s25], [sflag:$0x1] =	stream.indirect.gather [hbm4b:s5+s8], $0x10, s21, s8, $0xb8;
	[tilespmem:$0x10400] =	vst v63  }
0x9a: {  	s1 =	rddreg [dreg:$0x1b];
	s3 =	simm.s32 $0xBC00  }
0x9b: {  	[tilespmem:s3], [sflag:$0x1] =	stream.indirect.gather [hbm4b:s5+s8], $0x10, s24, s8, $0xb8;
	[tilespmem:$0x10400] =	vst v63  }
0x9c: {  	s11 =	simm.s32 $0xC400;
	s4 =	rddreg [dreg:$0x1c]  }
0x9d: {  	[tilespmem:s11], [sflag:$0x1] =	stream.indirect.gather [hbm4b:s5+s8], $0x10, s1, s8, $0xb8;
	[tilespmem:$0x10400] =	vst v63  }
0x9e: {  	s23 =	simm.s32 $0xCC00;
	s21 =	rddreg [dreg:$0x1d]  }
0x9f: {  	[tilespmem:s23], [sflag:$0x1] =	stream.indirect.gather [hbm4b:s5+s8], $0x10, s4, s8, $0xb8;
	[tilespmem:$0x10400] =	vst v63  }
0xa0: {  	s25 =	simm.s32 $0xD400;
	s24 =	rddreg [dreg:$0x1e]  }
0xa1: {  	[tilespmem:s25], [sflag:$0x1] =	stream.indirect.gather [hbm4b:s5+s8], $0x10, s21, s8, $0xb8;
	[tilespmem:$0x10400] =	vst v63  }
0xa2: {  	s3 =	simm.s32 $0xDC00;
	s1 =	rddreg [dreg:$0x1f]  }
0xa3: {  	[tilespmem:s3], [sflag:$0x1] =	stream.indirect.gather [hbm4b:s5+s8], $0x10, s24, s8, $0xb8;
	[tilespmem:$0x10400] =	vst v63  }
0xa4: {  	s11 =	simm.s32 $0xE400;
	s4 =	sld [smem:$0x7AD]  }
0xa5: {  	[tilespmem:s11], [sflag:$0x1] =	stream.indirect.gather [hbm4b:s5+s8], $0x10, s1, s8, $0xb8;
	[tilespmem:$0x10400] =	vst v63  }
0xa6: {  	s21 =	sld [smem:$0x7AE];
	s24 =	simm.s32 $0xEC00  }
0xa7: {  	[tilespmem:s24], [sflag:$0x1] =	stream.indirect.gather [hbm4b:s5+s8], $0x10, s4, s8, $0xb8;
	[tilespmem:$0x10400] =	vst v63  }
0xa8: {  	s0 =	simm.s32 $0xF400;
	s25 =	sld [smem:$0x7AF]  }
0xa9: {  	[tilespmem:s0], [sflag:$0x1] =	stream.indirect.gather [hbm4b:s5+s8], $0x10, s21, s8, $0xb8;
	[tilespmem:$0x10400] =	vst v63  }
0xaa: {  	s3 =	simm.s32 $0xFC00  }
0xab: {  	[tilespmem:s3], [sflag:$0x1] =	stream.indirect.gather [hbm4b:s5+s8], $0x10, s25, s8, $0xb8;
	[tilespmem:$0x10400] =	vst v63  }
0xac: {  	_ =	swait.ge [sflag:s7], $0x800  }
0xad: {  	[sflag:s7] =	ssyncset.done $0x0  }
0xae: {  	[sflag:s7] =	ssyncadd.s32 $0xFFFFF800  }
0xaf: {  	_ =	swait.ge [sflag:s7], $0x800  }
0xb0: {  	[sflag:s7] =	ssyncset.done $0x0  }
0xb1: {  	[sflag:s7] =	ssyncadd.s32 $0xFFFFF800  }
0xb2: {  	_ =	swait.ge [sflag:s7], $0x800  }
0xb3: {  	[sflag:s7] =	ssyncset.done $0x0  }
0xb4: {  	[sflag:s7] =	ssyncadd.s32 $0xFFFFF800  }
0xb5: {  	_ =	swait.ge [sflag:s7], $0x800  }
0xb6: {  	[sflag:s7] =	ssyncset.done $0x0  }
0xb7: {  	[sflag:s7] =	ssyncadd.s32 $0xFFFFF800  }
0xb8: {  	_ =	swait.ge [sflag:s7], $0x800  }
0xb9: {  	[sflag:s7] =	ssyncset.done $0x0  }
0xba: {  	[sflag:s7] =	ssyncadd.s32 $0xFFFFF800  }
0xbb: {  	_ =	swait.ge [sflag:s7], $0x800  }
0xbc: {  	[sflag:s7] =	ssyncset.done $0x0  }
0xbd: {  	[sflag:s7] =	ssyncadd.s32 $0xFFFFF800  }
0xbe: {  	_ =	swait.ge [sflag:s7], $0x800  }
0xbf: {  	[sflag:s7] =	ssyncset.done $0x0  }
0xc0: {  	[sflag:s7] =	ssyncadd.s32 $0xFFFFF800  }
0xc1: {  	_ =	swait.ge [sflag:s7], $0x800  }
0xc2: {  	[sflag:s7] =	ssyncset.done $0x0  }
0xc3: {  	[sflag:s7] =	ssyncadd.s32 $0xFFFFF800  }
0xc4: {  	_ =	swait.ge [sflag:s7], $0x800  }
0xc5: {  	[sflag:s7] =	ssyncset.done $0x0  }
0xc6: {  	[sflag:s7] =	ssyncadd.s32 $0xFFFFF800  }
0xc7: {  	_ =	swait.ge [sflag:s7], $0x800  }
0xc8: {  	[sflag:s7] =	ssyncset.done $0x0  }
0xc9: {  	[sflag:s7] =	ssyncadd.s32 $0xFFFFF800  }
0xca: {  	_ =	swait.ge [sflag:s7], $0x800  }
0xcb: {  	[sflag:s7] =	ssyncset.done $0x0  }
0xcc: {  	[sflag:s7] =	ssyncadd.s32 $0xFFFFF800  }
0xcd: {  	_ =	swait.ge [sflag:s7], $0x800  }
0xce: {  	[sflag:s7] =	ssyncset.done $0x0  }
0xcf: {  	[sflag:s7] =	ssyncadd.s32 $0xFFFFF800  }
0xd0: {  	_ =	swait.ge [sflag:s7], $0x800  }
0xd1: {  	[sflag:s7] =	ssyncset.done $0x0  }
0xd2: {  	s26 =	simm.s32 $0x0;
	s10 =	rddreg [dreg:$0x3];
	[sflag:s7] =	ssyncadd.s32 $0xFFFFF800  }
0xd3: {  	[hbm4b:s10+s26] =	stream.linear.scatter [tilespmem:s31], [sflag:$0x2], $0x6800, $0x38;
	[tilespmem:$0x10400] =	vst v63  }
0xd4: {  	_ =	swait.ge [sflag:s6], $0x6800  }
0xd5: {  	s21 =	sld [smem:$0x7B0]  }
0xd6: {  	[sflag:s6] =	ssyncset.done $0x0  }
0xd7: {  	s24 =	sld [smem:$0x7B1];
	[sflag:s6] =	ssyncadd.s32 $0xFFFF9800  }
0xd8: {  	[tilespmem:s31], [sflag:$0x1] =	stream.indirect.gather [hbm4b:s5+s8], $0x10, s21, s8, $0xb8;
	[tilespmem:$0x10400] =	vst v63  }
0xd9: {  	s2 =	simm.s32 $0x3C00;
	s25 =	sld [smem:$0x7B2]  }
0xda: {  	[tilespmem:s2], [sflag:$0x1] =	stream.indirect.gather [hbm4b:s5+s8], $0x10, s24, s8, $0xb8;
	[tilespmem:$0x10400] =	vst v63  }
0xdb: {  	s2 =	sld [smem:$0x7B3]  }
0xdc: {  	[tilespmem:s28], [sflag:$0x1] =	stream.indirect.gather [hbm4b:s5+s8], $0x10, s25, s8, $0xb8;
	[tilespmem:$0x10400] =	vst v63  }
0xdd: {  	s24 =	sld [smem:$0x7B4]  }
0xde: {  	[tilespmem:s29], [sflag:$0x1] =	stream.indirect.gather [hbm4b:s5+s8], $0x10, s2, s8, $0xb8;
	[tilespmem:$0x10400] =	vst v63  }
0xdf: {  	s25 =	sld [smem:$0x7B5]  }
0xe0: {  	[tilespmem:s30], [sflag:$0x1] =	stream.indirect.gather [hbm4b:s5+s8], $0x10, s24, s8, $0xb8;
	[tilespmem:$0x10400] =	vst v63  }
0xe1: {  	s2 =	sld [smem:$0x7B6]  }
0xe2: {  	[tilespmem:s12], [sflag:$0x1] =	stream.indirect.gather [hbm4b:s5+s8], $0x10, s25, s8, $0xb8;
	[tilespmem:$0x10400] =	vst v63  }
0xe3: {  	s24 =	sld [smem:$0x7B7]  }
0xe4: {  	[tilespmem:s13], [sflag:$0x1] =	stream.indirect.gather [hbm4b:s5+s8], $0x10, s2, s8, $0xb8;
	[tilespmem:$0x10400] =	vst v63  }
0xe5: {  	s25 =	sld [smem:$0x7B8]  }
0xe6: {  	[tilespmem:s14], [sflag:$0x1] =	stream.indirect.gather [hbm4b:s5+s8], $0x10, s24, s8, $0xb8;
	[tilespmem:$0x10400] =	vst v63  }
0xe7: {  	s2 =	sld [smem:$0x7B9]  }
0xe8: {  	[tilespmem:s15], [sflag:$0x1] =	stream.indirect.gather [hbm4b:s5+s8], $0x10, s25, s8, $0xb8;
	[tilespmem:$0x10400] =	vst v63  }
0xe9: {  	s24 =	sld [smem:$0x7BA]  }
0xea: {  	[tilespmem:s16], [sflag:$0x1] =	stream.indirect.gather [hbm4b:s5+s8], $0x10, s2, s8, $0xb8;
	[tilespmem:$0x10400] =	vst v63  }
0xeb: {  	s25 =	sld [smem:$0x7BB]  }
0xec: {  	[tilespmem:s17], [sflag:$0x1] =	stream.indirect.gather [hbm4b:s5+s8], $0x10, s24, s8, $0xb8;
	[tilespmem:$0x10400] =	vst v63  }
0xed: {  	s1 =	simm.s32 $0x8C00;
	s2 =	sld [smem:$0x7BC]  }
0xee: {  	[tilespmem:s1], [sflag:$0x1] =	stream.indirect.gather [hbm4b:s5+s8], $0x10, s25, s8, $0xb8;
	[tilespmem:$0x10400] =	vst v63  }
0xef: {  	s0 =	simm.s32 $0x9400  }
0xf0: {  	[tilespmem:s0], [sflag:$0x1] =	stream.indirect.gather [hbm4b:s5+s8], $0x10, s2, s8, $0xb8;
	[tilespmem:$0x10400] =	vst v63  }
0xf1: {  	_ =	swait.ge [sflag:s7], $0x800  }
0xf2: {  	[sflag:s7] =	ssyncset.done $0x0  }
0xf3: {  	[sflag:s7] =	ssyncadd.s32 $0xFFFFF800  }
0xf4: {  	_ =	swait.ge [sflag:s7], $0x800  }
0xf5: {  	[sflag:s7] =	ssyncset.done $0x0  }
0xf6: {  	[sflag:s7] =	ssyncadd.s32 $0xFFFFF800  }
0xf7: {  	_ =	swait.ge [sflag:s7], $0x800  }
0xf8: {  	[sflag:s7] =	ssyncset.done $0x0  }
0xf9: {  	[sflag:s7] =	ssyncadd.s32 $0xFFFFF800  }
0xfa: {  	_ =	swait.ge [sflag:s7], $0x800  }
0xfb: {  	[sflag:s7] =	ssyncset.done $0x0  }
0xfc: {  	[sflag:s7] =	ssyncadd.s32 $0xFFFFF800  }
0xfd: {  	_ =	swait.ge [sflag:s7], $0x800  }
0xfe: {  	[sflag:s7] =	ssyncset.done $0x0  }
0xff: {  	[sflag:s7] =	ssyncadd.s32 $0xFFFFF800  }
0x100: {  	_ =	swait.ge [sflag:s7], $0x800  }
0x101: {  	[sflag:s7] =	ssyncset.done $0x0  }
0x102: {  	[sflag:s7] =	ssyncadd.s32 $0xFFFFF800  }
0x103: {  	_ =	swait.ge [sflag:s7], $0x800  }
0x104: {  	[sflag:s7] =	ssyncset.done $0x0  }
0x105: {  	[sflag:s7] =	ssyncadd.s32 $0xFFFFF800  }
0x106: {  	_ =	swait.ge [sflag:s7], $0x800  }
0x107: {  	[sflag:s7] =	ssyncset.done $0x0  }
0x108: {  	[sflag:s7] =	ssyncadd.s32 $0xFFFFF800  }
0x109: {  	_ =	swait.ge [sflag:s7], $0x800  }
0x10a: {  	[sflag:s7] =	ssyncset.done $0x0  }
0x10b: {  	[sflag:s7] =	ssyncadd.s32 $0xFFFFF800  }
0x10c: {  	_ =	swait.ge [sflag:s7], $0x800  }
0x10d: {  	[sflag:s7] =	ssyncset.done $0x0  }
0x10e: {  	[sflag:s7] =	ssyncadd.s32 $0xFFFFF800  }
0x10f: {  	_ =	swait.ge [sflag:s7], $0x800  }
0x110: {  	[sflag:s7] =	ssyncset.done $0x0  }
0x111: {  	[sflag:s7] =	ssyncadd.s32 $0xFFFFF800  }
0x112: {  	_ =	swait.ge [sflag:s7], $0x800  }
0x113: {  	[sflag:s7] =	ssyncset.done $0x0  }
0x114: {  	[sflag:s7] =	ssyncadd.s32 $0xFFFFF800  }
0x115: {  	_ =	swait.ge [sflag:s7], $0x800  }
0x116: {  	[sflag:s7] =	ssyncset.done $0x0  }
0x117: {  	s4 =	simm.s32 $0x9C00;
	s10 =	rddreg [dreg:$0x4];
	[sflag:s7] =	ssyncadd.s32 $0xFFFFF800  }
0x118: {  	[hbm4b:s10+s26] =	stream.linear.scatter [tilespmem:s4], [sflag:$0x2], $0x6800, $0x38;
	[tilespmem:$0x10400] =	vst v63  }
0x119: {  	_ =	swait.ge [sflag:s6], $0x6800  }
0x11a: {  	s0 =	sld [smem:$0x7BD]  }
0x11b: {  	[sflag:s6] =	ssyncset.done $0x0  }
0x11c: {  	s1 =	sld [smem:$0x7BE];
	[sflag:s6] =	ssyncadd.s32 $0xFFFF9800  }
0x11d: {  	[tilespmem:s4], [sflag:$0x1] =	stream.indirect.gather [hbm4b:s5+s8], $0x10, s0, s8, $0xb8;
	[tilespmem:$0x10400] =	vst v63  }
0x11e: {  	s22 =	simm.s32 $0xA400;
	s2 =	sld [smem:$0x7BF]  }
0x11f: {  	[tilespmem:s22], [sflag:$0x1] =	stream.indirect.gather [hbm4b:s5+s8], $0x10, s1, s8, $0xb8;
	[tilespmem:$0x10400] =	vst v63  }
0x120: {  	s20 =	simm.s32 $0xAC00;
	s0 =	sld [smem:$0x7C0]  }
0x121: {  	[tilespmem:s20], [sflag:$0x1] =	stream.indirect.gather [hbm4b:s5+s8], $0x10, s2, s8, $0xb8;
	[tilespmem:$0x10400] =	vst v63  }
0x122: {  	s18 =	simm.s32 $0xB400;
	s1 =	sld [smem:$0x7C1]  }
0x123: {  	[tilespmem:s18], [sflag:$0x1] =	stream.indirect.gather [hbm4b:s5+s8], $0x10, s0, s8, $0xb8;
	[tilespmem:$0x10400] =	vst v63  }
0x124: {  	s19 =	simm.s32 $0xBC00;
	s2 =	sld [smem:$0x7C2]  }
0x125: {  	[tilespmem:s19], [sflag:$0x1] =	stream.indirect.gather [hbm4b:s5+s8], $0x10, s1, s8, $0xb8;
	[tilespmem:$0x10400] =	vst v63  }
0x126: {  	s0 =	sld [smem:$0x7C3];
	s18 =	simm.s32 $0xC400  }
0x127: {  	[tilespmem:s18], [sflag:$0x1] =	stream.indirect.gather [hbm4b:s5+s8], $0x10, s2, s8, $0xb8;
	[tilespmem:$0x10400] =	vst v63  }
0x128: {  	s1 =	simm.s32 $0xCC00;
	s2 =	sld [smem:$0x7C4]  }
0x129: {  	[tilespmem:s1], [sflag:$0x1] =	stream.indirect.gather [hbm4b:s5+s8], $0x10, s0, s8, $0xb8;
	[tilespmem:$0x10400] =	vst v63  }
0x12a: {  	s23 =	simm.s32 $0xD400;
	s19 =	sld [smem:$0x7C5]  }
0x12b: {  	[tilespmem:s23], [sflag:$0x1] =	stream.indirect.gather [hbm4b:s5+s8], $0x10, s2, s8, $0xb8;
	[tilespmem:$0x10400] =	vst v63  }
0x12c: {  	s0 =	simm.s32 $0xDC00;
	s2 =	sld [smem:$0x7C6]  }
0x12d: {  	[tilespmem:s0], [sflag:$0x1] =	stream.indirect.gather [hbm4b:s5+s8], $0x10, s19, s8, $0xb8;
	[tilespmem:$0x10400] =	vst v63  }
0x12e: {  	s9 =	sld [smem:$0x7C7];
	s19 =	simm.s32 $0xE400  }
0x12f: {  	[tilespmem:s19], [sflag:$0x1] =	stream.indirect.gather [hbm4b:s5+s8], $0x10, s2, s8, $0xb8;
	[tilespmem:$0x10400] =	vst v63  }
0x130: {  	s23 =	sld [smem:$0x7C8];
	s2 =	simm.s32 $0xEC00  }
0x131: {  	[tilespmem:s2], [sflag:$0x1] =	stream.indirect.gather [hbm4b:s5+s8], $0x10, s9, s8, $0xb8;
	[tilespmem:$0x10400] =	vst v63  }
0x132: {  	s11 =	simm.s32 $0xF400;
	s9 =	sld [smem:$0x7C9]  }
0x133: {  	[tilespmem:s11], [sflag:$0x1] =	stream.indirect.gather [hbm4b:s5+s8], $0x10, s23, s8, $0xb8;
	[tilespmem:$0x10400] =	vst v63  }
0x134: {  	s3 =	simm.s32 $0xFC00  }
0x135: {  	[tilespmem:s3], [sflag:$0x1] =	stream.indirect.gather [hbm4b:s5+s8], $0x10, s9, s8, $0xb8;
	[tilespmem:$0x10400] =	vst v63  }
0x136: {  	_ =	swait.ge [sflag:s7], $0x800  }
0x137: {  	[sflag:s7] =	ssyncset.done $0x0  }
0x138: {  	[sflag:s7] =	ssyncadd.s32 $0xFFFFF800  }
0x139: {  	_ =	swait.ge [sflag:s7], $0x800  }
0x13a: {  	[sflag:s7] =	ssyncset.done $0x0  }
0x13b: {  	[sflag:s7] =	ssyncadd.s32 $0xFFFFF800  }
0x13c: {  	_ =	swait.ge [sflag:s7], $0x800  }
0x13d: {  	[sflag:s7] =	ssyncset.done $0x0  }
0x13e: {  	[sflag:s7] =	ssyncadd.s32 $0xFFFFF800  }
0x13f: {  	_ =	swait.ge [sflag:s7], $0x800  }
0x140: {  	[sflag:s7] =	ssyncset.done $0x0  }
0x141: {  	[sflag:s7] =	ssyncadd.s32 $0xFFFFF800  }
0x142: {  	_ =	swait.ge [sflag:s7], $0x800  }
0x143: {  	[sflag:s7] =	ssyncset.done $0x0  }
0x144: {  	[sflag:s7] =	ssyncadd.s32 $0xFFFFF800  }
0x145: {  	_ =	swait.ge [sflag:s7], $0x800  }
0x146: {  	[sflag:s7] =	ssyncset.done $0x0  }
0x147: {  	[sflag:s7] =	ssyncadd.s32 $0xFFFFF800  }
0x148: {  	_ =	swait.ge [sflag:s7], $0x800  }
0x149: {  	[sflag:s7] =	ssyncset.done $0x0  }
0x14a: {  	[sflag:s7] =	ssyncadd.s32 $0xFFFFF800  }
0x14b: {  	_ =	swait.ge [sflag:s7], $0x800  }
0x14c: {  	[sflag:s7] =	ssyncset.done $0x0  }
0x14d: {  	[sflag:s7] =	ssyncadd.s32 $0xFFFFF800  }
0x14e: {  	_ =	swait.ge [sflag:s7], $0x800  }
0x14f: {  	[sflag:s7] =	ssyncset.done $0x0  }
0x150: {  	[sflag:s7] =	ssyncadd.s32 $0xFFFFF800  }
0x151: {  	_ =	swait.ge [sflag:s7], $0x800  }
0x152: {  	[sflag:s7] =	ssyncset.done $0x0  }
0x153: {  	[sflag:s7] =	ssyncadd.s32 $0xFFFFF800  }
0x154: {  	_ =	swait.ge [sflag:s7], $0x800  }
0x155: {  	[sflag:s7] =	ssyncset.done $0x0  }
0x156: {  	[sflag:s7] =	ssyncadd.s32 $0xFFFFF800  }
0x157: {  	_ =	swait.ge [sflag:s7], $0x800  }
0x158: {  	[sflag:s7] =	ssyncset.done $0x0  }
0x159: {  	[sflag:s7] =	ssyncadd.s32 $0xFFFFF800  }
0x15a: {  	_ =	swait.ge [sflag:s7], $0x800  }
0x15b: {  	[sflag:s7] =	ssyncset.done $0x0  }
0x15c: {  	s10 =	rddreg [dreg:$0x5];
	[sflag:s7] =	ssyncadd.s32 $0xFFFFF800  }
0x15d: {  	[hbm4b:s10+s26] =	stream.linear.scatter [tilespmem:s31], [sflag:$0x2], $0x6800, $0x38;
	[tilespmem:$0x10400] =	vst v63  }
0x15e: {  	_ =	swait.ge [sflag:s6], $0x6800  }
0x15f: {  	s11 =	sld [smem:$0x7CA]  }
0x160: {  	[sflag:s6] =	ssyncset.done $0x0  }
0x161: {  	s3 =	sld [smem:$0x7CB];
	[sflag:s6] =	ssyncadd.s32 $0xFFFF9800  }
0x162: {  	[tilespmem:s31], [sflag:$0x1] =	stream.indirect.gather [hbm4b:s5+s8], $0x10, s11, s8, $0xb8;
	[tilespmem:$0x10400] =	vst v63  }
0x163: {  	s21 =	simm.s32 $0x3C00;
	s11 =	sld [smem:$0x7CC]  }
0x164: {  	[tilespmem:s21], [sflag:$0x1] =	stream.indirect.gather [hbm4b:s5+s8], $0x10, s3, s8, $0xb8;
	[tilespmem:$0x10400] =	vst v63  }
0x165: {  	s21 =	sld [smem:$0x7CD]  }
0x166: {  	[tilespmem:s28], [sflag:$0x1] =	stream.indirect.gather [hbm4b:s5+s8], $0x10, s11, s8, $0xb8;
	[tilespmem:$0x10400] =	vst v63  }
0x167: {  	s11 =	sld [smem:$0x7CE]  }
0x168: {  	[tilespmem:s29], [sflag:$0x1] =	stream.indirect.gather [hbm4b:s5+s8], $0x10, s21, s8, $0xb8;
	[tilespmem:$0x10400] =	vst v63  }
0x169: {  	s21 =	sld [smem:$0x7CF]  }
0x16a: {  	[tilespmem:s30], [sflag:$0x1] =	stream.indirect.gather [hbm4b:s5+s8], $0x10, s11, s8, $0xb8;
	[tilespmem:$0x10400] =	vst v63  }
0x16b: {  	s11 =	sld [smem:$0x7D0]  }
0x16c: {  	[tilespmem:s12], [sflag:$0x1] =	stream.indirect.gather [hbm4b:s5+s8], $0x10, s21, s8, $0xb8;
	[tilespmem:$0x10400] =	vst v63  }
0x16d: {  	s21 =	sld [smem:$0x7D1]  }
0x16e: {  	[tilespmem:s13], [sflag:$0x1] =	stream.indirect.gather [hbm4b:s5+s8], $0x10, s11, s8, $0xb8;
	[tilespmem:$0x10400] =	vst v63  }
0x16f: {  	s11 =	sld [smem:$0x7D2]  }
0x170: {  	[tilespmem:s14], [sflag:$0x1] =	stream.indirect.gather [hbm4b:s5+s8], $0x10, s21, s8, $0xb8;
	[tilespmem:$0x10400] =	vst v63  }
0x171: {  	s21 =	sld [smem:$0x7D3]  }
0x172: {  	[tilespmem:s15], [sflag:$0x1] =	stream.indirect.gather [hbm4b:s5+s8], $0x10, s11, s8, $0xb8;
	[tilespmem:$0x10400] =	vst v63  }
0x173: {  	s11 =	sld [smem:$0x7D4]  }
0x174: {  	[tilespmem:s16], [sflag:$0x1] =	stream.indirect.gather [hbm4b:s5+s8], $0x10, s21, s8, $0xb8;
	[tilespmem:$0x10400] =	vst v63  }
0x175: {  	s21 =	sld [smem:$0x7D5]  }
0x176: {  	[tilespmem:s17], [sflag:$0x1] =	stream.indirect.gather [hbm4b:s5+s8], $0x10, s11, s8, $0xb8;
	[tilespmem:$0x10400] =	vst v63  }
0x177: {  	s25 =	simm.s32 $0x8C00;
	s11 =	sld [smem:$0x7D6]  }
0x178: {  	[tilespmem:s25], [sflag:$0x1] =	stream.indirect.gather [hbm4b:s5+s8], $0x10, s21, s8, $0xb8;
	[tilespmem:$0x10400] =	vst v63  }
0x179: {  	s24 =	simm.s32 $0x9400  }
0x17a: {  	[tilespmem:s24], [sflag:$0x1] =	stream.indirect.gather [hbm4b:s5+s8], $0x10, s11, s8, $0xb8;
	[tilespmem:$0x10400] =	vst v63  }
0x17b: {  	_ =	swait.ge [sflag:s7], $0x800  }
0x17c: {  	[sflag:s7] =	ssyncset.done $0x0  }
0x17d: {  	[sflag:s7] =	ssyncadd.s32 $0xFFFFF800  }
0x17e: {  	_ =	swait.ge [sflag:s7], $0x800  }
0x17f: {  	[sflag:s7] =	ssyncset.done $0x0  }
0x180: {  	[sflag:s7] =	ssyncadd.s32 $0xFFFFF800  }
0x181: {  	_ =	swait.ge [sflag:s7], $0x800  }
0x182: {  	[sflag:s7] =	ssyncset.done $0x0  }
0x183: {  	[sflag:s7] =	ssyncadd.s32 $0xFFFFF800  }
0x184: {  	_ =	swait.ge [sflag:s7], $0x800  }
0x185: {  	[sflag:s7] =	ssyncset.done $0x0  }
0x186: {  	[sflag:s7] =	ssyncadd.s32 $0xFFFFF800  }
0x187: {  	_ =	swait.ge [sflag:s7], $0x800  }
0x188: {  	[sflag:s7] =	ssyncset.done $0x0  }
0x189: {  	[sflag:s7] =	ssyncadd.s32 $0xFFFFF800  }
0x18a: {  	_ =	swait.ge [sflag:s7], $0x800  }
0x18b: {  	[sflag:s7] =	ssyncset.done $0x0  }
0x18c: {  	[sflag:s7] =	ssyncadd.s32 $0xFFFFF800  }
0x18d: {  	_ =	swait.ge [sflag:s7], $0x800  }
0x18e: {  	[sflag:s7] =	ssyncset.done $0x0  }
0x18f: {  	[sflag:s7] =	ssyncadd.s32 $0xFFFFF800  }
0x190: {  	_ =	swait.ge [sflag:s7], $0x800  }
0x191: {  	[sflag:s7] =	ssyncset.done $0x0  }
0x192: {  	[sflag:s7] =	ssyncadd.s32 $0xFFFFF800  }
0x193: {  	_ =	swait.ge [sflag:s7], $0x800  }
0x194: {  	[sflag:s7] =	ssyncset.done $0x0  }
0x195: {  	[sflag:s7] =	ssyncadd.s32 $0xFFFFF800  }
0x196: {  	_ =	swait.ge [sflag:s7], $0x800  }
0x197: {  	[sflag:s7] =	ssyncset.done $0x0  }
0x198: {  	[sflag:s7] =	ssyncadd.s32 $0xFFFFF800  }
0x199: {  	_ =	swait.ge [sflag:s7], $0x800  }
0x19a: {  	[sflag:s7] =	ssyncset.done $0x0  }
0x19b: {  	[sflag:s7] =	ssyncadd.s32 $0xFFFFF800  }
0x19c: {  	_ =	swait.ge [sflag:s7], $0x800  }
0x19d: {  	[sflag:s7] =	ssyncset.done $0x0  }
0x19e: {  	[sflag:s7] =	ssyncadd.s32 $0xFFFFF800  }
0x19f: {  	_ =	swait.ge [sflag:s7], $0x800  }
0x1a0: {  	[sflag:s7] =	ssyncset.done $0x0  }
0x1a1: {  	s25 =	rddreg [dreg:$0x6];
	[sflag:s7] =	ssyncadd.s32 $0xFFFFF800  }
0x1a2: {  	[hbm4b:s25+s26] =	stream.linear.scatter [tilespmem:s4], [sflag:$0x2], $0x6800, $0x38;
	[tilespmem:$0x10400] =	vst v63  }
0x1a3: {  	_ =	swait.ge [sflag:s6], $0x6800  }
0x1a4: {  	s10 =	sld [smem:$0x7D7]  }
0x1a5: {  	[sflag:s6] =	ssyncset.done $0x0  }
0x1a6: {  	s11 =	sld [smem:$0x7D8];
	[sflag:s6] =	ssyncadd.s32 $0xFFFF9800  }
0x1a7: {  	[tilespmem:s4], [sflag:$0x1] =	stream.indirect.gather [hbm4b:s5+s8], $0x10, s10, s8, $0xb8;
	[tilespmem:$0x10400] =	vst v63  }
0x1a8: {  	s25 =	simm.s32 $0xA400;
	s9 =	sld [smem:$0x7D9]  }
0x1a9: {  	[tilespmem:s25], [sflag:$0x1] =	stream.indirect.gather [hbm4b:s5+s8], $0x10, s11, s8, $0xb8;
	[tilespmem:$0x10400] =	vst v63  }
0x1aa: {  	s10 =	sld [smem:$0x7DA];
	s25 =	simm.s32 $0xAC00  }
0x1ab: {  	[tilespmem:s25], [sflag:$0x1] =	stream.indirect.gather [hbm4b:s5+s8], $0x10, s9, s8, $0xb8;
	[tilespmem:$0x10400] =	vst v63  }
0x1ac: {  	s20 =	simm.s32 $0xB400;
	s9 =	sld [smem:$0x7DB]  }
0x1ad: {  	[tilespmem:s20], [sflag:$0x1] =	stream.indirect.gather [hbm4b:s5+s8], $0x10, s10, s8, $0xb8;
	[tilespmem:$0x10400] =	vst v63  }
0x1ae: {  	s22 =	simm.s32 $0xBC00;
	s11 =	sld [smem:$0x7DC]  }
0x1af: {  	[tilespmem:s22], [sflag:$0x1] =	stream.indirect.gather [hbm4b:s5+s8], $0x10, s9, s8, $0xb8;
	[tilespmem:$0x10400] =	vst v63  }
0x1b0: {  	s22 =	sld [smem:$0x7DD]  }
0x1b1: {  	[tilespmem:s18], [sflag:$0x1] =	stream.indirect.gather [hbm4b:s5+s8], $0x10, s11, s8, $0xb8;
	[tilespmem:$0x10400] =	vst v63  }
0x1b2: {  	s11 =	sld [smem:$0x7DE]  }
0x1b3: {  	[tilespmem:s1], [sflag:$0x1] =	stream.indirect.gather [hbm4b:s5+s8], $0x10, s22, s8, $0xb8;
	[tilespmem:$0x10400] =	vst v63  }
0x1b4: {  	s9 =	sld [smem:$0x7DF];
	s22 =	simm.s32 $0xD400  }
0x1b5: {  	[tilespmem:s22], [sflag:$0x1] =	stream.indirect.gather [hbm4b:s5+s8], $0x10, s11, s8, $0xb8;
	[tilespmem:$0x10400] =	vst v63  }
0x1b6: {  	s11 =	sld [smem:$0x7E0]  }
0x1b7: {  	[tilespmem:s0], [sflag:$0x1] =	stream.indirect.gather [hbm4b:s5+s8], $0x10, s9, s8, $0xb8;
	[tilespmem:$0x10400] =	vst v63  }
0x1b8: {  	s9 =	sld [smem:$0x7E1]  }
0x1b9: {  	[tilespmem:s19], [sflag:$0x1] =	stream.indirect.gather [hbm4b:s5+s8], $0x10, s11, s8, $0xb8;
	[tilespmem:$0x10400] =	vst v63  }
0x1ba: {  	s22 =	sld [smem:$0x7E2]  }
0x1bb: {  	[tilespmem:s2], [sflag:$0x1] =	stream.indirect.gather [hbm4b:s5+s8], $0x10, s9, s8, $0xb8;
	[tilespmem:$0x10400] =	vst v63  }
0x1bc: {  	s23 =	simm.s32 $0xF400;
	s2 =	sld [smem:$0x7E3]  }
0x1bd: {  	[tilespmem:s23], [sflag:$0x1] =	stream.indirect.gather [hbm4b:s5+s8], $0x10, s22, s8, $0xb8;
	[tilespmem:$0x10400] =	vst v63  }
0x1be: {  	s23 =	simm.s32 $0xFC00  }
0x1bf: {  	[tilespmem:s23], [sflag:$0x1] =	stream.indirect.gather [hbm4b:s5+s8], $0x10, s2, s8, $0xb8;
	[tilespmem:$0x10400] =	vst v63  }
0x1c0: {  	_ =	swait.ge [sflag:s7], $0x800  }
0x1c1: {  	[sflag:s7] =	ssyncset.done $0x0  }
0x1c2: {  	[sflag:s7] =	ssyncadd.s32 $0xFFFFF800  }
0x1c3: {  	_ =	swait.ge [sflag:s7], $0x800  }
0x1c4: {  	[sflag:s7] =	ssyncset.done $0x0  }
0x1c5: {  	[sflag:s7] =	ssyncadd.s32 $0xFFFFF800  }
0x1c6: {  	_ =	swait.ge [sflag:s7], $0x800  }
0x1c7: {  	[sflag:s7] =	ssyncset.done $0x0  }
0x1c8: {  	[sflag:s7] =	ssyncadd.s32 $0xFFFFF800  }
0x1c9: {  	_ =	swait.ge [sflag:s7], $0x800  }
0x1ca: {  	[sflag:s7] =	ssyncset.done $0x0  }
0x1cb: {  	[sflag:s7] =	ssyncadd.s32 $0xFFFFF800  }
0x1cc: {  	_ =	swait.ge [sflag:s7], $0x800  }
0x1cd: {  	[sflag:s7] =	ssyncset.done $0x0  }
0x1ce: {  	[sflag:s7] =	ssyncadd.s32 $0xFFFFF800  }
0x1cf: {  	_ =	swait.ge [sflag:s7], $0x800  }
0x1d0: {  	[sflag:s7] =	ssyncset.done $0x0  }
0x1d1: {  	[sflag:s7] =	ssyncadd.s32 $0xFFFFF800  }
0x1d2: {  	_ =	swait.ge [sflag:s7], $0x800  }
0x1d3: {  	[sflag:s7] =	ssyncset.done $0x0  }
0x1d4: {  	[sflag:s7] =	ssyncadd.s32 $0xFFFFF800  }
0x1d5: {  	_ =	swait.ge [sflag:s7], $0x800  }
0x1d6: {  	[sflag:s7] =	ssyncset.done $0x0  }
0x1d7: {  	[sflag:s7] =	ssyncadd.s32 $0xFFFFF800  }
0x1d8: {  	_ =	swait.ge [sflag:s7], $0x800  }
0x1d9: {  	[sflag:s7] =	ssyncset.done $0x0  }
0x1da: {  	[sflag:s7] =	ssyncadd.s32 $0xFFFFF800  }
0x1db: {  	_ =	swait.ge [sflag:s7], $0x800  }
0x1dc: {  	[sflag:s7] =	ssyncset.done $0x0  }
0x1dd: {  	[sflag:s7] =	ssyncadd.s32 $0xFFFFF800  }
0x1de: {  	_ =	swait.ge [sflag:s7], $0x800  }
0x1df: {  	[sflag:s7] =	ssyncset.done $0x0  }
0x1e0: {  	[sflag:s7] =	ssyncadd.s32 $0xFFFFF800  }
0x1e1: {  	_ =	swait.ge [sflag:s7], $0x800  }
0x1e2: {  	[sflag:s7] =	ssyncset.done $0x0  }
0x1e3: {  	[sflag:s7] =	ssyncadd.s32 $0xFFFFF800  }
0x1e4: {  	_ =	swait.ge [sflag:s7], $0x800  }
0x1e5: {  	[sflag:s7] =	ssyncset.done $0x0  }
0x1e6: {  	s10 =	rddreg [dreg:$0x7];
	[sflag:s7] =	ssyncadd.s32 $0xFFFFF800  }
0x1e7: {  	[hbm4b:s10+s26] =	stream.linear.scatter [tilespmem:s31], [sflag:$0x2], $0x6800, $0x38;
	[tilespmem:$0x10400] =	vst v63  }
0x1e8: {  	_ =	swait.ge [sflag:s6], $0x6800  }
0x1e9: {  	s26 =	sld [smem:$0x7E4]  }
0x1ea: {  	[sflag:s6] =	ssyncset.done $0x0  }
0x1eb: {  	s2 =	sld [smem:$0x7E5];
	[sflag:s6] =	ssyncadd.s32 $0xFFFF9800  }
0x1ec: {  	[tilespmem:s31], [sflag:$0x1] =	stream.indirect.gather [hbm4b:s5+s8], $0x10, s26, s8, $0xb8;
	[tilespmem:$0x10400] =	vst v63  }
0x1ed: {  	s3 =	simm.s32 $0x3C00;
	s9 =	sld [smem:$0x7E6]  }
0x1ee: {  	[tilespmem:s3], [sflag:$0x1] =	stream.indirect.gather [hbm4b:s5+s8], $0x10, s2, s8, $0xb8;
	[tilespmem:$0x10400] =	vst v63  }
0x1ef: {  	s26 =	sld [smem:$0x7E7]  }
0x1f0: {  	[tilespmem:s28], [sflag:$0x1] =	stream.indirect.gather [hbm4b:s5+s8], $0x10, s9, s8, $0xb8;
	[tilespmem:$0x10400] =	vst v63  }
0x1f1: {  	s28 =	sld [smem:$0x7E8]  }
0x1f2: {  	[tilespmem:s29], [sflag:$0x1] =	stream.indirect.gather [hbm4b:s5+s8], $0x10, s26, s8, $0xb8;
	[tilespmem:$0x10400] =	vst v63  }
0x1f3: {  	s29 =	sld [smem:$0x7E9]  }
0x1f4: {  	[tilespmem:s30], [sflag:$0x1] =	stream.indirect.gather [hbm4b:s5+s8], $0x10, s28, s8, $0xb8;
	[tilespmem:$0x10400] =	vst v63  }
0x1f5: {  	s3 =	sld [smem:$0x7EA]  }
0x1f6: {  	[tilespmem:s12], [sflag:$0x1] =	stream.indirect.gather [hbm4b:s5+s8], $0x10, s29, s8, $0xb8;
	[tilespmem:$0x10400] =	vst v63  }
0x1f7: {  	s12 =	sld [smem:$0x7EB]  }
0x1f8: {  	[tilespmem:s13], [sflag:$0x1] =	stream.indirect.gather [hbm4b:s5+s8], $0x10, s3, s8, $0xb8;
	[tilespmem:$0x10400] =	vst v63  }
0x1f9: {  	s13 =	sld [smem:$0x7EC]  }
0x1fa: {  	[tilespmem:s14], [sflag:$0x1] =	stream.indirect.gather [hbm4b:s5+s8], $0x10, s12, s8, $0xb8;
	[tilespmem:$0x10400] =	vst v63  }
0x1fb: {  	s14 =	sld [smem:$0x7ED]  }
0x1fc: {  	[tilespmem:s15], [sflag:$0x1] =	stream.indirect.gather [hbm4b:s5+s8], $0x10, s13, s8, $0xb8;
	[tilespmem:$0x10400] =	vst v63  }
0x1fd: {  	s15 =	sld [smem:$0x7EE]  }
0x1fe: {  	[tilespmem:s16], [sflag:$0x1] =	stream.indirect.gather [hbm4b:s5+s8], $0x10, s14, s8, $0xb8;
	[tilespmem:$0x10400] =	vst v63  }
0x1ff: {  	s16 =	sld [smem:$0x7EF]  }
0x200: {  	[tilespmem:s17], [sflag:$0x1] =	stream.indirect.gather [hbm4b:s5+s8], $0x10, s15, s8, $0xb8;
	[tilespmem:$0x10400] =	vst v63  }
0x201: {  	s21 =	simm.s32 $0x8C00;
	s17 =	sld [smem:$0x7F0]  }
0x202: {  	[tilespmem:s21], [sflag:$0x1] =	stream.indirect.gather [hbm4b:s5+s8], $0x10, s16, s8, $0xb8;
	[tilespmem:$0x10400] =	vst v63  }
0x203: {  	s24 =	simm.s32 $0x9400  }
0x204: {  	[tilespmem:s24], [sflag:$0x1] =	stream.indirect.gather [hbm4b:s5+s8], $0x10, s17, s8, $0xb8;
	[tilespmem:$0x10400] =	vst v63  }
0x205: {  	_ =	swait.ge [sflag:s7], $0x800  }
0x206: {  	[sflag:s7] =	ssyncset.done $0x0  }
0x207: {  	[sflag:s7] =	ssyncadd.s32 $0xFFFFF800  }
0x208: {  	_ =	swait.ge [sflag:s7], $0x800  }
0x209: {  	[sflag:s7] =	ssyncset.done $0x0  }
0x20a: {  	[sflag:s7] =	ssyncadd.s32 $0xFFFFF800  }
0x20b: {  	_ =	swait.ge [sflag:s7], $0x800  }
0x20c: {  	[sflag:s7] =	ssyncset.done $0x0  }
0x20d: {  	[sflag:s7] =	ssyncadd.s32 $0xFFFFF800  }
0x20e: {  	_ =	swait.ge [sflag:s7], $0x800  }
0x20f: {  	[sflag:s7] =	ssyncset.done $0x0  }
0x210: {  	[sflag:s7] =	ssyncadd.s32 $0xFFFFF800  }
0x211: {  	_ =	swait.ge [sflag:s7], $0x800  }
0x212: {  	[sflag:s7] =	ssyncset.done $0x0  }
0x213: {  	[sflag:s7] =	ssyncadd.s32 $0xFFFFF800  }
0x214: {  	_ =	swait.ge [sflag:s7], $0x800  }
0x215: {  	[sflag:s7] =	ssyncset.done $0x0  }
0x216: {  	[sflag:s7] =	ssyncadd.s32 $0xFFFFF800  }
0x217: {  	_ =	swait.ge [sflag:s7], $0x800  }
0x218: {  	[sflag:s7] =	ssyncset.done $0x0  }
0x219: {  	[sflag:s7] =	ssyncadd.s32 $0xFFFFF800  }
0x21a: {  	_ =	swait.ge [sflag:s7], $0x800  }
0x21b: {  	[sflag:s7] =	ssyncset.done $0x0  }
0x21c: {  	[sflag:s7] =	ssyncadd.s32 $0xFFFFF800  }
0x21d: {  	_ =	swait.ge [sflag:s7], $0x800  }
0x21e: {  	[sflag:s7] =	ssyncset.done $0x0  }
0x21f: {  	[sflag:s7] =	ssyncadd.s32 $0xFFFFF800  }
0x220: {  	_ =	swait.ge [sflag:s7], $0x800  }
0x221: {  	[sflag:s7] =	ssyncset.done $0x0  }
0x222: {  	[sflag:s7] =	ssyncadd.s32 $0xFFFFF800  }
0x223: {  	_ =	swait.ge [sflag:s7], $0x800  }
0x224: {  	[sflag:s7] =	ssyncset.done $0x0  }
0x225: {  	[sflag:s7] =	ssyncadd.s32 $0xFFFFF800  }
0x226: {  	_ =	swait.ge [sflag:s7], $0x800  }
0x227: {  	[sflag:s7] =	ssyncset.done $0x0  }
0x228: {  	[sflag:s7] =	ssyncadd.s32 $0xFFFFF800  }
0x229: {  	_ =	swait.ge [sflag:s7], $0x800  }
0x22a: {  	[sflag:s7] =	ssyncset.done $0x0  }
0x22b: {  	s2 =	simm.s32 $0x0;
	s26 =	rddreg [dreg:$0x8];
	[sflag:s7] =	ssyncadd.s32 $0xFFFFF800  }
0x22c: {  	[hbm4b:s26+s2] =	stream.linear.scatter [tilespmem:s4], [sflag:$0x2], $0x6800, $0x38;
	[tilespmem:$0x10400] =	vst v63  }
0x22d: {  	_ =	swait.ge [sflag:s6], $0x6800  }
0x22e: {  	s28 =	sld [smem:$0x7F1]  }
0x22f: {  	[sflag:s6] =	ssyncset.done $0x0  }
0x230: {  	s29 =	sld [smem:$0x7F2];
	[sflag:s6] =	ssyncadd.s32 $0xFFFF9800  }
0x231: {  	[tilespmem:s4], [sflag:$0x1] =	stream.indirect.gather [hbm4b:s5+s8], $0x10, s28, s8, $0xb8;
	[tilespmem:$0x10400] =	vst v63  }
0x232: {  	s30 =	sld [smem:$0x7F3];
	s4 =	simm.s32 $0xA400  }
0x233: {  	[tilespmem:s4], [sflag:$0x1] =	stream.indirect.gather [hbm4b:s5+s8], $0x10, s29, s8, $0xb8;
	[tilespmem:$0x10400] =	vst v63  }
0x234: {  	s13 =	simm.s32 $0xAC00;
	s12 =	sld [smem:$0x7F4]  }
0x235: {  	[tilespmem:s13], [sflag:$0x1] =	stream.indirect.gather [hbm4b:s5+s8], $0x10, s30, s8, $0xb8;
	[tilespmem:$0x10400] =	vst v63  }
0x236: {  	s25 =	simm.s32 $0xB400;
	s14 =	sld [smem:$0x7F5]  }
0x237: {  	[tilespmem:s25], [sflag:$0x1] =	stream.indirect.gather [hbm4b:s5+s8], $0x10, s12, s8, $0xb8;
	[tilespmem:$0x10400] =	vst v63  }
0x238: {  	s20 =	simm.s32 $0xBC00;
	s15 =	sld [smem:$0x7F6]  }
0x239: {  	[tilespmem:s20], [sflag:$0x1] =	stream.indirect.gather [hbm4b:s5+s8], $0x10, s14, s8, $0xb8;
	[tilespmem:$0x10400] =	vst v63  }
0x23a: {  	s18 =	simm.s32 $0xC400;
	s16 =	sld [smem:$0x7F7]  }
0x23b: {  	[tilespmem:s18], [sflag:$0x1] =	stream.indirect.gather [hbm4b:s5+s8], $0x10, s15, s8, $0xb8;
	[tilespmem:$0x10400] =	vst v63  }
0x23c: {  	s1 =	simm.s32 $0xCC00;
	s17 =	sld [smem:$0x7F8]  }
0x23d: {  	[tilespmem:s1], [sflag:$0x1] =	stream.indirect.gather [hbm4b:s5+s8], $0x10, s16, s8, $0xb8;
	[tilespmem:$0x10400] =	vst v63  }
0x23e: {  	s20 =	simm.s32 $0xD400;
	s18 =	sld [smem:$0x7F9]  }
0x23f: {  	[tilespmem:s20], [sflag:$0x1] =	stream.indirect.gather [hbm4b:s5+s8], $0x10, s17, s8, $0xb8;
	[tilespmem:$0x10400] =	vst v63  }
0x240: {  	s0 =	simm.s32 $0xDC00;
	s21 =	sld [smem:$0x7FA]  }
0x241: {  	[tilespmem:s0], [sflag:$0x1] =	stream.indirect.gather [hbm4b:s5+s8], $0x10, s18, s8, $0xb8;
	[tilespmem:$0x10400] =	vst v63  }
0x242: {  	s11 =	simm.s32 $0xE400;
	s24 =	sld [smem:$0x7FB]  }
0x243: {  	[tilespmem:s11], [sflag:$0x1] =	stream.indirect.gather [hbm4b:s5+s8], $0x10, s21, s8, $0xb8;
	[tilespmem:$0x10400] =	vst v63  }
0x244: {  	s19 =	simm.s32 $0xEC00;
	s25 =	sld [smem:$0x7FC]  }
0x245: {  	[tilespmem:s19], [sflag:$0x1] =	stream.indirect.gather [hbm4b:s5+s8], $0x10, s24, s8, $0xb8;
	[tilespmem:$0x10400] =	vst v63  }
0x246: {  	s22 =	simm.s32 $0xF400;
	s26 =	sld [smem:$0x7FD]  }
0x247: {  	[tilespmem:s22], [sflag:$0x1] =	stream.indirect.gather [hbm4b:s5+s8], $0x10, s25, s8, $0xb8;
	[tilespmem:$0x10400] =	vst v63  }
0x248: {  	s23 =	simm.s32 $0xFC00  }
0x249: {  	[tilespmem:s23], [sflag:$0x1] =	stream.indirect.gather [hbm4b:s5+s8], $0x10, s26, s8, $0xb8;
	[tilespmem:$0x10400] =	vst v63  }
0x24a: {  	_ =	swait.ge [sflag:s7], $0x800  }
0x24b: {  	[sflag:s7] =	ssyncset.done $0x0  }
0x24c: {  	[sflag:s7] =	ssyncadd.s32 $0xFFFFF800  }
0x24d: {  	_ =	swait.ge [sflag:s7], $0x800  }
0x24e: {  	[sflag:s7] =	ssyncset.done $0x0  }
0x24f: {  	[sflag:s7] =	ssyncadd.s32 $0xFFFFF800  }
0x250: {  	_ =	swait.ge [sflag:s7], $0x800  }
0x251: {  	[sflag:s7] =	ssyncset.done $0x0  }
0x252: {  	[sflag:s7] =	ssyncadd.s32 $0xFFFFF800  }
0x253: {  	_ =	swait.ge [sflag:s7], $0x800  }
0x254: {  	[sflag:s7] =	ssyncset.done $0x0  }
0x255: {  	[sflag:s7] =	ssyncadd.s32 $0xFFFFF800  }
0x256: {  	_ =	swait.ge [sflag:s7], $0x800  }
0x257: {  	[sflag:s7] =	ssyncset.done $0x0  }
0x258: {  	[sflag:s7] =	ssyncadd.s32 $0xFFFFF800  }
0x259: {  	_ =	swait.ge [sflag:s7], $0x800  }
0x25a: {  	[sflag:s7] =	ssyncset.done $0x0  }
0x25b: {  	[sflag:s7] =	ssyncadd.s32 $0xFFFFF800  }
0x25c: {  	_ =	swait.ge [sflag:s7], $0x800  }
0x25d: {  	[sflag:s7] =	ssyncset.done $0x0  }
0x25e: {  	[sflag:s7] =	ssyncadd.s32 $0xFFFFF800  }
0x25f: {  	_ =	swait.ge [sflag:s7], $0x800  }
0x260: {  	[sflag:s7] =	ssyncset.done $0x0  }
0x261: {  	[sflag:s7] =	ssyncadd.s32 $0xFFFFF800  }
0x262: {  	_ =	swait.ge [sflag:s7], $0x800  }
0x263: {  	[sflag:s7] =	ssyncset.done $0x0  }
0x264: {  	[sflag:s7] =	ssyncadd.s32 $0xFFFFF800  }
0x265: {  	_ =	swait.ge [sflag:s7], $0x800  }
0x266: {  	[sflag:s7] =	ssyncset.done $0x0  }
0x267: {  	[sflag:s7] =	ssyncadd.s32 $0xFFFFF800  }
0x268: {  	_ =	swait.ge [sflag:s7], $0x800  }
0x269: {  	[sflag:s7] =	ssyncset.done $0x0  }
0x26a: {  	[sflag:s7] =	ssyncadd.s32 $0xFFFFF800  }
0x26b: {  	_ =	swait.ge [sflag:s7], $0x800  }
0x26c: {  	[sflag:s7] =	ssyncset.done $0x0  }
0x26d: {  	[sflag:s7] =	ssyncadd.s32 $0xFFFFF800  }
0x26e: {  	_ =	swait.ge [sflag:s7], $0x800  }
0x26f: {  	[sflag:s7] =	ssyncset.done $0x0  }
0x270: {  	s28 =	rddreg [dreg:$0x9];
	[sflag:s7] =	ssyncadd.s32 $0xFFFFF800  }
0x271: {  	[hbm4b:s28+s2] =	stream.linear.scatter [tilespmem:s31], [sflag:$0x2], $0x6800, $0x38;
	[tilespmem:$0x10400] =	vst v63  }
0x272: {  	_ =	swait.ge [sflag:s7], $0x800  }
0x273: {  	[sflag:s7] =	ssyncset.done $0x0  }
0x274: {  	[sflag:s7] =	ssyncadd.s32 $0xFFFFF800  }
0x275: {  	_ =	swait.ge [sflag:s7], $0x800  }
0x276: {  	[sflag:s7] =	ssyncset.done $0x0  }
0x277: {  	[sflag:s7] =	ssyncadd.s32 $0xFFFFF800  }
0x278: {  	_ =	swait.ge [sflag:s7], $0x800  }
0x279: {  	[sflag:s7] =	ssyncset.done $0x0  }
0x27a: {  	[sflag:s7] =	ssyncadd.s32 $0xFFFFF800  }
0x27b: {  	_ =	swait.ge [sflag:s7], $0x800  }
0x27c: {  	[sflag:s7] =	ssyncset.done $0x0  }
0x27d: {  	[sflag:s7] =	ssyncadd.s32 $0xFFFFF800  }
0x27e: {  	_ =	swait.ge [sflag:s7], $0x800  }
0x27f: {  	[sflag:s7] =	ssyncset.done $0x0  }
0x280: {  	[sflag:s7] =	ssyncadd.s32 $0xFFFFF800  }
0x281: {  	_ =	swait.ge [sflag:s7], $0x800  }
0x282: {  	[sflag:s7] =	ssyncset.done $0x0  }
0x283: {  	[sflag:s7] =	ssyncadd.s32 $0xFFFFF800  }
0x284: {  	_ =	swait.ge [sflag:s7], $0x800  }
0x285: {  	[sflag:s7] =	ssyncset.done $0x0  }
0x286: {  	[sflag:s7] =	ssyncadd.s32 $0xFFFFF800  }
0x287: {  	_ =	swait.ge [sflag:s7], $0x800  }
0x288: {  	[sflag:s7] =	ssyncset.done $0x0  }
0x289: {  	[sflag:s7] =	ssyncadd.s32 $0xFFFFF800  }
0x28a: {  	_ =	swait.ge [sflag:s7], $0x800  }
0x28b: {  	[sflag:s7] =	ssyncset.done $0x0  }
0x28c: {  	[sflag:s7] =	ssyncadd.s32 $0xFFFFF800  }
0x28d: {  	_ =	swait.ge [sflag:s7], $0x800  }
0x28e: {  	[sflag:s7] =	ssyncset.done $0x0  }
0x28f: {  	[sflag:s7] =	ssyncadd.s32 $0xFFFFF800  }
0x290: {  	_ =	swait.ge [sflag:s7], $0x800  }
0x291: {  	[sflag:s7] =	ssyncset.done $0x0  }
0x292: {  	[sflag:s7] =	ssyncadd.s32 $0xFFFFF800  }
0x293: {  	_ =	swait.ge [sflag:s7], $0x800  }
0x294: {  	[sflag:s7] =	ssyncset.done $0x0  }
0x295: {  	[sflag:s7] =	ssyncadd.s32 $0xFFFFF800  }
0x296: {  	_ =	swait.ge [sflag:s7], $0x800  }
0x297: {  	[sflag:s7] =	ssyncset.done $0x0  }
0x298: {  	s3 =	simm.s32 $0x9C00;
	s29 =	rddreg [dreg:$0xa];
	[sflag:s7] =	ssyncadd.s32 $0xFFFFF800  }
0x299: {  	[hbm4b:s29+s2] =	stream.linear.scatter [tilespmem:s3], [sflag:$0x2], $0x6800, $0x38;
	[tilespmem:$0x10400] =	vst v63  }
0x29a: {  	_ =	swait.ge [sflag:s6], $0x6800  }
0x29b: {  	s30 =	sld [smem:$0x7AC];
	_ =	sdelay $0x2  }
0x29c: {  	p1 =	sne.s32 s30, $0x1  }
.Ltmp1:
0x29d: {  	_ = 	snop;
	(pc) =	sbr.rel @!p1 .LBB2_6-.Ltmp1, $4  }
0x29e: {  	[sflag:s6] =	ssyncset.done $0x0  }
0x29f: {  	[sflag:s6] =	ssyncadd.s32 $0xFFFF9800  }
0x2a0: {  	p0 =	por $0x1, $0x1;
	_ =	swait.ge [sflag:s6], $0x6800  }
0x2a1: {  	s9 =	sadd.s32 $0xFFFFFFFF, s30;
	s10 =	rddreg [dreg:$0x2];
	[sflag:s6] =	ssyncset.done $0x0  }
0x2a2: {  	s26 =	simm.s32 $0x3400;
	s13 =	simm.s32 $0x9C00  }
.LBB2_3:
0x2a3: {  	[sflag:s6] =	ssyncadd.s32 $0xFFFF9800;
	s0 =	simm.s32 $0x3  }
0x2a4: {  	[tilespmem:s2], [sflag:$0x3] =	stream.linear.gather [hbm4b:s10+s2], $0x3400, $0x38;
	[tilespmem:$0x10400] =	vst v63  }
0x2a5: {  	_ =	swait.ge [sflag:s0], $0x3400  }
0x2a6: {  	[sflag:s0] =	ssyncset.done $0x0  }
0x2a7: {  	[sflag:s0] =	ssyncadd.s32 $0xFFFFCC00  }
0x2a8: {  	[tilespmem:s31], [sflag:$0x1] =	stream.indirect.gather [hbm4b:s5+s8], $0x10, s2, s8, $0xb8;
	[tilespmem:$0x10400] =	vst v63  }
0x2a9: {  	s25 =	simm.s32 $0x3C00;
	s24 =	rddreg [dreg:$0xb]  }
0x2aa: {  	[tilespmem:s25], [sflag:$0x1] =	stream.indirect.gather [hbm4b:s5+s8], $0x10, s8, s8, $0xb8;
	[tilespmem:$0x10400] =	vst v63  }
0x2ab: {  	s28 =	simm.s32 $0x4400;
	s11 =	rddreg [dreg:$0xc]  }
0x2ac: {  	[tilespmem:s28], [sflag:$0x1] =	stream.indirect.gather [hbm4b:s5+s8], $0x10, s24, s8, $0xb8;
	[tilespmem:$0x10400] =	vst v63  }
0x2ad: {  	s1 =	simm.s32 $0x4C00;
	s30 =	rddreg [dreg:$0xd]  }
0x2ae: {  	[tilespmem:s1], [sflag:$0x1] =	stream.indirect.gather [hbm4b:s5+s8], $0x10, s11, s8, $0xb8;
	[tilespmem:$0x10400] =	vst v63  }
0x2af: {  	s4 =	simm.s32 $0x5400;
	s12 =	rddreg [dreg:$0xf]  }
0x2b0: {  	[tilespmem:s4], [sflag:$0x1] =	stream.indirect.gather [hbm4b:s5+s8], $0x10, s30, s8, $0xb8;
	[tilespmem:$0x10400] =	vst v63  }
0x2b1: {  	s15 =	simm.s32 $0x5C00;
	s2 =	rddreg [dreg:$0xe]  }
0x2b2: {  	[tilespmem:s15], [sflag:$0x1] =	stream.indirect.gather [hbm4b:s5+s8], $0x10, s2, s8, $0xb8;
	[tilespmem:$0x10400] =	vst v63  }
0x2b3: {  	s17 =	simm.s32 $0x6400;
	s16 =	rddreg [dreg:$0x10]  }
0x2b4: {  	[tilespmem:s17], [sflag:$0x1] =	stream.indirect.gather [hbm4b:s5+s8], $0x10, s12, s8, $0xb8;
	[tilespmem:$0x10400] =	vst v63  }
0x2b5: {  	s19 =	simm.s32 $0x6C00;
	s18 =	rddreg [dreg:$0x11]  }
0x2b6: {  	[tilespmem:s19], [sflag:$0x1] =	stream.indirect.gather [hbm4b:s5+s8], $0x10, s16, s8, $0xb8;
	[tilespmem:$0x10400] =	vst v63  }
0x2b7: {  	s22 =	simm.s32 $0x7400;
	s21 =	rddreg [dreg:$0x12]  }
0x2b8: {  	[tilespmem:s22], [sflag:$0x1] =	stream.indirect.gather [hbm4b:s5+s8], $0x10, s18, s8, $0xb8;
	[tilespmem:$0x10400] =	vst v63  }
0x2b9: {  	s0 =	rddreg [dreg:$0x17];
	s1 =	simm.s32 $0x7C00  }
0x2ba: {  	[tilespmem:s1], [sflag:$0x1] =	stream.indirect.gather [hbm4b:s5+s8], $0x10, s21, s8, $0xb8;
	[tilespmem:$0x10400] =	vst v63  }
0x2bb: {  	s30 =	rddreg [dreg:$0x13];
	s12 =	simm.s32 $0x8400  }
0x2bc: {  	[tilespmem:s12], [sflag:$0x1] =	stream.indirect.gather [hbm4b:s5+s8], $0x10, s30, s8, $0xb8;
	[tilespmem:$0x10400] =	vst v63  }
0x2bd: {  	s4 =	rddreg [dreg:$0x14];
	s16 =	simm.s32 $0x8C00  }
0x2be: {  	[tilespmem:s16], [sflag:$0x1] =	stream.indirect.gather [hbm4b:s5+s8], $0x10, s4, s8, $0xb8;
	[tilespmem:$0x10400] =	vst v63  }
0x2bf: {  	s15 =	rddreg [dreg:$0x15];
	s30 =	simm.s32 $0x9400  }
0x2c0: {  	[tilespmem:s30], [sflag:$0x1] =	stream.indirect.gather [hbm4b:s5+s8], $0x10, s15, s8, $0xb8;
	[tilespmem:$0x10400] =	vst v63  }
0x2c1: {  	s18 =	rddreg [dreg:$0x16]  }
0x2c2: {  	[tilespmem:s3], [sflag:$0x1] =	stream.indirect.gather [hbm4b:s5+s8], $0x10, s18, s8, $0xb8;
	[tilespmem:$0x10400] =	vst v63  }
0x2c3: {  	s12 =	rddreg [dreg:$0x19];
	s4 =	simm.s32 $0xA400  }
0x2c4: {  	[tilespmem:s4], [sflag:$0x1] =	stream.indirect.gather [hbm4b:s5+s8], $0x10, s0, s8, $0xb8;
	[tilespmem:$0x10400] =	vst v63  }
0x2c5: {  	s15 =	simm.s32 $0xAC00;
	s3 =	rddreg [dreg:$0x18]  }
0x2c6: {  	[tilespmem:s15], [sflag:$0x1] =	stream.indirect.gather [hbm4b:s5+s8], $0x10, s3, s8, $0xb8;
	[tilespmem:$0x10400] =	vst v63  }
0x2c7: {  	s16 =	rddreg [dreg:$0x1a];
	s18 =	simm.s32 $0xB400  }
0x2c8: {  	[tilespmem:s18], [sflag:$0x1] =	stream.indirect.gather [hbm4b:s5+s8], $0x10, s12, s8, $0xb8;
	[tilespmem:$0x10400] =	vst v63  }
0x2c9: {  	s0 =	rddreg [dreg:$0x1b];
	s4 =	simm.s32 $0xBC00  }
0x2ca: {  	[tilespmem:s4], [sflag:$0x1] =	stream.indirect.gather [hbm4b:s5+s8], $0x10, s16, s8, $0xb8;
	[tilespmem:$0x10400] =	vst v63  }
0x2cb: {  	s15 =	simm.s32 $0xC400;
	s3 =	rddreg [dreg:$0x1e]  }
0x2cc: {  	[tilespmem:s15], [sflag:$0x1] =	stream.indirect.gather [hbm4b:s5+s8], $0x10, s0, s8, $0xb8;
	[tilespmem:$0x10400] =	vst v63  }
0x2cd: {  	s12 =	rddreg [dreg:$0x1c];
	s18 =	simm.s32 $0xCC00  }
0x2ce: {  	[tilespmem:s18], [sflag:$0x1] =	stream.indirect.gather [hbm4b:s5+s8], $0x10, s12, s8, $0xb8;
	[tilespmem:$0x10400] =	vst v63  }
0x2cf: {  	s16 =	rddreg [dreg:$0x1d];
	s4 =	simm.s32 $0xD400  }
0x2d0: {  	[tilespmem:s4], [sflag:$0x1] =	stream.indirect.gather [hbm4b:s5+s8], $0x10, s16, s8, $0xb8;
	[tilespmem:$0x10400] =	vst v63  }
0x2d1: {  	s15 =	rddreg [dreg:$0x1f];
	s16 =	simm.s32 $0xDC00  }
0x2d2: {  	[tilespmem:s16], [sflag:$0x1] =	stream.indirect.gather [hbm4b:s5+s8], $0x10, s3, s8, $0xb8;
	[tilespmem:$0x10400] =	vst v63  }
0x2d3: {  	s18 =	sld [smem:$0x7AD];
	s3 =	simm.s32 $0xE400  }
0x2d4: {  	[tilespmem:s3], [sflag:$0x1] =	stream.indirect.gather [hbm4b:s5+s8], $0x10, s15, s8, $0xb8;
	[tilespmem:$0x10400] =	vst v63  }
0x2d5: {  	s16 =	simm.s32 $0xEC00;
	s15 =	sld [smem:$0x7AE]  }
0x2d6: {  	[tilespmem:s16], [sflag:$0x1] =	stream.indirect.gather [hbm4b:s5+s8], $0x10, s18, s8, $0xb8;
	[tilespmem:$0x10400] =	vst v63  }
0x2d7: {  	s3 =	simm.s32 $0xF400;
	s18 =	sld [smem:$0x7AF]  }
0x2d8: {  	[tilespmem:s3], [sflag:$0x1] =	stream.indirect.gather [hbm4b:s5+s8], $0x10, s15, s8, $0xb8;
	[tilespmem:$0x10400] =	vst v63  }
0x2d9: {  	s10 =	simm.s32 $0xFC00  }
0x2da: {  	[tilespmem:s10], [sflag:$0x1] =	stream.indirect.gather [hbm4b:s5+s8], $0x10, s18, s8, $0xb8;
	[tilespmem:$0x10400] =	vst v63  }
0x2db: {  	_ =	swait.ge [sflag:s7], $0x800  }
0x2dc: {  	[sflag:s7] =	ssyncset.done $0x0  }
0x2dd: {  	[sflag:s7] =	ssyncadd.s32 $0xFFFFF800  }
0x2de: {  	_ =	swait.ge [sflag:s7], $0x800  }
0x2df: {  	[sflag:s7] =	ssyncset.done $0x0  }
0x2e0: {  	[sflag:s7] =	ssyncadd.s32 $0xFFFFF800  }
0x2e1: {  	_ =	swait.ge [sflag:s7], $0x800  }
0x2e2: {  	[sflag:s7] =	ssyncset.done $0x0  }
0x2e3: {  	[sflag:s7] =	ssyncadd.s32 $0xFFFFF800  }
0x2e4: {  	_ =	swait.ge [sflag:s7], $0x800  }
0x2e5: {  	[sflag:s7] =	ssyncset.done $0x0  }
0x2e6: {  	[sflag:s7] =	ssyncadd.s32 $0xFFFFF800  }
0x2e7: {  	_ =	swait.ge [sflag:s7], $0x800  }
0x2e8: {  	[sflag:s7] =	ssyncset.done $0x0  }
0x2e9: {  	[sflag:s7] =	ssyncadd.s32 $0xFFFFF800  }
0x2ea: {  	_ =	swait.ge [sflag:s7], $0x800  }
0x2eb: {  	[sflag:s7] =	ssyncset.done $0x0  }
0x2ec: {  	[sflag:s7] =	ssyncadd.s32 $0xFFFFF800  }
0x2ed: {  	_ =	swait.ge [sflag:s7], $0x800  }
0x2ee: {  	[sflag:s7] =	ssyncset.done $0x0  }
0x2ef: {  	[sflag:s7] =	ssyncadd.s32 $0xFFFFF800  }
0x2f0: {  	_ =	swait.ge [sflag:s7], $0x800  }
0x2f1: {  	[sflag:s7] =	ssyncset.done $0x0  }
0x2f2: {  	[sflag:s7] =	ssyncadd.s32 $0xFFFFF800  }
0x2f3: {  	_ =	swait.ge [sflag:s7], $0x800  }
0x2f4: {  	[sflag:s7] =	ssyncset.done $0x0  }
0x2f5: {  	[sflag:s7] =	ssyncadd.s32 $0xFFFFF800  }
0x2f6: {  	_ =	swait.ge [sflag:s7], $0x800  }
0x2f7: {  	[sflag:s7] =	ssyncset.done $0x0  }
0x2f8: {  	[sflag:s7] =	ssyncadd.s32 $0xFFFFF800  }
0x2f9: {  	_ =	swait.ge [sflag:s7], $0x800  }
0x2fa: {  	[sflag:s7] =	ssyncset.done $0x0  }
0x2fb: {  	[sflag:s7] =	ssyncadd.s32 $0xFFFFF800  }
0x2fc: {  	_ =	swait.ge [sflag:s7], $0x800  }
0x2fd: {  	[sflag:s7] =	ssyncset.done $0x0  }
0x2fe: {  	[sflag:s7] =	ssyncadd.s32 $0xFFFFF800  }
0x2ff: {  	_ =	swait.ge [sflag:s7], $0x800  }
0x300: {  	[sflag:s7] =	ssyncset.done $0x0  }
0x301: {  	s14 =	simm.s32 $0x0;
	s11 =	rddreg [dreg:$0x3];
	[sflag:s7] =	ssyncadd.s32 $0xFFFFF800  }
0x302: {  	[hbm4b:s11+s14] =	stream.linear.scatter [tilespmem:s26], [sflag:$0x2], $0x6800, $0x38;
	[tilespmem:$0x10400] =	vst v63  }
0x303: {  	_ =	swait.ge [sflag:s6], $0x6800  }
0x304: {  	s0 =	sld [smem:$0x7B0]  }
0x305: {  	[sflag:s6] =	ssyncset.done $0x0  }
0x306: {  	s3 =	sld [smem:$0x7B1];
	[sflag:s6] =	ssyncadd.s32 $0xFFFF9800  }
0x307: {  	[tilespmem:s26], [sflag:$0x1] =	stream.indirect.gather [hbm4b:s5+s8], $0x10, s0, s8, $0xb8;
	[tilespmem:$0x10400] =	vst v63  }
0x308: {  	s29 =	simm.s32 $0x3C00;
	s0 =	sld [smem:$0x7B2]  }
0x309: {  	[tilespmem:s29], [sflag:$0x1] =	stream.indirect.gather [hbm4b:s5+s8], $0x10, s3, s8, $0xb8;
	[tilespmem:$0x10400] =	vst v63  }
0x30a: {  	s28 =	simm.s32 $0x4400;
	s3 =	sld [smem:$0x7B3]  }
0x30b: {  	[tilespmem:s28], [sflag:$0x1] =	stream.indirect.gather [hbm4b:s5+s8], $0x10, s0, s8, $0xb8;
	[tilespmem:$0x10400] =	vst v63  }
0x30c: {  	s24 =	simm.s32 $0x4C00;
	s28 =	sld [smem:$0x7B4]  }
0x30d: {  	[tilespmem:s24], [sflag:$0x1] =	stream.indirect.gather [hbm4b:s5+s8], $0x10, s3, s8, $0xb8;
	[tilespmem:$0x10400] =	vst v63  }
0x30e: {  	s25 =	simm.s32 $0x5400;
	s29 =	sld [smem:$0x7B5]  }
0x30f: {  	[tilespmem:s25], [sflag:$0x1] =	stream.indirect.gather [hbm4b:s5+s8], $0x10, s28, s8, $0xb8;
	[tilespmem:$0x10400] =	vst v63  }
0x310: {  	s20 =	simm.s32 $0x5C00;
	s0 =	sld [smem:$0x7B6]  }
0x311: {  	[tilespmem:s20], [sflag:$0x1] =	stream.indirect.gather [hbm4b:s5+s8], $0x10, s29, s8, $0xb8;
	[tilespmem:$0x10400] =	vst v63  }
0x312: {  	s23 =	simm.s32 $0x6400;
	s3 =	sld [smem:$0x7B7]  }
0x313: {  	[tilespmem:s23], [sflag:$0x1] =	stream.indirect.gather [hbm4b:s5+s8], $0x10, s0, s8, $0xb8;
	[tilespmem:$0x10400] =	vst v63  }
0x314: {  	s2 =	simm.s32 $0x6C00;
	s20 =	sld [smem:$0x7B8]  }
0x315: {  	[tilespmem:s2], [sflag:$0x1] =	stream.indirect.gather [hbm4b:s5+s8], $0x10, s3, s8, $0xb8;
	[tilespmem:$0x10400] =	vst v63  }
0x316: {  	s19 =	simm.s32 $0x7400;
	s24 =	sld [smem:$0x7B9]  }
0x317: {  	[tilespmem:s19], [sflag:$0x1] =	stream.indirect.gather [hbm4b:s5+s8], $0x10, s20, s8, $0xb8;
	[tilespmem:$0x10400] =	vst v63  }
0x318: {  	s17 =	simm.s32 $0x7C00;
	s29 =	sld [smem:$0x7BA]  }
0x319: {  	[tilespmem:s17], [sflag:$0x1] =	stream.indirect.gather [hbm4b:s5+s8], $0x10, s24, s8, $0xb8;
	[tilespmem:$0x10400] =	vst v63  }
0x31a: {  	s21 =	simm.s32 $0x8400;
	s0 =	sld [smem:$0x7BB]  }
0x31b: {  	[tilespmem:s21], [sflag:$0x1] =	stream.indirect.gather [hbm4b:s5+s8], $0x10, s29, s8, $0xb8;
	[tilespmem:$0x10400] =	vst v63  }
0x31c: {  	s22 =	simm.s32 $0x8C00;
	s2 =	sld [smem:$0x7BC]  }
0x31d: {  	[tilespmem:s22], [sflag:$0x1] =	stream.indirect.gather [hbm4b:s5+s8], $0x10, s0, s8, $0xb8;
	[tilespmem:$0x10400] =	vst v63  }
0x31e: {  	s1 =	simm.s32 $0x9400  }
0x31f: {  	[tilespmem:s1], [sflag:$0x1] =	stream.indirect.gather [hbm4b:s5+s8], $0x10, s2, s8, $0xb8;
	[tilespmem:$0x10400] =	vst v63  }
0x320: {  	_ =	swait.ge [sflag:s7], $0x800  }
0x321: {  	[sflag:s7] =	ssyncset.done $0x0  }
0x322: {  	[sflag:s7] =	ssyncadd.s32 $0xFFFFF800  }
0x323: {  	_ =	swait.ge [sflag:s7], $0x800  }
0x324: {  	[sflag:s7] =	ssyncset.done $0x0  }
0x325: {  	[sflag:s7] =	ssyncadd.s32 $0xFFFFF800  }
0x326: {  	_ =	swait.ge [sflag:s7], $0x800  }
0x327: {  	[sflag:s7] =	ssyncset.done $0x0  }
0x328: {  	[sflag:s7] =	ssyncadd.s32 $0xFFFFF800  }
0x329: {  	_ =	swait.ge [sflag:s7], $0x800  }
0x32a: {  	[sflag:s7] =	ssyncset.done $0x0  }
0x32b: {  	[sflag:s7] =	ssyncadd.s32 $0xFFFFF800  }
0x32c: {  	_ =	swait.ge [sflag:s7], $0x800  }
0x32d: {  	[sflag:s7] =	ssyncset.done $0x0  }
0x32e: {  	[sflag:s7] =	ssyncadd.s32 $0xFFFFF800  }
0x32f: {  	_ =	swait.ge [sflag:s7], $0x800  }
0x330: {  	[sflag:s7] =	ssyncset.done $0x0  }
0x331: {  	[sflag:s7] =	ssyncadd.s32 $0xFFFFF800  }
0x332: {  	_ =	swait.ge [sflag:s7], $0x800  }
0x333: {  	[sflag:s7] =	ssyncset.done $0x0  }
0x334: {  	[sflag:s7] =	ssyncadd.s32 $0xFFFFF800  }
0x335: {  	_ =	swait.ge [sflag:s7], $0x800  }
0x336: {  	[sflag:s7] =	ssyncset.done $0x0  }
0x337: {  	[sflag:s7] =	ssyncadd.s32 $0xFFFFF800  }
0x338: {  	_ =	swait.ge [sflag:s7], $0x800  }
0x339: {  	[sflag:s7] =	ssyncset.done $0x0  }
0x33a: {  	[sflag:s7] =	ssyncadd.s32 $0xFFFFF800  }
0x33b: {  	_ =	swait.ge [sflag:s7], $0x800  }
0x33c: {  	[sflag:s7] =	ssyncset.done $0x0  }
0x33d: {  	[sflag:s7] =	ssyncadd.s32 $0xFFFFF800  }
0x33e: {  	_ =	swait.ge [sflag:s7], $0x800  }
0x33f: {  	[sflag:s7] =	ssyncset.done $0x0  }
0x340: {  	[sflag:s7] =	ssyncadd.s32 $0xFFFFF800  }
0x341: {  	_ =	swait.ge [sflag:s7], $0x800  }
0x342: {  	[sflag:s7] =	ssyncset.done $0x0  }
0x343: {  	[sflag:s7] =	ssyncadd.s32 $0xFFFFF800  }
0x344: {  	_ =	swait.ge [sflag:s7], $0x800  }
0x345: {  	[sflag:s7] =	ssyncset.done $0x0  }
0x346: {  	s3 =	rddreg [dreg:$0x4];
	[sflag:s7] =	ssyncadd.s32 $0xFFFFF800  }
0x347: {  	[hbm4b:s3+s14] =	stream.linear.scatter [tilespmem:s13], [sflag:$0x2], $0x6800, $0x38;
	[tilespmem:$0x10400] =	vst v63  }
0x348: {  	_ =	swait.ge [sflag:s6], $0x6800  }
0x349: {  	s11 =	sld [smem:$0x7BD]  }
0x34a: {  	[sflag:s6] =	ssyncset.done $0x0  }
0x34b: {  	s17 =	sld [smem:$0x7BE];
	[sflag:s6] =	ssyncadd.s32 $0xFFFF9800  }
0x34c: {  	[tilespmem:s13], [sflag:$0x1] =	stream.indirect.gather [hbm4b:s5+s8], $0x10, s11, s8, $0xb8;
	[tilespmem:$0x10400] =	vst v63  }
0x34d: {  	s30 =	simm.s32 $0xA400;
	s19 =	sld [smem:$0x7BF]  }
0x34e: {  	[tilespmem:s30], [sflag:$0x1] =	stream.indirect.gather [hbm4b:s5+s8], $0x10, s17, s8, $0xb8;
	[tilespmem:$0x10400] =	vst v63  }
0x34f: {  	s3 =	simm.s32 $0xAC00;
	s20 =	sld [smem:$0x7C0]  }
0x350: {  	[tilespmem:s3], [sflag:$0x1] =	stream.indirect.gather [hbm4b:s5+s8], $0x10, s19, s8, $0xb8;
	[tilespmem:$0x10400] =	vst v63  }
0x351: {  	s0 =	simm.s32 $0xB400;
	s22 =	sld [smem:$0x7C1]  }
0x352: {  	[tilespmem:s0], [sflag:$0x1] =	stream.indirect.gather [hbm4b:s5+s8], $0x10, s20, s8, $0xb8;
	[tilespmem:$0x10400] =	vst v63  }
0x353: {  	s1 =	simm.s32 $0xBC00;
	s30 =	sld [smem:$0x7C2]  }
0x354: {  	[tilespmem:s1], [sflag:$0x1] =	stream.indirect.gather [hbm4b:s5+s8], $0x10, s22, s8, $0xb8;
	[tilespmem:$0x10400] =	vst v63  }
0x355: {  	s2 =	simm.s32 $0xC400;
	s17 =	sld [smem:$0x7C3]  }
0x356: {  	[tilespmem:s2], [sflag:$0x1] =	stream.indirect.gather [hbm4b:s5+s8], $0x10, s30, s8, $0xb8;
	[tilespmem:$0x10400] =	vst v63  }
0x357: {  	s12 =	simm.s32 $0xCC00;
	s19 =	sld [smem:$0x7C4]  }
0x358: {  	[tilespmem:s12], [sflag:$0x1] =	stream.indirect.gather [hbm4b:s5+s8], $0x10, s17, s8, $0xb8;
	[tilespmem:$0x10400] =	vst v63  }
0x359: {  	s22 =	sld [smem:$0x7C5];
	s12 =	simm.s32 $0xD400  }
0x35a: {  	[tilespmem:s12], [sflag:$0x1] =	stream.indirect.gather [hbm4b:s5+s8], $0x10, s19, s8, $0xb8;
	[tilespmem:$0x10400] =	vst v63  }
0x35b: {  	s4 =	simm.s32 $0xDC00;
	s30 =	sld [smem:$0x7C6]  }
0x35c: {  	[tilespmem:s4], [sflag:$0x1] =	stream.indirect.gather [hbm4b:s5+s8], $0x10, s22, s8, $0xb8;
	[tilespmem:$0x10400] =	vst v63  }
0x35d: {  	s17 =	sld [smem:$0x7C7];
	s4 =	simm.s32 $0xE400  }
0x35e: {  	[tilespmem:s4], [sflag:$0x1] =	stream.indirect.gather [hbm4b:s5+s8], $0x10, s30, s8, $0xb8;
	[tilespmem:$0x10400] =	vst v63  }
0x35f: {  	s16 =	simm.s32 $0xEC00;
	s22 =	sld [smem:$0x7C8]  }
0x360: {  	[tilespmem:s16], [sflag:$0x1] =	stream.indirect.gather [hbm4b:s5+s8], $0x10, s17, s8, $0xb8;
	[tilespmem:$0x10400] =	vst v63  }
0x361: {  	s15 =	simm.s32 $0xF400;
	s30 =	sld [smem:$0x7C9]  }
0x362: {  	[tilespmem:s15], [sflag:$0x1] =	stream.indirect.gather [hbm4b:s5+s8], $0x10, s22, s8, $0xb8;
	[tilespmem:$0x10400] =	vst v63  }
0x363: {  	s18 =	simm.s32 $0xFC00  }
0x364: {  	[tilespmem:s18], [sflag:$0x1] =	stream.indirect.gather [hbm4b:s5+s8], $0x10, s30, s8, $0xb8;
	[tilespmem:$0x10400] =	vst v63  }
0x365: {  	_ =	swait.ge [sflag:s7], $0x800  }
0x366: {  	[sflag:s7] =	ssyncset.done $0x0  }
0x367: {  	[sflag:s7] =	ssyncadd.s32 $0xFFFFF800  }
0x368: {  	_ =	swait.ge [sflag:s7], $0x800  }
0x369: {  	[sflag:s7] =	ssyncset.done $0x0  }
0x36a: {  	[sflag:s7] =	ssyncadd.s32 $0xFFFFF800  }
0x36b: {  	_ =	swait.ge [sflag:s7], $0x800  }
0x36c: {  	[sflag:s7] =	ssyncset.done $0x0  }
0x36d: {  	[sflag:s7] =	ssyncadd.s32 $0xFFFFF800  }
0x36e: {  	_ =	swait.ge [sflag:s7], $0x800  }
0x36f: {  	[sflag:s7] =	ssyncset.done $0x0  }
0x370: {  	[sflag:s7] =	ssyncadd.s32 $0xFFFFF800  }
0x371: {  	_ =	swait.ge [sflag:s7], $0x800  }
0x372: {  	[sflag:s7] =	ssyncset.done $0x0  }
0x373: {  	[sflag:s7] =	ssyncadd.s32 $0xFFFFF800  }
0x374: {  	_ =	swait.ge [sflag:s7], $0x800  }
0x375: {  	[sflag:s7] =	ssyncset.done $0x0  }
0x376: {  	[sflag:s7] =	ssyncadd.s32 $0xFFFFF800  }
0x377: {  	_ =	swait.ge [sflag:s7], $0x800  }
0x378: {  	[sflag:s7] =	ssyncset.done $0x0  }
0x379: {  	[sflag:s7] =	ssyncadd.s32 $0xFFFFF800  }
0x37a: {  	_ =	swait.ge [sflag:s7], $0x800  }
0x37b: {  	[sflag:s7] =	ssyncset.done $0x0  }
0x37c: {  	[sflag:s7] =	ssyncadd.s32 $0xFFFFF800  }
0x37d: {  	_ =	swait.ge [sflag:s7], $0x800  }
0x37e: {  	[sflag:s7] =	ssyncset.done $0x0  }
0x37f: {  	[sflag:s7] =	ssyncadd.s32 $0xFFFFF800  }
0x380: {  	_ =	swait.ge [sflag:s7], $0x800  }
0x381: {  	[sflag:s7] =	ssyncset.done $0x0  }
0x382: {  	[sflag:s7] =	ssyncadd.s32 $0xFFFFF800  }
0x383: {  	_ =	swait.ge [sflag:s7], $0x800  }
0x384: {  	[sflag:s7] =	ssyncset.done $0x0  }
0x385: {  	[sflag:s7] =	ssyncadd.s32 $0xFFFFF800  }
0x386: {  	_ =	swait.ge [sflag:s7], $0x800  }
0x387: {  	[sflag:s7] =	ssyncset.done $0x0  }
0x388: {  	[sflag:s7] =	ssyncadd.s32 $0xFFFFF800  }
0x389: {  	_ =	swait.ge [sflag:s7], $0x800  }
0x38a: {  	[sflag:s7] =	ssyncset.done $0x0  }
0x38b: {  	s11 =	rddreg [dreg:$0x5];
	[sflag:s7] =	ssyncadd.s32 $0xFFFFF800  }
0x38c: {  	[hbm4b:s11+s14] =	stream.linear.scatter [tilespmem:s26], [sflag:$0x2], $0x6800, $0x38;
	[tilespmem:$0x10400] =	vst v63  }
0x38d: {  	_ =	swait.ge [sflag:s6], $0x6800  }
0x38e: {  	s15 =	sld [smem:$0x7CA]  }
0x38f: {  	[sflag:s6] =	ssyncset.done $0x0  }
0x390: {  	s18 =	sld [smem:$0x7CB];
	[sflag:s6] =	ssyncadd.s32 $0xFFFF9800  }
0x391: {  	[tilespmem:s26], [sflag:$0x1] =	stream.indirect.gather [hbm4b:s5+s8], $0x10, s15, s8, $0xb8;
	[tilespmem:$0x10400] =	vst v63  }
0x392: {  	s30 =	simm.s32 $0x3C00;
	s10 =	sld [smem:$0x7CC]  }
0x393: {  	[tilespmem:s30], [sflag:$0x1] =	stream.indirect.gather [hbm4b:s5+s8], $0x10, s18, s8, $0xb8;
	[tilespmem:$0x10400] =	vst v63  }
0x394: {  	s11 =	sld [smem:$0x7CD];
	s18 =	simm.s32 $0x4400  }
0x395: {  	[tilespmem:s18], [sflag:$0x1] =	stream.indirect.gather [hbm4b:s5+s8], $0x10, s10, s8, $0xb8;
	[tilespmem:$0x10400] =	vst v63  }
0x396: {  	s30 =	simm.s32 $0x4C00;
	s10 =	sld [smem:$0x7CE]  }
0x397: {  	[tilespmem:s30], [sflag:$0x1] =	stream.indirect.gather [hbm4b:s5+s8], $0x10, s11, s8, $0xb8;
	[tilespmem:$0x10400] =	vst v63  }
0x398: {  	s18 =	sld [smem:$0x7CF];
	s30 =	simm.s32 $0x5400  }
0x399: {  	[tilespmem:s30], [sflag:$0x1] =	stream.indirect.gather [hbm4b:s5+s8], $0x10, s10, s8, $0xb8;
	[tilespmem:$0x10400] =	vst v63  }
0x39a: {  	s28 =	simm.s32 $0x5C00;
	s15 =	sld [smem:$0x7D0]  }
0x39b: {  	[tilespmem:s28], [sflag:$0x1] =	stream.indirect.gather [hbm4b:s5+s8], $0x10, s18, s8, $0xb8;
	[tilespmem:$0x10400] =	vst v63  }
0x39c: {  	s11 =	sld [smem:$0x7D1];
	s18 =	simm.s32 $0x6400  }
0x39d: {  	[tilespmem:s18], [sflag:$0x1] =	stream.indirect.gather [hbm4b:s5+s8], $0x10, s15, s8, $0xb8;
	[tilespmem:$0x10400] =	vst v63  }
0x39e: {  	s23 =	simm.s32 $0x6C00;
	s30 =	sld [smem:$0x7D2]  }
0x39f: {  	[tilespmem:s23], [sflag:$0x1] =	stream.indirect.gather [hbm4b:s5+s8], $0x10, s11, s8, $0xb8;
	[tilespmem:$0x10400] =	vst v63  }
0x3a0: {  	s25 =	simm.s32 $0x7400;
	s15 =	sld [smem:$0x7D3]  }
0x3a1: {  	[tilespmem:s25], [sflag:$0x1] =	stream.indirect.gather [hbm4b:s5+s8], $0x10, s30, s8, $0xb8;
	[tilespmem:$0x10400] =	vst v63  }
0x3a2: {  	s24 =	simm.s32 $0x7C00;
	s18 =	sld [smem:$0x7D4]  }
0x3a3: {  	[tilespmem:s24], [sflag:$0x1] =	stream.indirect.gather [hbm4b:s5+s8], $0x10, s15, s8, $0xb8;
	[tilespmem:$0x10400] =	vst v63  }
0x3a4: {  	s29 =	simm.s32 $0x8400;
	s30 =	sld [smem:$0x7D5]  }
0x3a5: {  	[tilespmem:s29], [sflag:$0x1] =	stream.indirect.gather [hbm4b:s5+s8], $0x10, s18, s8, $0xb8;
	[tilespmem:$0x10400] =	vst v63  }
0x3a6: {  	s31 =	simm.s32 $0x8C00;
	s15 =	sld [smem:$0x7D6]  }
0x3a7: {  	[tilespmem:s31], [sflag:$0x1] =	stream.indirect.gather [hbm4b:s5+s8], $0x10, s30, s8, $0xb8;
	[tilespmem:$0x10400] =	vst v63  }
0x3a8: {  	s18 =	simm.s32 $0x9400  }
0x3a9: {  	[tilespmem:s18], [sflag:$0x1] =	stream.indirect.gather [hbm4b:s5+s8], $0x10, s15, s8, $0xb8;
	[tilespmem:$0x10400] =	vst v63  }
0x3aa: {  	_ =	swait.ge [sflag:s7], $0x800  }
0x3ab: {  	[sflag:s7] =	ssyncset.done $0x0  }
0x3ac: {  	[sflag:s7] =	ssyncadd.s32 $0xFFFFF800  }
0x3ad: {  	_ =	swait.ge [sflag:s7], $0x800  }
0x3ae: {  	[sflag:s7] =	ssyncset.done $0x0  }
0x3af: {  	[sflag:s7] =	ssyncadd.s32 $0xFFFFF800  }
0x3b0: {  	_ =	swait.ge [sflag:s7], $0x800  }
0x3b1: {  	[sflag:s7] =	ssyncset.done $0x0  }
0x3b2: {  	[sflag:s7] =	ssyncadd.s32 $0xFFFFF800  }
0x3b3: {  	_ =	swait.ge [sflag:s7], $0x800  }
0x3b4: {  	[sflag:s7] =	ssyncset.done $0x0  }
0x3b5: {  	[sflag:s7] =	ssyncadd.s32 $0xFFFFF800  }
0x3b6: {  	_ =	swait.ge [sflag:s7], $0x800  }
0x3b7: {  	[sflag:s7] =	ssyncset.done $0x0  }
0x3b8: {  	[sflag:s7] =	ssyncadd.s32 $0xFFFFF800  }
0x3b9: {  	_ =	swait.ge [sflag:s7], $0x800  }
0x3ba: {  	[sflag:s7] =	ssyncset.done $0x0  }
0x3bb: {  	[sflag:s7] =	ssyncadd.s32 $0xFFFFF800  }
0x3bc: {  	_ =	swait.ge [sflag:s7], $0x800  }
0x3bd: {  	[sflag:s7] =	ssyncset.done $0x0  }
0x3be: {  	[sflag:s7] =	ssyncadd.s32 $0xFFFFF800  }
0x3bf: {  	_ =	swait.ge [sflag:s7], $0x800  }
0x3c0: {  	[sflag:s7] =	ssyncset.done $0x0  }
0x3c1: {  	[sflag:s7] =	ssyncadd.s32 $0xFFFFF800  }
0x3c2: {  	_ =	swait.ge [sflag:s7], $0x800  }
0x3c3: {  	[sflag:s7] =	ssyncset.done $0x0  }
0x3c4: {  	[sflag:s7] =	ssyncadd.s32 $0xFFFFF800  }
0x3c5: {  	_ =	swait.ge [sflag:s7], $0x800  }
0x3c6: {  	[sflag:s7] =	ssyncset.done $0x0  }
0x3c7: {  	[sflag:s7] =	ssyncadd.s32 $0xFFFFF800  }
0x3c8: {  	_ =	swait.ge [sflag:s7], $0x800  }
0x3c9: {  	[sflag:s7] =	ssyncset.done $0x0  }
0x3ca: {  	[sflag:s7] =	ssyncadd.s32 $0xFFFFF800  }
0x3cb: {  	_ =	swait.ge [sflag:s7], $0x800  }
0x3cc: {  	[sflag:s7] =	ssyncset.done $0x0  }
0x3cd: {  	[sflag:s7] =	ssyncadd.s32 $0xFFFFF800  }
0x3ce: {  	_ =	swait.ge [sflag:s7], $0x800  }
0x3cf: {  	[sflag:s7] =	ssyncset.done $0x0  }
0x3d0: {  	s11 =	rddreg [dreg:$0x6];
	[sflag:s7] =	ssyncadd.s32 $0xFFFFF800  }
0x3d1: {  	[hbm4b:s11+s14] =	stream.linear.scatter [tilespmem:s13], [sflag:$0x2], $0x6800, $0x38;
	[tilespmem:$0x10400] =	vst v63  }
0x3d2: {  	_ =	swait.ge [sflag:s6], $0x6800  }
0x3d3: {  	s15 =	sld [smem:$0x7D7]  }
0x3d4: {  	[sflag:s6] =	ssyncset.done $0x0  }
0x3d5: {  	s18 =	sld [smem:$0x7D8];
	[sflag:s6] =	ssyncadd.s32 $0xFFFF9800  }
0x3d6: {  	[tilespmem:s13], [sflag:$0x1] =	stream.indirect.gather [hbm4b:s5+s8], $0x10, s15, s8, $0xb8;
	[tilespmem:$0x10400] =	vst v63  }
0x3d7: {  	s21 =	simm.s32 $0xA400;
	s15 =	sld [smem:$0x7D9]  }
0x3d8: {  	[tilespmem:s21], [sflag:$0x1] =	stream.indirect.gather [hbm4b:s5+s8], $0x10, s18, s8, $0xb8;
	[tilespmem:$0x10400] =	vst v63  }
0x3d9: {  	s11 =	sld [smem:$0x7DA]  }
0x3da: {  	[tilespmem:s3], [sflag:$0x1] =	stream.indirect.gather [hbm4b:s5+s8], $0x10, s15, s8, $0xb8;
	[tilespmem:$0x10400] =	vst v63  }
0x3db: {  	s18 =	sld [smem:$0x7DB]  }
0x3dc: {  	[tilespmem:s0], [sflag:$0x1] =	stream.indirect.gather [hbm4b:s5+s8], $0x10, s11, s8, $0xb8;
	[tilespmem:$0x10400] =	vst v63  }
0x3dd: {  	s3 =	sld [smem:$0x7DC]  }
0x3de: {  	[tilespmem:s1], [sflag:$0x1] =	stream.indirect.gather [hbm4b:s5+s8], $0x10, s18, s8, $0xb8;
	[tilespmem:$0x10400] =	vst v63  }
0x3df: {  	s18 =	sld [smem:$0x7DD]  }
0x3e0: {  	[tilespmem:s2], [sflag:$0x1] =	stream.indirect.gather [hbm4b:s5+s8], $0x10, s3, s8, $0xb8;
	[tilespmem:$0x10400] =	vst v63  }
0x3e1: {  	s20 =	simm.s32 $0xCC00;
	s2 =	sld [smem:$0x7DE]  }
0x3e2: {  	[tilespmem:s20], [sflag:$0x1] =	stream.indirect.gather [hbm4b:s5+s8], $0x10, s18, s8, $0xb8;
	[tilespmem:$0x10400] =	vst v63  }
0x3e3: {  	s18 =	sld [smem:$0x7DF]  }
0x3e4: {  	[tilespmem:s12], [sflag:$0x1] =	stream.indirect.gather [hbm4b:s5+s8], $0x10, s2, s8, $0xb8;
	[tilespmem:$0x10400] =	vst v63  }
0x3e5: {  	s19 =	simm.s32 $0xDC00;
	s11 =	sld [smem:$0x7E0]  }
0x3e6: {  	[tilespmem:s19], [sflag:$0x1] =	stream.indirect.gather [hbm4b:s5+s8], $0x10, s18, s8, $0xb8;
	[tilespmem:$0x10400] =	vst v63  }
0x3e7: {  	s2 =	sld [smem:$0x7E1]  }
0x3e8: {  	[tilespmem:s4], [sflag:$0x1] =	stream.indirect.gather [hbm4b:s5+s8], $0x10, s11, s8, $0xb8;
	[tilespmem:$0x10400] =	vst v63  }
0x3e9: {  	s17 =	simm.s32 $0xEC00;
	s19 =	sld [smem:$0x7E2]  }
0x3ea: {  	[tilespmem:s17], [sflag:$0x1] =	stream.indirect.gather [hbm4b:s5+s8], $0x10, s2, s8, $0xb8;
	[tilespmem:$0x10400] =	vst v63  }
0x3eb: {  	s16 =	simm.s32 $0xF400;
	s2 =	sld [smem:$0x7E3]  }
0x3ec: {  	[tilespmem:s16], [sflag:$0x1] =	stream.indirect.gather [hbm4b:s5+s8], $0x10, s19, s8, $0xb8;
	[tilespmem:$0x10400] =	vst v63  }
0x3ed: {  	s22 =	simm.s32 $0xFC00  }
0x3ee: {  	[tilespmem:s22], [sflag:$0x1] =	stream.indirect.gather [hbm4b:s5+s8], $0x10, s2, s8, $0xb8;
	[tilespmem:$0x10400] =	vst v63  }
0x3ef: {  	_ =	swait.ge [sflag:s7], $0x800  }
0x3f0: {  	[sflag:s7] =	ssyncset.done $0x0  }
0x3f1: {  	[sflag:s7] =	ssyncadd.s32 $0xFFFFF800  }
0x3f2: {  	_ =	swait.ge [sflag:s7], $0x800  }
0x3f3: {  	[sflag:s7] =	ssyncset.done $0x0  }
0x3f4: {  	[sflag:s7] =	ssyncadd.s32 $0xFFFFF800  }
0x3f5: {  	_ =	swait.ge [sflag:s7], $0x800  }
0x3f6: {  	[sflag:s7] =	ssyncset.done $0x0  }
0x3f7: {  	[sflag:s7] =	ssyncadd.s32 $0xFFFFF800  }
0x3f8: {  	_ =	swait.ge [sflag:s7], $0x800  }
0x3f9: {  	[sflag:s7] =	ssyncset.done $0x0  }
0x3fa: {  	[sflag:s7] =	ssyncadd.s32 $0xFFFFF800  }
0x3fb: {  	_ =	swait.ge [sflag:s7], $0x800  }
0x3fc: {  	[sflag:s7] =	ssyncset.done $0x0  }
0x3fd: {  	[sflag:s7] =	ssyncadd.s32 $0xFFFFF800  }
0x3fe: {  	_ =	swait.ge [sflag:s7], $0x800  }
0x3ff: {  	[sflag:s7] =	ssyncset.done $0x0  }
0x400: {  	[sflag:s7] =	ssyncadd.s32 $0xFFFFF800  }
0x401: {  	_ =	swait.ge [sflag:s7], $0x800  }
0x402: {  	[sflag:s7] =	ssyncset.done $0x0  }
0x403: {  	[sflag:s7] =	ssyncadd.s32 $0xFFFFF800  }
0x404: {  	_ =	swait.ge [sflag:s7], $0x800  }
0x405: {  	[sflag:s7] =	ssyncset.done $0x0  }
0x406: {  	[sflag:s7] =	ssyncadd.s32 $0xFFFFF800  }
0x407: {  	_ =	swait.ge [sflag:s7], $0x800  }
0x408: {  	[sflag:s7] =	ssyncset.done $0x0  }
0x409: {  	[sflag:s7] =	ssyncadd.s32 $0xFFFFF800  }
0x40a: {  	_ =	swait.ge [sflag:s7], $0x800  }
0x40b: {  	[sflag:s7] =	ssyncset.done $0x0  }
0x40c: {  	[sflag:s7] =	ssyncadd.s32 $0xFFFFF800  }
0x40d: {  	_ =	swait.ge [sflag:s7], $0x800  }
0x40e: {  	[sflag:s7] =	ssyncset.done $0x0  }
0x40f: {  	[sflag:s7] =	ssyncadd.s32 $0xFFFFF800  }
0x410: {  	_ =	swait.ge [sflag:s7], $0x800  }
0x411: {  	[sflag:s7] =	ssyncset.done $0x0  }
0x412: {  	[sflag:s7] =	ssyncadd.s32 $0xFFFFF800  }
0x413: {  	_ =	swait.ge [sflag:s7], $0x800  }
0x414: {  	[sflag:s7] =	ssyncset.done $0x0  }
0x415: {  	s11 =	rddreg [dreg:$0x7];
	[sflag:s7] =	ssyncadd.s32 $0xFFFFF800  }
0x416: {  	[hbm4b:s11+s14] =	stream.linear.scatter [tilespmem:s26], [sflag:$0x2], $0x6800, $0x38;
	[tilespmem:$0x10400] =	vst v63  }
0x417: {  	_ =	swait.ge [sflag:s6], $0x6800  }
0x418: {  	s22 =	sld [smem:$0x7E4]  }
0x419: {  	[sflag:s6] =	ssyncset.done $0x0  }
0x41a: {  	s2 =	sld [smem:$0x7E5];
	[sflag:s6] =	ssyncadd.s32 $0xFFFF9800  }
0x41b: {  	[tilespmem:s26], [sflag:$0x1] =	stream.indirect.gather [hbm4b:s5+s8], $0x10, s22, s8, $0xb8;
	[tilespmem:$0x10400] =	vst v63  }
0x41c: {  	s14 =	simm.s32 $0x3C00;
	s10 =	sld [smem:$0x7E6]  }
0x41d: {  	[tilespmem:s14], [sflag:$0x1] =	stream.indirect.gather [hbm4b:s5+s8], $0x10, s2, s8, $0xb8;
	[tilespmem:$0x10400] =	vst v63  }
0x41e: {  	s11 =	sld [smem:$0x7E7];
	s22 =	simm.s32 $0x4400  }
0x41f: {  	[tilespmem:s22], [sflag:$0x1] =	stream.indirect.gather [hbm4b:s5+s8], $0x10, s10, s8, $0xb8;
	[tilespmem:$0x10400] =	vst v63  }
0x420: {  	s10 =	sld [smem:$0x7E8];
	s22 =	simm.s32 $0x4C00  }
0x421: {  	[tilespmem:s22], [sflag:$0x1] =	stream.indirect.gather [hbm4b:s5+s8], $0x10, s11, s8, $0xb8;
	[tilespmem:$0x10400] =	vst v63  }
0x422: {  	s11 =	sld [smem:$0x7E9];
	s22 =	simm.s32 $0x5400  }
0x423: {  	[tilespmem:s22], [sflag:$0x1] =	stream.indirect.gather [hbm4b:s5+s8], $0x10, s10, s8, $0xb8;
	[tilespmem:$0x10400] =	vst v63  }
0x424: {  	s28 =	simm.s32 $0x5C00;
	s22 =	sld [smem:$0x7EA]  }
0x425: {  	[tilespmem:s28], [sflag:$0x1] =	stream.indirect.gather [hbm4b:s5+s8], $0x10, s11, s8, $0xb8;
	[tilespmem:$0x10400] =	vst v63  }
0x426: {  	s11 =	sld [smem:$0x7EB];
	s28 =	simm.s32 $0x6400  }
0x427: {  	[tilespmem:s28], [sflag:$0x1] =	stream.indirect.gather [hbm4b:s5+s8], $0x10, s22, s8, $0xb8;
	[tilespmem:$0x10400] =	vst v63  }
0x428: {  	s23 =	simm.s32 $0x6C00;
	s22 =	sld [smem:$0x7EC]  }
0x429: {  	[tilespmem:s23], [sflag:$0x1] =	stream.indirect.gather [hbm4b:s5+s8], $0x10, s11, s8, $0xb8;
	[tilespmem:$0x10400] =	vst v63  }
0x42a: {  	s25 =	simm.s32 $0x7400;
	s23 =	sld [smem:$0x7ED]  }
0x42b: {  	[tilespmem:s25], [sflag:$0x1] =	stream.indirect.gather [hbm4b:s5+s8], $0x10, s22, s8, $0xb8;
	[tilespmem:$0x10400] =	vst v63  }
0x42c: {  	s24 =	simm.s32 $0x7C00;
	s25 =	sld [smem:$0x7EE]  }
0x42d: {  	[tilespmem:s24], [sflag:$0x1] =	stream.indirect.gather [hbm4b:s5+s8], $0x10, s23, s8, $0xb8;
	[tilespmem:$0x10400] =	vst v63  }
0x42e: {  	s29 =	simm.s32 $0x8400;
	s28 =	sld [smem:$0x7EF]  }
0x42f: {  	[tilespmem:s29], [sflag:$0x1] =	stream.indirect.gather [hbm4b:s5+s8], $0x10, s25, s8, $0xb8;
	[tilespmem:$0x10400] =	vst v63  }
0x430: {  	s30 =	simm.s32 $0x8C00;
	s14 =	sld [smem:$0x7F0]  }
0x431: {  	[tilespmem:s30], [sflag:$0x1] =	stream.indirect.gather [hbm4b:s5+s8], $0x10, s28, s8, $0xb8;
	[tilespmem:$0x10400] =	vst v63  }
0x432: {  	s22 =	simm.s32 $0x9400  }
0x433: {  	[tilespmem:s22], [sflag:$0x1] =	stream.indirect.gather [hbm4b:s5+s8], $0x10, s14, s8, $0xb8;
	[tilespmem:$0x10400] =	vst v63  }
0x434: {  	_ =	swait.ge [sflag:s7], $0x800  }
0x435: {  	[sflag:s7] =	ssyncset.done $0x0  }
0x436: {  	[sflag:s7] =	ssyncadd.s32 $0xFFFFF800  }
0x437: {  	_ =	swait.ge [sflag:s7], $0x800  }
0x438: {  	[sflag:s7] =	ssyncset.done $0x0  }
0x439: {  	[sflag:s7] =	ssyncadd.s32 $0xFFFFF800  }
0x43a: {  	_ =	swait.ge [sflag:s7], $0x800  }
0x43b: {  	[sflag:s7] =	ssyncset.done $0x0  }
0x43c: {  	[sflag:s7] =	ssyncadd.s32 $0xFFFFF800  }
0x43d: {  	_ =	swait.ge [sflag:s7], $0x800  }
0x43e: {  	[sflag:s7] =	ssyncset.done $0x0  }
0x43f: {  	[sflag:s7] =	ssyncadd.s32 $0xFFFFF800  }
0x440: {  	_ =	swait.ge [sflag:s7], $0x800  }
0x441: {  	[sflag:s7] =	ssyncset.done $0x0  }
0x442: {  	[sflag:s7] =	ssyncadd.s32 $0xFFFFF800  }
0x443: {  	_ =	swait.ge [sflag:s7], $0x800  }
0x444: {  	[sflag:s7] =	ssyncset.done $0x0  }
0x445: {  	[sflag:s7] =	ssyncadd.s32 $0xFFFFF800  }
0x446: {  	_ =	swait.ge [sflag:s7], $0x800  }
0x447: {  	[sflag:s7] =	ssyncset.done $0x0  }
0x448: {  	[sflag:s7] =	ssyncadd.s32 $0xFFFFF800  }
0x449: {  	_ =	swait.ge [sflag:s7], $0x800  }
0x44a: {  	[sflag:s7] =	ssyncset.done $0x0  }
0x44b: {  	[sflag:s7] =	ssyncadd.s32 $0xFFFFF800  }
0x44c: {  	_ =	swait.ge [sflag:s7], $0x800  }
0x44d: {  	[sflag:s7] =	ssyncset.done $0x0  }
0x44e: {  	[sflag:s7] =	ssyncadd.s32 $0xFFFFF800  }
0x44f: {  	_ =	swait.ge [sflag:s7], $0x800  }
0x450: {  	[sflag:s7] =	ssyncset.done $0x0  }
0x451: {  	[sflag:s7] =	ssyncadd.s32 $0xFFFFF800  }
0x452: {  	_ =	swait.ge [sflag:s7], $0x800  }
0x453: {  	[sflag:s7] =	ssyncset.done $0x0  }
0x454: {  	[sflag:s7] =	ssyncadd.s32 $0xFFFFF800  }
0x455: {  	_ =	swait.ge [sflag:s7], $0x800  }
0x456: {  	[sflag:s7] =	ssyncset.done $0x0  }
0x457: {  	[sflag:s7] =	ssyncadd.s32 $0xFFFFF800  }
0x458: {  	_ =	swait.ge [sflag:s7], $0x800  }
0x459: {  	[sflag:s7] =	ssyncset.done $0x0  }
0x45a: {  	s2 =	simm.s32 $0x0;
	s23 =	rddreg [dreg:$0x8];
	[sflag:s7] =	ssyncadd.s32 $0xFFFFF800  }
0x45b: {  	[hbm4b:s23+s2] =	stream.linear.scatter [tilespmem:s13], [sflag:$0x2], $0x6800, $0x38;
	[tilespmem:$0x10400] =	vst v63  }
0x45c: {  	_ =	swait.ge [sflag:s6], $0x6800  }
0x45d: {  	s24 =	sld [smem:$0x7F1]  }
0x45e: {  	[sflag:s6] =	ssyncset.done $0x0  }
0x45f: {  	s25 =	sld [smem:$0x7F2];
	[sflag:s6] =	ssyncadd.s32 $0xFFFF9800  }
0x460: {  	[tilespmem:s13], [sflag:$0x1] =	stream.indirect.gather [hbm4b:s5+s8], $0x10, s24, s8, $0xb8;
	[tilespmem:$0x10400] =	vst v63  }
0x461: {  	s21 =	simm.s32 $0xA400;
	s28 =	sld [smem:$0x7F3]  }
0x462: {  	[tilespmem:s21], [sflag:$0x1] =	stream.indirect.gather [hbm4b:s5+s8], $0x10, s25, s8, $0xb8;
	[tilespmem:$0x10400] =	vst v63  }
0x463: {  	s15 =	simm.s32 $0xAC00;
	s29 =	sld [smem:$0x7F4]  }
0x464: {  	[tilespmem:s15], [sflag:$0x1] =	stream.indirect.gather [hbm4b:s5+s8], $0x10, s28, s8, $0xb8;
	[tilespmem:$0x10400] =	vst v63  }
0x465: {  	s0 =	simm.s32 $0xB400;
	s30 =	sld [smem:$0x7F5]  }
0x466: {  	[tilespmem:s0], [sflag:$0x1] =	stream.indirect.gather [hbm4b:s5+s8], $0x10, s29, s8, $0xb8;
	[tilespmem:$0x10400] =	vst v63  }
0x467: {  	s1 =	simm.s32 $0xBC00;
	s14 =	sld [smem:$0x7F6]  }
0x468: {  	[tilespmem:s1], [sflag:$0x1] =	stream.indirect.gather [hbm4b:s5+s8], $0x10, s30, s8, $0xb8;
	[tilespmem:$0x10400] =	vst v63  }
0x469: {  	s3 =	simm.s32 $0xC400;
	s15 =	sld [smem:$0x7F7]  }
0x46a: {  	[tilespmem:s3], [sflag:$0x1] =	stream.indirect.gather [hbm4b:s5+s8], $0x10, s14, s8, $0xb8;
	[tilespmem:$0x10400] =	vst v63  }
0x46b: {  	s20 =	simm.s32 $0xCC00;
	s21 =	sld [smem:$0x7F8]  }
0x46c: {  	[tilespmem:s20], [sflag:$0x1] =	stream.indirect.gather [hbm4b:s5+s8], $0x10, s15, s8, $0xb8;
	[tilespmem:$0x10400] =	vst v63  }
0x46d: {  	s12 =	simm.s32 $0xD400;
	s22 =	sld [smem:$0x7F9]  }
0x46e: {  	[tilespmem:s12], [sflag:$0x1] =	stream.indirect.gather [hbm4b:s5+s8], $0x10, s21, s8, $0xb8;
	[tilespmem:$0x10400] =	vst v63  }
0x46f: {  	s18 =	simm.s32 $0xDC00;
	s23 =	sld [smem:$0x7FA]  }
0x470: {  	[tilespmem:s18], [sflag:$0x1] =	stream.indirect.gather [hbm4b:s5+s8], $0x10, s22, s8, $0xb8;
	[tilespmem:$0x10400] =	vst v63  }
0x471: {  	s4 =	simm.s32 $0xE400;
	s24 =	sld [smem:$0x7FB]  }
0x472: {  	[tilespmem:s4], [sflag:$0x1] =	stream.indirect.gather [hbm4b:s5+s8], $0x10, s23, s8, $0xb8;
	[tilespmem:$0x10400] =	vst v63  }
0x473: {  	s17 =	simm.s32 $0xEC00;
	s25 =	sld [smem:$0x7FC]  }
0x474: {  	[tilespmem:s17], [sflag:$0x1] =	stream.indirect.gather [hbm4b:s5+s8], $0x10, s24, s8, $0xb8;
	[tilespmem:$0x10400] =	vst v63  }
0x475: {  	s16 =	simm.s32 $0xF400;
	s28 =	sld [smem:$0x7FD]  }
0x476: {  	[tilespmem:s16], [sflag:$0x1] =	stream.indirect.gather [hbm4b:s5+s8], $0x10, s25, s8, $0xb8;
	[tilespmem:$0x10400] =	vst v63  }
0x477: {  	s19 =	simm.s32 $0xFC00  }
0x478: {  	[tilespmem:s19], [sflag:$0x1] =	stream.indirect.gather [hbm4b:s5+s8], $0x10, s28, s8, $0xb8;
	[tilespmem:$0x10400] =	vst v63  }
0x479: {  	_ =	swait.ge [sflag:s7], $0x800  }
0x47a: {  	[sflag:s7] =	ssyncset.done $0x0  }
0x47b: {  	[sflag:s7] =	ssyncadd.s32 $0xFFFFF800  }
0x47c: {  	_ =	swait.ge [sflag:s7], $0x800  }
0x47d: {  	[sflag:s7] =	ssyncset.done $0x0  }
0x47e: {  	[sflag:s7] =	ssyncadd.s32 $0xFFFFF800  }
0x47f: {  	_ =	swait.ge [sflag:s7], $0x800  }
0x480: {  	[sflag:s7] =	ssyncset.done $0x0  }
0x481: {  	[sflag:s7] =	ssyncadd.s32 $0xFFFFF800  }
0x482: {  	_ =	swait.ge [sflag:s7], $0x800  }
0x483: {  	[sflag:s7] =	ssyncset.done $0x0  }
0x484: {  	[sflag:s7] =	ssyncadd.s32 $0xFFFFF800  }
0x485: {  	_ =	swait.ge [sflag:s7], $0x800  }
0x486: {  	[sflag:s7] =	ssyncset.done $0x0  }
0x487: {  	[sflag:s7] =	ssyncadd.s32 $0xFFFFF800  }
0x488: {  	_ =	swait.ge [sflag:s7], $0x800  }
0x489: {  	[sflag:s7] =	ssyncset.done $0x0  }
0x48a: {  	[sflag:s7] =	ssyncadd.s32 $0xFFFFF800  }
0x48b: {  	_ =	swait.ge [sflag:s7], $0x800  }
0x48c: {  	[sflag:s7] =	ssyncset.done $0x0  }
0x48d: {  	[sflag:s7] =	ssyncadd.s32 $0xFFFFF800  }
0x48e: {  	_ =	swait.ge [sflag:s7], $0x800  }
0x48f: {  	[sflag:s7] =	ssyncset.done $0x0  }
0x490: {  	[sflag:s7] =	ssyncadd.s32 $0xFFFFF800  }
0x491: {  	_ =	swait.ge [sflag:s7], $0x800  }
0x492: {  	[sflag:s7] =	ssyncset.done $0x0  }
0x493: {  	[sflag:s7] =	ssyncadd.s32 $0xFFFFF800  }
0x494: {  	_ =	swait.ge [sflag:s7], $0x800  }
0x495: {  	[sflag:s7] =	ssyncset.done $0x0  }
0x496: {  	[sflag:s7] =	ssyncadd.s32 $0xFFFFF800  }
0x497: {  	_ =	swait.ge [sflag:s7], $0x800  }
0x498: {  	[sflag:s7] =	ssyncset.done $0x0  }
0x499: {  	[sflag:s7] =	ssyncadd.s32 $0xFFFFF800  }
0x49a: {  	_ =	swait.ge [sflag:s7], $0x800  }
0x49b: {  	[sflag:s7] =	ssyncset.done $0x0  }
0x49c: {  	[sflag:s7] =	ssyncadd.s32 $0xFFFFF800  }
0x49d: {  	_ =	swait.ge [sflag:s7], $0x800  }
0x49e: {  	[sflag:s7] =	ssyncset.done $0x0  }
0x49f: {  	s31 =	simm.s32 $0x3400;
	s29 =	rddreg [dreg:$0x9];
	[sflag:s7] =	ssyncadd.s32 $0xFFFFF800  }
0x4a0: {  	[hbm4b:s29+s2] =	stream.linear.scatter [tilespmem:s31], [sflag:$0x2], $0x6800, $0x38;
	[tilespmem:$0x10400] =	vst v63  }
0x4a1: {  	_ =	swait.ge [sflag:s7], $0x800  }
0x4a2: {  	[sflag:s7] =	ssyncset.done $0x0  }
0x4a3: {  	[sflag:s7] =	ssyncadd.s32 $0xFFFFF800  }
0x4a4: {  	_ =	swait.ge [sflag:s7], $0x800  }
0x4a5: {  	[sflag:s7] =	ssyncset.done $0x0  }
0x4a6: {  	[sflag:s7] =	ssyncadd.s32 $0xFFFFF800  }
0x4a7: {  	_ =	swait.ge [sflag:s7], $0x800  }
0x4a8: {  	[sflag:s7] =	ssyncset.done $0x0  }
0x4a9: {  	[sflag:s7] =	ssyncadd.s32 $0xFFFFF800  }
0x4aa: {  	_ =	swait.ge [sflag:s7], $0x800  }
0x4ab: {  	[sflag:s7] =	ssyncset.done $0x0  }
0x4ac: {  	[sflag:s7] =	ssyncadd.s32 $0xFFFFF800  }
0x4ad: {  	_ =	swait.ge [sflag:s7], $0x800  }
0x4ae: {  	[sflag:s7] =	ssyncset.done $0x0  }
0x4af: {  	[sflag:s7] =	ssyncadd.s32 $0xFFFFF800  }
0x4b0: {  	_ =	swait.ge [sflag:s7], $0x800  }
0x4b1: {  	[sflag:s7] =	ssyncset.done $0x0  }
0x4b2: {  	[sflag:s7] =	ssyncadd.s32 $0xFFFFF800  }
0x4b3: {  	_ =	swait.ge [sflag:s7], $0x800  }
0x4b4: {  	[sflag:s7] =	ssyncset.done $0x0  }
0x4b5: {  	[sflag:s7] =	ssyncadd.s32 $0xFFFFF800  }
0x4b6: {  	_ =	swait.ge [sflag:s7], $0x800  }
0x4b7: {  	[sflag:s7] =	ssyncset.done $0x0  }
0x4b8: {  	[sflag:s7] =	ssyncadd.s32 $0xFFFFF800  }
0x4b9: {  	_ =	swait.ge [sflag:s7], $0x800  }
0x4ba: {  	[sflag:s7] =	ssyncset.done $0x0  }
0x4bb: {  	[sflag:s7] =	ssyncadd.s32 $0xFFFFF800  }
0x4bc: {  	_ =	swait.ge [sflag:s7], $0x800  }
0x4bd: {  	[sflag:s7] =	ssyncset.done $0x0  }
0x4be: {  	[sflag:s7] =	ssyncadd.s32 $0xFFFFF800  }
0x4bf: {  	_ =	swait.ge [sflag:s7], $0x800  }
0x4c0: {  	[sflag:s7] =	ssyncset.done $0x0  }
0x4c1: {  	[sflag:s7] =	ssyncadd.s32 $0xFFFFF800  }
0x4c2: {  	_ =	swait.ge [sflag:s7], $0x800  }
0x4c3: {  	[sflag:s7] =	ssyncset.done $0x0  }
0x4c4: {  	[sflag:s7] =	ssyncadd.s32 $0xFFFFF800  }
0x4c5: {  	_ =	swait.ge [sflag:s7], $0x800  }
0x4c6: {  	p1 =	sne.s32 s9, $0x1;
	[sflag:s7] =	ssyncset.done $0x0  }
0x4c7: {  	s3 =	simm.s32 $0x9C00;
	s30 =	rddreg [dreg:$0xa];
	[sflag:s7] =	ssyncadd.s32 $0xFFFFF800  }
0x4c8: {  	[hbm4b:s30+s2] =	stream.linear.scatter [tilespmem:s3], [sflag:$0x2], $0x6800, $0x38;
	[tilespmem:$0x10400] =	vst v63  }
.Ltmp2:
0x4c9: {  	_ =	swait.ge [sflag:s6], $0x6800;
	(pc) =	sbr.rel @p1 .LBB2_3-.Ltmp2, $4  }
0x4ca: {  	[sflag:s6] =	ssyncset.done $0x0  }
0x4cb: {  	[sflag:s6] =	ssyncadd.s32 $0xFFFF9800  }
0x4cc: {  	_ =	swait.ge [sflag:s6], $0x6800  }
0x4cd: {  	s9 =	sadd.s32 $0xFFFFFFFF, s9;
	s10 =	rddreg [dreg:$0x2];
	[sflag:s6] =	ssyncset.done $0x0  }
0x4ce: {  	s24 =	simm.s32 $0x3  }
.LBB2_5:
0x4cf: {  	[sflag:s6] =	ssyncadd.s32 @p0 $0xFFFF9800  }
0x4d0: {  	[tilespmem:s2], [sflag:$0x3] =	stream.linear.gather [hbm4b:s10+s2], $0x3400, $0x38;
	[tilespmem:$0x10400] =	vst v63  }
0x4d1: {  	_ =	swait.ge [sflag:s24], $0x3400  }
0x4d2: {  	[sflag:s24] =	ssyncset.done $0x0  }
0x4d3: {  	[sflag:s24] =	ssyncadd.s32 $0xFFFFCC00  }
0x4d4: {  	[tilespmem:s31], [sflag:$0x1] =	stream.indirect.gather [hbm4b:s5+s8], $0x10, s2, s8, $0xb8;
	[tilespmem:$0x10400] =	vst v63  }
0x4d5: {  	s9 =	rddreg [dreg:$0xb];
	s24 =	simm.s32 $0x3C00  }
0x4d6: {  	[tilespmem:s24], [sflag:$0x1] =	stream.indirect.gather [hbm4b:s5+s8], $0x10, s8, s8, $0xb8;
	[tilespmem:$0x10400] =	vst v63  }
0x4d7: {  	s25 =	simm.s32 $0x4400;
	s29 =	rddreg [dreg:$0xc]  }
0x4d8: {  	[tilespmem:s25], [sflag:$0x1] =	stream.indirect.gather [hbm4b:s5+s8], $0x10, s9, s8, $0xb8;
	[tilespmem:$0x10400] =	vst v63  }
0x4d9: {  	s26 =	simm.s32 $0x4C00;
	s30 =	rddreg [dreg:$0xd]  }
0x4da: {  	[tilespmem:s26], [sflag:$0x1] =	stream.indirect.gather [hbm4b:s5+s8], $0x10, s29, s8, $0xb8;
	[tilespmem:$0x10400] =	vst v63  }
0x4db: {  	s28 =	simm.s32 $0x5400;
	s0 =	rddreg [dreg:$0xf]  }
0x4dc: {  	[tilespmem:s28], [sflag:$0x1] =	stream.indirect.gather [hbm4b:s5+s8], $0x10, s30, s8, $0xb8;
	[tilespmem:$0x10400] =	vst v63  }
0x4dd: {  	s31 =	rddreg [dreg:$0xe];
	s29 =	simm.s32 $0x5C00  }
0x4de: {  	[tilespmem:s29], [sflag:$0x1] =	stream.indirect.gather [hbm4b:s5+s8], $0x10, s31, s8, $0xb8;
	[tilespmem:$0x10400] =	vst v63  }
0x4df: {  	s1 =	rddreg [dreg:$0x10];
	s30 =	simm.s32 $0x6400  }
0x4e0: {  	[tilespmem:s30], [sflag:$0x1] =	stream.indirect.gather [hbm4b:s5+s8], $0x10, s0, s8, $0xb8;
	[tilespmem:$0x10400] =	vst v63  }
0x4e1: {  	s4 =	rddreg [dreg:$0x11];
	s31 =	simm.s32 $0x6C00  }
0x4e2: {  	[tilespmem:s31], [sflag:$0x1] =	stream.indirect.gather [hbm4b:s5+s8], $0x10, s1, s8, $0xb8;
	[tilespmem:$0x10400] =	vst v63  }
0x4e3: {  	s19 =	simm.s32 $0x7400;
	s11 =	rddreg [dreg:$0x12]  }
0x4e4: {  	[tilespmem:s19], [sflag:$0x1] =	stream.indirect.gather [hbm4b:s5+s8], $0x10, s4, s8, $0xb8;
	[tilespmem:$0x10400] =	vst v63  }
0x4e5: {  	s22 =	simm.s32 $0x7C00;
	s12 =	rddreg [dreg:$0x13]  }
0x4e6: {  	[tilespmem:s22], [sflag:$0x1] =	stream.indirect.gather [hbm4b:s5+s8], $0x10, s11, s8, $0xb8;
	[tilespmem:$0x10400] =	vst v63  }
0x4e7: {  	s20 =	simm.s32 $0x8400;
	s13 =	rddreg [dreg:$0x14]  }
0x4e8: {  	[tilespmem:s20], [sflag:$0x1] =	stream.indirect.gather [hbm4b:s5+s8], $0x10, s12, s8, $0xb8;
	[tilespmem:$0x10400] =	vst v63  }
0x4e9: {  	s21 =	simm.s32 $0x8C00;
	s14 =	rddreg [dreg:$0x15]  }
0x4ea: {  	[tilespmem:s21], [sflag:$0x1] =	stream.indirect.gather [hbm4b:s5+s8], $0x10, s13, s8, $0xb8;
	[tilespmem:$0x10400] =	vst v63  }
0x4eb: {  	s18 =	simm.s32 $0x9400;
	s15 =	rddreg [dreg:$0x16]  }
0x4ec: {  	[tilespmem:s18], [sflag:$0x1] =	stream.indirect.gather [hbm4b:s5+s8], $0x10, s14, s8, $0xb8;
	[tilespmem:$0x10400] =	vst v63  }
0x4ed: {  	s16 =	rddreg [dreg:$0x17]  }
0x4ee: {  	[tilespmem:s3], [sflag:$0x1] =	stream.indirect.gather [hbm4b:s5+s8], $0x10, s15, s8, $0xb8;
	[tilespmem:$0x10400] =	vst v63  }
0x4ef: {  	s23 =	rddreg [dreg:$0x18];
	s14 =	simm.s32 $0xA400  }
0x4f0: {  	[tilespmem:s14], [sflag:$0x1] =	stream.indirect.gather [hbm4b:s5+s8], $0x10, s16, s8, $0xb8;
	[tilespmem:$0x10400] =	vst v63  }
0x4f1: {  	s0 =	rddreg [dreg:$0x19];
	s1 =	simm.s32 $0xAC00  }
0x4f2: {  	[tilespmem:s1], [sflag:$0x1] =	stream.indirect.gather [hbm4b:s5+s8], $0x10, s23, s8, $0xb8;
	[tilespmem:$0x10400] =	vst v63  }
0x4f3: {  	s4 =	rddreg [dreg:$0x1a];
	s15 =	simm.s32 $0xB400  }
0x4f4: {  	[tilespmem:s15], [sflag:$0x1] =	stream.indirect.gather [hbm4b:s5+s8], $0x10, s0, s8, $0xb8;
	[tilespmem:$0x10400] =	vst v63  }
0x4f5: {  	s11 =	rddreg [dreg:$0x1b];
	s16 =	simm.s32 $0xBC00  }
0x4f6: {  	[tilespmem:s16], [sflag:$0x1] =	stream.indirect.gather [hbm4b:s5+s8], $0x10, s4, s8, $0xb8;
	[tilespmem:$0x10400] =	vst v63  }
0x4f7: {  	s12 =	rddreg [dreg:$0x1c];
	s0 =	simm.s32 $0xC400  }
0x4f8: {  	[tilespmem:s0], [sflag:$0x1] =	stream.indirect.gather [hbm4b:s5+s8], $0x10, s11, s8, $0xb8;
	[tilespmem:$0x10400] =	vst v63  }
0x4f9: {  	s13 =	rddreg [dreg:$0x1d];
	s16 =	simm.s32 $0xCC00  }
0x4fa: {  	[tilespmem:s16], [sflag:$0x1] =	stream.indirect.gather [hbm4b:s5+s8], $0x10, s12, s8, $0xb8;
	[tilespmem:$0x10400] =	vst v63  }
0x4fb: {  	s23 =	rddreg [dreg:$0x1e];
	s1 =	simm.s32 $0xD400  }
0x4fc: {  	[tilespmem:s1], [sflag:$0x1] =	stream.indirect.gather [hbm4b:s5+s8], $0x10, s13, s8, $0xb8;
	[tilespmem:$0x10400] =	vst v63  }
0x4fd: {  	s4 =	rddreg [dreg:$0x1f];
	s11 =	simm.s32 $0xDC00  }
0x4fe: {  	[tilespmem:s11], [sflag:$0x1] =	stream.indirect.gather [hbm4b:s5+s8], $0x10, s23, s8, $0xb8;
	[tilespmem:$0x10400] =	vst v63  }
0x4ff: {  	s12 =	sld [smem:$0x7AD];
	s13 =	simm.s32 $0xE400  }
0x500: {  	[tilespmem:s13], [sflag:$0x1] =	stream.indirect.gather [hbm4b:s5+s8], $0x10, s4, s8, $0xb8;
	[tilespmem:$0x10400] =	vst v63  }
0x501: {  	s16 =	sld [smem:$0x7AE];
	s23 =	simm.s32 $0xEC00  }
0x502: {  	[tilespmem:s23], [sflag:$0x1] =	stream.indirect.gather [hbm4b:s5+s8], $0x10, s12, s8, $0xb8;
	[tilespmem:$0x10400] =	vst v63  }
0x503: {  	s1 =	sld [smem:$0x7AF];
	s4 =	simm.s32 $0xF400  }
0x504: {  	[tilespmem:s4], [sflag:$0x1] =	stream.indirect.gather [hbm4b:s5+s8], $0x10, s16, s8, $0xb8;
	[tilespmem:$0x10400] =	vst v63  }
0x505: {  	s11 =	simm.s32 $0xFC00  }
0x506: {  	[tilespmem:s11], [sflag:$0x1] =	stream.indirect.gather [hbm4b:s5+s8], $0x10, s1, s8, $0xb8;
	[tilespmem:$0x10400] =	vst v63  }
0x507: {  	_ =	swait.ge [sflag:s7], $0x800  }
0x508: {  	[sflag:s7] =	ssyncset.done $0x0  }
0x509: {  	[sflag:s7] =	ssyncadd.s32 $0xFFFFF800  }
0x50a: {  	_ =	swait.ge [sflag:s7], $0x800  }
0x50b: {  	[sflag:s7] =	ssyncset.done $0x0  }
0x50c: {  	[sflag:s7] =	ssyncadd.s32 $0xFFFFF800  }
0x50d: {  	_ =	swait.ge [sflag:s7], $0x800  }
0x50e: {  	[sflag:s7] =	ssyncset.done $0x0  }
0x50f: {  	[sflag:s7] =	ssyncadd.s32 $0xFFFFF800  }
0x510: {  	_ =	swait.ge [sflag:s7], $0x800  }
0x511: {  	[sflag:s7] =	ssyncset.done $0x0  }
0x512: {  	[sflag:s7] =	ssyncadd.s32 $0xFFFFF800  }
0x513: {  	_ =	swait.ge [sflag:s7], $0x800  }
0x514: {  	[sflag:s7] =	ssyncset.done $0x0  }
0x515: {  	[sflag:s7] =	ssyncadd.s32 $0xFFFFF800  }
0x516: {  	_ =	swait.ge [sflag:s7], $0x800  }
0x517: {  	[sflag:s7] =	ssyncset.done $0x0  }
0x518: {  	[sflag:s7] =	ssyncadd.s32 $0xFFFFF800  }
0x519: {  	_ =	swait.ge [sflag:s7], $0x800  }
0x51a: {  	[sflag:s7] =	ssyncset.done $0x0  }
0x51b: {  	[sflag:s7] =	ssyncadd.s32 $0xFFFFF800  }
0x51c: {  	_ =	swait.ge [sflag:s7], $0x800  }
0x51d: {  	[sflag:s7] =	ssyncset.done $0x0  }
0x51e: {  	[sflag:s7] =	ssyncadd.s32 $0xFFFFF800  }
0x51f: {  	_ =	swait.ge [sflag:s7], $0x800  }
0x520: {  	[sflag:s7] =	ssyncset.done $0x0  }
0x521: {  	[sflag:s7] =	ssyncadd.s32 $0xFFFFF800  }
0x522: {  	_ =	swait.ge [sflag:s7], $0x800  }
0x523: {  	[sflag:s7] =	ssyncset.done $0x0  }
0x524: {  	[sflag:s7] =	ssyncadd.s32 $0xFFFFF800  }
0x525: {  	_ =	swait.ge [sflag:s7], $0x800  }
0x526: {  	[sflag:s7] =	ssyncset.done $0x0  }
0x527: {  	[sflag:s7] =	ssyncadd.s32 $0xFFFFF800  }
0x528: {  	_ =	swait.ge [sflag:s7], $0x800  }
0x529: {  	[sflag:s7] =	ssyncset.done $0x0  }
0x52a: {  	[sflag:s7] =	ssyncadd.s32 $0xFFFFF800  }
0x52b: {  	_ =	swait.ge [sflag:s7], $0x800  }
0x52c: {  	[sflag:s7] =	ssyncset.done $0x0  }
0x52d: {  	s17 =	simm.s32 $0x3400;
	s12 =	rddreg [dreg:$0x3];
	[sflag:s7] =	ssyncadd.s32 $0xFFFFF800  }
0x52e: {  	[hbm4b:s12+s2] =	stream.linear.scatter [tilespmem:s17], [sflag:$0x2], $0x6800, $0x38;
	[tilespmem:$0x10400] =	vst v63  }
0x52f: {  	_ =	swait.ge [sflag:s6], $0x6800  }
0x530: {  	s13 =	sld [smem:$0x7B0]  }
0x531: {  	[sflag:s6] =	ssyncset.done $0x0  }
0x532: {  	s0 =	sld [smem:$0x7B1];
	[sflag:s6] =	ssyncadd.s32 $0xFFFF9800  }
0x533: {  	[tilespmem:s17], [sflag:$0x1] =	stream.indirect.gather [hbm4b:s5+s8], $0x10, s13, s8, $0xb8;
	[tilespmem:$0x10400] =	vst v63  }
0x534: {  	s1 =	sld [smem:$0x7B2]  }
0x535: {  	[tilespmem:s24], [sflag:$0x1] =	stream.indirect.gather [hbm4b:s5+s8], $0x10, s0, s8, $0xb8;
	[tilespmem:$0x10400] =	vst v63  }
0x536: {  	s4 =	sld [smem:$0x7B3]  }
0x537: {  	[tilespmem:s25], [sflag:$0x1] =	stream.indirect.gather [hbm4b:s5+s8], $0x10, s1, s8, $0xb8;
	[tilespmem:$0x10400] =	vst v63  }
0x538: {  	s11 =	sld [smem:$0x7B4]  }
0x539: {  	[tilespmem:s26], [sflag:$0x1] =	stream.indirect.gather [hbm4b:s5+s8], $0x10, s4, s8, $0xb8;
	[tilespmem:$0x10400] =	vst v63  }
0x53a: {  	s12 =	sld [smem:$0x7B5]  }
0x53b: {  	[tilespmem:s28], [sflag:$0x1] =	stream.indirect.gather [hbm4b:s5+s8], $0x10, s11, s8, $0xb8;
	[tilespmem:$0x10400] =	vst v63  }
0x53c: {  	s13 =	sld [smem:$0x7B6]  }
0x53d: {  	[tilespmem:s29], [sflag:$0x1] =	stream.indirect.gather [hbm4b:s5+s8], $0x10, s12, s8, $0xb8;
	[tilespmem:$0x10400] =	vst v63  }
0x53e: {  	s0 =	sld [smem:$0x7B7]  }
0x53f: {  	[tilespmem:s30], [sflag:$0x1] =	stream.indirect.gather [hbm4b:s5+s8], $0x10, s13, s8, $0xb8;
	[tilespmem:$0x10400] =	vst v63  }
0x540: {  	s1 =	sld [smem:$0x7B8]  }
0x541: {  	[tilespmem:s31], [sflag:$0x1] =	stream.indirect.gather [hbm4b:s5+s8], $0x10, s0, s8, $0xb8;
	[tilespmem:$0x10400] =	vst v63  }
0x542: {  	s4 =	sld [smem:$0x7B9]  }
0x543: {  	[tilespmem:s19], [sflag:$0x1] =	stream.indirect.gather [hbm4b:s5+s8], $0x10, s1, s8, $0xb8;
	[tilespmem:$0x10400] =	vst v63  }
0x544: {  	s11 =	sld [smem:$0x7BA]  }
0x545: {  	[tilespmem:s22], [sflag:$0x1] =	stream.indirect.gather [hbm4b:s5+s8], $0x10, s4, s8, $0xb8;
	[tilespmem:$0x10400] =	vst v63  }
0x546: {  	s12 =	sld [smem:$0x7BB]  }
0x547: {  	[tilespmem:s20], [sflag:$0x1] =	stream.indirect.gather [hbm4b:s5+s8], $0x10, s11, s8, $0xb8;
	[tilespmem:$0x10400] =	vst v63  }
0x548: {  	s13 =	sld [smem:$0x7BC]  }
0x549: {  	[tilespmem:s21], [sflag:$0x1] =	stream.indirect.gather [hbm4b:s5+s8], $0x10, s12, s8, $0xb8;
	[tilespmem:$0x10400] =	vst v63  }
0x54a: {  	_ = 	snop  }
0x54b: {  	[tilespmem:s18], [sflag:$0x1] =	stream.indirect.gather [hbm4b:s5+s8], $0x10, s13, s8, $0xb8;
	[tilespmem:$0x10400] =	vst v63  }
0x54c: {  	_ =	swait.ge [sflag:s7], $0x800  }
0x54d: {  	[sflag:s7] =	ssyncset.done $0x0  }
0x54e: {  	[sflag:s7] =	ssyncadd.s32 $0xFFFFF800  }
0x54f: {  	_ =	swait.ge [sflag:s7], $0x800  }
0x550: {  	[sflag:s7] =	ssyncset.done $0x0  }
0x551: {  	[sflag:s7] =	ssyncadd.s32 $0xFFFFF800  }
0x552: {  	_ =	swait.ge [sflag:s7], $0x800  }
0x553: {  	[sflag:s7] =	ssyncset.done $0x0  }
0x554: {  	[sflag:s7] =	ssyncadd.s32 $0xFFFFF800  }
0x555: {  	_ =	swait.ge [sflag:s7], $0x800  }
0x556: {  	[sflag:s7] =	ssyncset.done $0x0  }
0x557: {  	[sflag:s7] =	ssyncadd.s32 $0xFFFFF800  }
0x558: {  	_ =	swait.ge [sflag:s7], $0x800  }
0x559: {  	[sflag:s7] =	ssyncset.done $0x0  }
0x55a: {  	[sflag:s7] =	ssyncadd.s32 $0xFFFFF800  }
0x55b: {  	_ =	swait.ge [sflag:s7], $0x800  }
0x55c: {  	[sflag:s7] =	ssyncset.done $0x0  }
0x55d: {  	[sflag:s7] =	ssyncadd.s32 $0xFFFFF800  }
0x55e: {  	_ =	swait.ge [sflag:s7], $0x800  }
0x55f: {  	[sflag:s7] =	ssyncset.done $0x0  }
0x560: {  	[sflag:s7] =	ssyncadd.s32 $0xFFFFF800  }
0x561: {  	_ =	swait.ge [sflag:s7], $0x800  }
0x562: {  	[sflag:s7] =	ssyncset.done $0x0  }
0x563: {  	[sflag:s7] =	ssyncadd.s32 $0xFFFFF800  }
0x564: {  	_ =	swait.ge [sflag:s7], $0x800  }
0x565: {  	[sflag:s7] =	ssyncset.done $0x0  }
0x566: {  	[sflag:s7] =	ssyncadd.s32 $0xFFFFF800  }
0x567: {  	_ =	swait.ge [sflag:s7], $0x800  }
0x568: {  	[sflag:s7] =	ssyncset.done $0x0  }
0x569: {  	[sflag:s7] =	ssyncadd.s32 $0xFFFFF800  }
0x56a: {  	_ =	swait.ge [sflag:s7], $0x800  }
0x56b: {  	[sflag:s7] =	ssyncset.done $0x0  }
0x56c: {  	[sflag:s7] =	ssyncadd.s32 $0xFFFFF800  }
0x56d: {  	_ =	swait.ge [sflag:s7], $0x800  }
0x56e: {  	[sflag:s7] =	ssyncset.done $0x0  }
0x56f: {  	[sflag:s7] =	ssyncadd.s32 $0xFFFFF800  }
0x570: {  	_ =	swait.ge [sflag:s7], $0x800  }
0x571: {  	[sflag:s7] =	ssyncset.done $0x0  }
0x572: {  	s0 =	rddreg [dreg:$0x4];
	[sflag:s7] =	ssyncadd.s32 $0xFFFFF800  }
0x573: {  	[hbm4b:s0+s2] =	stream.linear.scatter [tilespmem:s3], [sflag:$0x2], $0x6800, $0x38;
	[tilespmem:$0x10400] =	vst v63  }
0x574: {  	_ =	swait.ge [sflag:s6], $0x6800  }
0x575: {  	s1 =	sld [smem:$0x7BD]  }
0x576: {  	[sflag:s6] =	ssyncset.done $0x0  }
0x577: {  	s4 =	sld [smem:$0x7BE];
	[sflag:s6] =	ssyncadd.s32 $0xFFFF9800  }
0x578: {  	[tilespmem:s3], [sflag:$0x1] =	stream.indirect.gather [hbm4b:s5+s8], $0x10, s1, s8, $0xb8;
	[tilespmem:$0x10400] =	vst v63  }
0x579: {  	s0 =	simm.s32 $0xA400;
	s11 =	sld [smem:$0x7BF]  }
0x57a: {  	[tilespmem:s0], [sflag:$0x1] =	stream.indirect.gather [hbm4b:s5+s8], $0x10, s4, s8, $0xb8;
	[tilespmem:$0x10400] =	vst v63  }
0x57b: {  	s14 =	simm.s32 $0xAC00;
	s12 =	sld [smem:$0x7C0]  }
0x57c: {  	[tilespmem:s14], [sflag:$0x1] =	stream.indirect.gather [hbm4b:s5+s8], $0x10, s11, s8, $0xb8;
	[tilespmem:$0x10400] =	vst v63  }
0x57d: {  	s15 =	simm.s32 $0xB400;
	s13 =	sld [smem:$0x7C1]  }
0x57e: {  	[tilespmem:s15], [sflag:$0x1] =	stream.indirect.gather [hbm4b:s5+s8], $0x10, s12, s8, $0xb8;
	[tilespmem:$0x10400] =	vst v63  }
0x57f: {  	s14 =	sld [smem:$0x7C2];
	s15 =	simm.s32 $0xBC00  }
0x580: {  	[tilespmem:s15], [sflag:$0x1] =	stream.indirect.gather [hbm4b:s5+s8], $0x10, s13, s8, $0xb8;
	[tilespmem:$0x10400] =	vst v63  }
0x581: {  	s1 =	sld [smem:$0x7C3];
	s4 =	simm.s32 $0xC400  }
0x582: {  	[tilespmem:s4], [sflag:$0x1] =	stream.indirect.gather [hbm4b:s5+s8], $0x10, s14, s8, $0xb8;
	[tilespmem:$0x10400] =	vst v63  }
0x583: {  	s11 =	sld [smem:$0x7C4];
	s13 =	simm.s32 $0xCC00  }
0x584: {  	[tilespmem:s13], [sflag:$0x1] =	stream.indirect.gather [hbm4b:s5+s8], $0x10, s1, s8, $0xb8;
	[tilespmem:$0x10400] =	vst v63  }
0x585: {  	s12 =	simm.s32 $0xD400;
	s14 =	sld [smem:$0x7C5]  }
0x586: {  	[tilespmem:s12], [sflag:$0x1] =	stream.indirect.gather [hbm4b:s5+s8], $0x10, s11, s8, $0xb8;
	[tilespmem:$0x10400] =	vst v63  }
0x587: {  	s1 =	sld [smem:$0x7C6];
	s11 =	simm.s32 $0xDC00  }
0x588: {  	[tilespmem:s11], [sflag:$0x1] =	stream.indirect.gather [hbm4b:s5+s8], $0x10, s14, s8, $0xb8;
	[tilespmem:$0x10400] =	vst v63  }
0x589: {  	s9 =	sld [smem:$0x7C7];
	s14 =	simm.s32 $0xE400  }
0x58a: {  	[tilespmem:s14], [sflag:$0x1] =	stream.indirect.gather [hbm4b:s5+s8], $0x10, s1, s8, $0xb8;
	[tilespmem:$0x10400] =	vst v63  }
0x58b: {  	s10 =	sld [smem:$0x7C8];
	s1 =	simm.s32 $0xEC00  }
0x58c: {  	[tilespmem:s1], [sflag:$0x1] =	stream.indirect.gather [hbm4b:s5+s8], $0x10, s9, s8, $0xb8;
	[tilespmem:$0x10400] =	vst v63  }
0x58d: {  	s23 =	simm.s32 $0xF400;
	s9 =	sld [smem:$0x7C9]  }
0x58e: {  	[tilespmem:s23], [sflag:$0x1] =	stream.indirect.gather [hbm4b:s5+s8], $0x10, s10, s8, $0xb8;
	[tilespmem:$0x10400] =	vst v63  }
0x58f: {  	s16 =	simm.s32 $0xFC00  }
0x590: {  	[tilespmem:s16], [sflag:$0x1] =	stream.indirect.gather [hbm4b:s5+s8], $0x10, s9, s8, $0xb8;
	[tilespmem:$0x10400] =	vst v63  }
0x591: {  	_ =	swait.ge [sflag:s7], $0x800  }
0x592: {  	[sflag:s7] =	ssyncset.done $0x0  }
0x593: {  	[sflag:s7] =	ssyncadd.s32 $0xFFFFF800  }
0x594: {  	_ =	swait.ge [sflag:s7], $0x800  }
0x595: {  	[sflag:s7] =	ssyncset.done $0x0  }
0x596: {  	[sflag:s7] =	ssyncadd.s32 $0xFFFFF800  }
0x597: {  	_ =	swait.ge [sflag:s7], $0x800  }
0x598: {  	[sflag:s7] =	ssyncset.done $0x0  }
0x599: {  	[sflag:s7] =	ssyncadd.s32 $0xFFFFF800  }
0x59a: {  	_ =	swait.ge [sflag:s7], $0x800  }
0x59b: {  	[sflag:s7] =	ssyncset.done $0x0  }
0x59c: {  	[sflag:s7] =	ssyncadd.s32 $0xFFFFF800  }
0x59d: {  	_ =	swait.ge [sflag:s7], $0x800  }
0x59e: {  	[sflag:s7] =	ssyncset.done $0x0  }
0x59f: {  	[sflag:s7] =	ssyncadd.s32 $0xFFFFF800  }
0x5a0: {  	_ =	swait.ge [sflag:s7], $0x800  }
0x5a1: {  	[sflag:s7] =	ssyncset.done $0x0  }
0x5a2: {  	[sflag:s7] =	ssyncadd.s32 $0xFFFFF800  }
0x5a3: {  	_ =	swait.ge [sflag:s7], $0x800  }
0x5a4: {  	[sflag:s7] =	ssyncset.done $0x0  }
0x5a5: {  	[sflag:s7] =	ssyncadd.s32 $0xFFFFF800  }
0x5a6: {  	_ =	swait.ge [sflag:s7], $0x800  }
0x5a7: {  	[sflag:s7] =	ssyncset.done $0x0  }
0x5a8: {  	[sflag:s7] =	ssyncadd.s32 $0xFFFFF800  }
0x5a9: {  	_ =	swait.ge [sflag:s7], $0x800  }
0x5aa: {  	[sflag:s7] =	ssyncset.done $0x0  }
0x5ab: {  	[sflag:s7] =	ssyncadd.s32 $0xFFFFF800  }
0x5ac: {  	_ =	swait.ge [sflag:s7], $0x800  }
0x5ad: {  	[sflag:s7] =	ssyncset.done $0x0  }
0x5ae: {  	[sflag:s7] =	ssyncadd.s32 $0xFFFFF800  }
0x5af: {  	_ =	swait.ge [sflag:s7], $0x800  }
0x5b0: {  	[sflag:s7] =	ssyncset.done $0x0  }
0x5b1: {  	[sflag:s7] =	ssyncadd.s32 $0xFFFFF800  }
0x5b2: {  	_ =	swait.ge [sflag:s7], $0x800  }
0x5b3: {  	[sflag:s7] =	ssyncset.done $0x0  }
0x5b4: {  	[sflag:s7] =	ssyncadd.s32 $0xFFFFF800  }
0x5b5: {  	_ =	swait.ge [sflag:s7], $0x800  }
0x5b6: {  	[sflag:s7] =	ssyncset.done $0x0  }
0x5b7: {  	s23 =	rddreg [dreg:$0x5];
	[sflag:s7] =	ssyncadd.s32 $0xFFFFF800  }
0x5b8: {  	[hbm4b:s23+s2] =	stream.linear.scatter [tilespmem:s17], [sflag:$0x2], $0x6800, $0x38;
	[tilespmem:$0x10400] =	vst v63  }
0x5b9: {  	_ =	swait.ge [sflag:s6], $0x6800  }
0x5ba: {  	s10 =	sld [smem:$0x7CA]  }
0x5bb: {  	[sflag:s6] =	ssyncset.done $0x0  }
0x5bc: {  	s16 =	sld [smem:$0x7CB];
	[sflag:s6] =	ssyncadd.s32 $0xFFFF9800  }
0x5bd: {  	[tilespmem:s17], [sflag:$0x1] =	stream.indirect.gather [hbm4b:s5+s8], $0x10, s10, s8, $0xb8;
	[tilespmem:$0x10400] =	vst v63  }
0x5be: {  	s23 =	sld [smem:$0x7CC]  }
0x5bf: {  	[tilespmem:s24], [sflag:$0x1] =	stream.indirect.gather [hbm4b:s5+s8], $0x10, s16, s8, $0xb8;
	[tilespmem:$0x10400] =	vst v63  }
0x5c0: {  	s16 =	sld [smem:$0x7CD]  }
0x5c1: {  	[tilespmem:s25], [sflag:$0x1] =	stream.indirect.gather [hbm4b:s5+s8], $0x10, s23, s8, $0xb8;
	[tilespmem:$0x10400] =	vst v63  }
0x5c2: {  	s23 =	sld [smem:$0x7CE]  }
0x5c3: {  	[tilespmem:s26], [sflag:$0x1] =	stream.indirect.gather [hbm4b:s5+s8], $0x10, s16, s8, $0xb8;
	[tilespmem:$0x10400] =	vst v63  }
0x5c4: {  	s16 =	sld [smem:$0x7CF]  }
0x5c5: {  	[tilespmem:s28], [sflag:$0x1] =	stream.indirect.gather [hbm4b:s5+s8], $0x10, s23, s8, $0xb8;
	[tilespmem:$0x10400] =	vst v63  }
0x5c6: {  	s23 =	sld [smem:$0x7D0]  }
0x5c7: {  	[tilespmem:s29], [sflag:$0x1] =	stream.indirect.gather [hbm4b:s5+s8], $0x10, s16, s8, $0xb8;
	[tilespmem:$0x10400] =	vst v63  }
0x5c8: {  	s16 =	sld [smem:$0x7D1]  }
0x5c9: {  	[tilespmem:s30], [sflag:$0x1] =	stream.indirect.gather [hbm4b:s5+s8], $0x10, s23, s8, $0xb8;
	[tilespmem:$0x10400] =	vst v63  }
0x5ca: {  	s23 =	sld [smem:$0x7D2]  }
0x5cb: {  	[tilespmem:s31], [sflag:$0x1] =	stream.indirect.gather [hbm4b:s5+s8], $0x10, s16, s8, $0xb8;
	[tilespmem:$0x10400] =	vst v63  }
0x5cc: {  	s16 =	sld [smem:$0x7D3]  }
0x5cd: {  	[tilespmem:s19], [sflag:$0x1] =	stream.indirect.gather [hbm4b:s5+s8], $0x10, s23, s8, $0xb8;
	[tilespmem:$0x10400] =	vst v63  }
0x5ce: {  	s23 =	sld [smem:$0x7D4]  }
0x5cf: {  	[tilespmem:s22], [sflag:$0x1] =	stream.indirect.gather [hbm4b:s5+s8], $0x10, s16, s8, $0xb8;
	[tilespmem:$0x10400] =	vst v63  }
0x5d0: {  	s16 =	sld [smem:$0x7D5]  }
0x5d1: {  	[tilespmem:s20], [sflag:$0x1] =	stream.indirect.gather [hbm4b:s5+s8], $0x10, s23, s8, $0xb8;
	[tilespmem:$0x10400] =	vst v63  }
0x5d2: {  	s23 =	sld [smem:$0x7D6]  }
0x5d3: {  	[tilespmem:s21], [sflag:$0x1] =	stream.indirect.gather [hbm4b:s5+s8], $0x10, s16, s8, $0xb8;
	[tilespmem:$0x10400] =	vst v63  }
0x5d4: {  	_ = 	snop  }
0x5d5: {  	[tilespmem:s18], [sflag:$0x1] =	stream.indirect.gather [hbm4b:s5+s8], $0x10, s23, s8, $0xb8;
	[tilespmem:$0x10400] =	vst v63  }
0x5d6: {  	_ =	swait.ge [sflag:s7], $0x800  }
0x5d7: {  	[sflag:s7] =	ssyncset.done $0x0  }
0x5d8: {  	[sflag:s7] =	ssyncadd.s32 $0xFFFFF800  }
0x5d9: {  	_ =	swait.ge [sflag:s7], $0x800  }
0x5da: {  	[sflag:s7] =	ssyncset.done $0x0  }
0x5db: {  	[sflag:s7] =	ssyncadd.s32 $0xFFFFF800  }
0x5dc: {  	_ =	swait.ge [sflag:s7], $0x800  }
0x5dd: {  	[sflag:s7] =	ssyncset.done $0x0  }
0x5de: {  	[sflag:s7] =	ssyncadd.s32 $0xFFFFF800  }
0x5df: {  	_ =	swait.ge [sflag:s7], $0x800  }
0x5e0: {  	[sflag:s7] =	ssyncset.done $0x0  }
0x5e1: {  	[sflag:s7] =	ssyncadd.s32 $0xFFFFF800  }
0x5e2: {  	_ =	swait.ge [sflag:s7], $0x800  }
0x5e3: {  	[sflag:s7] =	ssyncset.done $0x0  }
0x5e4: {  	[sflag:s7] =	ssyncadd.s32 $0xFFFFF800  }
0x5e5: {  	_ =	swait.ge [sflag:s7], $0x800  }
0x5e6: {  	[sflag:s7] =	ssyncset.done $0x0  }
0x5e7: {  	[sflag:s7] =	ssyncadd.s32 $0xFFFFF800  }
0x5e8: {  	_ =	swait.ge [sflag:s7], $0x800  }
0x5e9: {  	[sflag:s7] =	ssyncset.done $0x0  }
0x5ea: {  	[sflag:s7] =	ssyncadd.s32 $0xFFFFF800  }
0x5eb: {  	_ =	swait.ge [sflag:s7], $0x800  }
0x5ec: {  	[sflag:s7] =	ssyncset.done $0x0  }
0x5ed: {  	[sflag:s7] =	ssyncadd.s32 $0xFFFFF800  }
0x5ee: {  	_ =	swait.ge [sflag:s7], $0x800  }
0x5ef: {  	[sflag:s7] =	ssyncset.done $0x0  }
0x5f0: {  	[sflag:s7] =	ssyncadd.s32 $0xFFFFF800  }
0x5f1: {  	_ =	swait.ge [sflag:s7], $0x800  }
0x5f2: {  	[sflag:s7] =	ssyncset.done $0x0  }
0x5f3: {  	[sflag:s7] =	ssyncadd.s32 $0xFFFFF800  }
0x5f4: {  	_ =	swait.ge [sflag:s7], $0x800  }
0x5f5: {  	[sflag:s7] =	ssyncset.done $0x0  }
0x5f6: {  	[sflag:s7] =	ssyncadd.s32 $0xFFFFF800  }
0x5f7: {  	_ =	swait.ge [sflag:s7], $0x800  }
0x5f8: {  	[sflag:s7] =	ssyncset.done $0x0  }
0x5f9: {  	[sflag:s7] =	ssyncadd.s32 $0xFFFFF800  }
0x5fa: {  	_ =	swait.ge [sflag:s7], $0x800  }
0x5fb: {  	[sflag:s7] =	ssyncset.done $0x0  }
0x5fc: {  	s10 =	rddreg [dreg:$0x6];
	[sflag:s7] =	ssyncadd.s32 $0xFFFFF800  }
0x5fd: {  	[hbm4b:s10+s2] =	stream.linear.scatter [tilespmem:s3], [sflag:$0x2], $0x6800, $0x38;
	[tilespmem:$0x10400] =	vst v63  }
0x5fe: {  	_ =	swait.ge [sflag:s6], $0x6800  }
0x5ff: {  	s16 =	sld [smem:$0x7D7]  }
0x600: {  	[sflag:s6] =	ssyncset.done $0x0  }
0x601: {  	s23 =	sld [smem:$0x7D8];
	[sflag:s6] =	ssyncadd.s32 $0xFFFF9800  }
0x602: {  	[tilespmem:s3], [sflag:$0x1] =	stream.indirect.gather [hbm4b:s5+s8], $0x10, s16, s8, $0xb8;
	[tilespmem:$0x10400] =	vst v63  }
0x603: {  	s9 =	sld [smem:$0x7D9]  }
0x604: {  	[tilespmem:s0], [sflag:$0x1] =	stream.indirect.gather [hbm4b:s5+s8], $0x10, s23, s8, $0xb8;
	[tilespmem:$0x10400] =	vst v63  }
0x605: {  	s10 =	sld [smem:$0x7DA];
	s16 =	simm.s32 $0xAC00  }
0x606: {  	[tilespmem:s16], [sflag:$0x1] =	stream.indirect.gather [hbm4b:s5+s8], $0x10, s9, s8, $0xb8;
	[tilespmem:$0x10400] =	vst v63  }
0x607: {  	s9 =	sld [smem:$0x7DB];
	s16 =	simm.s32 $0xB400  }
0x608: {  	[tilespmem:s16], [sflag:$0x1] =	stream.indirect.gather [hbm4b:s5+s8], $0x10, s10, s8, $0xb8;
	[tilespmem:$0x10400] =	vst v63  }
0x609: {  	s16 =	sld [smem:$0x7DC]  }
0x60a: {  	[tilespmem:s15], [sflag:$0x1] =	stream.indirect.gather [hbm4b:s5+s8], $0x10, s9, s8, $0xb8;
	[tilespmem:$0x10400] =	vst v63  }
0x60b: {  	s0 =	sld [smem:$0x7DD]  }
0x60c: {  	[tilespmem:s4], [sflag:$0x1] =	stream.indirect.gather [hbm4b:s5+s8], $0x10, s16, s8, $0xb8;
	[tilespmem:$0x10400] =	vst v63  }
0x60d: {  	s16 =	sld [smem:$0x7DE]  }
0x60e: {  	[tilespmem:s13], [sflag:$0x1] =	stream.indirect.gather [hbm4b:s5+s8], $0x10, s0, s8, $0xb8;
	[tilespmem:$0x10400] =	vst v63  }
0x60f: {  	s0 =	sld [smem:$0x7DF]  }
0x610: {  	[tilespmem:s12], [sflag:$0x1] =	stream.indirect.gather [hbm4b:s5+s8], $0x10, s16, s8, $0xb8;
	[tilespmem:$0x10400] =	vst v63  }
0x611: {  	s16 =	sld [smem:$0x7E0]  }
0x612: {  	[tilespmem:s11], [sflag:$0x1] =	stream.indirect.gather [hbm4b:s5+s8], $0x10, s0, s8, $0xb8;
	[tilespmem:$0x10400] =	vst v63  }
0x613: {  	s9 =	sld [smem:$0x7E1]  }
0x614: {  	[tilespmem:s14], [sflag:$0x1] =	stream.indirect.gather [hbm4b:s5+s8], $0x10, s16, s8, $0xb8;
	[tilespmem:$0x10400] =	vst v63  }
0x615: {  	s0 =	sld [smem:$0x7E2]  }
0x616: {  	[tilespmem:s1], [sflag:$0x1] =	stream.indirect.gather [hbm4b:s5+s8], $0x10, s9, s8, $0xb8;
	[tilespmem:$0x10400] =	vst v63  }
0x617: {  	s9 =	sld [smem:$0x7E3];
	s1 =	simm.s32 $0xF400  }
0x618: {  	[tilespmem:s1], [sflag:$0x1] =	stream.indirect.gather [hbm4b:s5+s8], $0x10, s0, s8, $0xb8;
	[tilespmem:$0x10400] =	vst v63  }
0x619: {  	s10 =	simm.s32 $0xFC00  }
0x61a: {  	[tilespmem:s10], [sflag:$0x1] =	stream.indirect.gather [hbm4b:s5+s8], $0x10, s9, s8, $0xb8;
	[tilespmem:$0x10400] =	vst v63  }
0x61b: {  	_ =	swait.ge [sflag:s7], $0x800  }
0x61c: {  	[sflag:s7] =	ssyncset.done $0x0  }
0x61d: {  	[sflag:s7] =	ssyncadd.s32 $0xFFFFF800  }
0x61e: {  	_ =	swait.ge [sflag:s7], $0x800  }
0x61f: {  	[sflag:s7] =	ssyncset.done $0x0  }
0x620: {  	[sflag:s7] =	ssyncadd.s32 $0xFFFFF800  }
0x621: {  	_ =	swait.ge [sflag:s7], $0x800  }
0x622: {  	[sflag:s7] =	ssyncset.done $0x0  }
0x623: {  	[sflag:s7] =	ssyncadd.s32 $0xFFFFF800  }
0x624: {  	_ =	swait.ge [sflag:s7], $0x800  }
0x625: {  	[sflag:s7] =	ssyncset.done $0x0  }
0x626: {  	[sflag:s7] =	ssyncadd.s32 $0xFFFFF800  }
0x627: {  	_ =	swait.ge [sflag:s7], $0x800  }
0x628: {  	[sflag:s7] =	ssyncset.done $0x0  }
0x629: {  	[sflag:s7] =	ssyncadd.s32 $0xFFFFF800  }
0x62a: {  	_ =	swait.ge [sflag:s7], $0x800  }
0x62b: {  	[sflag:s7] =	ssyncset.done $0x0  }
0x62c: {  	[sflag:s7] =	ssyncadd.s32 $0xFFFFF800  }
0x62d: {  	_ =	swait.ge [sflag:s7], $0x800  }
0x62e: {  	[sflag:s7] =	ssyncset.done $0x0  }
0x62f: {  	[sflag:s7] =	ssyncadd.s32 $0xFFFFF800  }
0x630: {  	_ =	swait.ge [sflag:s7], $0x800  }
0x631: {  	[sflag:s7] =	ssyncset.done $0x0  }
0x632: {  	[sflag:s7] =	ssyncadd.s32 $0xFFFFF800  }
0x633: {  	_ =	swait.ge [sflag:s7], $0x800  }
0x634: {  	[sflag:s7] =	ssyncset.done $0x0  }
0x635: {  	[sflag:s7] =	ssyncadd.s32 $0xFFFFF800  }
0x636: {  	_ =	swait.ge [sflag:s7], $0x800  }
0x637: {  	[sflag:s7] =	ssyncset.done $0x0  }
0x638: {  	[sflag:s7] =	ssyncadd.s32 $0xFFFFF800  }
0x639: {  	_ =	swait.ge [sflag:s7], $0x800  }
0x63a: {  	[sflag:s7] =	ssyncset.done $0x0  }
0x63b: {  	[sflag:s7] =	ssyncadd.s32 $0xFFFFF800  }
0x63c: {  	_ =	swait.ge [sflag:s7], $0x800  }
0x63d: {  	[sflag:s7] =	ssyncset.done $0x0  }
0x63e: {  	[sflag:s7] =	ssyncadd.s32 $0xFFFFF800  }
0x63f: {  	_ =	swait.ge [sflag:s7], $0x800  }
0x640: {  	[sflag:s7] =	ssyncset.done $0x0  }
0x641: {  	s1 =	rddreg [dreg:$0x7];
	[sflag:s7] =	ssyncadd.s32 $0xFFFFF800  }
0x642: {  	[hbm4b:s1+s2] =	stream.linear.scatter [tilespmem:s17], [sflag:$0x2], $0x6800, $0x38;
	[tilespmem:$0x10400] =	vst v63  }
0x643: {  	_ =	swait.ge [sflag:s6], $0x6800  }
0x644: {  	s10 =	sld [smem:$0x7E4]  }
0x645: {  	[sflag:s6] =	ssyncset.done $0x0  }
0x646: {  	s0 =	sld [smem:$0x7E5];
	[sflag:s6] =	ssyncadd.s32 $0xFFFF9800  }
0x647: {  	[tilespmem:s17], [sflag:$0x1] =	stream.indirect.gather [hbm4b:s5+s8], $0x10, s10, s8, $0xb8;
	[tilespmem:$0x10400] =	vst v63  }
0x648: {  	s1 =	sld [smem:$0x7E6]  }
0x649: {  	[tilespmem:s24], [sflag:$0x1] =	stream.indirect.gather [hbm4b:s5+s8], $0x10, s0, s8, $0xb8;
	[tilespmem:$0x10400] =	vst v63  }
0x64a: {  	s24 =	sld [smem:$0x7E7]  }
0x64b: {  	[tilespmem:s25], [sflag:$0x1] =	stream.indirect.gather [hbm4b:s5+s8], $0x10, s1, s8, $0xb8;
	[tilespmem:$0x10400] =	vst v63  }
0x64c: {  	s25 =	sld [smem:$0x7E8]  }
0x64d: {  	[tilespmem:s26], [sflag:$0x1] =	stream.indirect.gather [hbm4b:s5+s8], $0x10, s24, s8, $0xb8;
	[tilespmem:$0x10400] =	vst v63  }
0x64e: {  	s26 =	sld [smem:$0x7E9]  }
0x64f: {  	[tilespmem:s28], [sflag:$0x1] =	stream.indirect.gather [hbm4b:s5+s8], $0x10, s25, s8, $0xb8;
	[tilespmem:$0x10400] =	vst v63  }
0x650: {  	s28 =	sld [smem:$0x7EA]  }
0x651: {  	[tilespmem:s29], [sflag:$0x1] =	stream.indirect.gather [hbm4b:s5+s8], $0x10, s26, s8, $0xb8;
	[tilespmem:$0x10400] =	vst v63  }
0x652: {  	s29 =	sld [smem:$0x7EB]  }
0x653: {  	[tilespmem:s30], [sflag:$0x1] =	stream.indirect.gather [hbm4b:s5+s8], $0x10, s28, s8, $0xb8;
	[tilespmem:$0x10400] =	vst v63  }
0x654: {  	s30 =	sld [smem:$0x7EC]  }
0x655: {  	[tilespmem:s31], [sflag:$0x1] =	stream.indirect.gather [hbm4b:s5+s8], $0x10, s29, s8, $0xb8;
	[tilespmem:$0x10400] =	vst v63  }
0x656: {  	s0 =	sld [smem:$0x7ED]  }
0x657: {  	[tilespmem:s19], [sflag:$0x1] =	stream.indirect.gather [hbm4b:s5+s8], $0x10, s30, s8, $0xb8;
	[tilespmem:$0x10400] =	vst v63  }
0x658: {  	s1 =	sld [smem:$0x7EE]  }
0x659: {  	[tilespmem:s22], [sflag:$0x1] =	stream.indirect.gather [hbm4b:s5+s8], $0x10, s0, s8, $0xb8;
	[tilespmem:$0x10400] =	vst v63  }
0x65a: {  	s19 =	sld [smem:$0x7EF]  }
0x65b: {  	[tilespmem:s20], [sflag:$0x1] =	stream.indirect.gather [hbm4b:s5+s8], $0x10, s1, s8, $0xb8;
	[tilespmem:$0x10400] =	vst v63  }
0x65c: {  	s22 =	sld [smem:$0x7F0]  }
0x65d: {  	[tilespmem:s21], [sflag:$0x1] =	stream.indirect.gather [hbm4b:s5+s8], $0x10, s19, s8, $0xb8;
	[tilespmem:$0x10400] =	vst v63  }
0x65e: {  	_ = 	snop  }
0x65f: {  	[tilespmem:s18], [sflag:$0x1] =	stream.indirect.gather [hbm4b:s5+s8], $0x10, s22, s8, $0xb8;
	[tilespmem:$0x10400] =	vst v63  }
0x660: {  	_ =	swait.ge [sflag:s7], $0x800  }
0x661: {  	[sflag:s7] =	ssyncset.done $0x0  }
0x662: {  	[sflag:s7] =	ssyncadd.s32 $0xFFFFF800  }
0x663: {  	_ =	swait.ge [sflag:s7], $0x800  }
0x664: {  	[sflag:s7] =	ssyncset.done $0x0  }
0x665: {  	[sflag:s7] =	ssyncadd.s32 $0xFFFFF800  }
0x666: {  	_ =	swait.ge [sflag:s7], $0x800  }
0x667: {  	[sflag:s7] =	ssyncset.done $0x0  }
0x668: {  	[sflag:s7] =	ssyncadd.s32 $0xFFFFF800  }
0x669: {  	_ =	swait.ge [sflag:s7], $0x800  }
0x66a: {  	[sflag:s7] =	ssyncset.done $0x0  }
0x66b: {  	[sflag:s7] =	ssyncadd.s32 $0xFFFFF800  }
0x66c: {  	_ =	swait.ge [sflag:s7], $0x800  }
0x66d: {  	[sflag:s7] =	ssyncset.done $0x0  }
0x66e: {  	[sflag:s7] =	ssyncadd.s32 $0xFFFFF800  }
0x66f: {  	_ =	swait.ge [sflag:s7], $0x800  }
0x670: {  	[sflag:s7] =	ssyncset.done $0x0  }
0x671: {  	[sflag:s7] =	ssyncadd.s32 $0xFFFFF800  }
0x672: {  	_ =	swait.ge [sflag:s7], $0x800  }
0x673: {  	[sflag:s7] =	ssyncset.done $0x0  }
0x674: {  	[sflag:s7] =	ssyncadd.s32 $0xFFFFF800  }
0x675: {  	_ =	swait.ge [sflag:s7], $0x800  }
0x676: {  	[sflag:s7] =	ssyncset.done $0x0  }
0x677: {  	[sflag:s7] =	ssyncadd.s32 $0xFFFFF800  }
0x678: {  	_ =	swait.ge [sflag:s7], $0x800  }
0x679: {  	[sflag:s7] =	ssyncset.done $0x0  }
0x67a: {  	[sflag:s7] =	ssyncadd.s32 $0xFFFFF800  }
0x67b: {  	_ =	swait.ge [sflag:s7], $0x800  }
0x67c: {  	[sflag:s7] =	ssyncset.done $0x0  }
0x67d: {  	[sflag:s7] =	ssyncadd.s32 $0xFFFFF800  }
0x67e: {  	_ =	swait.ge [sflag:s7], $0x800  }
0x67f: {  	[sflag:s7] =	ssyncset.done $0x0  }
0x680: {  	[sflag:s7] =	ssyncadd.s32 $0xFFFFF800  }
0x681: {  	_ =	swait.ge [sflag:s7], $0x800  }
0x682: {  	[sflag:s7] =	ssyncset.done $0x0  }
0x683: {  	[sflag:s7] =	ssyncadd.s32 $0xFFFFF800  }
0x684: {  	_ =	swait.ge [sflag:s7], $0x800  }
0x685: {  	[sflag:s7] =	ssyncset.done $0x0  }
0x686: {  	s24 =	rddreg [dreg:$0x8];
	[sflag:s7] =	ssyncadd.s32 $0xFFFFF800  }
0x687: {  	[hbm4b:s24+s2] =	stream.linear.scatter [tilespmem:s3], [sflag:$0x2], $0x6800, $0x38;
	[tilespmem:$0x10400] =	vst v63  }
0x688: {  	_ =	swait.ge [sflag:s6], $0x6800  }
0x689: {  	s25 =	sld [smem:$0x7F1]  }
0x68a: {  	[sflag:s6] =	ssyncset.done $0x0  }
0x68b: {  	s26 =	sld [smem:$0x7F2];
	[sflag:s6] =	ssyncadd.s32 $0xFFFF9800  }
0x68c: {  	[tilespmem:s3], [sflag:$0x1] =	stream.indirect.gather [hbm4b:s5+s8], $0x10, s25, s8, $0xb8;
	[tilespmem:$0x10400] =	vst v63  }
0x68d: {  	s23 =	simm.s32 $0xA400;
	s28 =	sld [smem:$0x7F3]  }
0x68e: {  	[tilespmem:s23], [sflag:$0x1] =	stream.indirect.gather [hbm4b:s5+s8], $0x10, s26, s8, $0xb8;
	[tilespmem:$0x10400] =	vst v63  }
0x68f: {  	s30 =	simm.s32 $0xAC00;
	s29 =	sld [smem:$0x7F4]  }
0x690: {  	[tilespmem:s30], [sflag:$0x1] =	stream.indirect.gather [hbm4b:s5+s8], $0x10, s28, s8, $0xb8;
	[tilespmem:$0x10400] =	vst v63  }
0x691: {  	s10 =	simm.s32 $0xB400;
	s31 =	sld [smem:$0x7F5]  }
0x692: {  	[tilespmem:s10], [sflag:$0x1] =	stream.indirect.gather [hbm4b:s5+s8], $0x10, s29, s8, $0xb8;
	[tilespmem:$0x10400] =	vst v63  }
0x693: {  	s15 =	simm.s32 $0xBC00;
	s18 =	sld [smem:$0x7F6]  }
0x694: {  	[tilespmem:s15], [sflag:$0x1] =	stream.indirect.gather [hbm4b:s5+s8], $0x10, s31, s8, $0xb8;
	[tilespmem:$0x10400] =	vst v63  }
0x695: {  	s4 =	simm.s32 $0xC400;
	s19 =	sld [smem:$0x7F7]  }
0x696: {  	[tilespmem:s4], [sflag:$0x1] =	stream.indirect.gather [hbm4b:s5+s8], $0x10, s18, s8, $0xb8;
	[tilespmem:$0x10400] =	vst v63  }
0x697: {  	s13 =	simm.s32 $0xCC00;
	s20 =	sld [smem:$0x7F8]  }
0x698: {  	[tilespmem:s13], [sflag:$0x1] =	stream.indirect.gather [hbm4b:s5+s8], $0x10, s19, s8, $0xb8;
	[tilespmem:$0x10400] =	vst v63  }
0x699: {  	s12 =	simm.s32 $0xD400;
	s21 =	sld [smem:$0x7F9]  }
0x69a: {  	[tilespmem:s12], [sflag:$0x1] =	stream.indirect.gather [hbm4b:s5+s8], $0x10, s20, s8, $0xb8;
	[tilespmem:$0x10400] =	vst v63  }
0x69b: {  	s11 =	simm.s32 $0xDC00;
	s22 =	sld [smem:$0x7FA]  }
0x69c: {  	[tilespmem:s11], [sflag:$0x1] =	stream.indirect.gather [hbm4b:s5+s8], $0x10, s21, s8, $0xb8;
	[tilespmem:$0x10400] =	vst v63  }
0x69d: {  	s16 =	simm.s32 $0xE400;
	s23 =	sld [smem:$0x7FB]  }
0x69e: {  	[tilespmem:s16], [sflag:$0x1] =	stream.indirect.gather [hbm4b:s5+s8], $0x10, s22, s8, $0xb8;
	[tilespmem:$0x10400] =	vst v63  }
0x69f: {  	s14 =	simm.s32 $0xEC00;
	s24 =	sld [smem:$0x7FC]  }
0x6a0: {  	[tilespmem:s14], [sflag:$0x1] =	stream.indirect.gather [hbm4b:s5+s8], $0x10, s23, s8, $0xb8;
	[tilespmem:$0x10400] =	vst v63  }
0x6a1: {  	s25 =	sld [smem:$0x7FD];
	s26 =	simm.s32 $0xF400  }
0x6a2: {  	[tilespmem:s26], [sflag:$0x1] =	stream.indirect.gather [hbm4b:s5+s8], $0x10, s24, s8, $0xb8;
	[tilespmem:$0x10400] =	vst v63  }
0x6a3: {  	s28 =	simm.s32 $0xFC00  }
0x6a4: {  	[tilespmem:s28], [sflag:$0x1] =	stream.indirect.gather [hbm4b:s5+s8], $0x10, s25, s8, $0xb8;
	[tilespmem:$0x10400] =	vst v63  }
0x6a5: {  	_ =	swait.ge [sflag:s7], $0x800  }
0x6a6: {  	[sflag:s7] =	ssyncset.done $0x0  }
0x6a7: {  	[sflag:s7] =	ssyncadd.s32 $0xFFFFF800  }
0x6a8: {  	_ =	swait.ge [sflag:s7], $0x800  }
0x6a9: {  	[sflag:s7] =	ssyncset.done $0x0  }
0x6aa: {  	[sflag:s7] =	ssyncadd.s32 $0xFFFFF800  }
0x6ab: {  	_ =	swait.ge [sflag:s7], $0x800  }
0x6ac: {  	[sflag:s7] =	ssyncset.done $0x0  }
0x6ad: {  	[sflag:s7] =	ssyncadd.s32 $0xFFFFF800  }
0x6ae: {  	_ =	swait.ge [sflag:s7], $0x800  }
0x6af: {  	[sflag:s7] =	ssyncset.done $0x0  }
0x6b0: {  	[sflag:s7] =	ssyncadd.s32 $0xFFFFF800  }
0x6b1: {  	_ =	swait.ge [sflag:s7], $0x800  }
0x6b2: {  	[sflag:s7] =	ssyncset.done $0x0  }
0x6b3: {  	[sflag:s7] =	ssyncadd.s32 $0xFFFFF800  }
0x6b4: {  	_ =	swait.ge [sflag:s7], $0x800  }
0x6b5: {  	[sflag:s7] =	ssyncset.done $0x0  }
0x6b6: {  	[sflag:s7] =	ssyncadd.s32 $0xFFFFF800  }
0x6b7: {  	_ =	swait.ge [sflag:s7], $0x800  }
0x6b8: {  	[sflag:s7] =	ssyncset.done $0x0  }
0x6b9: {  	[sflag:s7] =	ssyncadd.s32 $0xFFFFF800  }
0x6ba: {  	_ =	swait.ge [sflag:s7], $0x800  }
0x6bb: {  	[sflag:s7] =	ssyncset.done $0x0  }
0x6bc: {  	[sflag:s7] =	ssyncadd.s32 $0xFFFFF800  }
0x6bd: {  	_ =	swait.ge [sflag:s7], $0x800  }
0x6be: {  	[sflag:s7] =	ssyncset.done $0x0  }
0x6bf: {  	[sflag:s7] =	ssyncadd.s32 $0xFFFFF800  }
0x6c0: {  	_ =	swait.ge [sflag:s7], $0x800  }
0x6c1: {  	[sflag:s7] =	ssyncset.done $0x0  }
0x6c2: {  	[sflag:s7] =	ssyncadd.s32 $0xFFFFF800  }
0x6c3: {  	_ =	swait.ge [sflag:s7], $0x800  }
0x6c4: {  	[sflag:s7] =	ssyncset.done $0x0  }
0x6c5: {  	[sflag:s7] =	ssyncadd.s32 $0xFFFFF800  }
0x6c6: {  	_ =	swait.ge [sflag:s7], $0x800  }
0x6c7: {  	[sflag:s7] =	ssyncset.done $0x0  }
0x6c8: {  	[sflag:s7] =	ssyncadd.s32 $0xFFFFF800  }
0x6c9: {  	_ =	swait.ge [sflag:s7], $0x800  }
0x6ca: {  	[sflag:s7] =	ssyncset.done $0x0  }
0x6cb: {  	s29 =	rddreg [dreg:$0x9];
	[sflag:s7] =	ssyncadd.s32 $0xFFFFF800  }
0x6cc: {  	[hbm4b:s29+s2] =	stream.linear.scatter [tilespmem:s17], [sflag:$0x2], $0x6800, $0x38;
	[tilespmem:$0x10400] =	vst v63  }
0x6cd: {  	_ =	swait.ge [sflag:s7], $0x800  }
0x6ce: {  	[sflag:s7] =	ssyncset.done $0x0  }
0x6cf: {  	[sflag:s7] =	ssyncadd.s32 $0xFFFFF800  }
0x6d0: {  	_ =	swait.ge [sflag:s7], $0x800  }
0x6d1: {  	[sflag:s7] =	ssyncset.done $0x0  }
0x6d2: {  	[sflag:s7] =	ssyncadd.s32 $0xFFFFF800  }
0x6d3: {  	_ =	swait.ge [sflag:s7], $0x800  }
0x6d4: {  	[sflag:s7] =	ssyncset.done $0x0  }
0x6d5: {  	[sflag:s7] =	ssyncadd.s32 $0xFFFFF800  }
0x6d6: {  	_ =	swait.ge [sflag:s7], $0x800  }
0x6d7: {  	[sflag:s7] =	ssyncset.done $0x0  }
0x6d8: {  	[sflag:s7] =	ssyncadd.s32 $0xFFFFF800  }
0x6d9: {  	_ =	swait.ge [sflag:s7], $0x800  }
0x6da: {  	[sflag:s7] =	ssyncset.done $0x0  }
0x6db: {  	[sflag:s7] =	ssyncadd.s32 $0xFFFFF800  }
0x6dc: {  	_ =	swait.ge [sflag:s7], $0x800  }
0x6dd: {  	[sflag:s7] =	ssyncset.done $0x0  }
0x6de: {  	[sflag:s7] =	ssyncadd.s32 $0xFFFFF800  }
0x6df: {  	_ =	swait.ge [sflag:s7], $0x800  }
0x6e0: {  	[sflag:s7] =	ssyncset.done $0x0  }
0x6e1: {  	[sflag:s7] =	ssyncadd.s32 $0xFFFFF800  }
0x6e2: {  	_ =	swait.ge [sflag:s7], $0x800  }
0x6e3: {  	[sflag:s7] =	ssyncset.done $0x0  }
0x6e4: {  	[sflag:s7] =	ssyncadd.s32 $0xFFFFF800  }
0x6e5: {  	_ =	swait.ge [sflag:s7], $0x800  }
0x6e6: {  	[sflag:s7] =	ssyncset.done $0x0  }
0x6e7: {  	[sflag:s7] =	ssyncadd.s32 $0xFFFFF800  }
0x6e8: {  	_ =	swait.ge [sflag:s7], $0x800  }
0x6e9: {  	[sflag:s7] =	ssyncset.done $0x0  }
0x6ea: {  	[sflag:s7] =	ssyncadd.s32 $0xFFFFF800  }
0x6eb: {  	_ =	swait.ge [sflag:s7], $0x800  }
0x6ec: {  	[sflag:s7] =	ssyncset.done $0x0  }
0x6ed: {  	[sflag:s7] =	ssyncadd.s32 $0xFFFFF800  }
0x6ee: {  	_ =	swait.ge [sflag:s7], $0x800  }
0x6ef: {  	[sflag:s7] =	ssyncset.done $0x0  }
0x6f0: {  	[sflag:s7] =	ssyncadd.s32 $0xFFFFF800  }
0x6f1: {  	_ =	swait.ge [sflag:s7], $0x800  }
0x6f2: {  	[sflag:s7] =	ssyncset.done $0x0  }
0x6f3: {  	s30 =	rddreg [dreg:$0xa];
	[sflag:s7] =	ssyncadd.s32 $0xFFFFF800  }
0x6f4: {  	[hbm4b:s30+s2] =	stream.linear.scatter [tilespmem:s3], [sflag:$0x2], $0x6800, $0x38;
	[tilespmem:$0x10400] =	vst v63  }
0x6f5: {  	_ =	swait.ge [sflag:s6], $0x6800  }
0x6f6: {  	[sflag:s6] =	ssyncset.done $0x0  }
0x6f7: {  	[sflag:s6] =	ssyncadd.s32 $0xFFFF9800  }
0x6f8: {  	_ =	swait.ge [sflag:s6], $0x6800  }
0x6f9: {  	[sflag:s6] =	ssyncset.done $0x0  }
0x6fa: {  	[sflag:s6] =	ssyncadd.s32 $0xFFFF9800  }
0x6fb: {  	_ =	sfence.sel $0x180000  }
0x6fc: {  	[bflag:$0x0] =	sbarrier.arrive $0xFFFF  }
0x6fd: {  	_ =	strace $0x90000047  }
0x6fe: {  	s31 =	stileid.u32;
	[bflag:$0x2] =	sbarrier.arrive $0xFFFF  }
0x6ff: {  	p0 =	sne.s32 s31, $0x0;
	s0 =	rddreg [dreg:$0x1]  }
0x700: {  	s0 =	sadd.s32 @!p0 $0x100000, s0  }
0x701: {  	[sflag:s0] =	ssyncadd.tile.s32 @!p0 $0x1;
	_ =	shalt  }
.LBB2_6:
.Ltmp3:
0x702: {  	(pc) =	sbr.rel .LBB2_5-.Ltmp3, $2  }
0x703: {  	_ =	sdelay $0x2  }
0x704: {  	s24 =	simm.s32 $0x3  }
.Lfunc_end2:
_tile_overlayer_lowered:
.L_overlay_start_2:
0x705: {  	(tag) =	ssettag $0x2  }
0x706: {  	s0 =	rddreg [dreg:$0x0];
	s2 =	stileid.u32  }
0x707: {  	s1 =	rddreg [dreg:$0x1];
	p0 =	sne.s32 s2, $0x0  }
0x708: {  	s3 =	rddreg [dreg:$0x2];
	[bflag:$0x3] =	sbarrier.arrive $0xFFFF;
	s2 =	simm.s32 @!p0 $0x1C03  }
0x709: {  	[timem:s3], [sflag:s2] =	dma.local @!p0 [hbm:s0], s1  }
0x70a: {  	s0 =	simm.s32 @!p0 $0x3  }
0x70b: {  	_ =	swait.ge @!p0 [sflag:s0], s1  }
0x70c: {  	s1 =	ssub.s32 @!p0 $0x0, s1;
	[sflag:s0] =	ssyncset.done @!p0 $0x0  }
0x70d: {  	[sflag:s0] =	ssyncadd.s32 @!p0 s1  }
0x70e: {  	[bflag:$0x3] =	sbarrier.arrive $0xFFFF  }
0x70f: {  	_ =	shalt  }

</sc_bundles>
